<compile_context>
chip_gen: v7x
topology: tpu7x:2x2x1
jax: 0.10.2.dev20260603
libtpu: 0.0.44.dev20260713+nightly
codegen_flags: <defaults>
</compile_context>

<pallas_src>
import jax
import jax.numpy as jnp
from jax import lax
from jax.experimental import pallas as pl
from jax.experimental.pallas import tpu as pltpu
from jax.experimental.pallas import tpu_sc as plsc

_NC, _NS = 2, 16
_NW = _NC * _NS
_CHUNK = 128
_UNROLL = 8


def _sc_gather(emb, idx3d):
    nw, chunks_per_w, chunk = idx3d.shape
    n_chunks = nw * chunks_per_w
    E = emb.shape[1]

    def body(emb_hbm, idx_hbm, out_hbm, idx_v,
             buf0, buf1, g0, g1, o0, o1):
        wid = lax.axis_index("s") * _NC + lax.axis_index("c")
        base = wid * chunks_per_w
        pltpu.sync_copy(idx_hbm.at[wid], idx_v)
        bufs, gsems, osems = (buf0, buf1), (g0, g1), (o0, o1)

        def gather(c, j):
            return pltpu.make_async_copy(
                emb_hbm.at[idx_v.at[c]], bufs[j], gsems[j])

        def putout(c, j):
            return pltpu.make_async_copy(
                bufs[j], out_hbm.at[base + c], osems[j])

        gather(0, 0).start()
        gather(1, 1).start()

        def pair_step(p, carry):
            for j in range(2):
                c = 2 * p + j
                gather(c, j).wait()
                putout(c, j).start()
                putout(c, j).wait()

                @pl.when(c + 2 < chunks_per_w)
                def _():
                    gather(c + 2, j).start()
            return carry

        lax.fori_loop(0, chunks_per_w // 2, pair_step, 0)

    f = pl.kernel(
        body,
        out_type=jax.ShapeDtypeStruct((n_chunks, chunk, E), jnp.float32),
        mesh=plsc.VectorSubcoreMesh(core_axis_name="c", subcore_axis_name="s"),
        scratch_types=[
            pltpu.VMEM((chunks_per_w, chunk), jnp.int32),
            pltpu.VMEM((chunk, E), jnp.float32),
            pltpu.VMEM((chunk, E), jnp.float32),
            pltpu.SemaphoreType.DMA,
            pltpu.SemaphoreType.DMA,
            pltpu.SemaphoreType.DMA,
            pltpu.SemaphoreType.DMA,
        ],
    )
    return f(emb, idx3d)


def _sig(x):
    return 0.5 * jnp.tanh(0.5 * x) + 0.5


def _gates(gg, c, H_):
    i, f, g, o = jnp.split(gg, 4, axis=1)
    ti = jnp.tanh(i)
    tf = jnp.tanh(f)
    tg = jnp.tanh(g)
    to = jnp.tanh(o)
    c_new = 0.5 * ((1.0 + tf) * c + (1.0 + ti) * tg)
    h2 = (1.0 + to) * jnp.tanh(c_new)
    return c_new, h2


def _lstm_seg(embeds, w0, w1, b0, b1, state):
    L_, B_, E_ = embeds.shape
    H_ = w0.shape[1] // 4
    U = _UNROLL
    n_iter = L_ // U

    def half(e, h0p, c0v, h1v, c1v, w0_ref, w1_ref, b0_ref, b1_ref):
        cat1 = jnp.concatenate([h0p, h1v], axis=1)
        g1 = jnp.dot(cat1, w1_ref[...],
                     preferred_element_type=jnp.float32) + b1_ref[...]
        c1n, h1n2 = _gates(g1, c1v, H_)

        cat0 = jnp.concatenate([e, h0p], axis=1)
        g0 = jnp.dot(cat0, w0_ref[...],
                     preferred_element_type=jnp.float32) + b0_ref[...]
        c0n, h0n2 = _gates(g0, c0v, H_)
        return h0n2.astype(jnp.bfloat16), c0n, h1n2.astype(jnp.bfloat16), c1n

    def body(e_ref, w0_ref, w1_ref, b0_ref, b1_ref,
             h0_in, c0_in, h1_in, c1_in,
             h0_out, c0_out, h1_out, c1_out,
             h0, c0, h1, c1):
        t = pl.program_id(0)

        @pl.when(t == 0)
        def _():
            h0[...] = h0_in[...]
            c0[...] = c0_in[...]
            h1[...] = h1_in[...]
            c1[...] = c1_in[...]

        h0v, c0v, h1v, c1v = h0[...], c0[...], h1[...], c1[...]
        for u in range(U):
            e_u = e_ref[u].astype(jnp.bfloat16)
            h0v, c0v, h1v, c1v = half(e_u, h0v, c0v, h1v, c1v,
                                      w0_ref, w1_ref, b0_ref, b1_ref)
        h0[...] = h0v
        c0[...] = c0v
        h1[...] = h1v
        c1[...] = c1v

        @pl.when(t == n_iter - 1)
        def _():
            h0_out[...] = h0v
            c0_out[...] = c0v
            h1_out[...] = h1v
            c1_out[...] = c1v

    full = lambda shape: pl.BlockSpec(shape, lambda t: (0,) * len(shape))
    return pl.pallas_call(
        body,
        grid=(n_iter,),
        in_specs=[
            pl.BlockSpec((U, B_, E_), lambda t: (t, 0, 0)),
            full(w0.shape), full(w1.shape), full(b0.shape), full(b1.shape),
            full((B_, H_)), full((B_, H_)), full((B_, H_)), full((B_, H_)),
        ],
        out_specs=[full((B_, H_))] * 4,
        out_shape=[jax.ShapeDtypeStruct((B_, H_), jnp.bfloat16),
                   jax.ShapeDtypeStruct((B_, H_), jnp.float32),
                   jax.ShapeDtypeStruct((B_, H_), jnp.bfloat16),
                   jax.ShapeDtypeStruct((B_, H_), jnp.float32)],
        scratch_shapes=[pltpu.VMEM((B_, H_), jnp.bfloat16),
                        pltpu.VMEM((B_, H_), jnp.float32),
                        pltpu.VMEM((B_, H_), jnp.bfloat16),
                        pltpu.VMEM((B_, H_), jnp.float32)],
    )(embeds, w0, w1, b0, b1, *state)


def _lstm_drain(h0, h1, c1, w1, b1, lwt, lb):
    B_, H_ = c1.shape
    C_ = lwt.shape[1]

    def body(h0_ref, h1_ref, c1_ref, w1_ref, b1_ref, lw_ref, lb_ref, sig_ref):
        cat1 = jnp.concatenate([h0_ref[...], h1_ref[...]], axis=1)
        g1 = jnp.dot(cat1, w1_ref[...],
                     preferred_element_type=jnp.float32) + b1_ref[...]
        _, h1n2 = _gates(g1, c1_ref[...], H_)
        logits = jnp.dot(h1n2, lw_ref[...],
                         preferred_element_type=jnp.float32) + lb_ref[...]
        sig_ref[...] = _sig(logits)

    return pl.pallas_call(
        body,
        out_shape=jax.ShapeDtypeStruct((B_, C_), jnp.float32),
    )(h0, h1, c1, w1, b1, lwt, lb)


_NSEG = 5


def kernel(x, emb, W_ih0, W_hh0, b_ih0, b_hh0, W_ih1, W_hh1, b_ih1, b_hh1,
           lin_w, lin_b):
    B_, L_ = x.shape
    E_ = emb.shape[1]
    H_ = W_hh0.shape[1]
    Ls = L_ // _NSEG

    xt = x.T
    cs = jnp.concatenate([jnp.full((H_,), 0.5), jnp.full((H_,), 0.5),
                          jnp.ones((H_,)), jnp.full((H_,), 0.5)])
    w0 = (jnp.concatenate([W_ih0.T, 0.5 * W_hh0.T], axis=0)
          * cs).astype(jnp.bfloat16)
    w1 = (0.5 * jnp.concatenate([W_ih1.T, W_hh1.T], axis=0)
          * cs).astype(jnp.bfloat16)
    b0 = ((b_ih0 + b_hh0) * cs).reshape(1, -1)
    b1 = ((b_ih1 + b_hh1) * cs).reshape(1, -1)
    lwt = 0.5 * lin_w.T
    lb = lin_b.reshape(1, -1)

    segs = []
    for s in range(_NSEG):
        idx3d = xt[s * Ls:(s + 1) * Ls].reshape(_NW, -1, _CHUNK)
        segs.append(_sc_gather(emb, idx3d).reshape(Ls, B_, E_))

    bi, bf, bg, bo = jnp.split(b1.reshape(-1), 4)
    c1row = -(1.0 + jnp.tanh(bi)) * jnp.tanh(bg) / (1.0 + jnp.tanh(bf))
    zh = jnp.zeros((B_, H_), jnp.bfloat16)
    zc = jnp.zeros((B_, H_), jnp.float32)
    c1_0 = jnp.broadcast_to(c1row[None, :], (B_, H_)).astype(jnp.float32)
    state = (zh, zc, zh, c1_0)
    for s in range(_NSEG):
        state = _lstm_seg(segs[s], w0, w1, b0, b1, state)
    sig = _lstm_drain(state[0], state[2], state[3], w1, b1, lwt, lb)
    return sig[:, -1]

# --- scband reference (transcript-rebuilt; emitter-appended) ---
"""Pipeline reference for scband-news-classifier-52639119180294 (READ-ONLY COPY).

The authoritative reference and input builder live on the scoring server;
editing this copy changes nothing except your own understanding.
"""

import jax, jax.numpy as jnp
import numpy as np

B, L = 1024, 200
V, E, H, NL, C = 100000, 128, 128, 2, 4


def setup_inputs(seed: int = 0) -> dict:
    key = jax.random.key(seed)
    ks = jax.random.split(key, 12)
    s = 0.05
    inp = {
        'x': jax.random.randint(ks[0], (B, L), 0, V, dtype=jnp.int32),
        'emb': jax.random.normal(ks[1], (V, E), dtype=jnp.float32) * s,
        'W_ih0': jax.random.normal(ks[2], (4 * H, E), dtype=jnp.float32) * s,
        'W_hh0': jax.random.normal(ks[3], (4 * H, H), dtype=jnp.float32) * s,
        'b_ih0': jax.random.normal(ks[4], (4 * H,), dtype=jnp.float32) * s,
        'b_hh0': jax.random.normal(ks[5], (4 * H,), dtype=jnp.float32) * s,
        'W_ih1': jax.random.normal(ks[6], (4 * H, H), dtype=jnp.float32) * s,
        'W_hh1': jax.random.normal(ks[7], (4 * H, H), dtype=jnp.float32) * s,
        'b_ih1': jax.random.normal(ks[8], (4 * H,), dtype=jnp.float32) * s,
        'b_hh1': jax.random.normal(ks[9], (4 * H,), dtype=jnp.float32) * s,
        'lin_w': jax.random.normal(ks[10], (C, H), dtype=jnp.float32) * s,
        'lin_b': jax.random.normal(ks[11], (C,), dtype=jnp.float32) * s,
    }
    return inp


def _lstm_layer(inp, W_ih, W_hh, b_ih, b_hh):
    # inp: [B, L, D]; PyTorch gate order: i, f, g, o
    b = inp.shape[0]
    h_dim = W_hh.shape[1]

    def step(carry, xt):
        h, c = carry
        gates = xt @ W_ih.T + b_ih + h @ W_hh.T + b_hh
        i, f, g, o = jnp.split(gates, 4, axis=-1)
        i = jax.nn.sigmoid(i)
        f = jax.nn.sigmoid(f)
        g = jnp.tanh(g)
        o = jax.nn.sigmoid(o)
        c_new = f * c + i * g
        h_new = o * jnp.tanh(c_new)
        return (h_new, c_new), h_new

    h0 = jnp.zeros((b, h_dim), dtype=inp.dtype)
    c0 = jnp.zeros((b, h_dim), dtype=inp.dtype)
    (hT, cT), hs = jax.lax.scan(step, (h0, c0), jnp.swapaxes(inp, 0, 1))
    return jnp.swapaxes(hs, 0, 1), hT


def reference(x, emb, W_ih0, W_hh0, b_ih0, b_hh0, W_ih1, W_hh1, b_ih1, b_hh1, lin_w, lin_b):
    embeds = jnp.take(emb, x, axis=0)  # [B, L, E]
    out0, _ = _lstm_layer(embeds, W_ih0, W_hh0, b_ih0, b_hh0)
    out1, hT = _lstm_layer(out0, W_ih1, W_hh1, b_ih1, b_hh1)
    # final_hidden_state = h[-1] (top layer); dropout is identity in eval
    logits = hT @ lin_w.T + lin_b  # [B, C]
    out = jax.nn.sigmoid(logits)
    return out[:, -1]

if __name__ == "__main__":
    import jax
    _d = setup_inputs()
    print(jax.jit(kernel)(*tuple(_d.values())))

</pallas_src>

<mosaic_0001>
#map = affine_map<(d0, d1) -> (0, 0)>
#map1 = affine_map<(d0, d1) -> (0, 0, 0)>
module attributes {stable_mosaic.version = 14 : i64} {
  func.func @body(%arg0: i32, %arg1: i32, %arg2: memref<100000x128xf32, #tpu.memory_space<hbm>>, %arg3: memref<32x10x128xi32, #tpu.memory_space<hbm>>, %arg4: memref<320x128x128xf32, #tpu.memory_space<hbm>>, %arg5: memref<10x128xi32, #tpu.memory_space<vmem>>, %arg6: memref<128x128xf32, #tpu.memory_space<vmem>>, %arg7: memref<128x128xf32, #tpu.memory_space<vmem>>, %arg8: memref<!tpu.dma_semaphore, #tpu.memory_space<semaphore_mem>>, %arg9: memref<!tpu.dma_semaphore, #tpu.memory_space<semaphore_mem>>, %arg10: memref<!tpu.dma_semaphore, #tpu.memory_space<semaphore_mem>>, %arg11: memref<!tpu.dma_semaphore, #tpu.memory_space<semaphore_mem>>) attributes {dimension_semantics = [#tpu.dimension_semantics<core_parallel>, #tpu.dimension_semantics<subcore_parallel>], iteration_bounds = array<i64: 2, 16>, scalar_prefetch = 0 : i64, scratch_operands = 7 : i64, tpu.core_type = #tpu.core_type<sc_vector_subcore>, window_params = [{transform_indices = #map}, {transform_indices = #map1}, {transform_indices = #map1}]} {
    %mul3A = arith.constant 2 : i32
    %mul3A_0 = arith.muli %arg1, %mul3A : i32
    %add3A = arith.addi %mul3A_0, %arg0 : i32
    %mul3A_1 = arith.constant 10 : i32
    %mul3A_2 = arith.muli %add3A, %mul3A_1 : i32
    "tpu.region"() ({
      %run_scoped3A = tpu.sem_alloc : memref<!tpu.dma_semaphore, #tpu.memory_space<semaphore_mem>>
      %dma_start3A_21 = arith.constant 0 : i32
      %dma_start3A_22 = arith.constant 0 : i32
      %dma_start3A_23 = tpu.memref_slice %arg3[%add3A, %dma_start3A_21, %dma_start3A_22] : memref<32x10x128xi32, #tpu.memory_space<hbm>> -> memref<1x10x128xi32, #tpu.memory_space<hbm>>
      %dma_start3A_24 = tpu.memref_squeeze %dma_start3A_23 : memref<1x10x128xi32, #tpu.memory_space<hbm>> -> memref<10x128xi32, #tpu.memory_space<hbm>>
      %dma_start3A_25 = arith.constant 0 : i32
      %dma_start3A_26 = arith.constant 0 : i32
      %dma_start3A_27 = tpu.memref_slice %arg3[%add3A, %dma_start3A_25, %dma_start3A_26] : memref<32x10x128xi32, #tpu.memory_space<hbm>> -> memref<1x10x128xi32, #tpu.memory_space<hbm>>
      %dma_start3A_28 = tpu.memref_squeeze %dma_start3A_27 : memref<1x10x128xi32, #tpu.memory_space<hbm>> -> memref<10x128xi32, #tpu.memory_space<hbm>>
      tpu.enqueue_dma source(%dma_start3A_28 : memref<10x128xi32, #tpu.memory_space<hbm>>) target(%arg5 : memref<10x128xi32, #tpu.memory_space<vmem>>) target_semaphore(%run_scoped3A : memref<!tpu.dma_semaphore, #tpu.memory_space<semaphore_mem>>)
      %dma_wait3A = arith.constant 0 : i32
      %dma_wait3A_29 = arith.constant 0 : i32
      %dma_wait3A_30 = tpu.memref_slice %arg3[%add3A, %dma_wait3A, %dma_wait3A_29] : memref<32x10x128xi32, #tpu.memory_space<hbm>> -> memref<1x10x128xi32, #tpu.memory_space<hbm>>
      %dma_wait3A_31 = tpu.memref_squeeze %dma_wait3A_30 : memref<1x10x128xi32, #tpu.memory_space<hbm>> -> memref<10x128xi32, #tpu.memory_space<hbm>>
      %dma_wait3A_32 = arith.constant 0 : i32
      %dma_wait3A_33 = arith.constant 0 : i32
      %dma_wait3A_34 = tpu.memref_slice %arg3[%add3A, %dma_wait3A_32, %dma_wait3A_33] : memref<32x10x128xi32, #tpu.memory_space<hbm>> -> memref<1x10x128xi32, #tpu.memory_space<hbm>>
      %dma_wait3A_35 = tpu.memref_squeeze %dma_wait3A_34 : memref<1x10x128xi32, #tpu.memory_space<hbm>> -> memref<10x128xi32, #tpu.memory_space<hbm>>
      tpu.wait_dma2 semaphore(%run_scoped3A : memref<!tpu.dma_semaphore, #tpu.memory_space<semaphore_mem>>) src(%dma_wait3A_35 : memref<10x128xi32, #tpu.memory_space<hbm>>) dst(%arg5 : memref<10x128xi32, #tpu.memory_space<vmem>>)
      tpu.yield
    }) : () -> ()
    %dma_start3A = arith.constant 0 : i32
    %dma_start3A_3 = arith.constant 0 : i32
    %dma_start3A_4 = tpu.memref_slice %arg5[%dma_start3A, %dma_start3A_3] : memref<10x128xi32, #tpu.memory_space<vmem>> -> memref<1x128xi32, #tpu.memory_space<vmem>>
    %dma_start3A_5 = tpu.memref_squeeze %dma_start3A_4 : memref<1x128xi32, #tpu.memory_space<vmem>> -> memref<128xi32, #tpu.memory_space<vmem>>
    %dma_start3A_6 = arith.constant 0 : i32
    %dma_start3A_7 = arith.constant 0 : i32
    %dma_start3A_8 = tpu.memref_slice %arg2[%dma_start3A_6, %dma_start3A_7] : memref<100000x128xf32, #tpu.memory_space<hbm>> -> memref<100000x128xf32, #tpu.memory_space<hbm>>
    tpu.enqueue_indirect_dma source(%dma_start3A_8 : memref<100000x128xf32, #tpu.memory_space<hbm>>) target(%arg6 : memref<128x128xf32, #tpu.memory_space<vmem>>) offsets(%dma_start3A_5 : memref<128xi32, #tpu.memory_space<vmem>>) semaphore(%arg8 : memref<!tpu.dma_semaphore, #tpu.memory_space<semaphore_mem>>)
    %dma_start3A_9 = arith.constant 1 : i32
    %dma_start3A_10 = arith.constant 0 : i32
    %dma_start3A_11 = tpu.memref_slice %arg5[%dma_start3A_9, %dma_start3A_10] : memref<10x128xi32, #tpu.memory_space<vmem>> -> memref<1x128xi32, #tpu.memory_space<vmem>>
    %dma_start3A_12 = tpu.memref_squeeze %dma_start3A_11 : memref<1x128xi32, #tpu.memory_space<vmem>> -> memref<128xi32, #tpu.memory_space<vmem>>
    %dma_start3A_13 = arith.constant 0 : i32
    %dma_start3A_14 = arith.constant 0 : i32
    %dma_start3A_15 = tpu.memref_slice %arg2[%dma_start3A_13, %dma_start3A_14] : memref<100000x128xf32, #tpu.memory_space<hbm>> -> memref<100000x128xf32, #tpu.memory_space<hbm>>
    tpu.enqueue_indirect_dma source(%dma_start3A_15 : memref<100000x128xf32, #tpu.memory_space<hbm>>) target(%arg7 : memref<128x128xf32, #tpu.memory_space<vmem>>) offsets(%dma_start3A_12 : memref<128xi32, #tpu.memory_space<vmem>>) semaphore(%arg9 : memref<!tpu.dma_semaphore, #tpu.memory_space<semaphore_mem>>)
    %scan3A = arith.constant 0 : i32
    %scan3A_16 = arith.constant 0 : i32
    %scan3A_17 = arith.constant 5 : i32
    %scan3A_18 = arith.addi %scan3A_16, %scan3A_17 : i32
    %scan3A_19 = arith.constant 1 : i32
    scf.for %scan3A_21 = %scan3A_16 to %scan3A_18 step %scan3A_19  : i32 {
      %mul3A_22 = arith.constant 2 : i32
      %mul3A_23 = arith.muli %mul3A_22, %scan3A_21 : i32
      %add3A_24 = arith.constant 0 : i32
      %add3A_25 = arith.addi %mul3A_23, %add3A_24 : i32
      %dma_wait3A = arith.constant 0 : i32
      %dma_wait3A_26 = tpu.memref_slice %arg5[%add3A_25, %dma_wait3A] : memref<10x128xi32, #tpu.memory_space<vmem>> -> memref<1x128xi32, #tpu.memory_space<vmem>>
      %dma_wait3A_27 = tpu.memref_squeeze %dma_wait3A_26 : memref<1x128xi32, #tpu.memory_space<vmem>> -> memref<128xi32, #tpu.memory_space<vmem>>
      %dma_wait3A_28 = arith.constant 0 : i32
      %dma_wait3A_29 = arith.constant 0 : i32
      %dma_wait3A_30 = tpu.memref_slice %arg2[%dma_wait3A_28, %dma_wait3A_29] : memref<100000x128xf32, #tpu.memory_space<hbm>> -> memref<100000x128xf32, #tpu.memory_space<hbm>>
      tpu.wait_indirect_dma semaphore(%arg8 : memref<!tpu.dma_semaphore, #tpu.memory_space<semaphore_mem>>) src(%dma_wait3A_30 : memref<100000x128xf32, #tpu.memory_space<hbm>>) dst(%arg6 : memref<128x128xf32, #tpu.memory_space<vmem>>)
      %add3A_31 = arith.addi %mul3A_2, %add3A_25 : i32
      %dma_start3A_32 = arith.constant 0 : i32
      %dma_start3A_33 = arith.constant 0 : i32
      %dma_start3A_34 = tpu.memref_slice %arg4[%add3A_31, %dma_start3A_32, %dma_start3A_33] : memref<320x128x128xf32, #tpu.memory_space<hbm>> -> memref<1x128x128xf32, #tpu.memory_space<hbm>>
      %dma_start3A_35 = tpu.memref_squeeze %dma_start3A_34 : memref<1x128x128xf32, #tpu.memory_space<hbm>> -> memref<128x128xf32, #tpu.memory_space<hbm>>
      %dma_start3A_36 = arith.constant 0 : i32
      %dma_start3A_37 = arith.constant 0 : i32
      %dma_start3A_38 = tpu.memref_slice %arg4[%add3A_31, %dma_start3A_36, %dma_start3A_37] : memref<320x128x128xf32, #tpu.memory_space<hbm>> -> memref<1x128x128xf32, #tpu.memory_space<hbm>>
      %dma_start3A_39 = tpu.memref_squeeze %dma_start3A_38 : memref<1x128x128xf32, #tpu.memory_space<hbm>> -> memref<128x128xf32, #tpu.memory_space<hbm>>
      tpu.enqueue_dma source(%arg6 : memref<128x128xf32, #tpu.memory_space<vmem>>) target(%dma_start3A_39 : memref<128x128xf32, #tpu.memory_space<hbm>>) target_semaphore(%arg10 : memref<!tpu.dma_semaphore, #tpu.memory_space<semaphore_mem>>)
      %add3A_40 = arith.addi %mul3A_2, %add3A_25 : i32
      %dma_wait3A_41 = arith.constant 0 : i32
      %dma_wait3A_42 = arith.constant 0 : i32
      %dma_wait3A_43 = tpu.memref_slice %arg4[%add3A_40, %dma_wait3A_41, %dma_wait3A_42] : memref<320x128x128xf32, #tpu.memory_space<hbm>> -> memref<1x128x128xf32, #tpu.memory_space<hbm>>
      %dma_wait3A_44 = tpu.memref_squeeze %dma_wait3A_43 : memref<1x128x128xf32, #tpu.memory_space<hbm>> -> memref<128x128xf32, #tpu.memory_space<hbm>>
      %dma_wait3A_45 = arith.constant 0 : i32
      %dma_wait3A_46 = arith.constant 0 : i32
      %dma_wait3A_47 = tpu.memref_slice %arg4[%add3A_40, %dma_wait3A_45, %dma_wait3A_46] : memref<320x128x128xf32, #tpu.memory_space<hbm>> -> memref<1x128x128xf32, #tpu.memory_space<hbm>>
      %dma_wait3A_48 = tpu.memref_squeeze %dma_wait3A_47 : memref<1x128x128xf32, #tpu.memory_space<hbm>> -> memref<128x128xf32, #tpu.memory_space<hbm>>
      tpu.wait_dma2 semaphore(%arg10 : memref<!tpu.dma_semaphore, #tpu.memory_space<semaphore_mem>>) src(%arg6 : memref<128x128xf32, #tpu.memory_space<vmem>>) dst(%dma_wait3A_48 : memref<128x128xf32, #tpu.memory_space<hbm>>)
      %add3A_49 = arith.constant 2 : i32
      %add3A_50 = arith.addi %add3A_25, %add3A_49 : i32
      %lt3A = arith.constant 10 : i32
      %lt3A_51 = arith.cmpi slt, %add3A_50, %lt3A : i32
      %convert_element_type3A = arith.extui %lt3A_51 : i1 to i32
      %cond3A = arith.constant 0 : i32
      %cond3A_52 = arith.cmpi ne, %convert_element_type3A, %cond3A : i32
      scf.if %cond3A_52 {
        %add3A_88 = arith.constant 2 : i32
        %add3A_89 = arith.addi %add3A_25, %add3A_88 : i32
        %dma_start3A_90 = arith.constant 0 : i32
        %dma_start3A_91 = tpu.memref_slice %arg5[%add3A_89, %dma_start3A_90] : memref<10x128xi32, #tpu.memory_space<vmem>> -> memref<1x128xi32, #tpu.memory_space<vmem>>
        %dma_start3A_92 = tpu.memref_squeeze %dma_start3A_91 : memref<1x128xi32, #tpu.memory_space<vmem>> -> memref<128xi32, #tpu.memory_space<vmem>>
        %dma_start3A_93 = arith.constant 0 : i32
        %dma_start3A_94 = arith.constant 0 : i32
        %dma_start3A_95 = tpu.memref_slice %arg2[%dma_start3A_93, %dma_start3A_94] : memref<100000x128xf32, #tpu.memory_space<hbm>> -> memref<100000x128xf32, #tpu.memory_space<hbm>>
        tpu.enqueue_indirect_dma source(%dma_start3A_95 : memref<100000x128xf32, #tpu.memory_space<hbm>>) target(%arg6 : memref<128x128xf32, #tpu.memory_space<vmem>>) offsets(%dma_start3A_92 : memref<128xi32, #tpu.memory_space<vmem>>) semaphore(%arg8 : memref<!tpu.dma_semaphore, #tpu.memory_space<semaphore_mem>>)
      } else {
      }
      %mul3A_53 = arith.constant 2 : i32
      %mul3A_54 = arith.muli %mul3A_53, %scan3A_21 : i32
      %add3A_55 = arith.constant 1 : i32
      %add3A_56 = arith.addi %mul3A_54, %add3A_55 : i32
      %dma_wait3A_57 = arith.constant 0 : i32
      %dma_wait3A_58 = tpu.memref_slice %arg5[%add3A_56, %dma_wait3A_57] : memref<10x128xi32, #tpu.memory_space<vmem>> -> memref<1x128xi32, #tpu.memory_space<vmem>>
      %dma_wait3A_59 = tpu.memref_squeeze %dma_wait3A_58 : memref<1x128xi32, #tpu.memory_space<vmem>> -> memref<128xi32, #tpu.memory_space<vmem>>
      %dma_wait3A_60 = arith.constant 0 : i32
      %dma_wait3A_61 = arith.constant 0 : i32
      %dma_wait3A_62 = tpu.memref_slice %arg2[%dma_wait3A_60, %dma_wait3A_61] : memref<100000x128xf32, #tpu.memory_space<hbm>> -> memref<100000x128xf32, #tpu.memory_space<hbm>>
      tpu.wait_indirect_dma semaphore(%arg9 : memref<!tpu.dma_semaphore, #tpu.memory_space<semaphore_mem>>) src(%dma_wait3A_62 : memref<100000x128xf32, #tpu.memory_space<hbm>>) dst(%arg7 : memref<128x128xf32, #tpu.memory_space<vmem>>)
      %add3A_63 = arith.addi %mul3A_2, %add3A_56 : i32
      %dma_start3A_64 = arith.constant 0 : i32
      %dma_start3A_65 = arith.constant 0 : i32
      %dma_start3A_66 = tpu.memref_slice %arg4[%add3A_63, %dma_start3A_64, %dma_start3A_65] : memref<320x128x128xf32, #tpu.memory_space<hbm>> -> memref<1x128x128xf32, #tpu.memory_space<hbm>>
      %dma_start3A_67 = tpu.memref_squeeze %dma_start3A_66 : memref<1x128x128xf32, #tpu.memory_space<hbm>> -> memref<128x128xf32, #tpu.memory_space<hbm>>
      %dma_start3A_68 = arith.constant 0 : i32
      %dma_start3A_69 = arith.constant 0 : i32
      %dma_start3A_70 = tpu.memref_slice %arg4[%add3A_63, %dma_start3A_68, %dma_start3A_69] : memref<320x128x128xf32, #tpu.memory_space<hbm>> -> memref<1x128x128xf32, #tpu.memory_space<hbm>>
      %dma_start3A_71 = tpu.memref_squeeze %dma_start3A_70 : memref<1x128x128xf32, #tpu.memory_space<hbm>> -> memref<128x128xf32, #tpu.memory_space<hbm>>
      tpu.enqueue_dma source(%arg7 : memref<128x128xf32, #tpu.memory_space<vmem>>) target(%dma_start3A_71 : memref<128x128xf32, #tpu.memory_space<hbm>>) target_semaphore(%arg11 : memref<!tpu.dma_semaphore, #tpu.memory_space<semaphore_mem>>)
      %add3A_72 = arith.addi %mul3A_2, %add3A_56 : i32
      %dma_wait3A_73 = arith.constant 0 : i32
      %dma_wait3A_74 = arith.constant 0 : i32
      %dma_wait3A_75 = tpu.memref_slice %arg4[%add3A_72, %dma_wait3A_73, %dma_wait3A_74] : memref<320x128x128xf32, #tpu.memory_space<hbm>> -> memref<1x128x128xf32, #tpu.memory_space<hbm>>
      %dma_wait3A_76 = tpu.memref_squeeze %dma_wait3A_75 : memref<1x128x128xf32, #tpu.memory_space<hbm>> -> memref<128x128xf32, #tpu.memory_space<hbm>>
      %dma_wait3A_77 = arith.constant 0 : i32
      %dma_wait3A_78 = arith.constant 0 : i32
      %dma_wait3A_79 = tpu.memref_slice %arg4[%add3A_72, %dma_wait3A_77, %dma_wait3A_78] : memref<320x128x128xf32, #tpu.memory_space<hbm>> -> memref<1x128x128xf32, #tpu.memory_space<hbm>>
      %dma_wait3A_80 = tpu.memref_squeeze %dma_wait3A_79 : memref<1x128x128xf32, #tpu.memory_space<hbm>> -> memref<128x128xf32, #tpu.memory_space<hbm>>
      tpu.wait_dma2 semaphore(%arg11 : memref<!tpu.dma_semaphore, #tpu.memory_space<semaphore_mem>>) src(%arg7 : memref<128x128xf32, #tpu.memory_space<vmem>>) dst(%dma_wait3A_80 : memref<128x128xf32, #tpu.memory_space<hbm>>)
      %add3A_81 = arith.constant 2 : i32
      %add3A_82 = arith.addi %add3A_56, %add3A_81 : i32
      %lt3A_83 = arith.constant 10 : i32
      %lt3A_84 = arith.cmpi slt, %add3A_82, %lt3A_83 : i32
      %convert_element_type3A_85 = arith.extui %lt3A_84 : i1 to i32
      %cond3A_86 = arith.constant 0 : i32
      %cond3A_87 = arith.cmpi ne, %convert_element_type3A_85, %cond3A_86 : i32
      scf.if %cond3A_87 {
        %add3A_88 = arith.constant 2 : i32
        %add3A_89 = arith.addi %add3A_56, %add3A_88 : i32
        %dma_start3A_90 = arith.constant 0 : i32
        %dma_start3A_91 = tpu.memref_slice %arg5[%add3A_89, %dma_start3A_90] : memref<10x128xi32, #tpu.memory_space<vmem>> -> memref<1x128xi32, #tpu.memory_space<vmem>>
        %dma_start3A_92 = tpu.memref_squeeze %dma_start3A_91 : memref<1x128xi32, #tpu.memory_space<vmem>> -> memref<128xi32, #tpu.memory_space<vmem>>
        %dma_start3A_93 = arith.constant 0 : i32
        %dma_start3A_94 = arith.constant 0 : i32
        %dma_start3A_95 = tpu.memref_slice %arg2[%dma_start3A_93, %dma_start3A_94] : memref<100000x128xf32, #tpu.memory_space<hbm>> -> memref<100000x128xf32, #tpu.memory_space<hbm>>
        tpu.enqueue_indirect_dma source(%dma_start3A_95 : memref<100000x128xf32, #tpu.memory_space<hbm>>) target(%arg7 : memref<128x128xf32, #tpu.memory_space<vmem>>) offsets(%dma_start3A_92 : memref<128xi32, #tpu.memory_space<vmem>>) semaphore(%arg9 : memref<!tpu.dma_semaphore, #tpu.memory_space<semaphore_mem>>)
      } else {
      }
    }
    %scan3A_20 = arith.constant 5 : i32
    return
  }
}

#map = affine_map<(d0, d1) -> (0, 0)>
#map1 = affine_map<(d0, d1) -> (0, 0, 0)>
module attributes {stable_mosaic.version = 14 : i64} {
  func.func @body(%arg0: i32, %arg1: i32, %arg2: memref<100000x128xf32, #tpu.memory_space<hbm>>, %arg3: memref<32x10x128xi32, #tpu.memory_space<hbm>>, %arg4: memref<320x128x128xf32, #tpu.memory_space<hbm>>, %arg5: memref<10x128xi32, #tpu.memory_space<vmem>>, %arg6: memref<128x128xf32, #tpu.memory_space<vmem>>, %arg7: memref<128x128xf32, #tpu.memory_space<vmem>>, %arg8: memref<!tpu.dma_semaphore, #tpu.memory_space<semaphore_mem>>, %arg9: memref<!tpu.dma_semaphore, #tpu.memory_space<semaphore_mem>>, %arg10: memref<!tpu.dma_semaphore, #tpu.memory_space<semaphore_mem>>, %arg11: memref<!tpu.dma_semaphore, #tpu.memory_space<semaphore_mem>>) attributes {dimension_semantics = [#tpu.dimension_semantics<core_parallel>, #tpu.dimension_semantics<subcore_parallel>], iteration_bounds = array<i64: 2, 16>, scalar_prefetch = 0 : i64, scratch_operands = 7 : i64, tpu.core_type = #tpu.core_type<sc_vector_subcore>, window_params = [{transform_indices = #map}, {transform_indices = #map1}, {transform_indices = #map1}]} {
    %mul3A = arith.constant 2 : i32
    %mul3A_0 = arith.muli %arg1, %mul3A : i32
    %add3A = arith.addi %mul3A_0, %arg0 : i32
    %mul3A_1 = arith.constant 10 : i32
    %mul3A_2 = arith.muli %add3A, %mul3A_1 : i32
    "tpu.region"() ({
      %run_scoped3A = tpu.sem_alloc : memref<!tpu.dma_semaphore, #tpu.memory_space<semaphore_mem>>
      %dma_start3A_21 = arith.constant 0 : i32
      %dma_start3A_22 = arith.constant 0 : i32
      %dma_start3A_23 = tpu.memref_slice %arg3[%add3A, %dma_start3A_21, %dma_start3A_22] : memref<32x10x128xi32, #tpu.memory_space<hbm>> -> memref<1x10x128xi32, #tpu.memory_space<hbm>>
      %dma_start3A_24 = tpu.memref_squeeze %dma_start3A_23 : memref<1x10x128xi32, #tpu.memory_space<hbm>> -> memref<10x128xi32, #tpu.memory_space<hbm>>
      %dma_start3A_25 = arith.constant 0 : i32
      %dma_start3A_26 = arith.constant 0 : i32
      %dma_start3A_27 = tpu.memref_slice %arg3[%add3A, %dma_start3A_25, %dma_start3A_26] : memref<32x10x128xi32, #tpu.memory_space<hbm>> -> memref<1x10x128xi32, #tpu.memory_space<hbm>>
      %dma_start3A_28 = tpu.memref_squeeze %dma_start3A_27 : memref<1x10x128xi32, #tpu.memory_space<hbm>> -> memref<10x128xi32, #tpu.memory_space<hbm>>
      tpu.enqueue_dma source(%dma_start3A_28 : memref<10x128xi32, #tpu.memory_space<hbm>>) target(%arg5 : memref<10x128xi32, #tpu.memory_space<vmem>>) target_semaphore(%run_scoped3A : memref<!tpu.dma_semaphore, #tpu.memory_space<semaphore_mem>>)
      %dma_wait3A = arith.constant 0 : i32
      %dma_wait3A_29 = arith.constant 0 : i32
      %dma_wait3A_30 = tpu.memref_slice %arg3[%add3A, %dma_wait3A, %dma_wait3A_29] : memref<32x10x128xi32, #tpu.memory_space<hbm>> -> memref<1x10x128xi32, #tpu.memory_space<hbm>>
      %dma_wait3A_31 = tpu.memref_squeeze %dma_wait3A_30 : memref<1x10x128xi32, #tpu.memory_space<hbm>> -> memref<10x128xi32, #tpu.memory_space<hbm>>
      %dma_wait3A_32 = arith.constant 0 : i32
      %dma_wait3A_33 = arith.constant 0 : i32
      %dma_wait3A_34 = tpu.memref_slice %arg3[%add3A, %dma_wait3A_32, %dma_wait3A_33] : memref<32x10x128xi32, #tpu.memory_space<hbm>> -> memref<1x10x128xi32, #tpu.memory_space<hbm>>
      %dma_wait3A_35 = tpu.memref_squeeze %dma_wait3A_34 : memref<1x10x128xi32, #tpu.memory_space<hbm>> -> memref<10x128xi32, #tpu.memory_space<hbm>>
      tpu.wait_dma2 semaphore(%run_scoped3A : memref<!tpu.dma_semaphore, #tpu.memory_space<semaphore_mem>>) src(%dma_wait3A_35 : memref<10x128xi32, #tpu.memory_space<hbm>>) dst(%arg5 : memref<10x128xi32, #tpu.memory_space<vmem>>)
      tpu.yield
    }) : () -> ()
    %dma_start3A = arith.constant 0 : i32
    %dma_start3A_3 = arith.constant 0 : i32
    %dma_start3A_4 = tpu.memref_slice %arg5[%dma_start3A, %dma_start3A_3] : memref<10x128xi32, #tpu.memory_space<vmem>> -> memref<1x128xi32, #tpu.memory_space<vmem>>
    %dma_start3A_5 = tpu.memref_squeeze %dma_start3A_4 : memref<1x128xi32, #tpu.memory_space<vmem>> -> memref<128xi32, #tpu.memory_space<vmem>>
    %dma_start3A_6 = arith.constant 0 : i32
    %dma_start3A_7 = arith.constant 0 : i32
    %dma_start3A_8 = tpu.memref_slice %arg2[%dma_start3A_6, %dma_start3A_7] : memref<100000x128xf32, #tpu.memory_space<hbm>> -> memref<100000x128xf32, #tpu.memory_space<hbm>>
    tpu.enqueue_indirect_dma source(%dma_start3A_8 : memref<100000x128xf32, #tpu.memory_space<hbm>>) target(%arg6 : memref<128x128xf32, #tpu.memory_space<vmem>>) offsets(%dma_start3A_5 : memref<128xi32, #tpu.memory_space<vmem>>) semaphore(%arg8 : memref<!tpu.dma_semaphore, #tpu.memory_space<semaphore_mem>>)
    %dma_start3A_9 = arith.constant 1 : i32
    %dma_start3A_10 = arith.constant 0 : i32
    %dma_start3A_11 = tpu.memref_slice %arg5[%dma_start3A_9, %dma_start3A_10] : memref<10x128xi32, #tpu.memory_space<vmem>> -> memref<1x128xi32, #tpu.memory_space<vmem>>
    %dma_start3A_12 = tpu.memref_squeeze %dma_start3A_11 : memref<1x128xi32, #tpu.memory_space<vmem>> -> memref<128xi32, #tpu.memory_space<vmem>>
    %dma_start3A_13 = arith.constant 0 : i32
    %dma_start3A_14 = arith.constant 0 : i32
    %dma_start3A_15 = tpu.memref_slice %arg2[%dma_start3A_13, %dma_start3A_14] : memref<100000x128xf32, #tpu.memory_space<hbm>> -> memref<100000x128xf32, #tpu.memory_space<hbm>>
    tpu.enqueue_indirect_dma source(%dma_start3A_15 : memref<100000x128xf32, #tpu.memory_space<hbm>>) target(%arg7 : memref<128x128xf32, #tpu.memory_space<vmem>>) offsets(%dma_start3A_12 : memref<128xi32, #tpu.memory_space<vmem>>) semaphore(%arg9 : memref<!tpu.dma_semaphore, #tpu.memory_space<semaphore_mem>>)
    %scan3A = arith.constant 0 : i32
    %scan3A_16 = arith.constant 0 : i32
    %scan3A_17 = arith.constant 5 : i32
    %scan3A_18 = arith.addi %scan3A_16, %scan3A_17 : i32
    %scan3A_19 = arith.constant 1 : i32
    scf.for %scan3A_21 = %scan3A_16 to %scan3A_18 step %scan3A_19  : i32 {
      %mul3A_22 = arith.constant 2 : i32
      %mul3A_23 = arith.muli %mul3A_22, %scan3A_21 : i32
      %add3A_24 = arith.constant 0 : i32
      %add3A_25 = arith.addi %mul3A_23, %add3A_24 : i32
      %dma_wait3A = arith.constant 0 : i32
      %dma_wait3A_26 = tpu.memref_slice %arg5[%add3A_25, %dma_wait3A] : memref<10x128xi32, #tpu.memory_space<vmem>> -> memref<1x128xi32, #tpu.memory_space<vmem>>
      %dma_wait3A_27 = tpu.memref_squeeze %dma_wait3A_26 : memref<1x128xi32, #tpu.memory_space<vmem>> -> memref<128xi32, #tpu.memory_space<vmem>>
      %dma_wait3A_28 = arith.constant 0 : i32
      %dma_wait3A_29 = arith.constant 0 : i32
      %dma_wait3A_30 = tpu.memref_slice %arg2[%dma_wait3A_28, %dma_wait3A_29] : memref<100000x128xf32, #tpu.memory_space<hbm>> -> memref<100000x128xf32, #tpu.memory_space<hbm>>
      tpu.wait_indirect_dma semaphore(%arg8 : memref<!tpu.dma_semaphore, #tpu.memory_space<semaphore_mem>>) src(%dma_wait3A_30 : memref<100000x128xf32, #tpu.memory_space<hbm>>) dst(%arg6 : memref<128x128xf32, #tpu.memory_space<vmem>>)
      %add3A_31 = arith.addi %mul3A_2, %add3A_25 : i32
      %dma_start3A_32 = arith.constant 0 : i32
      %dma_start3A_33 = arith.constant 0 : i32
      %dma_start3A_34 = tpu.memref_slice %arg4[%add3A_31, %dma_start3A_32, %dma_start3A_33] : memref<320x128x128xf32, #tpu.memory_space<hbm>> -> memref<1x128x128xf32, #tpu.memory_space<hbm>>
      %dma_start3A_35 = tpu.memref_squeeze %dma_start3A_34 : memref<1x128x128xf32, #tpu.memory_space<hbm>> -> memref<128x128xf32, #tpu.memory_space<hbm>>
      %dma_start3A_36 = arith.constant 0 : i32
      %dma_start3A_37 = arith.constant 0 : i32
      %dma_start3A_38 = tpu.memref_slice %arg4[%add3A_31, %dma_start3A_36, %dma_start3A_37] : memref<320x128x128xf32, #tpu.memory_space<hbm>> -> memref<1x128x128xf32, #tpu.memory_space<hbm>>
      %dma_start3A_39 = tpu.memref_squeeze %dma_start3A_38 : memref<1x128x128xf32, #tpu.memory_space<hbm>> -> memref<128x128xf32, #tpu.memory_space<hbm>>
      tpu.enqueue_dma source(%arg6 : memref<128x128xf32, #tpu.memory_space<vmem>>) target(%dma_start3A_39 : memref<128x128xf32, #tpu.memory_space<hbm>>) target_semaphore(%arg10 : memref<!tpu.dma_semaphore, #tpu.memory_space<semaphore_mem>>)
      %add3A_40 = arith.addi %mul3A_2, %add3A_25 : i32
      %dma_wait3A_41 = arith.constant 0 : i32
      %dma_wait3A_42 = arith.constant 0 : i32
      %dma_wait3A_43 = tpu.memref_slice %arg4[%add3A_40, %dma_wait3A_41, %dma_wait3A_42] : memref<320x128x128xf32, #tpu.memory_space<hbm>> -> memref<1x128x128xf32, #tpu.memory_space<hbm>>
      %dma_wait3A_44 = tpu.memref_squeeze %dma_wait3A_43 : memref<1x128x128xf32, #tpu.memory_space<hbm>> -> memref<128x128xf32, #tpu.memory_space<hbm>>
      %dma_wait3A_45 = arith.constant 0 : i32
      %dma_wait3A_46 = arith.constant 0 : i32
      %dma_wait3A_47 = tpu.memref_slice %arg4[%add3A_40, %dma_wait3A_45, %dma_wait3A_46] : memref<320x128x128xf32, #tpu.memory_space<hbm>> -> memref<1x128x128xf32, #tpu.memory_space<hbm>>
      %dma_wait3A_48 = tpu.memref_squeeze %dma_wait3A_47 : memref<1x128x128xf32, #tpu.memory_space<hbm>> -> memref<128x128xf32, #tpu.memory_space<hbm>>
      tpu.wait_dma2 semaphore(%arg10 : memref<!tpu.dma_semaphore, #tpu.memory_space<semaphore_mem>>) src(%arg6 : memref<128x128xf32, #tpu.memory_space<vmem>>) dst(%dma_wait3A_48 : memref<128x128xf32, #tpu.memory_space<hbm>>)
      %add3A_49 = arith.constant 2 : i32
      %add3A_50 = arith.addi %add3A_25, %add3A_49 : i32
      %lt3A = arith.constant 10 : i32
      %lt3A_51 = arith.cmpi slt, %add3A_50, %lt3A : i32
      %convert_element_type3A = arith.extui %lt3A_51 : i1 to i32
      %cond3A = arith.constant 0 : i32
      %cond3A_52 = arith.cmpi ne, %convert_element_type3A, %cond3A : i32
      scf.if %cond3A_52 {
        %add3A_88 = arith.constant 2 : i32
        %add3A_89 = arith.addi %add3A_25, %add3A_88 : i32
        %dma_start3A_90 = arith.constant 0 : i32
        %dma_start3A_91 = tpu.memref_slice %arg5[%add3A_89, %dma_start3A_90] : memref<10x128xi32, #tpu.memory_space<vmem>> -> memref<1x128xi32, #tpu.memory_space<vmem>>
        %dma_start3A_92 = tpu.memref_squeeze %dma_start3A_91 : memref<1x128xi32, #tpu.memory_space<vmem>> -> memref<128xi32, #tpu.memory_space<vmem>>
        %dma_start3A_93 = arith.constant 0 : i32
        %dma_start3A_94 = arith.constant 0 : i32
        %dma_start3A_95 = tpu.memref_slice %arg2[%dma_start3A_93, %dma_start3A_94] : memref<100000x128xf32, #tpu.memory_space<hbm>> -> memref<100000x128xf32, #tpu.memory_space<hbm>>
        tpu.enqueue_indirect_dma source(%dma_start3A_95 : memref<100000x128xf32, #tpu.memory_space<hbm>>) target(%arg6 : memref<128x128xf32, #tpu.memory_space<vmem>>) offsets(%dma_start3A_92 : memref<128xi32, #tpu.memory_space<vmem>>) semaphore(%arg8 : memref<!tpu.dma_semaphore, #tpu.memory_space<semaphore_mem>>)
      } else {
      }
      %mul3A_53 = arith.constant 2 : i32
      %mul3A_54 = arith.muli %mul3A_53, %scan3A_21 : i32
      %add3A_55 = arith.constant 1 : i32
      %add3A_56 = arith.addi %mul3A_54, %add3A_55 : i32
      %dma_wait3A_57 = arith.constant 0 : i32
      %dma_wait3A_58 = tpu.memref_slice %arg5[%add3A_56, %dma_wait3A_57] : memref<10x128xi32, #tpu.memory_space<vmem>> -> memref<1x128xi32, #tpu.memory_space<vmem>>
      %dma_wait3A_59 = tpu.memref_squeeze %dma_wait3A_58 : memref<1x128xi32, #tpu.memory_space<vmem>> -> memref<128xi32, #tpu.memory_space<vmem>>
      %dma_wait3A_60 = arith.constant 0 : i32
      %dma_wait3A_61 = arith.constant 0 : i32
      %dma_wait3A_62 = tpu.memref_slice %arg2[%dma_wait3A_60, %dma_wait3A_61] : memref<100000x128xf32, #tpu.memory_space<hbm>> -> memref<100000x128xf32, #tpu.memory_space<hbm>>
      tpu.wait_indirect_dma semaphore(%arg9 : memref<!tpu.dma_semaphore, #tpu.memory_space<semaphore_mem>>) src(%dma_wait3A_62 : memref<100000x128xf32, #tpu.memory_space<hbm>>) dst(%arg7 : memref<128x128xf32, #tpu.memory_space<vmem>>)
      %add3A_63 = arith.addi %mul3A_2, %add3A_56 : i32
      %dma_start3A_64 = arith.constant 0 : i32
      %dma_start3A_65 = arith.constant 0 : i32
      %dma_start3A_66 = tpu.memref_slice %arg4[%add3A_63, %dma_start3A_64, %dma_start3A_65] : memref<320x128x128xf32, #tpu.memory_space<hbm>> -> memref<1x128x128xf32, #tpu.memory_space<hbm>>
      %dma_start3A_67 = tpu.memref_squeeze %dma_start3A_66 : memref<1x128x128xf32, #tpu.memory_space<hbm>> -> memref<128x128xf32, #tpu.memory_space<hbm>>
      %dma_start3A_68 = arith.constant 0 : i32
      %dma_start3A_69 = arith.constant 0 : i32
      %dma_start3A_70 = tpu.memref_slice %arg4[%add3A_63, %dma_start3A_68, %dma_start3A_69] : memref<320x128x128xf32, #tpu.memory_space<hbm>> -> memref<1x128x128xf32, #tpu.memory_space<hbm>>
      %dma_start3A_71 = tpu.memref_squeeze %dma_start3A_70 : memref<1x128x128xf32, #tpu.memory_space<hbm>> -> memref<128x128xf32, #tpu.memory_space<hbm>>
      tpu.enqueue_dma source(%arg7 : memref<128x128xf32, #tpu.memory_space<vmem>>) target(%dma_start3A_71 : memref<128x128xf32, #tpu.memory_space<hbm>>) target_semaphore(%arg11 : memref<!tpu.dma_semaphore, #tpu.memory_space<semaphore_mem>>)
      %add3A_72 = arith.addi %mul3A_2, %add3A_56 : i32
      %dma_wait3A_73 = arith.constant 0 : i32
      %dma_wait3A_74 = arith.constant 0 : i32
      %dma_wait3A_75 = tpu.memref_slice %arg4[%add3A_72, %dma_wait3A_73, %dma_wait3A_74] : memref<320x128x128xf32, #tpu.memory_space<hbm>> -> memref<1x128x128xf32, #tpu.memory_space<hbm>>
      %dma_wait3A_76 = tpu.memref_squeeze %dma_wait3A_75 : memref<1x128x128xf32, #tpu.memory_space<hbm>> -> memref<128x128xf32, #tpu.memory_space<hbm>>
      %dma_wait3A_77 = arith.constant 0 : i32
      %dma_wait3A_78 = arith.constant 0 : i32
      %dma_wait3A_79 = tpu.memref_slice %arg4[%add3A_72, %dma_wait3A_77, %dma_wait3A_78] : memref<320x128x128xf32, #tpu.memory_space<hbm>> -> memref<1x128x128xf32, #tpu.memory_space<hbm>>
      %dma_wait3A_80 = tpu.memref_squeeze %dma_wait3A_79 : memref<1x128x128xf32, #tpu.memory_space<hbm>> -> memref<128x128xf32, #tpu.memory_space<hbm>>
      tpu.wait_dma2 semaphore(%arg11 : memref<!tpu.dma_semaphore, #tpu.memory_space<semaphore_mem>>) src(%arg7 : memref<128x128xf32, #tpu.memory_space<vmem>>) dst(%dma_wait3A_80 : memref<128x128xf32, #tpu.memory_space<hbm>>)
      %add3A_81 = arith.constant 2 : i32
      %add3A_82 = arith.addi %add3A_56, %add3A_81 : i32
      %lt3A_83 = arith.constant 10 : i32
      %lt3A_84 = arith.cmpi slt, %add3A_82, %lt3A_83 : i32
      %convert_element_type3A_85 = arith.extui %lt3A_84 : i1 to i32
      %cond3A_86 = arith.constant 0 : i32
      %cond3A_87 = arith.cmpi ne, %convert_element_type3A_85, %cond3A_86 : i32
      scf.if %cond3A_87 {
        %add3A_88 = arith.constant 2 : i32
        %add3A_89 = arith.addi %add3A_56, %add3A_88 : i32
        %dma_start3A_90 = arith.constant 0 : i32
        %dma_start3A_91 = tpu.memref_slice %arg5[%add3A_89, %dma_start3A_90] : memref<10x128xi32, #tpu.memory_space<vmem>> -> memref<1x128xi32, #tpu.memory_space<vmem>>
        %dma_start3A_92 = tpu.memref_squeeze %dma_start3A_91 : memref<1x128xi32, #tpu.memory_space<vmem>> -> memref<128xi32, #tpu.memory_space<vmem>>
        %dma_start3A_93 = arith.constant 0 : i32
        %dma_start3A_94 = arith.constant 0 : i32
        %dma_start3A_95 = tpu.memref_slice %arg2[%dma_start3A_93, %dma_start3A_94] : memref<100000x128xf32, #tpu.memory_space<hbm>> -> memref<100000x128xf32, #tpu.memory_space<hbm>>
        tpu.enqueue_indirect_dma source(%dma_start3A_95 : memref<100000x128xf32, #tpu.memory_space<hbm>>) target(%arg7 : memref<128x128xf32, #tpu.memory_space<vmem>>) offsets(%dma_start3A_92 : memref<128xi32, #tpu.memory_space<vmem>>) semaphore(%arg9 : memref<!tpu.dma_semaphore, #tpu.memory_space<semaphore_mem>>)
      } else {
      }
    }
    %scan3A_20 = arith.constant 5 : i32
    return
  }
}

#map = affine_map<(d0, d1) -> (0, 0)>
#map1 = affine_map<(d0, d1) -> (0, 0, 0)>
module attributes {stable_mosaic.version = 14 : i64} {
  func.func @body(%arg0: i32, %arg1: i32, %arg2: memref<100000x128xf32, #tpu.memory_space<hbm>>, %arg3: memref<32x10x128xi32, #tpu.memory_space<hbm>>, %arg4: memref<320x128x128xf32, #tpu.memory_space<hbm>>, %arg5: memref<10x128xi32, #tpu.memory_space<vmem>>, %arg6: memref<128x128xf32, #tpu.memory_space<vmem>>, %arg7: memref<128x128xf32, #tpu.memory_space<vmem>>, %arg8: memref<!tpu.dma_semaphore, #tpu.memory_space<semaphore_mem>>, %arg9: memref<!tpu.dma_semaphore, #tpu.memory_space<semaphore_mem>>, %arg10: memref<!tpu.dma_semaphore, #tpu.memory_space<semaphore_mem>>, %arg11: memref<!tpu.dma_semaphore, #tpu.memory_space<semaphore_mem>>) attributes {dimension_semantics = [#tpu.dimension_semantics<core_parallel>, #tpu.dimension_semantics<subcore_parallel>], iteration_bounds = array<i64: 2, 16>, scalar_prefetch = 0 : i64, scratch_operands = 7 : i64, tpu.core_type = #tpu.core_type<sc_vector_subcore>, window_params = [{transform_indices = #map}, {transform_indices = #map1}, {transform_indices = #map1}]} {
    %mul3A = arith.constant 2 : i32
    %mul3A_0 = arith.muli %arg1, %mul3A : i32
    %add3A = arith.addi %mul3A_0, %arg0 : i32
    %mul3A_1 = arith.constant 10 : i32
    %mul3A_2 = arith.muli %add3A, %mul3A_1 : i32
    "tpu.region"() ({
      %run_scoped3A = tpu.sem_alloc : memref<!tpu.dma_semaphore, #tpu.memory_space<semaphore_mem>>
      %dma_start3A_21 = arith.constant 0 : i32
      %dma_start3A_22 = arith.constant 0 : i32
      %dma_start3A_23 = tpu.memref_slice %arg3[%add3A, %dma_start3A_21, %dma_start3A_22] : memref<32x10x128xi32, #tpu.memory_space<hbm>> -> memref<1x10x128xi32, #tpu.memory_space<hbm>>
      %dma_start3A_24 = tpu.memref_squeeze %dma_start3A_23 : memref<1x10x128xi32, #tpu.memory_space<hbm>> -> memref<10x128xi32, #tpu.memory_space<hbm>>
      %dma_start3A_25 = arith.constant 0 : i32
      %dma_start3A_26 = arith.constant 0 : i32
      %dma_start3A_27 = tpu.memref_slice %arg3[%add3A, %dma_start3A_25, %dma_start3A_26] : memref<32x10x128xi32, #tpu.memory_space<hbm>> -> memref<1x10x128xi32, #tpu.memory_space<hbm>>
      %dma_start3A_28 = tpu.memref_squeeze %dma_start3A_27 : memref<1x10x128xi32, #tpu.memory_space<hbm>> -> memref<10x128xi32, #tpu.memory_space<hbm>>
      tpu.enqueue_dma source(%dma_start3A_28 : memref<10x128xi32, #tpu.memory_space<hbm>>) target(%arg5 : memref<10x128xi32, #tpu.memory_space<vmem>>) target_semaphore(%run_scoped3A : memref<!tpu.dma_semaphore, #tpu.memory_space<semaphore_mem>>)
      %dma_wait3A = arith.constant 0 : i32
      %dma_wait3A_29 = arith.constant 0 : i32
      %dma_wait3A_30 = tpu.memref_slice %arg3[%add3A, %dma_wait3A, %dma_wait3A_29] : memref<32x10x128xi32, #tpu.memory_space<hbm>> -> memref<1x10x128xi32, #tpu.memory_space<hbm>>
      %dma_wait3A_31 = tpu.memref_squeeze %dma_wait3A_30 : memref<1x10x128xi32, #tpu.memory_space<hbm>> -> memref<10x128xi32, #tpu.memory_space<hbm>>
      %dma_wait3A_32 = arith.constant 0 : i32
      %dma_wait3A_33 = arith.constant 0 : i32
      %dma_wait3A_34 = tpu.memref_slice %arg3[%add3A, %dma_wait3A_32, %dma_wait3A_33] : memref<32x10x128xi32, #tpu.memory_space<hbm>> -> memref<1x10x128xi32, #tpu.memory_space<hbm>>
      %dma_wait3A_35 = tpu.memref_squeeze %dma_wait3A_34 : memref<1x10x128xi32, #tpu.memory_space<hbm>> -> memref<10x128xi32, #tpu.memory_space<hbm>>
      tpu.wait_dma2 semaphore(%run_scoped3A : memref<!tpu.dma_semaphore, #tpu.memory_space<semaphore_mem>>) src(%dma_wait3A_35 : memref<10x128xi32, #tpu.memory_space<hbm>>) dst(%arg5 : memref<10x128xi32, #tpu.memory_space<vmem>>)
      tpu.yield
    }) : () -> ()
    %dma_start3A = arith.constant 0 : i32
    %dma_start3A_3 = arith.constant 0 : i32
    %dma_start3A_4 = tpu.memref_slice %arg5[%dma_start3A, %dma_start3A_3] : memref<10x128xi32, #tpu.memory_space<vmem>> -> memref<1x128xi32, #tpu.memory_space<vmem>>
    %dma_start3A_5 = tpu.memref_squeeze %dma_start3A_4 : memref<1x128xi32, #tpu.memory_space<vmem>> -> memref<128xi32, #tpu.memory_space<vmem>>
    %dma_start3A_6 = arith.constant 0 : i32
    %dma_start3A_7 = arith.constant 0 : i32
    %dma_start3A_8 = tpu.memref_slice %arg2[%dma_start3A_6, %dma_start3A_7] : memref<100000x128xf32, #tpu.memory_space<hbm>> -> memref<100000x128xf32, #tpu.memory_space<hbm>>
    tpu.enqueue_indirect_dma source(%dma_start3A_8 : memref<100000x128xf32, #tpu.memory_space<hbm>>) target(%arg6 : memref<128x128xf32, #tpu.memory_space<vmem>>) offsets(%dma_start3A_5 : memref<128xi32, #tpu.memory_space<vmem>>) semaphore(%arg8 : memref<!tpu.dma_semaphore, #tpu.memory_space<semaphore_mem>>)
    %dma_start3A_9 = arith.constant 1 : i32
    %dma_start3A_10 = arith.constant 0 : i32
    %dma_start3A_11 = tpu.memref_slice %arg5[%dma_start3A_9, %dma_start3A_10] : memref<10x128xi32, #tpu.memory_space<vmem>> -> memref<1x128xi32, #tpu.memory_space<vmem>>
    %dma_start3A_12 = tpu.memref_squeeze %dma_start3A_11 : memref<1x128xi32, #tpu.memory_space<vmem>> -> memref<128xi32, #tpu.memory_space<vmem>>
    %dma_start3A_13 = arith.constant 0 : i32
    %dma_start3A_14 = arith.constant 0 : i32
    %dma_start3A_15 = tpu.memref_slice %arg2[%dma_start3A_13, %dma_start3A_14] : memref<100000x128xf32, #tpu.memory_space<hbm>> -> memref<100000x128xf32, #tpu.memory_space<hbm>>
    tpu.enqueue_indirect_dma source(%dma_start3A_15 : memref<100000x128xf32, #tpu.memory_space<hbm>>) target(%arg7 : memref<128x128xf32, #tpu.memory_space<vmem>>) offsets(%dma_start3A_12 : memref<128xi32, #tpu.memory_space<vmem>>) semaphore(%arg9 : memref<!tpu.dma_semaphore, #tpu.memory_space<semaphore_mem>>)
    %scan3A = arith.constant 0 : i32
    %scan3A_16 = arith.constant 0 : i32
    %scan3A_17 = arith.constant 5 : i32
    %scan3A_18 = arith.addi %scan3A_16, %scan3A_17 : i32
    %scan3A_19 = arith.constant 1 : i32
    scf.for %scan3A_21 = %scan3A_16 to %scan3A_18 step %scan3A_19  : i32 {
      %mul3A_22 = arith.constant 2 : i32
      %mul3A_23 = arith.muli %mul3A_22, %scan3A_21 : i32
      %add3A_24 = arith.constant 0 : i32
      %add3A_25 = arith.addi %mul3A_23, %add3A_24 : i32
      %dma_wait3A = arith.constant 0 : i32
      %dma_wait3A_26 = tpu.memref_slice %arg5[%add3A_25, %dma_wait3A] : memref<10x128xi32, #tpu.memory_space<vmem>> -> memref<1x128xi32, #tpu.memory_space<vmem>>
      %dma_wait3A_27 = tpu.memref_squeeze %dma_wait3A_26 : memref<1x128xi32, #tpu.memory_space<vmem>> -> memref<128xi32, #tpu.memory_space<vmem>>
      %dma_wait3A_28 = arith.constant 0 : i32
      %dma_wait3A_29 = arith.constant 0 : i32
      %dma_wait3A_30 = tpu.memref_slice %arg2[%dma_wait3A_28, %dma_wait3A_29] : memref<100000x128xf32, #tpu.memory_space<hbm>> -> memref<100000x128xf32, #tpu.memory_space<hbm>>
      tpu.wait_indirect_dma semaphore(%arg8 : memref<!tpu.dma_semaphore, #tpu.memory_space<semaphore_mem>>) src(%dma_wait3A_30 : memref<100000x128xf32, #tpu.memory_space<hbm>>) dst(%arg6 : memref<128x128xf32, #tpu.memory_space<vmem>>)
      %add3A_31 = arith.addi %mul3A_2, %add3A_25 : i32
      %dma_start3A_32 = arith.constant 0 : i32
      %dma_start3A_33 = arith.constant 0 : i32
      %dma_start3A_34 = tpu.memref_slice %arg4[%add3A_31, %dma_start3A_32, %dma_start3A_33] : memref<320x128x128xf32, #tpu.memory_space<hbm>> -> memref<1x128x128xf32, #tpu.memory_space<hbm>>
      %dma_start3A_35 = tpu.memref_squeeze %dma_start3A_34 : memref<1x128x128xf32, #tpu.memory_space<hbm>> -> memref<128x128xf32, #tpu.memory_space<hbm>>
      %dma_start3A_36 = arith.constant 0 : i32
      %dma_start3A_37 = arith.constant 0 : i32
      %dma_start3A_38 = tpu.memref_slice %arg4[%add3A_31, %dma_start3A_36, %dma_start3A_37] : memref<320x128x128xf32, #tpu.memory_space<hbm>> -> memref<1x128x128xf32, #tpu.memory_space<hbm>>
      %dma_start3A_39 = tpu.memref_squeeze %dma_start3A_38 : memref<1x128x128xf32, #tpu.memory_space<hbm>> -> memref<128x128xf32, #tpu.memory_space<hbm>>
      tpu.enqueue_dma source(%arg6 : memref<128x128xf32, #tpu.memory_space<vmem>>) target(%dma_start3A_39 : memref<128x128xf32, #tpu.memory_space<hbm>>) target_semaphore(%arg10 : memref<!tpu.dma_semaphore, #tpu.memory_space<semaphore_mem>>)
      %add3A_40 = arith.addi %mul3A_2, %add3A_25 : i32
      %dma_wait3A_41 = arith.constant 0 : i32
      %dma_wait3A_42 = arith.constant 0 : i32
      %dma_wait3A_43 = tpu.memref_slice %arg4[%add3A_40, %dma_wait3A_41, %dma_wait3A_42] : memref<320x128x128xf32, #tpu.memory_space<hbm>> -> memref<1x128x128xf32, #tpu.memory_space<hbm>>
      %dma_wait3A_44 = tpu.memref_squeeze %dma_wait3A_43 : memref<1x128x128xf32, #tpu.memory_space<hbm>> -> memref<128x128xf32, #tpu.memory_space<hbm>>
      %dma_wait3A_45 = arith.constant 0 : i32
      %dma_wait3A_46 = arith.constant 0 : i32
      %dma_wait3A_47 = tpu.memref_slice %arg4[%add3A_40, %dma_wait3A_45, %dma_wait3A_46] : memref<320x128x128xf32, #tpu.memory_space<hbm>> -> memref<1x128x128xf32, #tpu.memory_space<hbm>>
      %dma_wait3A_48 = tpu.memref_squeeze %dma_wait3A_47 : memref<1x128x128xf32, #tpu.memory_space<hbm>> -> memref<128x128xf32, #tpu.memory_space<hbm>>
      tpu.wait_dma2 semaphore(%arg10 : memref<!tpu.dma_semaphore, #tpu.memory_space<semaphore_mem>>) src(%arg6 : memref<128x128xf32, #tpu.memory_space<vmem>>) dst(%dma_wait3A_48 : memref<128x128xf32, #tpu.memory_space<hbm>>)
      %add3A_49 = arith.constant 2 : i32
      %add3A_50 = arith.addi %add3A_25, %add3A_49 : i32
      %lt3A = arith.constant 10 : i32
      %lt3A_51 = arith.cmpi slt, %add3A_50, %lt3A : i32
      %convert_element_type3A = arith.extui %lt3A_51 : i1 to i32
      %cond3A = arith.constant 0 : i32
      %cond3A_52 = arith.cmpi ne, %convert_element_type3A, %cond3A : i32
      scf.if %cond3A_52 {
        %add3A_88 = arith.constant 2 : i32
        %add3A_89 = arith.addi %add3A_25, %add3A_88 : i32
        %dma_start3A_90 = arith.constant 0 : i32
        %dma_start3A_91 = tpu.memref_slice %arg5[%add3A_89, %dma_start3A_90] : memref<10x128xi32, #tpu.memory_space<vmem>> -> memref<1x128xi32, #tpu.memory_space<vmem>>
        %dma_start3A_92 = tpu.memref_squeeze %dma_start3A_91 : memref<1x128xi32, #tpu.memory_space<vmem>> -> memref<128xi32, #tpu.memory_space<vmem>>
        %dma_start3A_93 = arith.constant 0 : i32
        %dma_start3A_94 = arith.constant 0 : i32
        %dma_start3A_95 = tpu.memref_slice %arg2[%dma_start3A_93, %dma_start3A_94] : memref<100000x128xf32, #tpu.memory_space<hbm>> -> memref<100000x128xf32, #tpu.memory_space<hbm>>
        tpu.enqueue_indirect_dma source(%dma_start3A_95 : memref<100000x128xf32, #tpu.memory_space<hbm>>) target(%arg6 : memref<128x128xf32, #tpu.memory_space<vmem>>) offsets(%dma_start3A_92 : memref<128xi32, #tpu.memory_space<vmem>>) semaphore(%arg8 : memref<!tpu.dma_semaphore, #tpu.memory_space<semaphore_mem>>)
      } else {
      }
      %mul3A_53 = arith.constant 2 : i32
      %mul3A_54 = arith.muli %mul3A_53, %scan3A_21 : i32
      %add3A_55 = arith.constant 1 : i32
      %add3A_56 = arith.addi %mul3A_54, %add3A_55 : i32
      %dma_wait3A_57 = arith.constant 0 : i32
      %dma_wait3A_58 = tpu.memref_slice %arg5[%add3A_56, %dma_wait3A_57] : memref<10x128xi32, #tpu.memory_space<vmem>> -> memref<1x128xi32, #tpu.memory_space<vmem>>
      %dma_wait3A_59 = tpu.memref_squeeze %dma_wait3A_58 : memref<1x128xi32, #tpu.memory_space<vmem>> -> memref<128xi32, #tpu.memory_space<vmem>>
      %dma_wait3A_60 = arith.constant 0 : i32
      %dma_wait3A_61 = arith.constant 0 : i32
      %dma_wait3A_62 = tpu.memref_slice %arg2[%dma_wait3A_60, %dma_wait3A_61] : memref<100000x128xf32, #tpu.memory_space<hbm>> -> memref<100000x128xf32, #tpu.memory_space<hbm>>
      tpu.wait_indirect_dma semaphore(%arg9 : memref<!tpu.dma_semaphore, #tpu.memory_space<semaphore_mem>>) src(%dma_wait3A_62 : memref<100000x128xf32, #tpu.memory_space<hbm>>) dst(%arg7 : memref<128x128xf32, #tpu.memory_space<vmem>>)
      %add3A_63 = arith.addi %mul3A_2, %add3A_56 : i32
      %dma_start3A_64 = arith.constant 0 : i32
      %dma_start3A_65 = arith.constant 0 : i32
      %dma_start3A_66 = tpu.memref_slice %arg4[%add3A_63, %dma_start3A_64, %dma_start3A_65] : memref<320x128x128xf32, #tpu.memory_space<hbm>> -> memref<1x128x128xf32, #tpu.memory_space<hbm>>
      %dma_start3A_67 = tpu.memref_squeeze %dma_start3A_66 : memref<1x128x128xf32, #tpu.memory_space<hbm>> -> memref<128x128xf32, #tpu.memory_space<hbm>>
      %dma_start3A_68 = arith.constant 0 : i32
      %dma_start3A_69 = arith.constant 0 : i32
      %dma_start3A_70 = tpu.memref_slice %arg4[%add3A_63, %dma_start3A_68, %dma_start3A_69] : memref<320x128x128xf32, #tpu.memory_space<hbm>> -> memref<1x128x128xf32, #tpu.memory_space<hbm>>
      %dma_start3A_71 = tpu.memref_squeeze %dma_start3A_70 : memref<1x128x128xf32, #tpu.memory_space<hbm>> -> memref<128x128xf32, #tpu.memory_space<hbm>>
      tpu.enqueue_dma source(%arg7 : memref<128x128xf32, #tpu.memory_space<vmem>>) target(%dma_start3A_71 : memref<128x128xf32, #tpu.memory_space<hbm>>) target_semaphore(%arg11 : memref<!tpu.dma_semaphore, #tpu.memory_space<semaphore_mem>>)
      %add3A_72 = arith.addi %mul3A_2, %add3A_56 : i32
      %dma_wait3A_73 = arith.constant 0 : i32
      %dma_wait3A_74 = arith.constant 0 : i32
      %dma_wait3A_75 = tpu.memref_slice %arg4[%add3A_72, %dma_wait3A_73, %dma_wait3A_74] : memref<320x128x128xf32, #tpu.memory_space<hbm>> -> memref<1x128x128xf32, #tpu.memory_space<hbm>>
      %dma_wait3A_76 = tpu.memref_squeeze %dma_wait3A_75 : memref<1x128x128xf32, #tpu.memory_space<hbm>> -> memref<128x128xf32, #tpu.memory_space<hbm>>
      %dma_wait3A_77 = arith.constant 0 : i32
      %dma_wait3A_78 = arith.constant 0 : i32
      %dma_wait3A_79 = tpu.memref_slice %arg4[%add3A_72, %dma_wait3A_77, %dma_wait3A_78] : memref<320x128x128xf32, #tpu.memory_space<hbm>> -> memref<1x128x128xf32, #tpu.memory_space<hbm>>
      %dma_wait3A_80 = tpu.memref_squeeze %dma_wait3A_79 : memref<1x128x128xf32, #tpu.memory_space<hbm>> -> memref<128x128xf32, #tpu.memory_space<hbm>>
      tpu.wait_dma2 semaphore(%arg11 : memref<!tpu.dma_semaphore, #tpu.memory_space<semaphore_mem>>) src(%arg7 : memref<128x128xf32, #tpu.memory_space<vmem>>) dst(%dma_wait3A_80 : memref<128x128xf32, #tpu.memory_space<hbm>>)
      %add3A_81 = arith.constant 2 : i32
      %add3A_82 = arith.addi %add3A_56, %add3A_81 : i32
      %lt3A_83 = arith.constant 10 : i32
      %lt3A_84 = arith.cmpi slt, %add3A_82, %lt3A_83 : i32
      %convert_element_type3A_85 = arith.extui %lt3A_84 : i1 to i32
      %cond3A_86 = arith.constant 0 : i32
      %cond3A_87 = arith.cmpi ne, %convert_element_type3A_85, %cond3A_86 : i32
      scf.if %cond3A_87 {
        %add3A_88 = arith.constant 2 : i32
        %add3A_89 = arith.addi %add3A_56, %add3A_88 : i32
        %dma_start3A_90 = arith.constant 0 : i32
        %dma_start3A_91 = tpu.memref_slice %arg5[%add3A_89, %dma_start3A_90] : memref<10x128xi32, #tpu.memory_space<vmem>> -> memref<1x128xi32, #tpu.memory_space<vmem>>
        %dma_start3A_92 = tpu.memref_squeeze %dma_start3A_91 : memref<1x128xi32, #tpu.memory_space<vmem>> -> memref<128xi32, #tpu.memory_space<vmem>>
        %dma_start3A_93 = arith.constant 0 : i32
        %dma_start3A_94 = arith.constant 0 : i32
        %dma_start3A_95 = tpu.memref_slice %arg2[%dma_start3A_93, %dma_start3A_94] : memref<100000x128xf32, #tpu.memory_space<hbm>> -> memref<100000x128xf32, #tpu.memory_space<hbm>>
        tpu.enqueue_indirect_dma source(%dma_start3A_95 : memref<100000x128xf32, #tpu.memory_space<hbm>>) target(%arg7 : memref<128x128xf32, #tpu.memory_space<vmem>>) offsets(%dma_start3A_92 : memref<128xi32, #tpu.memory_space<vmem>>) semaphore(%arg9 : memref<!tpu.dma_semaphore, #tpu.memory_space<semaphore_mem>>)
      } else {
      }
    }
    %scan3A_20 = arith.constant 5 : i32
    return
  }
}

#map = affine_map<(d0, d1) -> (0, 0)>
#map1 = affine_map<(d0, d1) -> (0, 0, 0)>
module attributes {stable_mosaic.version = 14 : i64} {
  func.func @body(%arg0: i32, %arg1: i32, %arg2: memref<100000x128xf32, #tpu.memory_space<hbm>>, %arg3: memref<32x10x128xi32, #tpu.memory_space<hbm>>, %arg4: memref<320x128x128xf32, #tpu.memory_space<hbm>>, %arg5: memref<10x128xi32, #tpu.memory_space<vmem>>, %arg6: memref<128x128xf32, #tpu.memory_space<vmem>>, %arg7: memref<128x128xf32, #tpu.memory_space<vmem>>, %arg8: memref<!tpu.dma_semaphore, #tpu.memory_space<semaphore_mem>>, %arg9: memref<!tpu.dma_semaphore, #tpu.memory_space<semaphore_mem>>, %arg10: memref<!tpu.dma_semaphore, #tpu.memory_space<semaphore_mem>>, %arg11: memref<!tpu.dma_semaphore, #tpu.memory_space<semaphore_mem>>) attributes {dimension_semantics = [#tpu.dimension_semantics<core_parallel>, #tpu.dimension_semantics<subcore_parallel>], iteration_bounds = array<i64: 2, 16>, scalar_prefetch = 0 : i64, scratch_operands = 7 : i64, tpu.core_type = #tpu.core_type<sc_vector_subcore>, window_params = [{transform_indices = #map}, {transform_indices = #map1}, {transform_indices = #map1}]} {
    %mul3A = arith.constant 2 : i32
    %mul3A_0 = arith.muli %arg1, %mul3A : i32
    %add3A = arith.addi %mul3A_0, %arg0 : i32
    %mul3A_1 = arith.constant 10 : i32
    %mul3A_2 = arith.muli %add3A, %mul3A_1 : i32
    "tpu.region"() ({
      %run_scoped3A = tpu.sem_alloc : memref<!tpu.dma_semaphore, #tpu.memory_space<semaphore_mem>>
      %dma_start3A_21 = arith.constant 0 : i32
      %dma_start3A_22 = arith.constant 0 : i32
      %dma_start3A_23 = tpu.memref_slice %arg3[%add3A, %dma_start3A_21, %dma_start3A_22] : memref<32x10x128xi32, #tpu.memory_space<hbm>> -> memref<1x10x128xi32, #tpu.memory_space<hbm>>
      %dma_start3A_24 = tpu.memref_squeeze %dma_start3A_23 : memref<1x10x128xi32, #tpu.memory_space<hbm>> -> memref<10x128xi32, #tpu.memory_space<hbm>>
      %dma_start3A_25 = arith.constant 0 : i32
      %dma_start3A_26 = arith.constant 0 : i32
      %dma_start3A_27 = tpu.memref_slice %arg3[%add3A, %dma_start3A_25, %dma_start3A_26] : memref<32x10x128xi32, #tpu.memory_space<hbm>> -> memref<1x10x128xi32, #tpu.memory_space<hbm>>
      %dma_start3A_28 = tpu.memref_squeeze %dma_start3A_27 : memref<1x10x128xi32, #tpu.memory_space<hbm>> -> memref<10x128xi32, #tpu.memory_space<hbm>>
      tpu.enqueue_dma source(%dma_start3A_28 : memref<10x128xi32, #tpu.memory_space<hbm>>) target(%arg5 : memref<10x128xi32, #tpu.memory_space<vmem>>) target_semaphore(%run_scoped3A : memref<!tpu.dma_semaphore, #tpu.memory_space<semaphore_mem>>)
      %dma_wait3A = arith.constant 0 : i32
      %dma_wait3A_29 = arith.constant 0 : i32
      %dma_wait3A_30 = tpu.memref_slice %arg3[%add3A, %dma_wait3A, %dma_wait3A_29] : memref<32x10x128xi32, #tpu.memory_space<hbm>> -> memref<1x10x128xi32, #tpu.memory_space<hbm>>
      %dma_wait3A_31 = tpu.memref_squeeze %dma_wait3A_30 : memref<1x10x128xi32, #tpu.memory_space<hbm>> -> memref<10x128xi32, #tpu.memory_space<hbm>>
      %dma_wait3A_32 = arith.constant 0 : i32
      %dma_wait3A_33 = arith.constant 0 : i32
      %dma_wait3A_34 = tpu.memref_slice %arg3[%add3A, %dma_wait3A_32, %dma_wait3A_33] : memref<32x10x128xi32, #tpu.memory_space<hbm>> -> memref<1x10x128xi32, #tpu.memory_space<hbm>>
      %dma_wait3A_35 = tpu.memref_squeeze %dma_wait3A_34 : memref<1x10x128xi32, #tpu.memory_space<hbm>> -> memref<10x128xi32, #tpu.memory_space<hbm>>
      tpu.wait_dma2 semaphore(%run_scoped3A : memref<!tpu.dma_semaphore, #tpu.memory_space<semaphore_mem>>) src(%dma_wait3A_35 : memref<10x128xi32, #tpu.memory_space<hbm>>) dst(%arg5 : memref<10x128xi32, #tpu.memory_space<vmem>>)
      tpu.yield
    }) : () -> ()
    %dma_start3A = arith.constant 0 : i32
    %dma_start3A_3 = arith.constant 0 : i32
    %dma_start3A_4 = tpu.memref_slice %arg5[%dma_start3A, %dma_start3A_3] : memref<10x128xi32, #tpu.memory_space<vmem>> -> memref<1x128xi32, #tpu.memory_space<vmem>>
    %dma_start3A_5 = tpu.memref_squeeze %dma_start3A_4 : memref<1x128xi32, #tpu.memory_space<vmem>> -> memref<128xi32, #tpu.memory_space<vmem>>
    %dma_start3A_6 = arith.constant 0 : i32
    %dma_start3A_7 = arith.constant 0 : i32
    %dma_start3A_8 = tpu.memref_slice %arg2[%dma_start3A_6, %dma_start3A_7] : memref<100000x128xf32, #tpu.memory_space<hbm>> -> memref<100000x128xf32, #tpu.memory_space<hbm>>
    tpu.enqueue_indirect_dma source(%dma_start3A_8 : memref<100000x128xf32, #tpu.memory_space<hbm>>) target(%arg6 : memref<128x128xf32, #tpu.memory_space<vmem>>) offsets(%dma_start3A_5 : memref<128xi32, #tpu.memory_space<vmem>>) semaphore(%arg8 : memref<!tpu.dma_semaphore, #tpu.memory_space<semaphore_mem>>)
    %dma_start3A_9 = arith.constant 1 : i32
    %dma_start3A_10 = arith.constant 0 : i32
    %dma_start3A_11 = tpu.memref_slice %arg5[%dma_start3A_9, %dma_start3A_10] : memref<10x128xi32, #tpu.memory_space<vmem>> -> memref<1x128xi32, #tpu.memory_space<vmem>>
    %dma_start3A_12 = tpu.memref_squeeze %dma_start3A_11 : memref<1x128xi32, #tpu.memory_space<vmem>> -> memref<128xi32, #tpu.memory_space<vmem>>
    %dma_start3A_13 = arith.constant 0 : i32
    %dma_start3A_14 = arith.constant 0 : i32
    %dma_start3A_15 = tpu.memref_slice %arg2[%dma_start3A_13, %dma_start3A_14] : memref<100000x128xf32, #tpu.memory_space<hbm>> -> memref<100000x128xf32, #tpu.memory_space<hbm>>
    tpu.enqueue_indirect_dma source(%dma_start3A_15 : memref<100000x128xf32, #tpu.memory_space<hbm>>) target(%arg7 : memref<128x128xf32, #tpu.memory_space<vmem>>) offsets(%dma_start3A_12 : memref<128xi32, #tpu.memory_space<vmem>>) semaphore(%arg9 : memref<!tpu.dma_semaphore, #tpu.memory_space<semaphore_mem>>)
    %scan3A = arith.constant 0 : i32
    %scan3A_16 = arith.constant 0 : i32
    %scan3A_17 = arith.constant 5 : i32
    %scan3A_18 = arith.addi %scan3A_16, %scan3A_17 : i32
    %scan3A_19 = arith.constant 1 : i32
    scf.for %scan3A_21 = %scan3A_16 to %scan3A_18 step %scan3A_19  : i32 {
      %mul3A_22 = arith.constant 2 : i32
      %mul3A_23 = arith.muli %mul3A_22, %scan3A_21 : i32
      %add3A_24 = arith.constant 0 : i32
      %add3A_25 = arith.addi %mul3A_23, %add3A_24 : i32
      %dma_wait3A = arith.constant 0 : i32
      %dma_wait3A_26 = tpu.memref_slice %arg5[%add3A_25, %dma_wait3A] : memref<10x128xi32, #tpu.memory_space<vmem>> -> memref<1x128xi32, #tpu.memory_space<vmem>>
      %dma_wait3A_27 = tpu.memref_squeeze %dma_wait3A_26 : memref<1x128xi32, #tpu.memory_space<vmem>> -> memref<128xi32, #tpu.memory_space<vmem>>
      %dma_wait3A_28 = arith.constant 0 : i32
      %dma_wait3A_29 = arith.constant 0 : i32
      %dma_wait3A_30 = tpu.memref_slice %arg2[%dma_wait3A_28, %dma_wait3A_29] : memref<100000x128xf32, #tpu.memory_space<hbm>> -> memref<100000x128xf32, #tpu.memory_space<hbm>>
      tpu.wait_indirect_dma semaphore(%arg8 : memref<!tpu.dma_semaphore, #tpu.memory_space<semaphore_mem>>) src(%dma_wait3A_30 : memref<100000x128xf32, #tpu.memory_space<hbm>>) dst(%arg6 : memref<128x128xf32, #tpu.memory_space<vmem>>)
      %add3A_31 = arith.addi %mul3A_2, %add3A_25 : i32
      %dma_start3A_32 = arith.constant 0 : i32
      %dma_start3A_33 = arith.constant 0 : i32
      %dma_start3A_34 = tpu.memref_slice %arg4[%add3A_31, %dma_start3A_32, %dma_start3A_33] : memref<320x128x128xf32, #tpu.memory_space<hbm>> -> memref<1x128x128xf32, #tpu.memory_space<hbm>>
      %dma_start3A_35 = tpu.memref_squeeze %dma_start3A_34 : memref<1x128x128xf32, #tpu.memory_space<hbm>> -> memref<128x128xf32, #tpu.memory_space<hbm>>
      %dma_start3A_36 = arith.constant 0 : i32
      %dma_start3A_37 = arith.constant 0 : i32
      %dma_start3A_38 = tpu.memref_slice %arg4[%add3A_31, %dma_start3A_36, %dma_start3A_37] : memref<320x128x128xf32, #tpu.memory_space<hbm>> -> memref<1x128x128xf32, #tpu.memory_space<hbm>>
      %dma_start3A_39 = tpu.memref_squeeze %dma_start3A_38 : memref<1x128x128xf32, #tpu.memory_space<hbm>> -> memref<128x128xf32, #tpu.memory_space<hbm>>
      tpu.enqueue_dma source(%arg6 : memref<128x128xf32, #tpu.memory_space<vmem>>) target(%dma_start3A_39 : memref<128x128xf32, #tpu.memory_space<hbm>>) target_semaphore(%arg10 : memref<!tpu.dma_semaphore, #tpu.memory_space<semaphore_mem>>)
      %add3A_40 = arith.addi %mul3A_2, %add3A_25 : i32
      %dma_wait3A_41 = arith.constant 0 : i32
      %dma_wait3A_42 = arith.constant 0 : i32
      %dma_wait3A_43 = tpu.memref_slice %arg4[%add3A_40, %dma_wait3A_41, %dma_wait3A_42] : memref<320x128x128xf32, #tpu.memory_space<hbm>> -> memref<1x128x128xf32, #tpu.memory_space<hbm>>
      %dma_wait3A_44 = tpu.memref_squeeze %dma_wait3A_43 : memref<1x128x128xf32, #tpu.memory_space<hbm>> -> memref<128x128xf32, #tpu.memory_space<hbm>>
      %dma_wait3A_45 = arith.constant 0 : i32
      %dma_wait3A_46 = arith.constant 0 : i32
      %dma_wait3A_47 = tpu.memref_slice %arg4[%add3A_40, %dma_wait3A_45, %dma_wait3A_46] : memref<320x128x128xf32, #tpu.memory_space<hbm>> -> memref<1x128x128xf32, #tpu.memory_space<hbm>>
      %dma_wait3A_48 = tpu.memref_squeeze %dma_wait3A_47 : memref<1x128x128xf32, #tpu.memory_space<hbm>> -> memref<128x128xf32, #tpu.memory_space<hbm>>
      tpu.wait_dma2 semaphore(%arg10 : memref<!tpu.dma_semaphore, #tpu.memory_space<semaphore_mem>>) src(%arg6 : memref<128x128xf32, #tpu.memory_space<vmem>>) dst(%dma_wait3A_48 : memref<128x128xf32, #tpu.memory_space<hbm>>)
      %add3A_49 = arith.constant 2 : i32
      %add3A_50 = arith.addi %add3A_25, %add3A_49 : i32
      %lt3A = arith.constant 10 : i32
      %lt3A_51 = arith.cmpi slt, %add3A_50, %lt3A : i32
      %convert_element_type3A = arith.extui %lt3A_51 : i1 to i32
      %cond3A = arith.constant 0 : i32
      %cond3A_52 = arith.cmpi ne, %convert_element_type3A, %cond3A : i32
      scf.if %cond3A_52 {
        %add3A_88 = arith.constant 2 : i32
        %add3A_89 = arith.addi %add3A_25, %add3A_88 : i32
        %dma_start3A_90 = arith.constant 0 : i32
        %dma_start3A_91 = tpu.memref_slice %arg5[%add3A_89, %dma_start3A_90] : memref<10x128xi32, #tpu.memory_space<vmem>> -> memref<1x128xi32, #tpu.memory_space<vmem>>
        %dma_start3A_92 = tpu.memref_squeeze %dma_start3A_91 : memref<1x128xi32, #tpu.memory_space<vmem>> -> memref<128xi32, #tpu.memory_space<vmem>>
        %dma_start3A_93 = arith.constant 0 : i32
        %dma_start3A_94 = arith.constant 0 : i32
        %dma_start3A_95 = tpu.memref_slice %arg2[%dma_start3A_93, %dma_start3A_94] : memref<100000x128xf32, #tpu.memory_space<hbm>> -> memref<100000x128xf32, #tpu.memory_space<hbm>>
        tpu.enqueue_indirect_dma source(%dma_start3A_95 : memref<100000x128xf32, #tpu.memory_space<hbm>>) target(%arg6 : memref<128x128xf32, #tpu.memory_space<vmem>>) offsets(%dma_start3A_92 : memref<128xi32, #tpu.memory_space<vmem>>) semaphore(%arg8 : memref<!tpu.dma_semaphore, #tpu.memory_space<semaphore_mem>>)
      } else {
      }
      %mul3A_53 = arith.constant 2 : i32
      %mul3A_54 = arith.muli %mul3A_53, %scan3A_21 : i32
      %add3A_55 = arith.constant 1 : i32
      %add3A_56 = arith.addi %mul3A_54, %add3A_55 : i32
      %dma_wait3A_57 = arith.constant 0 : i32
      %dma_wait3A_58 = tpu.memref_slice %arg5[%add3A_56, %dma_wait3A_57] : memref<10x128xi32, #tpu.memory_space<vmem>> -> memref<1x128xi32, #tpu.memory_space<vmem>>
      %dma_wait3A_59 = tpu.memref_squeeze %dma_wait3A_58 : memref<1x128xi32, #tpu.memory_space<vmem>> -> memref<128xi32, #tpu.memory_space<vmem>>
      %dma_wait3A_60 = arith.constant 0 : i32
      %dma_wait3A_61 = arith.constant 0 : i32
      %dma_wait3A_62 = tpu.memref_slice %arg2[%dma_wait3A_60, %dma_wait3A_61] : memref<100000x128xf32, #tpu.memory_space<hbm>> -> memref<100000x128xf32, #tpu.memory_space<hbm>>
      tpu.wait_indirect_dma semaphore(%arg9 : memref<!tpu.dma_semaphore, #tpu.memory_space<semaphore_mem>>) src(%dma_wait3A_62 : memref<100000x128xf32, #tpu.memory_space<hbm>>) dst(%arg7 : memref<128x128xf32, #tpu.memory_space<vmem>>)
      %add3A_63 = arith.addi %mul3A_2, %add3A_56 : i32
      %dma_start3A_64 = arith.constant 0 : i32
      %dma_start3A_65 = arith.constant 0 : i32
      %dma_start3A_66 = tpu.memref_slice %arg4[%add3A_63, %dma_start3A_64, %dma_start3A_65] : memref<320x128x128xf32, #tpu.memory_space<hbm>> -> memref<1x128x128xf32, #tpu.memory_space<hbm>>
      %dma_start3A_67 = tpu.memref_squeeze %dma_start3A_66 : memref<1x128x128xf32, #tpu.memory_space<hbm>> -> memref<128x128xf32, #tpu.memory_space<hbm>>
      %dma_start3A_68 = arith.constant 0 : i32
      %dma_start3A_69 = arith.constant 0 : i32
      %dma_start3A_70 = tpu.memref_slice %arg4[%add3A_63, %dma_start3A_68, %dma_start3A_69] : memref<320x128x128xf32, #tpu.memory_space<hbm>> -> memref<1x128x128xf32, #tpu.memory_space<hbm>>
      %dma_start3A_71 = tpu.memref_squeeze %dma_start3A_70 : memref<1x128x128xf32, #tpu.memory_space<hbm>> -> memref<128x128xf32, #tpu.memory_space<hbm>>
      tpu.enqueue_dma source(%arg7 : memref<128x128xf32, #tpu.memory_space<vmem>>) target(%dma_start3A_71 : memref<128x128xf32, #tpu.memory_space<hbm>>) target_semaphore(%arg11 : memref<!tpu.dma_semaphore, #tpu.memory_space<semaphore_mem>>)
      %add3A_72 = arith.addi %mul3A_2, %add3A_56 : i32
      %dma_wait3A_73 = arith.constant 0 : i32
      %dma_wait3A_74 = arith.constant 0 : i32
      %dma_wait3A_75 = tpu.memref_slice %arg4[%add3A_72, %dma_wait3A_73, %dma_wait3A_74] : memref<320x128x128xf32, #tpu.memory_space<hbm>> -> memref<1x128x128xf32, #tpu.memory_space<hbm>>
      %dma_wait3A_76 = tpu.memref_squeeze %dma_wait3A_75 : memref<1x128x128xf32, #tpu.memory_space<hbm>> -> memref<128x128xf32, #tpu.memory_space<hbm>>
      %dma_wait3A_77 = arith.constant 0 : i32
      %dma_wait3A_78 = arith.constant 0 : i32
      %dma_wait3A_79 = tpu.memref_slice %arg4[%add3A_72, %dma_wait3A_77, %dma_wait3A_78] : memref<320x128x128xf32, #tpu.memory_space<hbm>> -> memref<1x128x128xf32, #tpu.memory_space<hbm>>
      %dma_wait3A_80 = tpu.memref_squeeze %dma_wait3A_79 : memref<1x128x128xf32, #tpu.memory_space<hbm>> -> memref<128x128xf32, #tpu.memory_space<hbm>>
      tpu.wait_dma2 semaphore(%arg11 : memref<!tpu.dma_semaphore, #tpu.memory_space<semaphore_mem>>) src(%arg7 : memref<128x128xf32, #tpu.memory_space<vmem>>) dst(%dma_wait3A_80 : memref<128x128xf32, #tpu.memory_space<hbm>>)
      %add3A_81 = arith.constant 2 : i32
      %add3A_82 = arith.addi %add3A_56, %add3A_81 : i32
      %lt3A_83 = arith.constant 10 : i32
      %lt3A_84 = arith.cmpi slt, %add3A_82, %lt3A_83 : i32
      %convert_element_type3A_85 = arith.extui %lt3A_84 : i1 to i32
      %cond3A_86 = arith.constant 0 : i32
      %cond3A_87 = arith.cmpi ne, %convert_element_type3A_85, %cond3A_86 : i32
      scf.if %cond3A_87 {
        %add3A_88 = arith.constant 2 : i32
        %add3A_89 = arith.addi %add3A_56, %add3A_88 : i32
        %dma_start3A_90 = arith.constant 0 : i32
        %dma_start3A_91 = tpu.memref_slice %arg5[%add3A_89, %dma_start3A_90] : memref<10x128xi32, #tpu.memory_space<vmem>> -> memref<1x128xi32, #tpu.memory_space<vmem>>
        %dma_start3A_92 = tpu.memref_squeeze %dma_start3A_91 : memref<1x128xi32, #tpu.memory_space<vmem>> -> memref<128xi32, #tpu.memory_space<vmem>>
        %dma_start3A_93 = arith.constant 0 : i32
        %dma_start3A_94 = arith.constant 0 : i32
        %dma_start3A_95 = tpu.memref_slice %arg2[%dma_start3A_93, %dma_start3A_94] : memref<100000x128xf32, #tpu.memory_space<hbm>> -> memref<100000x128xf32, #tpu.memory_space<hbm>>
        tpu.enqueue_indirect_dma source(%dma_start3A_95 : memref<100000x128xf32, #tpu.memory_space<hbm>>) target(%arg7 : memref<128x128xf32, #tpu.memory_space<vmem>>) offsets(%dma_start3A_92 : memref<128xi32, #tpu.memory_space<vmem>>) semaphore(%arg9 : memref<!tpu.dma_semaphore, #tpu.memory_space<semaphore_mem>>)
      } else {
      }
    }
    %scan3A_20 = arith.constant 5 : i32
    return
  }
}

#map = affine_map<(d0, d1) -> (0, 0)>
#map1 = affine_map<(d0, d1) -> (0, 0, 0)>
module attributes {stable_mosaic.version = 14 : i64} {
  func.func @body(%arg0: i32, %arg1: i32, %arg2: memref<100000x128xf32, #tpu.memory_space<hbm>>, %arg3: memref<32x10x128xi32, #tpu.memory_space<hbm>>, %arg4: memref<320x128x128xf32, #tpu.memory_space<hbm>>, %arg5: memref<10x128xi32, #tpu.memory_space<vmem>>, %arg6: memref<128x128xf32, #tpu.memory_space<vmem>>, %arg7: memref<128x128xf32, #tpu.memory_space<vmem>>, %arg8: memref<!tpu.dma_semaphore, #tpu.memory_space<semaphore_mem>>, %arg9: memref<!tpu.dma_semaphore, #tpu.memory_space<semaphore_mem>>, %arg10: memref<!tpu.dma_semaphore, #tpu.memory_space<semaphore_mem>>, %arg11: memref<!tpu.dma_semaphore, #tpu.memory_space<semaphore_mem>>) attributes {dimension_semantics = [#tpu.dimension_semantics<core_parallel>, #tpu.dimension_semantics<subcore_parallel>], iteration_bounds = array<i64: 2, 16>, scalar_prefetch = 0 : i64, scratch_operands = 7 : i64, tpu.core_type = #tpu.core_type<sc_vector_subcore>, window_params = [{transform_indices = #map}, {transform_indices = #map1}, {transform_indices = #map1}]} {
    %mul3A = arith.constant 2 : i32
    %mul3A_0 = arith.muli %arg1, %mul3A : i32
    %add3A = arith.addi %mul3A_0, %arg0 : i32
    %mul3A_1 = arith.constant 10 : i32
    %mul3A_2 = arith.muli %add3A, %mul3A_1 : i32
    "tpu.region"() ({
      %run_scoped3A = tpu.sem_alloc : memref<!tpu.dma_semaphore, #tpu.memory_space<semaphore_mem>>
      %dma_start3A_21 = arith.constant 0 : i32
      %dma_start3A_22 = arith.constant 0 : i32
      %dma_start3A_23 = tpu.memref_slice %arg3[%add3A, %dma_start3A_21, %dma_start3A_22] : memref<32x10x128xi32, #tpu.memory_space<hbm>> -> memref<1x10x128xi32, #tpu.memory_space<hbm>>
      %dma_start3A_24 = tpu.memref_squeeze %dma_start3A_23 : memref<1x10x128xi32, #tpu.memory_space<hbm>> -> memref<10x128xi32, #tpu.memory_space<hbm>>
      %dma_start3A_25 = arith.constant 0 : i32
      %dma_start3A_26 = arith.constant 0 : i32
      %dma_start3A_27 = tpu.memref_slice %arg3[%add3A, %dma_start3A_25, %dma_start3A_26] : memref<32x10x128xi32, #tpu.memory_space<hbm>> -> memref<1x10x128xi32, #tpu.memory_space<hbm>>
      %dma_start3A_28 = tpu.memref_squeeze %dma_start3A_27 : memref<1x10x128xi32, #tpu.memory_space<hbm>> -> memref<10x128xi32, #tpu.memory_space<hbm>>
      tpu.enqueue_dma source(%dma_start3A_28 : memref<10x128xi32, #tpu.memory_space<hbm>>) target(%arg5 : memref<10x128xi32, #tpu.memory_space<vmem>>) target_semaphore(%run_scoped3A : memref<!tpu.dma_semaphore, #tpu.memory_space<semaphore_mem>>)
      %dma_wait3A = arith.constant 0 : i32
      %dma_wait3A_29 = arith.constant 0 : i32
      %dma_wait3A_30 = tpu.memref_slice %arg3[%add3A, %dma_wait3A, %dma_wait3A_29] : memref<32x10x128xi32, #tpu.memory_space<hbm>> -> memref<1x10x128xi32, #tpu.memory_space<hbm>>
      %dma_wait3A_31 = tpu.memref_squeeze %dma_wait3A_30 : memref<1x10x128xi32, #tpu.memory_space<hbm>> -> memref<10x128xi32, #tpu.memory_space<hbm>>
      %dma_wait3A_32 = arith.constant 0 : i32
      %dma_wait3A_33 = arith.constant 0 : i32
      %dma_wait3A_34 = tpu.memref_slice %arg3[%add3A, %dma_wait3A_32, %dma_wait3A_33] : memref<32x10x128xi32, #tpu.memory_space<hbm>> -> memref<1x10x128xi32, #tpu.memory_space<hbm>>
      %dma_wait3A_35 = tpu.memref_squeeze %dma_wait3A_34 : memref<1x10x128xi32, #tpu.memory_space<hbm>> -> memref<10x128xi32, #tpu.memory_space<hbm>>
      tpu.wait_dma2 semaphore(%run_scoped3A : memref<!tpu.dma_semaphore, #tpu.memory_space<semaphore_mem>>) src(%dma_wait3A_35 : memref<10x128xi32, #tpu.memory_space<hbm>>) dst(%arg5 : memref<10x128xi32, #tpu.memory_space<vmem>>)
      tpu.yield
    }) : () -> ()
    %dma_start3A = arith.constant 0 : i32
    %dma_start3A_3 = arith.constant 0 : i32
    %dma_start3A_4 = tpu.memref_slice %arg5[%dma_start3A, %dma_start3A_3] : memref<10x128xi32, #tpu.memory_space<vmem>> -> memref<1x128xi32, #tpu.memory_space<vmem>>
    %dma_start3A_5 = tpu.memref_squeeze %dma_start3A_4 : memref<1x128xi32, #tpu.memory_space<vmem>> -> memref<128xi32, #tpu.memory_space<vmem>>
    %dma_start3A_6 = arith.constant 0 : i32
    %dma_start3A_7 = arith.constant 0 : i32
    %dma_start3A_8 = tpu.memref_slice %arg2[%dma_start3A_6, %dma_start3A_7] : memref<100000x128xf32, #tpu.memory_space<hbm>> -> memref<100000x128xf32, #tpu.memory_space<hbm>>
    tpu.enqueue_indirect_dma source(%dma_start3A_8 : memref<100000x128xf32, #tpu.memory_space<hbm>>) target(%arg6 : memref<128x128xf32, #tpu.memory_space<vmem>>) offsets(%dma_start3A_5 : memref<128xi32, #tpu.memory_space<vmem>>) semaphore(%arg8 : memref<!tpu.dma_semaphore, #tpu.memory_space<semaphore_mem>>)
    %dma_start3A_9 = arith.constant 1 : i32
    %dma_start3A_10 = arith.constant 0 : i32
    %dma_start3A_11 = tpu.memref_slice %arg5[%dma_start3A_9, %dma_start3A_10] : memref<10x128xi32, #tpu.memory_space<vmem>> -> memref<1x128xi32, #tpu.memory_space<vmem>>
    %dma_start3A_12 = tpu.memref_squeeze %dma_start3A_11 : memref<1x128xi32, #tpu.memory_space<vmem>> -> memref<128xi32, #tpu.memory_space<vmem>>
    %dma_start3A_13 = arith.constant 0 : i32
    %dma_start3A_14 = arith.constant 0 : i32
    %dma_start3A_15 = tpu.memref_slice %arg2[%dma_start3A_13, %dma_start3A_14] : memref<100000x128xf32, #tpu.memory_space<hbm>> -> memref<100000x128xf32, #tpu.memory_space<hbm>>
    tpu.enqueue_indirect_dma source(%dma_start3A_15 : memref<100000x128xf32, #tpu.memory_space<hbm>>) target(%arg7 : memref<128x128xf32, #tpu.memory_space<vmem>>) offsets(%dma_start3A_12 : memref<128xi32, #tpu.memory_space<vmem>>) semaphore(%arg9 : memref<!tpu.dma_semaphore, #tpu.memory_space<semaphore_mem>>)
    %scan3A = arith.constant 0 : i32
    %scan3A_16 = arith.constant 0 : i32
    %scan3A_17 = arith.constant 5 : i32
    %scan3A_18 = arith.addi %scan3A_16, %scan3A_17 : i32
    %scan3A_19 = arith.constant 1 : i32
    scf.for %scan3A_21 = %scan3A_16 to %scan3A_18 step %scan3A_19  : i32 {
      %mul3A_22 = arith.constant 2 : i32
      %mul3A_23 = arith.muli %mul3A_22, %scan3A_21 : i32
      %add3A_24 = arith.constant 0 : i32
      %add3A_25 = arith.addi %mul3A_23, %add3A_24 : i32
      %dma_wait3A = arith.constant 0 : i32
      %dma_wait3A_26 = tpu.memref_slice %arg5[%add3A_25, %dma_wait3A] : memref<10x128xi32, #tpu.memory_space<vmem>> -> memref<1x128xi32, #tpu.memory_space<vmem>>
      %dma_wait3A_27 = tpu.memref_squeeze %dma_wait3A_26 : memref<1x128xi32, #tpu.memory_space<vmem>> -> memref<128xi32, #tpu.memory_space<vmem>>
      %dma_wait3A_28 = arith.constant 0 : i32
      %dma_wait3A_29 = arith.constant 0 : i32
      %dma_wait3A_30 = tpu.memref_slice %arg2[%dma_wait3A_28, %dma_wait3A_29] : memref<100000x128xf32, #tpu.memory_space<hbm>> -> memref<100000x128xf32, #tpu.memory_space<hbm>>
      tpu.wait_indirect_dma semaphore(%arg8 : memref<!tpu.dma_semaphore, #tpu.memory_space<semaphore_mem>>) src(%dma_wait3A_30 : memref<100000x128xf32, #tpu.memory_space<hbm>>) dst(%arg6 : memref<128x128xf32, #tpu.memory_space<vmem>>)
      %add3A_31 = arith.addi %mul3A_2, %add3A_25 : i32
      %dma_start3A_32 = arith.constant 0 : i32
      %dma_start3A_33 = arith.constant 0 : i32
      %dma_start3A_34 = tpu.memref_slice %arg4[%add3A_31, %dma_start3A_32, %dma_start3A_33] : memref<320x128x128xf32, #tpu.memory_space<hbm>> -> memref<1x128x128xf32, #tpu.memory_space<hbm>>
      %dma_start3A_35 = tpu.memref_squeeze %dma_start3A_34 : memref<1x128x128xf32, #tpu.memory_space<hbm>> -> memref<128x128xf32, #tpu.memory_space<hbm>>
      %dma_start3A_36 = arith.constant 0 : i32
      %dma_start3A_37 = arith.constant 0 : i32
      %dma_start3A_38 = tpu.memref_slice %arg4[%add3A_31, %dma_start3A_36, %dma_start3A_37] : memref<320x128x128xf32, #tpu.memory_space<hbm>> -> memref<1x128x128xf32, #tpu.memory_space<hbm>>
      %dma_start3A_39 = tpu.memref_squeeze %dma_start3A_38 : memref<1x128x128xf32, #tpu.memory_space<hbm>> -> memref<128x128xf32, #tpu.memory_space<hbm>>
      tpu.enqueue_dma source(%arg6 : memref<128x128xf32, #tpu.memory_space<vmem>>) target(%dma_start3A_39 : memref<128x128xf32, #tpu.memory_space<hbm>>) target_semaphore(%arg10 : memref<!tpu.dma_semaphore, #tpu.memory_space<semaphore_mem>>)
      %add3A_40 = arith.addi %mul3A_2, %add3A_25 : i32
      %dma_wait3A_41 = arith.constant 0 : i32
      %dma_wait3A_42 = arith.constant 0 : i32
      %dma_wait3A_43 = tpu.memref_slice %arg4[%add3A_40, %dma_wait3A_41, %dma_wait3A_42] : memref<320x128x128xf32, #tpu.memory_space<hbm>> -> memref<1x128x128xf32, #tpu.memory_space<hbm>>
      %dma_wait3A_44 = tpu.memref_squeeze %dma_wait3A_43 : memref<1x128x128xf32, #tpu.memory_space<hbm>> -> memref<128x128xf32, #tpu.memory_space<hbm>>
      %dma_wait3A_45 = arith.constant 0 : i32
      %dma_wait3A_46 = arith.constant 0 : i32
      %dma_wait3A_47 = tpu.memref_slice %arg4[%add3A_40, %dma_wait3A_45, %dma_wait3A_46] : memref<320x128x128xf32, #tpu.memory_space<hbm>> -> memref<1x128x128xf32, #tpu.memory_space<hbm>>
      %dma_wait3A_48 = tpu.memref_squeeze %dma_wait3A_47 : memref<1x128x128xf32, #tpu.memory_space<hbm>> -> memref<128x128xf32, #tpu.memory_space<hbm>>
      tpu.wait_dma2 semaphore(%arg10 : memref<!tpu.dma_semaphore, #tpu.memory_space<semaphore_mem>>) src(%arg6 : memref<128x128xf32, #tpu.memory_space<vmem>>) dst(%dma_wait3A_48 : memref<128x128xf32, #tpu.memory_space<hbm>>)
      %add3A_49 = arith.constant 2 : i32
      %add3A_50 = arith.addi %add3A_25, %add3A_49 : i32
      %lt3A = arith.constant 10 : i32
      %lt3A_51 = arith.cmpi slt, %add3A_50, %lt3A : i32
      %convert_element_type3A = arith.extui %lt3A_51 : i1 to i32
      %cond3A = arith.constant 0 : i32
      %cond3A_52 = arith.cmpi ne, %convert_element_type3A, %cond3A : i32
      scf.if %cond3A_52 {
        %add3A_88 = arith.constant 2 : i32
        %add3A_89 = arith.addi %add3A_25, %add3A_88 : i32
        %dma_start3A_90 = arith.constant 0 : i32
        %dma_start3A_91 = tpu.memref_slice %arg5[%add3A_89, %dma_start3A_90] : memref<10x128xi32, #tpu.memory_space<vmem>> -> memref<1x128xi32, #tpu.memory_space<vmem>>
        %dma_start3A_92 = tpu.memref_squeeze %dma_start3A_91 : memref<1x128xi32, #tpu.memory_space<vmem>> -> memref<128xi32, #tpu.memory_space<vmem>>
        %dma_start3A_93 = arith.constant 0 : i32
        %dma_start3A_94 = arith.constant 0 : i32
        %dma_start3A_95 = tpu.memref_slice %arg2[%dma_start3A_93, %dma_start3A_94] : memref<100000x128xf32, #tpu.memory_space<hbm>> -> memref<100000x128xf32, #tpu.memory_space<hbm>>
        tpu.enqueue_indirect_dma source(%dma_start3A_95 : memref<100000x128xf32, #tpu.memory_space<hbm>>) target(%arg6 : memref<128x128xf32, #tpu.memory_space<vmem>>) offsets(%dma_start3A_92 : memref<128xi32, #tpu.memory_space<vmem>>) semaphore(%arg8 : memref<!tpu.dma_semaphore, #tpu.memory_space<semaphore_mem>>)
      } else {
      }
      %mul3A_53 = arith.constant 2 : i32
      %mul3A_54 = arith.muli %mul3A_53, %scan3A_21 : i32
      %add3A_55 = arith.constant 1 : i32
      %add3A_56 = arith.addi %mul3A_54, %add3A_55 : i32
      %dma_wait3A_57 = arith.constant 0 : i32
      %dma_wait3A_58 = tpu.memref_slice %arg5[%add3A_56, %dma_wait3A_57] : memref<10x128xi32, #tpu.memory_space<vmem>> -> memref<1x128xi32, #tpu.memory_space<vmem>>
      %dma_wait3A_59 = tpu.memref_squeeze %dma_wait3A_58 : memref<1x128xi32, #tpu.memory_space<vmem>> -> memref<128xi32, #tpu.memory_space<vmem>>
      %dma_wait3A_60 = arith.constant 0 : i32
      %dma_wait3A_61 = arith.constant 0 : i32
      %dma_wait3A_62 = tpu.memref_slice %arg2[%dma_wait3A_60, %dma_wait3A_61] : memref<100000x128xf32, #tpu.memory_space<hbm>> -> memref<100000x128xf32, #tpu.memory_space<hbm>>
      tpu.wait_indirect_dma semaphore(%arg9 : memref<!tpu.dma_semaphore, #tpu.memory_space<semaphore_mem>>) src(%dma_wait3A_62 : memref<100000x128xf32, #tpu.memory_space<hbm>>) dst(%arg7 : memref<128x128xf32, #tpu.memory_space<vmem>>)
      %add3A_63 = arith.addi %mul3A_2, %add3A_56 : i32
      %dma_start3A_64 = arith.constant 0 : i32
      %dma_start3A_65 = arith.constant 0 : i32
      %dma_start3A_66 = tpu.memref_slice %arg4[%add3A_63, %dma_start3A_64, %dma_start3A_65] : memref<320x128x128xf32, #tpu.memory_space<hbm>> -> memref<1x128x128xf32, #tpu.memory_space<hbm>>
      %dma_start3A_67 = tpu.memref_squeeze %dma_start3A_66 : memref<1x128x128xf32, #tpu.memory_space<hbm>> -> memref<128x128xf32, #tpu.memory_space<hbm>>
      %dma_start3A_68 = arith.constant 0 : i32
      %dma_start3A_69 = arith.constant 0 : i32
      %dma_start3A_70 = tpu.memref_slice %arg4[%add3A_63, %dma_start3A_68, %dma_start3A_69] : memref<320x128x128xf32, #tpu.memory_space<hbm>> -> memref<1x128x128xf32, #tpu.memory_space<hbm>>
      %dma_start3A_71 = tpu.memref_squeeze %dma_start3A_70 : memref<1x128x128xf32, #tpu.memory_space<hbm>> -> memref<128x128xf32, #tpu.memory_space<hbm>>
      tpu.enqueue_dma source(%arg7 : memref<128x128xf32, #tpu.memory_space<vmem>>) target(%dma_start3A_71 : memref<128x128xf32, #tpu.memory_space<hbm>>) target_semaphore(%arg11 : memref<!tpu.dma_semaphore, #tpu.memory_space<semaphore_mem>>)
      %add3A_72 = arith.addi %mul3A_2, %add3A_56 : i32
      %dma_wait3A_73 = arith.constant 0 : i32
      %dma_wait3A_74 = arith.constant 0 : i32
      %dma_wait3A_75 = tpu.memref_slice %arg4[%add3A_72, %dma_wait3A_73, %dma_wait3A_74] : memref<320x128x128xf32, #tpu.memory_space<hbm>> -> memref<1x128x128xf32, #tpu.memory_space<hbm>>
      %dma_wait3A_76 = tpu.memref_squeeze %dma_wait3A_75 : memref<1x128x128xf32, #tpu.memory_space<hbm>> -> memref<128x128xf32, #tpu.memory_space<hbm>>
      %dma_wait3A_77 = arith.constant 0 : i32
      %dma_wait3A_78 = arith.constant 0 : i32
      %dma_wait3A_79 = tpu.memref_slice %arg4[%add3A_72, %dma_wait3A_77, %dma_wait3A_78] : memref<320x128x128xf32, #tpu.memory_space<hbm>> -> memref<1x128x128xf32, #tpu.memory_space<hbm>>
      %dma_wait3A_80 = tpu.memref_squeeze %dma_wait3A_79 : memref<1x128x128xf32, #tpu.memory_space<hbm>> -> memref<128x128xf32, #tpu.memory_space<hbm>>
      tpu.wait_dma2 semaphore(%arg11 : memref<!tpu.dma_semaphore, #tpu.memory_space<semaphore_mem>>) src(%arg7 : memref<128x128xf32, #tpu.memory_space<vmem>>) dst(%dma_wait3A_80 : memref<128x128xf32, #tpu.memory_space<hbm>>)
      %add3A_81 = arith.constant 2 : i32
      %add3A_82 = arith.addi %add3A_56, %add3A_81 : i32
      %lt3A_83 = arith.constant 10 : i32
      %lt3A_84 = arith.cmpi slt, %add3A_82, %lt3A_83 : i32
      %convert_element_type3A_85 = arith.extui %lt3A_84 : i1 to i32
      %cond3A_86 = arith.constant 0 : i32
      %cond3A_87 = arith.cmpi ne, %convert_element_type3A_85, %cond3A_86 : i32
      scf.if %cond3A_87 {
        %add3A_88 = arith.constant 2 : i32
        %add3A_89 = arith.addi %add3A_56, %add3A_88 : i32
        %dma_start3A_90 = arith.constant 0 : i32
        %dma_start3A_91 = tpu.memref_slice %arg5[%add3A_89, %dma_start3A_90] : memref<10x128xi32, #tpu.memory_space<vmem>> -> memref<1x128xi32, #tpu.memory_space<vmem>>
        %dma_start3A_92 = tpu.memref_squeeze %dma_start3A_91 : memref<1x128xi32, #tpu.memory_space<vmem>> -> memref<128xi32, #tpu.memory_space<vmem>>
        %dma_start3A_93 = arith.constant 0 : i32
        %dma_start3A_94 = arith.constant 0 : i32
        %dma_start3A_95 = tpu.memref_slice %arg2[%dma_start3A_93, %dma_start3A_94] : memref<100000x128xf32, #tpu.memory_space<hbm>> -> memref<100000x128xf32, #tpu.memory_space<hbm>>
        tpu.enqueue_indirect_dma source(%dma_start3A_95 : memref<100000x128xf32, #tpu.memory_space<hbm>>) target(%arg7 : memref<128x128xf32, #tpu.memory_space<vmem>>) offsets(%dma_start3A_92 : memref<128xi32, #tpu.memory_space<vmem>>) semaphore(%arg9 : memref<!tpu.dma_semaphore, #tpu.memory_space<semaphore_mem>>)
      } else {
      }
    }
    %scan3A_20 = arith.constant 5 : i32
    return
  }
}

module attributes {stable_mosaic.version = 14 : i64} {
  func.func @body(%arg0: i32, %arg1: memref<8x1024x128xf32, #tpu.memory_space<vmem>>, %arg2: memref<256x512xbf16, #tpu.memory_space<vmem>>, %arg3: memref<256x512xbf16, #tpu.memory_space<vmem>>, %arg4: memref<1x512xf32, #tpu.memory_space<vmem>>, %arg5: memref<1x512xf32, #tpu.memory_space<vmem>>, %arg6: memref<1024x128xbf16, #tpu.memory_space<vmem>>, %arg7: memref<1024x128xf32, #tpu.memory_space<vmem>>, %arg8: memref<1024x128xbf16, #tpu.memory_space<vmem>>, %arg9: memref<1024x128xf32, #tpu.memory_space<vmem>>, %arg10: memref<1024x128xbf16, #tpu.memory_space<vmem>>, %arg11: memref<1024x128xf32, #tpu.memory_space<vmem>>, %arg12: memref<1024x128xbf16, #tpu.memory_space<vmem>>, %arg13: memref<1024x128xf32, #tpu.memory_space<vmem>>, %arg14: memref<1024x128xbf16, #tpu.memory_space<vmem>>, %arg15: memref<1024x128xf32, #tpu.memory_space<vmem>>, %arg16: memref<1024x128xbf16, #tpu.memory_space<vmem>>, %arg17: memref<1024x128xf32, #tpu.memory_space<vmem>>) attributes {dimension_semantics = [#tpu.dimension_semantics<arbitrary>], iteration_bounds = array<i64: 5>, scalar_prefetch = 0 : i64, scratch_operands = 4 : i64, tpu.core_type = #tpu.core_type<tc>, window_params = [{transform_indices = @transform_0, window_bounds = array<i64: 8, 1024, 128>}, {pipeline_mode = #tpu.pipeline_mode<synchronous>, transform_indices = @transform_1, window_bounds = array<i64: 256, 512>}, {pipeline_mode = #tpu.pipeline_mode<synchronous>, transform_indices = @transform_2, window_bounds = array<i64: 256, 512>}, {pipeline_mode = #tpu.pipeline_mode<synchronous>, transform_indices = @transform_3, window_bounds = array<i64: 1, 512>}, {pipeline_mode = #tpu.pipeline_mode<synchronous>, transform_indices = @transform_4, window_bounds = array<i64: 1, 512>}, {pipeline_mode = #tpu.pipeline_mode<synchronous>, transform_indices = @transform_5, window_bounds = array<i64: 1024, 128>}, {pipeline_mode = #tpu.pipeline_mode<synchronous>, transform_indices = @transform_6, window_bounds = array<i64: 1024, 128>}, {pipeline_mode = #tpu.pipeline_mode<synchronous>, transform_indices = @transform_7, window_bounds = array<i64: 1024, 128>}, {pipeline_mode = #tpu.pipeline_mode<synchronous>, transform_indices = @transform_8, window_bounds = array<i64: 1024, 128>}, {pipeline_mode = #tpu.pipeline_mode<synchronous>, transform_indices = @transform_9, window_bounds = array<i64: 1024, 128>}, {pipeline_mode = #tpu.pipeline_mode<synchronous>, transform_indices = @transform_10, window_bounds = array<i64: 1024, 128>}, {pipeline_mode = #tpu.pipeline_mode<synchronous>, transform_indices = @transform_11, window_bounds = array<i64: 1024, 128>}, {pipeline_mode = #tpu.pipeline_mode<synchronous>, transform_indices = @transform_12, window_bounds = array<i64: 1024, 128>}]} {
    %eq3A = arith.constant 0 : i32
    %eq3A_0 = arith.cmpi eq, %arg0, %eq3A : i32
    %convert_element_type3A = arith.extui %eq3A_0 : i1 to i32
    %cond3A = arith.constant 0 : i32
    %cond3A_1 = arith.cmpi ne, %convert_element_type3A, %cond3A : i32
    scf.if %cond3A_1 {
      %get3A_663 = arith.constant 0 : index
      %get3A_664 = arith.constant 0 : index
      %get3A_665 = vector.load %arg6[%get3A_663, %get3A_664] : memref<1024x128xbf16, #tpu.memory_space<vmem>>, vector<1024x128xbf16>
      %swap3A_666 = arith.constant 0 : index
      %swap3A_667 = arith.constant 0 : index
      %swap3A_668 = vector.load %arg14[%swap3A_666, %swap3A_667] : memref<1024x128xbf16, #tpu.memory_space<vmem>>, vector<1024x128xbf16>
      tpu.vector_store %arg14[%swap3A_666, %swap3A_667], %get3A_665 {strides = array<i32>} : memref<1024x128xbf16, #tpu.memory_space<vmem>>, vector<1024x128xbf16>,
      %get3A_669 = arith.constant 0 : index
      %get3A_670 = arith.constant 0 : index
      %get3A_671 = vector.load %arg7[%get3A_669, %get3A_670] : memref<1024x128xf32, #tpu.memory_space<vmem>>, vector<1024x128xf32>
      %swap3A_672 = arith.constant 0 : index
      %swap3A_673 = arith.constant 0 : index
      %swap3A_674 = vector.load %arg15[%swap3A_672, %swap3A_673] : memref<1024x128xf32, #tpu.memory_space<vmem>>, vector<1024x128xf32>
      tpu.vector_store %arg15[%swap3A_672, %swap3A_673], %get3A_671 {strides = array<i32>} : memref<1024x128xf32, #tpu.memory_space<vmem>>, vector<1024x128xf32>,
      %get3A_675 = arith.constant 0 : index
      %get3A_676 = arith.constant 0 : index
      %get3A_677 = vector.load %arg8[%get3A_675, %get3A_676] : memref<1024x128xbf16, #tpu.memory_space<vmem>>, vector<1024x128xbf16>
      %swap3A_678 = arith.constant 0 : index
      %swap3A_679 = arith.constant 0 : index
      %swap3A_680 = vector.load %arg16[%swap3A_678, %swap3A_679] : memref<1024x128xbf16, #tpu.memory_space<vmem>>, vector<1024x128xbf16>
      tpu.vector_store %arg16[%swap3A_678, %swap3A_679], %get3A_677 {strides = array<i32>} : memref<1024x128xbf16, #tpu.memory_space<vmem>>, vector<1024x128xbf16>,
      %get3A_681 = arith.constant 0 : index
      %get3A_682 = arith.constant 0 : index
      %get3A_683 = vector.load %arg9[%get3A_681, %get3A_682] : memref<1024x128xf32, #tpu.memory_space<vmem>>, vector<1024x128xf32>
      %swap3A_684 = arith.constant 0 : index
      %swap3A_685 = arith.constant 0 : index
      %swap3A_686 = vector.load %arg17[%swap3A_684, %swap3A_685] : memref<1024x128xf32, #tpu.memory_space<vmem>>, vector<1024x128xf32>
      tpu.vector_store %arg17[%swap3A_684, %swap3A_685], %get3A_683 {strides = array<i32>} : memref<1024x128xf32, #tpu.memory_space<vmem>>, vector<1024x128xf32>,
    } else {
    }
    %get3A = arith.constant 0 : index
    %get3A_2 = arith.constant 0 : index
    %get3A_3 = vector.load %arg14[%get3A, %get3A_2] : memref<1024x128xbf16, #tpu.memory_space<vmem>>, vector<1024x128xbf16>
    %get3A_4 = arith.constant 0 : index
    %get3A_5 = arith.constant 0 : index
    %get3A_6 = vector.load %arg15[%get3A_4, %get3A_5] : memref<1024x128xf32, #tpu.memory_space<vmem>>, vector<1024x128xf32>
    %get3A_7 = arith.constant 0 : index
    %get3A_8 = arith.constant 0 : index
    %get3A_9 = vector.load %arg16[%get3A_7, %get3A_8] : memref<1024x128xbf16, #tpu.memory_space<vmem>>, vector<1024x128xbf16>
    %get3A_10 = arith.constant 0 : index
    %get3A_11 = arith.constant 0 : index
    %get3A_12 = vector.load %arg17[%get3A_10, %get3A_11] : memref<1024x128xf32, #tpu.memory_space<vmem>>, vector<1024x128xf32>
    %get3A_13 = arith.constant 0 : index
    %get3A_14 = arith.constant 0 : index
    %get3A_15 = arith.constant 0 : index
    %get3A_16 = vector.load %arg1[%get3A_13, %get3A_14, %get3A_15] : memref<8x1024x128xf32, #tpu.memory_space<vmem>>, vector<1x1024x128xf32>
    %get3A_17 = vector.shape_cast %get3A_16 : vector<1x1024x128xf32> to vector<1024x128xf32>
    %convert_element_type3A_18 = arith.truncf %get3A_17 : vector<1024x128xf32> to vector<1024x128xbf16>
    %concatenate3A = tpu.concatenate %get3A_3, %get3A_9 in 1 : vector<1024x128xbf16>, vector<1024x128xbf16> -> vector<1024x256xbf16>
    %get3A_19 = arith.constant 0 : index
    %get3A_20 = arith.constant 0 : index
    %get3A_21 = vector.load %arg3[%get3A_19, %get3A_20] : memref<256x512xbf16, #tpu.memory_space<vmem>>, vector<256x512xbf16>
    %dot_general3A = arith.constant dense<0.000000e+00> : vector<1024x512xf32>
    %dot_general3A_22 = tpu.matmul %concatenate3A, %get3A_21, %dot_general3A {dimension_numbers = #tpu.dot_dimension_numbers<[1], [0], [0], [1], [0, 0, 1, 1], [], []>, transpose_lhs_hint = false} : vector<1024x256xbf16>, vector<256x512xbf16>, vector<1024x512xf32> -> vector<1024x512xf32>
    %get3A_23 = arith.constant 0 : index
    %get3A_24 = arith.constant 0 : index
    %get3A_25 = vector.load %arg5[%get3A_23, %get3A_24] : memref<1x512xf32, #tpu.memory_space<vmem>>, vector<1x512xf32>
    %add3A = vector.broadcast %get3A_25 : vector<1x512xf32> to vector<1024x512xf32>
    %add3A_26 = arith.addf %dot_general3A_22, %add3A : vector<1024x512xf32>
    %split3A = vector.extract_strided_slice %add3A_26 {offsets = [0, 0], sizes = [1024, 128], strides = [1, 1]} : vector<1024x512xf32> to vector<1024x128xf32>
    %split3A_27 = vector.extract_strided_slice %add3A_26 {offsets = [0, 128], sizes = [1024, 128], strides = [1, 1]} : vector<1024x512xf32> to vector<1024x128xf32>
    %split3A_28 = vector.extract_strided_slice %add3A_26 {offsets = [0, 256], sizes = [1024, 128], strides = [1, 1]} : vector<1024x512xf32> to vector<1024x128xf32>
    %split3A_29 = vector.extract_strided_slice %add3A_26 {offsets = [0, 384], sizes = [1024, 128], strides = [1, 1]} : vector<1024x512xf32> to vector<1024x128xf32>
    %tanh3A = math.tanh %split3A : vector<1024x128xf32>
    %tanh3A_30 = math.tanh %split3A_27 : vector<1024x128xf32>
    %tanh3A_31 = math.tanh %split3A_28 : vector<1024x128xf32>
    %tanh3A_32 = math.tanh %split3A_29 : vector<1024x128xf32>
    %add3A_33 = arith.constant 1.000000e+00 : f32
    %add3A_34 = vector.broadcast %add3A_33 : f32 to vector<1024x128xf32>
    %add3A_35 = arith.addf %add3A_34, %tanh3A_30 : vector<1024x128xf32>
    %mul3A = arith.mulf %add3A_35, %get3A_12 : vector<1024x128xf32>
    %add3A_36 = arith.constant 1.000000e+00 : f32
    %add3A_37 = vector.broadcast %add3A_36 : f32 to vector<1024x128xf32>
    %add3A_38 = arith.addf %add3A_37, %tanh3A : vector<1024x128xf32>
    %mul3A_39 = arith.mulf %add3A_38, %tanh3A_31 : vector<1024x128xf32>
    %add3A_40 = arith.addf %mul3A, %mul3A_39 : vector<1024x128xf32>
    %mul3A_41 = arith.constant 5.000000e-01 : f32
    %mul3A_42 = vector.broadcast %mul3A_41 : f32 to vector<1024x128xf32>
    %mul3A_43 = arith.mulf %mul3A_42, %add3A_40 : vector<1024x128xf32>
    %add3A_44 = arith.constant 1.000000e+00 : f32
    %add3A_45 = vector.broadcast %add3A_44 : f32 to vector<1024x128xf32>
    %add3A_46 = arith.addf %add3A_45, %tanh3A_32 : vector<1024x128xf32>
    %tanh3A_47 = math.tanh %mul3A_43 : vector<1024x128xf32>
    %mul3A_48 = arith.mulf %add3A_46, %tanh3A_47 : vector<1024x128xf32>
    %concatenate3A_49 = tpu.concatenate %convert_element_type3A_18, %get3A_3 in 1 : vector<1024x128xbf16>, vector<1024x128xbf16> -> vector<1024x256xbf16>
    %get3A_50 = arith.constant 0 : index
    %get3A_51 = arith.constant 0 : index
    %get3A_52 = vector.load %arg2[%get3A_50, %get3A_51] : memref<256x512xbf16, #tpu.memory_space<vmem>>, vector<256x512xbf16>
    %dot_general3A_53 = arith.constant dense<0.000000e+00> : vector<1024x512xf32>
    %dot_general3A_54 = tpu.matmul %concatenate3A_49, %get3A_52, %dot_general3A_53 {dimension_numbers = #tpu.dot_dimension_numbers<[1], [0], [0], [1], [0, 0, 1, 1], [], []>, transpose_lhs_hint = false} : vector<1024x256xbf16>, vector<256x512xbf16>, vector<1024x512xf32> -> vector<1024x512xf32>
    %get3A_55 = arith.constant 0 : index
    %get3A_56 = arith.constant 0 : index
    %get3A_57 = vector.load %arg4[%get3A_55, %get3A_56] : memref<1x512xf32, #tpu.memory_space<vmem>>, vector<1x512xf32>
    %add3A_58 = vector.broadcast %get3A_57 : vector<1x512xf32> to vector<1024x512xf32>
    %add3A_59 = arith.addf %dot_general3A_54, %add3A_58 : vector<1024x512xf32>
    %split3A_60 = vector.extract_strided_slice %add3A_59 {offsets = [0, 0], sizes = [1024, 128], strides = [1, 1]} : vector<1024x512xf32> to vector<1024x128xf32>
    %split3A_61 = vector.extract_strided_slice %add3A_59 {offsets = [0, 128], sizes = [1024, 128], strides = [1, 1]} : vector<1024x512xf32> to vector<1024x128xf32>
    %split3A_62 = vector.extract_strided_slice %add3A_59 {offsets = [0, 256], sizes = [1024, 128], strides = [1, 1]} : vector<1024x512xf32> to vector<1024x128xf32>
    %split3A_63 = vector.extract_strided_slice %add3A_59 {offsets = [0, 384], sizes = [1024, 128], strides = [1, 1]} : vector<1024x512xf32> to vector<1024x128xf32>
    %tanh3A_64 = math.tanh %split3A_60 : vector<1024x128xf32>
    %tanh3A_65 = math.tanh %split3A_61 : vector<1024x128xf32>
    %tanh3A_66 = math.tanh %split3A_62 : vector<1024x128xf32>
    %tanh3A_67 = math.tanh %split3A_63 : vector<1024x128xf32>
    %add3A_68 = arith.constant 1.000000e+00 : f32
    %add3A_69 = vector.broadcast %add3A_68 : f32 to vector<1024x128xf32>
    %add3A_70 = arith.addf %add3A_69, %tanh3A_65 : vector<1024x128xf32>
    %mul3A_71 = arith.mulf %add3A_70, %get3A_6 : vector<1024x128xf32>
    %add3A_72 = arith.constant 1.000000e+00 : f32
    %add3A_73 = vector.broadcast %add3A_72 : f32 to vector<1024x128xf32>
    %add3A_74 = arith.addf %add3A_73, %tanh3A_64 : vector<1024x128xf32>
    %mul3A_75 = arith.mulf %add3A_74, %tanh3A_66 : vector<1024x128xf32>
    %add3A_76 = arith.addf %mul3A_71, %mul3A_75 : vector<1024x128xf32>
    %mul3A_77 = arith.constant 5.000000e-01 : f32
    %mul3A_78 = vector.broadcast %mul3A_77 : f32 to vector<1024x128xf32>
    %mul3A_79 = arith.mulf %mul3A_78, %add3A_76 : vector<1024x128xf32>
    %add3A_80 = arith.constant 1.000000e+00 : f32
    %add3A_81 = vector.broadcast %add3A_80 : f32 to vector<1024x128xf32>
    %add3A_82 = arith.addf %add3A_81, %tanh3A_67 : vector<1024x128xf32>
    %tanh3A_83 = math.tanh %mul3A_79 : vector<1024x128xf32>
    %mul3A_84 = arith.mulf %add3A_82, %tanh3A_83 : vector<1024x128xf32>
    %convert_element_type3A_85 = arith.truncf %mul3A_84 : vector<1024x128xf32> to vector<1024x128xbf16>
    %convert_element_type3A_86 = arith.truncf %mul3A_48 : vector<1024x128xf32> to vector<1024x128xbf16>
    %get3A_87 = arith.constant 1 : index
    %get3A_88 = arith.constant 0 : index
    %get3A_89 = arith.constant 0 : index
    %get3A_90 = vector.load %arg1[%get3A_87, %get3A_88, %get3A_89] : memref<8x1024x128xf32, #tpu.memory_space<vmem>>, vector<1x1024x128xf32>
    %get3A_91 = vector.shape_cast %get3A_90 : vector<1x1024x128xf32> to vector<1024x128xf32>
    %convert_element_type3A_92 = arith.truncf %get3A_91 : vector<1024x128xf32> to vector<1024x128xbf16>
    %concatenate3A_93 = tpu.concatenate %convert_element_type3A_85, %convert_element_type3A_86 in 1 : vector<1024x128xbf16>, vector<1024x128xbf16> -> vector<1024x256xbf16>
    %get3A_94 = arith.constant 0 : index
    %get3A_95 = arith.constant 0 : index
    %get3A_96 = vector.load %arg3[%get3A_94, %get3A_95] : memref<256x512xbf16, #tpu.memory_space<vmem>>, vector<256x512xbf16>
    %dot_general3A_97 = arith.constant dense<0.000000e+00> : vector<1024x512xf32>
    %dot_general3A_98 = tpu.matmul %concatenate3A_93, %get3A_96, %dot_general3A_97 {dimension_numbers = #tpu.dot_dimension_numbers<[1], [0], [0], [1], [0, 0, 1, 1], [], []>, transpose_lhs_hint = false} : vector<1024x256xbf16>, vector<256x512xbf16>, vector<1024x512xf32> -> vector<1024x512xf32>
    %get3A_99 = arith.constant 0 : index
    %get3A_100 = arith.constant 0 : index
    %get3A_101 = vector.load %arg5[%get3A_99, %get3A_100] : memref<1x512xf32, #tpu.memory_space<vmem>>, vector<1x512xf32>
    %add3A_102 = vector.broadcast %get3A_101 : vector<1x512xf32> to vector<1024x512xf32>
    %add3A_103 = arith.addf %dot_general3A_98, %add3A_102 : vector<1024x512xf32>
    %split3A_104 = vector.extract_strided_slice %add3A_103 {offsets = [0, 0], sizes = [1024, 128], strides = [1, 1]} : vector<1024x512xf32> to vector<1024x128xf32>
    %split3A_105 = vector.extract_strided_slice %add3A_103 {offsets = [0, 128], sizes = [1024, 128], strides = [1, 1]} : vector<1024x512xf32> to vector<1024x128xf32>
    %split3A_106 = vector.extract_strided_slice %add3A_103 {offsets = [0, 256], sizes = [1024, 128], strides = [1, 1]} : vector<1024x512xf32> to vector<1024x128xf32>
    %split3A_107 = vector.extract_strided_slice %add3A_103 {offsets = [0, 384], sizes = [1024, 128], strides = [1, 1]} : vector<1024x512xf32> to vector<1024x128xf32>
    %tanh3A_108 = math.tanh %split3A_104 : vector<1024x128xf32>
    %tanh3A_109 = math.tanh %split3A_105 : vector<1024x128xf32>
    %tanh3A_110 = math.tanh %split3A_106 : vector<1024x128xf32>
    %tanh3A_111 = math.tanh %split3A_107 : vector<1024x128xf32>
    %add3A_112 = arith.constant 1.000000e+00 : f32
    %add3A_113 = vector.broadcast %add3A_112 : f32 to vector<1024x128xf32>
    %add3A_114 = arith.addf %add3A_113, %tanh3A_109 : vector<1024x128xf32>
    %mul3A_115 = arith.mulf %add3A_114, %mul3A_43 : vector<1024x128xf32>
    %add3A_116 = arith.constant 1.000000e+00 : f32
    %add3A_117 = vector.broadcast %add3A_116 : f32 to vector<1024x128xf32>
    %add3A_118 = arith.addf %add3A_117, %tanh3A_108 : vector<1024x128xf32>
    %mul3A_119 = arith.mulf %add3A_118, %tanh3A_110 : vector<1024x128xf32>
    %add3A_120 = arith.addf %mul3A_115, %mul3A_119 : vector<1024x128xf32>
    %mul3A_121 = arith.constant 5.000000e-01 : f32
    %mul3A_122 = vector.broadcast %mul3A_121 : f32 to vector<1024x128xf32>
    %mul3A_123 = arith.mulf %mul3A_122, %add3A_120 : vector<1024x128xf32>
    %add3A_124 = arith.constant 1.000000e+00 : f32
    %add3A_125 = vector.broadcast %add3A_124 : f32 to vector<1024x128xf32>
    %add3A_126 = arith.addf %add3A_125, %tanh3A_111 : vector<1024x128xf32>
    %tanh3A_127 = math.tanh %mul3A_123 : vector<1024x128xf32>
    %mul3A_128 = arith.mulf %add3A_126, %tanh3A_127 : vector<1024x128xf32>
    %concatenate3A_129 = tpu.concatenate %convert_element_type3A_92, %convert_element_type3A_85 in 1 : vector<1024x128xbf16>, vector<1024x128xbf16> -> vector<1024x256xbf16>
    %get3A_130 = arith.constant 0 : index
    %get3A_131 = arith.constant 0 : index
    %get3A_132 = vector.load %arg2[%get3A_130, %get3A_131] : memref<256x512xbf16, #tpu.memory_space<vmem>>, vector<256x512xbf16>
    %dot_general3A_133 = arith.constant dense<0.000000e+00> : vector<1024x512xf32>
    %dot_general3A_134 = tpu.matmul %concatenate3A_129, %get3A_132, %dot_general3A_133 {dimension_numbers = #tpu.dot_dimension_numbers<[1], [0], [0], [1], [0, 0, 1, 1], [], []>, transpose_lhs_hint = false} : vector<1024x256xbf16>, vector<256x512xbf16>, vector<1024x512xf32> -> vector<1024x512xf32>
    %get3A_135 = arith.constant 0 : index
    %get3A_136 = arith.constant 0 : index
    %get3A_137 = vector.load %arg4[%get3A_135, %get3A_136] : memref<1x512xf32, #tpu.memory_space<vmem>>, vector<1x512xf32>
    %add3A_138 = vector.broadcast %get3A_137 : vector<1x512xf32> to vector<1024x512xf32>
    %add3A_139 = arith.addf %dot_general3A_134, %add3A_138 : vector<1024x512xf32>
    %split3A_140 = vector.extract_strided_slice %add3A_139 {offsets = [0, 0], sizes = [1024, 128], strides = [1, 1]} : vector<1024x512xf32> to vector<1024x128xf32>
    %split3A_141 = vector.extract_strided_slice %add3A_139 {offsets = [0, 128], sizes = [1024, 128], strides = [1, 1]} : vector<1024x512xf32> to vector<1024x128xf32>
    %split3A_142 = vector.extract_strided_slice %add3A_139 {offsets = [0, 256], sizes = [1024, 128], strides = [1, 1]} : vector<1024x512xf32> to vector<1024x128xf32>
    %split3A_143 = vector.extract_strided_slice %add3A_139 {offsets = [0, 384], sizes = [1024, 128], strides = [1, 1]} : vector<1024x512xf32> to vector<1024x128xf32>
    %tanh3A_144 = math.tanh %split3A_140 : vector<1024x128xf32>
    %tanh3A_145 = math.tanh %split3A_141 : vector<1024x128xf32>
    %tanh3A_146 = math.tanh %split3A_142 : vector<1024x128xf32>
    %tanh3A_147 = math.tanh %split3A_143 : vector<1024x128xf32>
    %add3A_148 = arith.constant 1.000000e+00 : f32
    %add3A_149 = vector.broadcast %add3A_148 : f32 to vector<1024x128xf32>
    %add3A_150 = arith.addf %add3A_149, %tanh3A_145 : vector<1024x128xf32>
    %mul3A_151 = arith.mulf %add3A_150, %mul3A_79 : vector<1024x128xf32>
    %add3A_152 = arith.constant 1.000000e+00 : f32
    %add3A_153 = vector.broadcast %add3A_152 : f32 to vector<1024x128xf32>
    %add3A_154 = arith.addf %add3A_153, %tanh3A_144 : vector<1024x128xf32>
    %mul3A_155 = arith.mulf %add3A_154, %tanh3A_146 : vector<1024x128xf32>
    %add3A_156 = arith.addf %mul3A_151, %mul3A_155 : vector<1024x128xf32>
    %mul3A_157 = arith.constant 5.000000e-01 : f32
    %mul3A_158 = vector.broadcast %mul3A_157 : f32 to vector<1024x128xf32>
    %mul3A_159 = arith.mulf %mul3A_158, %add3A_156 : vector<1024x128xf32>
    %add3A_160 = arith.constant 1.000000e+00 : f32
    %add3A_161 = vector.broadcast %add3A_160 : f32 to vector<1024x128xf32>
    %add3A_162 = arith.addf %add3A_161, %tanh3A_147 : vector<1024x128xf32>
    %tanh3A_163 = math.tanh %mul3A_159 : vector<1024x128xf32>
    %mul3A_164 = arith.mulf %add3A_162, %tanh3A_163 : vector<1024x128xf32>
    %convert_element_type3A_165 = arith.truncf %mul3A_164 : vector<1024x128xf32> to vector<1024x128xbf16>
    %convert_element_type3A_166 = arith.truncf %mul3A_128 : vector<1024x128xf32> to vector<1024x128xbf16>
    %get3A_167 = arith.constant 2 : index
    %get3A_168 = arith.constant 0 : index
    %get3A_169 = arith.constant 0 : index
    %get3A_170 = vector.load %arg1[%get3A_167, %get3A_168, %get3A_169] : memref<8x1024x128xf32, #tpu.memory_space<vmem>>, vector<1x1024x128xf32>
    %get3A_171 = vector.shape_cast %get3A_170 : vector<1x1024x128xf32> to vector<1024x128xf32>
    %convert_element_type3A_172 = arith.truncf %get3A_171 : vector<1024x128xf32> to vector<1024x128xbf16>
    %concatenate3A_173 = tpu.concatenate %convert_element_type3A_165, %convert_element_type3A_166 in 1 : vector<1024x128xbf16>, vector<1024x128xbf16> -> vector<1024x256xbf16>
    %get3A_174 = arith.constant 0 : index
    %get3A_175 = arith.constant 0 : index
    %get3A_176 = vector.load %arg3[%get3A_174, %get3A_175] : memref<256x512xbf16, #tpu.memory_space<vmem>>, vector<256x512xbf16>
    %dot_general3A_177 = arith.constant dense<0.000000e+00> : vector<1024x512xf32>
    %dot_general3A_178 = tpu.matmul %concatenate3A_173, %get3A_176, %dot_general3A_177 {dimension_numbers = #tpu.dot_dimension_numbers<[1], [0], [0], [1], [0, 0, 1, 1], [], []>, transpose_lhs_hint = false} : vector<1024x256xbf16>, vector<256x512xbf16>, vector<1024x512xf32> -> vector<1024x512xf32>
    %get3A_179 = arith.constant 0 : index
    %get3A_180 = arith.constant 0 : index
    %get3A_181 = vector.load %arg5[%get3A_179, %get3A_180] : memref<1x512xf32, #tpu.memory_space<vmem>>, vector<1x512xf32>
    %add3A_182 = vector.broadcast %get3A_181 : vector<1x512xf32> to vector<1024x512xf32>
    %add3A_183 = arith.addf %dot_general3A_178, %add3A_182 : vector<1024x512xf32>
    %split3A_184 = vector.extract_strided_slice %add3A_183 {offsets = [0, 0], sizes = [1024, 128], strides = [1, 1]} : vector<1024x512xf32> to vector<1024x128xf32>
    %split3A_185 = vector.extract_strided_slice %add3A_183 {offsets = [0, 128], sizes = [1024, 128], strides = [1, 1]} : vector<1024x512xf32> to vector<1024x128xf32>
    %split3A_186 = vector.extract_strided_slice %add3A_183 {offsets = [0, 256], sizes = [1024, 128], strides = [1, 1]} : vector<1024x512xf32> to vector<1024x128xf32>
    %split3A_187 = vector.extract_strided_slice %add3A_183 {offsets = [0, 384], sizes = [1024, 128], strides = [1, 1]} : vector<1024x512xf32> to vector<1024x128xf32>
    %tanh3A_188 = math.tanh %split3A_184 : vector<1024x128xf32>
    %tanh3A_189 = math.tanh %split3A_185 : vector<1024x128xf32>
    %tanh3A_190 = math.tanh %split3A_186 : vector<1024x128xf32>
    %tanh3A_191 = math.tanh %split3A_187 : vector<1024x128xf32>
    %add3A_192 = arith.constant 1.000000e+00 : f32
    %add3A_193 = vector.broadcast %add3A_192 : f32 to vector<1024x128xf32>
    %add3A_194 = arith.addf %add3A_193, %tanh3A_189 : vector<1024x128xf32>
    %mul3A_195 = arith.mulf %add3A_194, %mul3A_123 : vector<1024x128xf32>
    %add3A_196 = arith.constant 1.000000e+00 : f32
    %add3A_197 = vector.broadcast %add3A_196 : f32 to vector<1024x128xf32>
    %add3A_198 = arith.addf %add3A_197, %tanh3A_188 : vector<1024x128xf32>
    %mul3A_199 = arith.mulf %add3A_198, %tanh3A_190 : vector<1024x128xf32>
    %add3A_200 = arith.addf %mul3A_195, %mul3A_199 : vector<1024x128xf32>
    %mul3A_201 = arith.constant 5.000000e-01 : f32
    %mul3A_202 = vector.broadcast %mul3A_201 : f32 to vector<1024x128xf32>
    %mul3A_203 = arith.mulf %mul3A_202, %add3A_200 : vector<1024x128xf32>
    %add3A_204 = arith.constant 1.000000e+00 : f32
    %add3A_205 = vector.broadcast %add3A_204 : f32 to vector<1024x128xf32>
    %add3A_206 = arith.addf %add3A_205, %tanh3A_191 : vector<1024x128xf32>
    %tanh3A_207 = math.tanh %mul3A_203 : vector<1024x128xf32>
    %mul3A_208 = arith.mulf %add3A_206, %tanh3A_207 : vector<1024x128xf32>
    %concatenate3A_209 = tpu.concatenate %convert_element_type3A_172, %convert_element_type3A_165 in 1 : vector<1024x128xbf16>, vector<1024x128xbf16> -> vector<1024x256xbf16>
    %get3A_210 = arith.constant 0 : index
    %get3A_211 = arith.constant 0 : index
    %get3A_212 = vector.load %arg2[%get3A_210, %get3A_211] : memref<256x512xbf16, #tpu.memory_space<vmem>>, vector<256x512xbf16>
    %dot_general3A_213 = arith.constant dense<0.000000e+00> : vector<1024x512xf32>
    %dot_general3A_214 = tpu.matmul %concatenate3A_209, %get3A_212, %dot_general3A_213 {dimension_numbers = #tpu.dot_dimension_numbers<[1], [0], [0], [1], [0, 0, 1, 1], [], []>, transpose_lhs_hint = false} : vector<1024x256xbf16>, vector<256x512xbf16>, vector<1024x512xf32> -> vector<1024x512xf32>
    %get3A_215 = arith.constant 0 : index
    %get3A_216 = arith.constant 0 : index
    %get3A_217 = vector.load %arg4[%get3A_215, %get3A_216] : memref<1x512xf32, #tpu.memory_space<vmem>>, vector<1x512xf32>
    %add3A_218 = vector.broadcast %get3A_217 : vector<1x512xf32> to vector<1024x512xf32>
    %add3A_219 = arith.addf %dot_general3A_214, %add3A_218 : vector<1024x512xf32>
    %split3A_220 = vector.extract_strided_slice %add3A_219 {offsets = [0, 0], sizes = [1024, 128], strides = [1, 1]} : vector<1024x512xf32> to vector<1024x128xf32>
    %split3A_221 = vector.extract_strided_slice %add3A_219 {offsets = [0, 128], sizes = [1024, 128], strides = [1, 1]} : vector<1024x512xf32> to vector<1024x128xf32>
    %split3A_222 = vector.extract_strided_slice %add3A_219 {offsets = [0, 256], sizes = [1024, 128], strides = [1, 1]} : vector<1024x512xf32> to vector<1024x128xf32>
    %split3A_223 = vector.extract_strided_slice %add3A_219 {offsets = [0, 384], sizes = [1024, 128], strides = [1, 1]} : vector<1024x512xf32> to vector<1024x128xf32>
    %tanh3A_224 = math.tanh %split3A_220 : vector<1024x128xf32>
    %tanh3A_225 = math.tanh %split3A_221 : vector<1024x128xf32>
    %tanh3A_226 = math.tanh %split3A_222 : vector<1024x128xf32>
    %tanh3A_227 = math.tanh %split3A_223 : vector<1024x128xf32>
    %add3A_228 = arith.constant 1.000000e+00 : f32
    %add3A_229 = vector.broadcast %add3A_228 : f32 to vector<1024x128xf32>
    %add3A_230 = arith.addf %add3A_229, %tanh3A_225 : vector<1024x128xf32>
    %mul3A_231 = arith.mulf %add3A_230, %mul3A_159 : vector<1024x128xf32>
    %add3A_232 = arith.constant 1.000000e+00 : f32
    %add3A_233 = vector.broadcast %add3A_232 : f32 to vector<1024x128xf32>
    %add3A_234 = arith.addf %add3A_233, %tanh3A_224 : vector<1024x128xf32>
    %mul3A_235 = arith.mulf %add3A_234, %tanh3A_226 : vector<1024x128xf32>
    %add3A_236 = arith.addf %mul3A_231, %mul3A_235 : vector<1024x128xf32>
    %mul3A_237 = arith.constant 5.000000e-01 : f32
    %mul3A_238 = vector.broadcast %mul3A_237 : f32 to vector<1024x128xf32>
    %mul3A_239 = arith.mulf %mul3A_238, %add3A_236 : vector<1024x128xf32>
    %add3A_240 = arith.constant 1.000000e+00 : f32
    %add3A_241 = vector.broadcast %add3A_240 : f32 to vector<1024x128xf32>
    %add3A_242 = arith.addf %add3A_241, %tanh3A_227 : vector<1024x128xf32>
    %tanh3A_243 = math.tanh %mul3A_239 : vector<1024x128xf32>
    %mul3A_244 = arith.mulf %add3A_242, %tanh3A_243 : vector<1024x128xf32>
    %convert_element_type3A_245 = arith.truncf %mul3A_244 : vector<1024x128xf32> to vector<1024x128xbf16>
    %convert_element_type3A_246 = arith.truncf %mul3A_208 : vector<1024x128xf32> to vector<1024x128xbf16>
    %get3A_247 = arith.constant 3 : index
    %get3A_248 = arith.constant 0 : index
    %get3A_249 = arith.constant 0 : index
    %get3A_250 = vector.load %arg1[%get3A_247, %get3A_248, %get3A_249] : memref<8x1024x128xf32, #tpu.memory_space<vmem>>, vector<1x1024x128xf32>
    %get3A_251 = vector.shape_cast %get3A_250 : vector<1x1024x128xf32> to vector<1024x128xf32>
    %convert_element_type3A_252 = arith.truncf %get3A_251 : vector<1024x128xf32> to vector<1024x128xbf16>
    %concatenate3A_253 = tpu.concatenate %convert_element_type3A_245, %convert_element_type3A_246 in 1 : vector<1024x128xbf16>, vector<1024x128xbf16> -> vector<1024x256xbf16>
    %get3A_254 = arith.constant 0 : index
    %get3A_255 = arith.constant 0 : index
    %get3A_256 = vector.load %arg3[%get3A_254, %get3A_255] : memref<256x512xbf16, #tpu.memory_space<vmem>>, vector<256x512xbf16>
    %dot_general3A_257 = arith.constant dense<0.000000e+00> : vector<1024x512xf32>
    %dot_general3A_258 = tpu.matmul %concatenate3A_253, %get3A_256, %dot_general3A_257 {dimension_numbers = #tpu.dot_dimension_numbers<[1], [0], [0], [1], [0, 0, 1, 1], [], []>, transpose_lhs_hint = false} : vector<1024x256xbf16>, vector<256x512xbf16>, vector<1024x512xf32> -> vector<1024x512xf32>
    %get3A_259 = arith.constant 0 : index
    %get3A_260 = arith.constant 0 : index
    %get3A_261 = vector.load %arg5[%get3A_259, %get3A_260] : memref<1x512xf32, #tpu.memory_space<vmem>>, vector<1x512xf32>
    %add3A_262 = vector.broadcast %get3A_261 : vector<1x512xf32> to vector<1024x512xf32>
    %add3A_263 = arith.addf %dot_general3A_258, %add3A_262 : vector<1024x512xf32>
    %split3A_264 = vector.extract_strided_slice %add3A_263 {offsets = [0, 0], sizes = [1024, 128], strides = [1, 1]} : vector<1024x512xf32> to vector<1024x128xf32>
    %split3A_265 = vector.extract_strided_slice %add3A_263 {offsets = [0, 128], sizes = [1024, 128], strides = [1, 1]} : vector<1024x512xf32> to vector<1024x128xf32>
    %split3A_266 = vector.extract_strided_slice %add3A_263 {offsets = [0, 256], sizes = [1024, 128], strides = [1, 1]} : vector<1024x512xf32> to vector<1024x128xf32>
    %split3A_267 = vector.extract_strided_slice %add3A_263 {offsets = [0, 384], sizes = [1024, 128], strides = [1, 1]} : vector<1024x512xf32> to vector<1024x128xf32>
    %tanh3A_268 = math.tanh %split3A_264 : vector<1024x128xf32>
    %tanh3A_269 = math.tanh %split3A_265 : vector<1024x128xf32>
    %tanh3A_270 = math.tanh %split3A_266 : vector<1024x128xf32>
    %tanh3A_271 = math.tanh %split3A_267 : vector<1024x128xf32>
    %add3A_272 = arith.constant 1.000000e+00 : f32
    %add3A_273 = vector.broadcast %add3A_272 : f32 to vector<1024x128xf32>
    %add3A_274 = arith.addf %add3A_273, %tanh3A_269 : vector<1024x128xf32>
    %mul3A_275 = arith.mulf %add3A_274, %mul3A_203 : vector<1024x128xf32>
    %add3A_276 = arith.constant 1.000000e+00 : f32
    %add3A_277 = vector.broadcast %add3A_276 : f32 to vector<1024x128xf32>
    %add3A_278 = arith.addf %add3A_277, %tanh3A_268 : vector<1024x128xf32>
    %mul3A_279 = arith.mulf %add3A_278, %tanh3A_270 : vector<1024x128xf32>
    %add3A_280 = arith.addf %mul3A_275, %mul3A_279 : vector<1024x128xf32>
    %mul3A_281 = arith.constant 5.000000e-01 : f32
    %mul3A_282 = vector.broadcast %mul3A_281 : f32 to vector<1024x128xf32>
    %mul3A_283 = arith.mulf %mul3A_282, %add3A_280 : vector<1024x128xf32>
    %add3A_284 = arith.constant 1.000000e+00 : f32
    %add3A_285 = vector.broadcast %add3A_284 : f32 to vector<1024x128xf32>
    %add3A_286 = arith.addf %add3A_285, %tanh3A_271 : vector<1024x128xf32>
    %tanh3A_287 = math.tanh %mul3A_283 : vector<1024x128xf32>
    %mul3A_288 = arith.mulf %add3A_286, %tanh3A_287 : vector<1024x128xf32>
    %concatenate3A_289 = tpu.concatenate %convert_element_type3A_252, %convert_element_type3A_245 in 1 : vector<1024x128xbf16>, vector<1024x128xbf16> -> vector<1024x256xbf16>
    %get3A_290 = arith.constant 0 : index
    %get3A_291 = arith.constant 0 : index
    %get3A_292 = vector.load %arg2[%get3A_290, %get3A_291] : memref<256x512xbf16, #tpu.memory_space<vmem>>, vector<256x512xbf16>
    %dot_general3A_293 = arith.constant dense<0.000000e+00> : vector<1024x512xf32>
    %dot_general3A_294 = tpu.matmul %concatenate3A_289, %get3A_292, %dot_general3A_293 {dimension_numbers = #tpu.dot_dimension_numbers<[1], [0], [0], [1], [0, 0, 1, 1], [], []>, transpose_lhs_hint = false} : vector<1024x256xbf16>, vector<256x512xbf16>, vector<1024x512xf32> -> vector<1024x512xf32>
    %get3A_295 = arith.constant 0 : index
    %get3A_296 = arith.constant 0 : index
    %get3A_297 = vector.load %arg4[%get3A_295, %get3A_296] : memref<1x512xf32, #tpu.memory_space<vmem>>, vector<1x512xf32>
    %add3A_298 = vector.broadcast %get3A_297 : vector<1x512xf32> to vector<1024x512xf32>
    %add3A_299 = arith.addf %dot_general3A_294, %add3A_298 : vector<1024x512xf32>
    %split3A_300 = vector.extract_strided_slice %add3A_299 {offsets = [0, 0], sizes = [1024, 128], strides = [1, 1]} : vector<1024x512xf32> to vector<1024x128xf32>
    %split3A_301 = vector.extract_strided_slice %add3A_299 {offsets = [0, 128], sizes = [1024, 128], strides = [1, 1]} : vector<1024x512xf32> to vector<1024x128xf32>
    %split3A_302 = vector.extract_strided_slice %add3A_299 {offsets = [0, 256], sizes = [1024, 128], strides = [1, 1]} : vector<1024x512xf32> to vector<1024x128xf32>
    %split3A_303 = vector.extract_strided_slice %add3A_299 {offsets = [0, 384], sizes = [1024, 128], strides = [1, 1]} : vector<1024x512xf32> to vector<1024x128xf32>
    %tanh3A_304 = math.tanh %split3A_300 : vector<1024x128xf32>
    %tanh3A_305 = math.tanh %split3A_301 : vector<1024x128xf32>
    %tanh3A_306 = math.tanh %split3A_302 : vector<1024x128xf32>
    %tanh3A_307 = math.tanh %split3A_303 : vector<1024x128xf32>
    %add3A_308 = arith.constant 1.000000e+00 : f32
    %add3A_309 = vector.broadcast %add3A_308 : f32 to vector<1024x128xf32>
    %add3A_310 = arith.addf %add3A_309, %tanh3A_305 : vector<1024x128xf32>
    %mul3A_311 = arith.mulf %add3A_310, %mul3A_239 : vector<1024x128xf32>
    %add3A_312 = arith.constant 1.000000e+00 : f32
    %add3A_313 = vector.broadcast %add3A_312 : f32 to vector<1024x128xf32>
    %add3A_314 = arith.addf %add3A_313, %tanh3A_304 : vector<1024x128xf32>
    %mul3A_315 = arith.mulf %add3A_314, %tanh3A_306 : vector<1024x128xf32>
    %add3A_316 = arith.addf %mul3A_311, %mul3A_315 : vector<1024x128xf32>
    %mul3A_317 = arith.constant 5.000000e-01 : f32
    %mul3A_318 = vector.broadcast %mul3A_317 : f32 to vector<1024x128xf32>
    %mul3A_319 = arith.mulf %mul3A_318, %add3A_316 : vector<1024x128xf32>
    %add3A_320 = arith.constant 1.000000e+00 : f32
    %add3A_321 = vector.broadcast %add3A_320 : f32 to vector<1024x128xf32>
    %add3A_322 = arith.addf %add3A_321, %tanh3A_307 : vector<1024x128xf32>
    %tanh3A_323 = math.tanh %mul3A_319 : vector<1024x128xf32>
    %mul3A_324 = arith.mulf %add3A_322, %tanh3A_323 : vector<1024x128xf32>
    %convert_element_type3A_325 = arith.truncf %mul3A_324 : vector<1024x128xf32> to vector<1024x128xbf16>
    %convert_element_type3A_326 = arith.truncf %mul3A_288 : vector<1024x128xf32> to vector<1024x128xbf16>
    %get3A_327 = arith.constant 4 : index
    %get3A_328 = arith.constant 0 : index
    %get3A_329 = arith.constant 0 : index
    %get3A_330 = vector.load %arg1[%get3A_327, %get3A_328, %get3A_329] : memref<8x1024x128xf32, #tpu.memory_space<vmem>>, vector<1x1024x128xf32>
    %get3A_331 = vector.shape_cast %get3A_330 : vector<1x1024x128xf32> to vector<1024x128xf32>
    %convert_element_type3A_332 = arith.truncf %get3A_331 : vector<1024x128xf32> to vector<1024x128xbf16>
    %concatenate3A_333 = tpu.concatenate %convert_element_type3A_325, %convert_element_type3A_326 in 1 : vector<1024x128xbf16>, vector<1024x128xbf16> -> vector<1024x256xbf16>
    %get3A_334 = arith.constant 0 : index
    %get3A_335 = arith.constant 0 : index
    %get3A_336 = vector.load %arg3[%get3A_334, %get3A_335] : memref<256x512xbf16, #tpu.memory_space<vmem>>, vector<256x512xbf16>
    %dot_general3A_337 = arith.constant dense<0.000000e+00> : vector<1024x512xf32>
    %dot_general3A_338 = tpu.matmul %concatenate3A_333, %get3A_336, %dot_general3A_337 {dimension_numbers = #tpu.dot_dimension_numbers<[1], [0], [0], [1], [0, 0, 1, 1], [], []>, transpose_lhs_hint = false} : vector<1024x256xbf16>, vector<256x512xbf16>, vector<1024x512xf32> -> vector<1024x512xf32>
    %get3A_339 = arith.constant 0 : index
    %get3A_340 = arith.constant 0 : index
    %get3A_341 = vector.load %arg5[%get3A_339, %get3A_340] : memref<1x512xf32, #tpu.memory_space<vmem>>, vector<1x512xf32>
    %add3A_342 = vector.broadcast %get3A_341 : vector<1x512xf32> to vector<1024x512xf32>
    %add3A_343 = arith.addf %dot_general3A_338, %add3A_342 : vector<1024x512xf32>
    %split3A_344 = vector.extract_strided_slice %add3A_343 {offsets = [0, 0], sizes = [1024, 128], strides = [1, 1]} : vector<1024x512xf32> to vector<1024x128xf32>
    %split3A_345 = vector.extract_strided_slice %add3A_343 {offsets = [0, 128], sizes = [1024, 128], strides = [1, 1]} : vector<1024x512xf32> to vector<1024x128xf32>
    %split3A_346 = vector.extract_strided_slice %add3A_343 {offsets = [0, 256], sizes = [1024, 128], strides = [1, 1]} : vector<1024x512xf32> to vector<1024x128xf32>
    %split3A_347 = vector.extract_strided_slice %add3A_343 {offsets = [0, 384], sizes = [1024, 128], strides = [1, 1]} : vector<1024x512xf32> to vector<1024x128xf32>
    %tanh3A_348 = math.tanh %split3A_344 : vector<1024x128xf32>
    %tanh3A_349 = math.tanh %split3A_345 : vector<1024x128xf32>
    %tanh3A_350 = math.tanh %split3A_346 : vector<1024x128xf32>
    %tanh3A_351 = math.tanh %split3A_347 : vector<1024x128xf32>
    %add3A_352 = arith.constant 1.000000e+00 : f32
    %add3A_353 = vector.broadcast %add3A_352 : f32 to vector<1024x128xf32>
    %add3A_354 = arith.addf %add3A_353, %tanh3A_349 : vector<1024x128xf32>
    %mul3A_355 = arith.mulf %add3A_354, %mul3A_283 : vector<1024x128xf32>
    %add3A_356 = arith.constant 1.000000e+00 : f32
    %add3A_357 = vector.broadcast %add3A_356 : f32 to vector<1024x128xf32>
    %add3A_358 = arith.addf %add3A_357, %tanh3A_348 : vector<1024x128xf32>
    %mul3A_359 = arith.mulf %add3A_358, %tanh3A_350 : vector<1024x128xf32>
    %add3A_360 = arith.addf %mul3A_355, %mul3A_359 : vector<1024x128xf32>
    %mul3A_361 = arith.constant 5.000000e-01 : f32
    %mul3A_362 = vector.broadcast %mul3A_361 : f32 to vector<1024x128xf32>
    %mul3A_363 = arith.mulf %mul3A_362, %add3A_360 : vector<1024x128xf32>
    %add3A_364 = arith.constant 1.000000e+00 : f32
    %add3A_365 = vector.broadcast %add3A_364 : f32 to vector<1024x128xf32>
    %add3A_366 = arith.addf %add3A_365, %tanh3A_351 : vector<1024x128xf32>
    %tanh3A_367 = math.tanh %mul3A_363 : vector<1024x128xf32>
    %mul3A_368 = arith.mulf %add3A_366, %tanh3A_367 : vector<1024x128xf32>
    %concatenate3A_369 = tpu.concatenate %convert_element_type3A_332, %convert_element_type3A_325 in 1 : vector<1024x128xbf16>, vector<1024x128xbf16> -> vector<1024x256xbf16>
    %get3A_370 = arith.constant 0 : index
    %get3A_371 = arith.constant 0 : index
    %get3A_372 = vector.load %arg2[%get3A_370, %get3A_371] : memref<256x512xbf16, #tpu.memory_space<vmem>>, vector<256x512xbf16>
    %dot_general3A_373 = arith.constant dense<0.000000e+00> : vector<1024x512xf32>
    %dot_general3A_374 = tpu.matmul %concatenate3A_369, %get3A_372, %dot_general3A_373 {dimension_numbers = #tpu.dot_dimension_numbers<[1], [0], [0], [1], [0, 0, 1, 1], [], []>, transpose_lhs_hint = false} : vector<1024x256xbf16>, vector<256x512xbf16>, vector<1024x512xf32> -> vector<1024x512xf32>
    %get3A_375 = arith.constant 0 : index
    %get3A_376 = arith.constant 0 : index
    %get3A_377 = vector.load %arg4[%get3A_375, %get3A_376] : memref<1x512xf32, #tpu.memory_space<vmem>>, vector<1x512xf32>
    %add3A_378 = vector.broadcast %get3A_377 : vector<1x512xf32> to vector<1024x512xf32>
    %add3A_379 = arith.addf %dot_general3A_374, %add3A_378 : vector<1024x512xf32>
    %split3A_380 = vector.extract_strided_slice %add3A_379 {offsets = [0, 0], sizes = [1024, 128], strides = [1, 1]} : vector<1024x512xf32> to vector<1024x128xf32>
    %split3A_381 = vector.extract_strided_slice %add3A_379 {offsets = [0, 128], sizes = [1024, 128], strides = [1, 1]} : vector<1024x512xf32> to vector<1024x128xf32>
    %split3A_382 = vector.extract_strided_slice %add3A_379 {offsets = [0, 256], sizes = [1024, 128], strides = [1, 1]} : vector<1024x512xf32> to vector<1024x128xf32>
    %split3A_383 = vector.extract_strided_slice %add3A_379 {offsets = [0, 384], sizes = [1024, 128], strides = [1, 1]} : vector<1024x512xf32> to vector<1024x128xf32>
    %tanh3A_384 = math.tanh %split3A_380 : vector<1024x128xf32>
    %tanh3A_385 = math.tanh %split3A_381 : vector<1024x128xf32>
    %tanh3A_386 = math.tanh %split3A_382 : vector<1024x128xf32>
    %tanh3A_387 = math.tanh %split3A_383 : vector<1024x128xf32>
    %add3A_388 = arith.constant 1.000000e+00 : f32
    %add3A_389 = vector.broadcast %add3A_388 : f32 to vector<1024x128xf32>
    %add3A_390 = arith.addf %add3A_389, %tanh3A_385 : vector<1024x128xf32>
    %mul3A_391 = arith.mulf %add3A_390, %mul3A_319 : vector<1024x128xf32>
    %add3A_392 = arith.constant 1.000000e+00 : f32
    %add3A_393 = vector.broadcast %add3A_392 : f32 to vector<1024x128xf32>
    %add3A_394 = arith.addf %add3A_393, %tanh3A_384 : vector<1024x128xf32>
    %mul3A_395 = arith.mulf %add3A_394, %tanh3A_386 : vector<1024x128xf32>
    %add3A_396 = arith.addf %mul3A_391, %mul3A_395 : vector<1024x128xf32>
    %mul3A_397 = arith.constant 5.000000e-01 : f32
    %mul3A_398 = vector.broadcast %mul3A_397 : f32 to vector<1024x128xf32>
    %mul3A_399 = arith.mulf %mul3A_398, %add3A_396 : vector<1024x128xf32>
    %add3A_400 = arith.constant 1.000000e+00 : f32
    %add3A_401 = vector.broadcast %add3A_400 : f32 to vector<1024x128xf32>
    %add3A_402 = arith.addf %add3A_401, %tanh3A_387 : vector<1024x128xf32>
    %tanh3A_403 = math.tanh %mul3A_399 : vector<1024x128xf32>
    %mul3A_404 = arith.mulf %add3A_402, %tanh3A_403 : vector<1024x128xf32>
    %convert_element_type3A_405 = arith.truncf %mul3A_404 : vector<1024x128xf32> to vector<1024x128xbf16>
    %convert_element_type3A_406 = arith.truncf %mul3A_368 : vector<1024x128xf32> to vector<1024x128xbf16>
    %get3A_407 = arith.constant 5 : index
    %get3A_408 = arith.constant 0 : index
    %get3A_409 = arith.constant 0 : index
    %get3A_410 = vector.load %arg1[%get3A_407, %get3A_408, %get3A_409] : memref<8x1024x128xf32, #tpu.memory_space<vmem>>, vector<1x1024x128xf32>
    %get3A_411 = vector.shape_cast %get3A_410 : vector<1x1024x128xf32> to vector<1024x128xf32>
    %convert_element_type3A_412 = arith.truncf %get3A_411 : vector<1024x128xf32> to vector<1024x128xbf16>
    %concatenate3A_413 = tpu.concatenate %convert_element_type3A_405, %convert_element_type3A_406 in 1 : vector<1024x128xbf16>, vector<1024x128xbf16> -> vector<1024x256xbf16>
    %get3A_414 = arith.constant 0 : index
    %get3A_415 = arith.constant 0 : index
    %get3A_416 = vector.load %arg3[%get3A_414, %get3A_415] : memref<256x512xbf16, #tpu.memory_space<vmem>>, vector<256x512xbf16>
    %dot_general3A_417 = arith.constant dense<0.000000e+00> : vector<1024x512xf32>
    %dot_general3A_418 = tpu.matmul %concatenate3A_413, %get3A_416, %dot_general3A_417 {dimension_numbers = #tpu.dot_dimension_numbers<[1], [0], [0], [1], [0, 0, 1, 1], [], []>, transpose_lhs_hint = false} : vector<1024x256xbf16>, vector<256x512xbf16>, vector<1024x512xf32> -> vector<1024x512xf32>
    %get3A_419 = arith.constant 0 : index
    %get3A_420 = arith.constant 0 : index
    %get3A_421 = vector.load %arg5[%get3A_419, %get3A_420] : memref<1x512xf32, #tpu.memory_space<vmem>>, vector<1x512xf32>
    %add3A_422 = vector.broadcast %get3A_421 : vector<1x512xf32> to vector<1024x512xf32>
    %add3A_423 = arith.addf %dot_general3A_418, %add3A_422 : vector<1024x512xf32>
    %split3A_424 = vector.extract_strided_slice %add3A_423 {offsets = [0, 0], sizes = [1024, 128], strides = [1, 1]} : vector<1024x512xf32> to vector<1024x128xf32>
    %split3A_425 = vector.extract_strided_slice %add3A_423 {offsets = [0, 128], sizes = [1024, 128], strides = [1, 1]} : vector<1024x512xf32> to vector<1024x128xf32>
    %split3A_426 = vector.extract_strided_slice %add3A_423 {offsets = [0, 256], sizes = [1024, 128], strides = [1, 1]} : vector<1024x512xf32> to vector<1024x128xf32>
    %split3A_427 = vector.extract_strided_slice %add3A_423 {offsets = [0, 384], sizes = [1024, 128], strides = [1, 1]} : vector<1024x512xf32> to vector<1024x128xf32>
    %tanh3A_428 = math.tanh %split3A_424 : vector<1024x128xf32>
    %tanh3A_429 = math.tanh %split3A_425 : vector<1024x128xf32>
    %tanh3A_430 = math.tanh %split3A_426 : vector<1024x128xf32>
    %tanh3A_431 = math.tanh %split3A_427 : vector<1024x128xf32>
    %add3A_432 = arith.constant 1.000000e+00 : f32
    %add3A_433 = vector.broadcast %add3A_432 : f32 to vector<1024x128xf32>
    %add3A_434 = arith.addf %add3A_433, %tanh3A_429 : vector<1024x128xf32>
    %mul3A_435 = arith.mulf %add3A_434, %mul3A_363 : vector<1024x128xf32>
    %add3A_436 = arith.constant 1.000000e+00 : f32
    %add3A_437 = vector.broadcast %add3A_436 : f32 to vector<1024x128xf32>
    %add3A_438 = arith.addf %add3A_437, %tanh3A_428 : vector<1024x128xf32>
    %mul3A_439 = arith.mulf %add3A_438, %tanh3A_430 : vector<1024x128xf32>
    %add3A_440 = arith.addf %mul3A_435, %mul3A_439 : vector<1024x128xf32>
    %mul3A_441 = arith.constant 5.000000e-01 : f32
    %mul3A_442 = vector.broadcast %mul3A_441 : f32 to vector<1024x128xf32>
    %mul3A_443 = arith.mulf %mul3A_442, %add3A_440 : vector<1024x128xf32>
    %add3A_444 = arith.constant 1.000000e+00 : f32
    %add3A_445 = vector.broadcast %add3A_444 : f32 to vector<1024x128xf32>
    %add3A_446 = arith.addf %add3A_445, %tanh3A_431 : vector<1024x128xf32>
    %tanh3A_447 = math.tanh %mul3A_443 : vector<1024x128xf32>
    %mul3A_448 = arith.mulf %add3A_446, %tanh3A_447 : vector<1024x128xf32>
    %concatenate3A_449 = tpu.concatenate %convert_element_type3A_412, %convert_element_type3A_405 in 1 : vector<1024x128xbf16>, vector<1024x128xbf16> -> vector<1024x256xbf16>
    %get3A_450 = arith.constant 0 : index
    %get3A_451 = arith.constant 0 : index
    %get3A_452 = vector.load %arg2[%get3A_450, %get3A_451] : memref<256x512xbf16, #tpu.memory_space<vmem>>, vector<256x512xbf16>
    %dot_general3A_453 = arith.constant dense<0.000000e+00> : vector<1024x512xf32>
    %dot_general3A_454 = tpu.matmul %concatenate3A_449, %get3A_452, %dot_general3A_453 {dimension_numbers = #tpu.dot_dimension_numbers<[1], [0], [0], [1], [0, 0, 1, 1], [], []>, transpose_lhs_hint = false} : vector<1024x256xbf16>, vector<256x512xbf16>, vector<1024x512xf32> -> vector<1024x512xf32>
    %get3A_455 = arith.constant 0 : index
    %get3A_456 = arith.constant 0 : index
    %get3A_457 = vector.load %arg4[%get3A_455, %get3A_456] : memref<1x512xf32, #tpu.memory_space<vmem>>, vector<1x512xf32>
    %add3A_458 = vector.broadcast %get3A_457 : vector<1x512xf32> to vector<1024x512xf32>
    %add3A_459 = arith.addf %dot_general3A_454, %add3A_458 : vector<1024x512xf32>
    %split3A_460 = vector.extract_strided_slice %add3A_459 {offsets = [0, 0], sizes = [1024, 128], strides = [1, 1]} : vector<1024x512xf32> to vector<1024x128xf32>
    %split3A_461 = vector.extract_strided_slice %add3A_459 {offsets = [0, 128], sizes = [1024, 128], strides = [1, 1]} : vector<1024x512xf32> to vector<1024x128xf32>
    %split3A_462 = vector.extract_strided_slice %add3A_459 {offsets = [0, 256], sizes = [1024, 128], strides = [1, 1]} : vector<1024x512xf32> to vector<1024x128xf32>
    %split3A_463 = vector.extract_strided_slice %add3A_459 {offsets = [0, 384], sizes = [1024, 128], strides = [1, 1]} : vector<1024x512xf32> to vector<1024x128xf32>
    %tanh3A_464 = math.tanh %split3A_460 : vector<1024x128xf32>
    %tanh3A_465 = math.tanh %split3A_461 : vector<1024x128xf32>
    %tanh3A_466 = math.tanh %split3A_462 : vector<1024x128xf32>
    %tanh3A_467 = math.tanh %split3A_463 : vector<1024x128xf32>
    %add3A_468 = arith.constant 1.000000e+00 : f32
    %add3A_469 = vector.broadcast %add3A_468 : f32 to vector<1024x128xf32>
    %add3A_470 = arith.addf %add3A_469, %tanh3A_465 : vector<1024x128xf32>
    %mul3A_471 = arith.mulf %add3A_470, %mul3A_399 : vector<1024x128xf32>
    %add3A_472 = arith.constant 1.000000e+00 : f32
    %add3A_473 = vector.broadcast %add3A_472 : f32 to vector<1024x128xf32>
    %add3A_474 = arith.addf %add3A_473, %tanh3A_464 : vector<1024x128xf32>
    %mul3A_475 = arith.mulf %add3A_474, %tanh3A_466 : vector<1024x128xf32>
    %add3A_476 = arith.addf %mul3A_471, %mul3A_475 : vector<1024x128xf32>
    %mul3A_477 = arith.constant 5.000000e-01 : f32
    %mul3A_478 = vector.broadcast %mul3A_477 : f32 to vector<1024x128xf32>
    %mul3A_479 = arith.mulf %mul3A_478, %add3A_476 : vector<1024x128xf32>
    %add3A_480 = arith.constant 1.000000e+00 : f32
    %add3A_481 = vector.broadcast %add3A_480 : f32 to vector<1024x128xf32>
    %add3A_482 = arith.addf %add3A_481, %tanh3A_467 : vector<1024x128xf32>
    %tanh3A_483 = math.tanh %mul3A_479 : vector<1024x128xf32>
    %mul3A_484 = arith.mulf %add3A_482, %tanh3A_483 : vector<1024x128xf32>
    %convert_element_type3A_485 = arith.truncf %mul3A_484 : vector<1024x128xf32> to vector<1024x128xbf16>
    %convert_element_type3A_486 = arith.truncf %mul3A_448 : vector<1024x128xf32> to vector<1024x128xbf16>
    %get3A_487 = arith.constant 6 : index
    %get3A_488 = arith.constant 0 : index
    %get3A_489 = arith.constant 0 : index
    %get3A_490 = vector.load %arg1[%get3A_487, %get3A_488, %get3A_489] : memref<8x1024x128xf32, #tpu.memory_space<vmem>>, vector<1x1024x128xf32>
    %get3A_491 = vector.shape_cast %get3A_490 : vector<1x1024x128xf32> to vector<1024x128xf32>
    %convert_element_type3A_492 = arith.truncf %get3A_491 : vector<1024x128xf32> to vector<1024x128xbf16>
    %concatenate3A_493 = tpu.concatenate %convert_element_type3A_485, %convert_element_type3A_486 in 1 : vector<1024x128xbf16>, vector<1024x128xbf16> -> vector<1024x256xbf16>
    %get3A_494 = arith.constant 0 : index
    %get3A_495 = arith.constant 0 : index
    %get3A_496 = vector.load %arg3[%get3A_494, %get3A_495] : memref<256x512xbf16, #tpu.memory_space<vmem>>, vector<256x512xbf16>
    %dot_general3A_497 = arith.constant dense<0.000000e+00> : vector<1024x512xf32>
    %dot_general3A_498 = tpu.matmul %concatenate3A_493, %get3A_496, %dot_general3A_497 {dimension_numbers = #tpu.dot_dimension_numbers<[1], [0], [0], [1], [0, 0, 1, 1], [], []>, transpose_lhs_hint = false} : vector<1024x256xbf16>, vector<256x512xbf16>, vector<1024x512xf32> -> vector<1024x512xf32>
    %get3A_499 = arith.constant 0 : index
    %get3A_500 = arith.constant 0 : index
    %get3A_501 = vector.load %arg5[%get3A_499, %get3A_500] : memref<1x512xf32, #tpu.memory_space<vmem>>, vector<1x512xf32>
    %add3A_502 = vector.broadcast %get3A_501 : vector<1x512xf32> to vector<1024x512xf32>
    %add3A_503 = arith.addf %dot_general3A_498, %add3A_502 : vector<1024x512xf32>
    %split3A_504 = vector.extract_strided_slice %add3A_503 {offsets = [0, 0], sizes = [1024, 128], strides = [1, 1]} : vector<1024x512xf32> to vector<1024x128xf32>
    %split3A_505 = vector.extract_strided_slice %add3A_503 {offsets = [0, 128], sizes = [1024, 128], strides = [1, 1]} : vector<1024x512xf32> to vector<1024x128xf32>
    %split3A_506 = vector.extract_strided_slice %add3A_503 {offsets = [0, 256], sizes = [1024, 128], strides = [1, 1]} : vector<1024x512xf32> to vector<1024x128xf32>
    %split3A_507 = vector.extract_strided_slice %add3A_503 {offsets = [0, 384], sizes = [1024, 128], strides = [1, 1]} : vector<1024x512xf32> to vector<1024x128xf32>
    %tanh3A_508 = math.tanh %split3A_504 : vector<1024x128xf32>
    %tanh3A_509 = math.tanh %split3A_505 : vector<1024x128xf32>
    %tanh3A_510 = math.tanh %split3A_506 : vector<1024x128xf32>
    %tanh3A_511 = math.tanh %split3A_507 : vector<1024x128xf32>
    %add3A_512 = arith.constant 1.000000e+00 : f32
    %add3A_513 = vector.broadcast %add3A_512 : f32 to vector<1024x128xf32>
    %add3A_514 = arith.addf %add3A_513, %tanh3A_509 : vector<1024x128xf32>
    %mul3A_515 = arith.mulf %add3A_514, %mul3A_443 : vector<1024x128xf32>
    %add3A_516 = arith.constant 1.000000e+00 : f32
    %add3A_517 = vector.broadcast %add3A_516 : f32 to vector<1024x128xf32>
    %add3A_518 = arith.addf %add3A_517, %tanh3A_508 : vector<1024x128xf32>
    %mul3A_519 = arith.mulf %add3A_518, %tanh3A_510 : vector<1024x128xf32>
    %add3A_520 = arith.addf %mul3A_515, %mul3A_519 : vector<1024x128xf32>
    %mul3A_521 = arith.constant 5.000000e-01 : f32
    %mul3A_522 = vector.broadcast %mul3A_521 : f32 to vector<1024x128xf32>
    %mul3A_523 = arith.mulf %mul3A_522, %add3A_520 : vector<1024x128xf32>
    %add3A_524 = arith.constant 1.000000e+00 : f32
    %add3A_525 = vector.broadcast %add3A_524 : f32 to vector<1024x128xf32>
    %add3A_526 = arith.addf %add3A_525, %tanh3A_511 : vector<1024x128xf32>
    %tanh3A_527 = math.tanh %mul3A_523 : vector<1024x128xf32>
    %mul3A_528 = arith.mulf %add3A_526, %tanh3A_527 : vector<1024x128xf32>
    %concatenate3A_529 = tpu.concatenate %convert_element_type3A_492, %convert_element_type3A_485 in 1 : vector<1024x128xbf16>, vector<1024x128xbf16> -> vector<1024x256xbf16>
    %get3A_530 = arith.constant 0 : index
    %get3A_531 = arith.constant 0 : index
    %get3A_532 = vector.load %arg2[%get3A_530, %get3A_531] : memref<256x512xbf16, #tpu.memory_space<vmem>>, vector<256x512xbf16>
    %dot_general3A_533 = arith.constant dense<0.000000e+00> : vector<1024x512xf32>
    %dot_general3A_534 = tpu.matmul %concatenate3A_529, %get3A_532, %dot_general3A_533 {dimension_numbers = #tpu.dot_dimension_numbers<[1], [0], [0], [1], [0, 0, 1, 1], [], []>, transpose_lhs_hint = false} : vector<1024x256xbf16>, vector<256x512xbf16>, vector<1024x512xf32> -> vector<1024x512xf32>
    %get3A_535 = arith.constant 0 : index
    %get3A_536 = arith.constant 0 : index
    %get3A_537 = vector.load %arg4[%get3A_535, %get3A_536] : memref<1x512xf32, #tpu.memory_space<vmem>>, vector<1x512xf32>
    %add3A_538 = vector.broadcast %get3A_537 : vector<1x512xf32> to vector<1024x512xf32>
    %add3A_539 = arith.addf %dot_general3A_534, %add3A_538 : vector<1024x512xf32>
    %split3A_540 = vector.extract_strided_slice %add3A_539 {offsets = [0, 0], sizes = [1024, 128], strides = [1, 1]} : vector<1024x512xf32> to vector<1024x128xf32>
    %split3A_541 = vector.extract_strided_slice %add3A_539 {offsets = [0, 128], sizes = [1024, 128], strides = [1, 1]} : vector<1024x512xf32> to vector<1024x128xf32>
    %split3A_542 = vector.extract_strided_slice %add3A_539 {offsets = [0, 256], sizes = [1024, 128], strides = [1, 1]} : vector<1024x512xf32> to vector<1024x128xf32>
    %split3A_543 = vector.extract_strided_slice %add3A_539 {offsets = [0, 384], sizes = [1024, 128], strides = [1, 1]} : vector<1024x512xf32> to vector<1024x128xf32>
    %tanh3A_544 = math.tanh %split3A_540 : vector<1024x128xf32>
    %tanh3A_545 = math.tanh %split3A_541 : vector<1024x128xf32>
    %tanh3A_546 = math.tanh %split3A_542 : vector<1024x128xf32>
    %tanh3A_547 = math.tanh %split3A_543 : vector<1024x128xf32>
    %add3A_548 = arith.constant 1.000000e+00 : f32
    %add3A_549 = vector.broadcast %add3A_548 : f32 to vector<1024x128xf32>
    %add3A_550 = arith.addf %add3A_549, %tanh3A_545 : vector<1024x128xf32>
    %mul3A_551 = arith.mulf %add3A_550, %mul3A_479 : vector<1024x128xf32>
    %add3A_552 = arith.constant 1.000000e+00 : f32
    %add3A_553 = vector.broadcast %add3A_552 : f32 to vector<1024x128xf32>
    %add3A_554 = arith.addf %add3A_553, %tanh3A_544 : vector<1024x128xf32>
    %mul3A_555 = arith.mulf %add3A_554, %tanh3A_546 : vector<1024x128xf32>
    %add3A_556 = arith.addf %mul3A_551, %mul3A_555 : vector<1024x128xf32>
    %mul3A_557 = arith.constant 5.000000e-01 : f32
    %mul3A_558 = vector.broadcast %mul3A_557 : f32 to vector<1024x128xf32>
    %mul3A_559 = arith.mulf %mul3A_558, %add3A_556 : vector<1024x128xf32>
    %add3A_560 = arith.constant 1.000000e+00 : f32
    %add3A_561 = vector.broadcast %add3A_560 : f32 to vector<1024x128xf32>
    %add3A_562 = arith.addf %add3A_561, %tanh3A_547 : vector<1024x128xf32>
    %tanh3A_563 = math.tanh %mul3A_559 : vector<1024x128xf32>
    %mul3A_564 = arith.mulf %add3A_562, %tanh3A_563 : vector<1024x128xf32>
    %convert_element_type3A_565 = arith.truncf %mul3A_564 : vector<1024x128xf32> to vector<1024x128xbf16>
    %convert_element_type3A_566 = arith.truncf %mul3A_528 : vector<1024x128xf32> to vector<1024x128xbf16>
    %get3A_567 = arith.constant 7 : index
    %get3A_568 = arith.constant 0 : index
    %get3A_569 = arith.constant 0 : index
    %get3A_570 = vector.load %arg1[%get3A_567, %get3A_568, %get3A_569] : memref<8x1024x128xf32, #tpu.memory_space<vmem>>, vector<1x1024x128xf32>
    %get3A_571 = vector.shape_cast %get3A_570 : vector<1x1024x128xf32> to vector<1024x128xf32>
    %convert_element_type3A_572 = arith.truncf %get3A_571 : vector<1024x128xf32> to vector<1024x128xbf16>
    %concatenate3A_573 = tpu.concatenate %convert_element_type3A_565, %convert_element_type3A_566 in 1 : vector<1024x128xbf16>, vector<1024x128xbf16> -> vector<1024x256xbf16>
    %get3A_574 = arith.constant 0 : index
    %get3A_575 = arith.constant 0 : index
    %get3A_576 = vector.load %arg3[%get3A_574, %get3A_575] : memref<256x512xbf16, #tpu.memory_space<vmem>>, vector<256x512xbf16>
    %dot_general3A_577 = arith.constant dense<0.000000e+00> : vector<1024x512xf32>
    %dot_general3A_578 = tpu.matmul %concatenate3A_573, %get3A_576, %dot_general3A_577 {dimension_numbers = #tpu.dot_dimension_numbers<[1], [0], [0], [1], [0, 0, 1, 1], [], []>, transpose_lhs_hint = false} : vector<1024x256xbf16>, vector<256x512xbf16>, vector<1024x512xf32> -> vector<1024x512xf32>
    %get3A_579 = arith.constant 0 : index
    %get3A_580 = arith.constant 0 : index
    %get3A_581 = vector.load %arg5[%get3A_579, %get3A_580] : memref<1x512xf32, #tpu.memory_space<vmem>>, vector<1x512xf32>
    %add3A_582 = vector.broadcast %get3A_581 : vector<1x512xf32> to vector<1024x512xf32>
    %add3A_583 = arith.addf %dot_general3A_578, %add3A_582 : vector<1024x512xf32>
    %split3A_584 = vector.extract_strided_slice %add3A_583 {offsets = [0, 0], sizes = [1024, 128], strides = [1, 1]} : vector<1024x512xf32> to vector<1024x128xf32>
    %split3A_585 = vector.extract_strided_slice %add3A_583 {offsets = [0, 128], sizes = [1024, 128], strides = [1, 1]} : vector<1024x512xf32> to vector<1024x128xf32>
    %split3A_586 = vector.extract_strided_slice %add3A_583 {offsets = [0, 256], sizes = [1024, 128], strides = [1, 1]} : vector<1024x512xf32> to vector<1024x128xf32>
    %split3A_587 = vector.extract_strided_slice %add3A_583 {offsets = [0, 384], sizes = [1024, 128], strides = [1, 1]} : vector<1024x512xf32> to vector<1024x128xf32>
    %tanh3A_588 = math.tanh %split3A_584 : vector<1024x128xf32>
    %tanh3A_589 = math.tanh %split3A_585 : vector<1024x128xf32>
    %tanh3A_590 = math.tanh %split3A_586 : vector<1024x128xf32>
    %tanh3A_591 = math.tanh %split3A_587 : vector<1024x128xf32>
    %add3A_592 = arith.constant 1.000000e+00 : f32
    %add3A_593 = vector.broadcast %add3A_592 : f32 to vector<1024x128xf32>
    %add3A_594 = arith.addf %add3A_593, %tanh3A_589 : vector<1024x128xf32>
    %mul3A_595 = arith.mulf %add3A_594, %mul3A_523 : vector<1024x128xf32>
    %add3A_596 = arith.constant 1.000000e+00 : f32
    %add3A_597 = vector.broadcast %add3A_596 : f32 to vector<1024x128xf32>
    %add3A_598 = arith.addf %add3A_597, %tanh3A_588 : vector<1024x128xf32>
    %mul3A_599 = arith.mulf %add3A_598, %tanh3A_590 : vector<1024x128xf32>
    %add3A_600 = arith.addf %mul3A_595, %mul3A_599 : vector<1024x128xf32>
    %mul3A_601 = arith.constant 5.000000e-01 : f32
    %mul3A_602 = vector.broadcast %mul3A_601 : f32 to vector<1024x128xf32>
    %mul3A_603 = arith.mulf %mul3A_602, %add3A_600 : vector<1024x128xf32>
    %add3A_604 = arith.constant 1.000000e+00 : f32
    %add3A_605 = vector.broadcast %add3A_604 : f32 to vector<1024x128xf32>
    %add3A_606 = arith.addf %add3A_605, %tanh3A_591 : vector<1024x128xf32>
    %tanh3A_607 = math.tanh %mul3A_603 : vector<1024x128xf32>
    %mul3A_608 = arith.mulf %add3A_606, %tanh3A_607 : vector<1024x128xf32>
    %concatenate3A_609 = tpu.concatenate %convert_element_type3A_572, %convert_element_type3A_565 in 1 : vector<1024x128xbf16>, vector<1024x128xbf16> -> vector<1024x256xbf16>
    %get3A_610 = arith.constant 0 : index
    %get3A_611 = arith.constant 0 : index
    %get3A_612 = vector.load %arg2[%get3A_610, %get3A_611] : memref<256x512xbf16, #tpu.memory_space<vmem>>, vector<256x512xbf16>
    %dot_general3A_613 = arith.constant dense<0.000000e+00> : vector<1024x512xf32>
    %dot_general3A_614 = tpu.matmul %concatenate3A_609, %get3A_612, %dot_general3A_613 {dimension_numbers = #tpu.dot_dimension_numbers<[1], [0], [0], [1], [0, 0, 1, 1], [], []>, transpose_lhs_hint = false} : vector<1024x256xbf16>, vector<256x512xbf16>, vector<1024x512xf32> -> vector<1024x512xf32>
    %get3A_615 = arith.constant 0 : index
    %get3A_616 = arith.constant 0 : index
    %get3A_617 = vector.load %arg4[%get3A_615, %get3A_616] : memref<1x512xf32, #tpu.memory_space<vmem>>, vector<1x512xf32>
    %add3A_618 = vector.broadcast %get3A_617 : vector<1x512xf32> to vector<1024x512xf32>
    %add3A_619 = arith.addf %dot_general3A_614, %add3A_618 : vector<1024x512xf32>
    %split3A_620 = vector.extract_strided_slice %add3A_619 {offsets = [0, 0], sizes = [1024, 128], strides = [1, 1]} : vector<1024x512xf32> to vector<1024x128xf32>
    %split3A_621 = vector.extract_strided_slice %add3A_619 {offsets = [0, 128], sizes = [1024, 128], strides = [1, 1]} : vector<1024x512xf32> to vector<1024x128xf32>
    %split3A_622 = vector.extract_strided_slice %add3A_619 {offsets = [0, 256], sizes = [1024, 128], strides = [1, 1]} : vector<1024x512xf32> to vector<1024x128xf32>
    %split3A_623 = vector.extract_strided_slice %add3A_619 {offsets = [0, 384], sizes = [1024, 128], strides = [1, 1]} : vector<1024x512xf32> to vector<1024x128xf32>
    %tanh3A_624 = math.tanh %split3A_620 : vector<1024x128xf32>
    %tanh3A_625 = math.tanh %split3A_621 : vector<1024x128xf32>
    %tanh3A_626 = math.tanh %split3A_622 : vector<1024x128xf32>
    %tanh3A_627 = math.tanh %split3A_623 : vector<1024x128xf32>
    %add3A_628 = arith.constant 1.000000e+00 : f32
    %add3A_629 = vector.broadcast %add3A_628 : f32 to vector<1024x128xf32>
    %add3A_630 = arith.addf %add3A_629, %tanh3A_625 : vector<1024x128xf32>
    %mul3A_631 = arith.mulf %add3A_630, %mul3A_559 : vector<1024x128xf32>
    %add3A_632 = arith.constant 1.000000e+00 : f32
    %add3A_633 = vector.broadcast %add3A_632 : f32 to vector<1024x128xf32>
    %add3A_634 = arith.addf %add3A_633, %tanh3A_624 : vector<1024x128xf32>
    %mul3A_635 = arith.mulf %add3A_634, %tanh3A_626 : vector<1024x128xf32>
    %add3A_636 = arith.addf %mul3A_631, %mul3A_635 : vector<1024x128xf32>
    %mul3A_637 = arith.constant 5.000000e-01 : f32
    %mul3A_638 = vector.broadcast %mul3A_637 : f32 to vector<1024x128xf32>
    %mul3A_639 = arith.mulf %mul3A_638, %add3A_636 : vector<1024x128xf32>
    %add3A_640 = arith.constant 1.000000e+00 : f32
    %add3A_641 = vector.broadcast %add3A_640 : f32 to vector<1024x128xf32>
    %add3A_642 = arith.addf %add3A_641, %tanh3A_627 : vector<1024x128xf32>
    %tanh3A_643 = math.tanh %mul3A_639 : vector<1024x128xf32>
    %mul3A_644 = arith.mulf %add3A_642, %tanh3A_643 : vector<1024x128xf32>
    %convert_element_type3A_645 = arith.truncf %mul3A_644 : vector<1024x128xf32> to vector<1024x128xbf16>
    %convert_element_type3A_646 = arith.truncf %mul3A_608 : vector<1024x128xf32> to vector<1024x128xbf16>
    %swap3A = arith.constant 0 : index
    %swap3A_647 = arith.constant 0 : index
    %swap3A_648 = vector.load %arg14[%swap3A, %swap3A_647] : memref<1024x128xbf16, #tpu.memory_space<vmem>>, vector<1024x128xbf16>
    tpu.vector_store %arg14[%swap3A, %swap3A_647], %convert_element_type3A_645 {strides = array<i32>} : memref<1024x128xbf16, #tpu.memory_space<vmem>>, vector<1024x128xbf16>,
    %swap3A_649 = arith.constant 0 : index
    %swap3A_650 = arith.constant 0 : index
    %swap3A_651 = vector.load %arg15[%swap3A_649, %swap3A_650] : memref<1024x128xf32, #tpu.memory_space<vmem>>, vector<1024x128xf32>
    tpu.vector_store %arg15[%swap3A_649, %swap3A_650], %mul3A_639 {strides = array<i32>} : memref<1024x128xf32, #tpu.memory_space<vmem>>, vector<1024x128xf32>,
    %swap3A_652 = arith.constant 0 : index
    %swap3A_653 = arith.constant 0 : index
    %swap3A_654 = vector.load %arg16[%swap3A_652, %swap3A_653] : memref<1024x128xbf16, #tpu.memory_space<vmem>>, vector<1024x128xbf16>
    tpu.vector_store %arg16[%swap3A_652, %swap3A_653], %convert_element_type3A_646 {strides = array<i32>} : memref<1024x128xbf16, #tpu.memory_space<vmem>>, vector<1024x128xbf16>,
    %swap3A_655 = arith.constant 0 : index
    %swap3A_656 = arith.constant 0 : index
    %swap3A_657 = vector.load %arg17[%swap3A_655, %swap3A_656] : memref<1024x128xf32, #tpu.memory_space<vmem>>, vector<1024x128xf32>
    tpu.vector_store %arg17[%swap3A_655, %swap3A_656], %mul3A_603 {strides = array<i32>} : memref<1024x128xf32, #tpu.memory_space<vmem>>, vector<1024x128xf32>,
    %eq3A_658 = arith.constant 4 : i32
    %eq3A_659 = arith.cmpi eq, %arg0, %eq3A_658 : i32
    %convert_element_type3A_660 = arith.extui %eq3A_659 : i1 to i32
    %cond3A_661 = arith.constant 0 : i32
    %cond3A_662 = arith.cmpi ne, %convert_element_type3A_660, %cond3A_661 : i32
    scf.if %cond3A_662 {
      %swap3A_663 = arith.constant 0 : index
      %swap3A_664 = arith.constant 0 : index
      %swap3A_665 = vector.load %arg10[%swap3A_663, %swap3A_664] : memref<1024x128xbf16, #tpu.memory_space<vmem>>, vector<1024x128xbf16>
      tpu.vector_store %arg10[%swap3A_663, %swap3A_664], %convert_element_type3A_645 {strides = array<i32>} : memref<1024x128xbf16, #tpu.memory_space<vmem>>, vector<1024x128xbf16>,
      %swap3A_666 = arith.constant 0 : index
      %swap3A_667 = arith.constant 0 : index
      %swap3A_668 = vector.load %arg11[%swap3A_666, %swap3A_667] : memref<1024x128xf32, #tpu.memory_space<vmem>>, vector<1024x128xf32>
      tpu.vector_store %arg11[%swap3A_666, %swap3A_667], %mul3A_639 {strides = array<i32>} : memref<1024x128xf32, #tpu.memory_space<vmem>>, vector<1024x128xf32>,
      %swap3A_669 = arith.constant 0 : index
      %swap3A_670 = arith.constant 0 : index
      %swap3A_671 = vector.load %arg12[%swap3A_669, %swap3A_670] : memref<1024x128xbf16, #tpu.memory_space<vmem>>, vector<1024x128xbf16>
      tpu.vector_store %arg12[%swap3A_669, %swap3A_670], %convert_element_type3A_646 {strides = array<i32>} : memref<1024x128xbf16, #tpu.memory_space<vmem>>, vector<1024x128xbf16>,
      %swap3A_672 = arith.constant 0 : index
      %swap3A_673 = arith.constant 0 : index
      %swap3A_674 = vector.load %arg13[%swap3A_672, %swap3A_673] : memref<1024x128xf32, #tpu.memory_space<vmem>>, vector<1024x128xf32>
      tpu.vector_store %arg13[%swap3A_672, %swap3A_673], %mul3A_603 {strides = array<i32>} : memref<1024x128xf32, #tpu.memory_space<vmem>>, vector<1024x128xf32>,
    } else {
    }
    return
  }
  func.func @transform_0(%arg0: i32) -> (i32, i32, i32) {
    %c0_i32 = arith.constant 0 : i32
    %c0_i32_0 = arith.constant 0 : i32
    %c0_i32_1 = arith.constant 0 : i32
    return %arg0, %c0_i32, %c0_i32_0 : i32, i32, i32
  }
  func.func @transform_1(%arg0: i32) -> (i32, i32) {
    %c0_i32 = arith.constant 0 : i32
    %c0_i32_0 = arith.constant 0 : i32
    %c0_i32_1 = arith.constant 0 : i32
    return %c0_i32, %c0_i32_0 : i32, i32
  }
  func.func @transform_2(%arg0: i32) -> (i32, i32) {
    %c0_i32 = arith.constant 0 : i32
    %c0_i32_0 = arith.constant 0 : i32
    %c0_i32_1 = arith.constant 0 : i32
    return %c0_i32, %c0_i32_0 : i32, i32
  }
  func.func @transform_3(%arg0: i32) -> (i32, i32) {
    %c0_i32 = arith.constant 0 : i32
    %c0_i32_0 = arith.constant 0 : i32
    %c0_i32_1 = arith.constant 0 : i32
    return %c0_i32, %c0_i32_0 : i32, i32
  }
  func.func @transform_4(%arg0: i32) -> (i32, i32) {
    %c0_i32 = arith.constant 0 : i32
    %c0_i32_0 = arith.constant 0 : i32
    %c0_i32_1 = arith.constant 0 : i32
    return %c0_i32, %c0_i32_0 : i32, i32
  }
  func.func @transform_5(%arg0: i32) -> (i32, i32) {
    %c0_i32 = arith.constant 0 : i32
    %c0_i32_0 = arith.constant 0 : i32
    %c0_i32_1 = arith.constant 0 : i32
    return %c0_i32, %c0_i32_0 : i32, i32
  }
  func.func @transform_6(%arg0: i32) -> (i32, i32) {
    %c0_i32 = arith.constant 0 : i32
    %c0_i32_0 = arith.constant 0 : i32
    %c0_i32_1 = arith.constant 0 : i32
    return %c0_i32, %c0_i32_0 : i32, i32
  }
  func.func @transform_7(%arg0: i32) -> (i32, i32) {
    %c0_i32 = arith.constant 0 : i32
    %c0_i32_0 = arith.constant 0 : i32
    %c0_i32_1 = arith.constant 0 : i32
    return %c0_i32, %c0_i32_0 : i32, i32
  }
  func.func @transform_8(%arg0: i32) -> (i32, i32) {
    %c0_i32 = arith.constant 0 : i32
    %c0_i32_0 = arith.constant 0 : i32
    %c0_i32_1 = arith.constant 0 : i32
    return %c0_i32, %c0_i32_0 : i32, i32
  }
  func.func @transform_9(%arg0: i32) -> (i32, i32) {
    %c0_i32 = arith.constant 0 : i32
    %c0_i32_0 = arith.constant 0 : i32
    %c0_i32_1 = arith.constant 0 : i32
    return %c0_i32, %c0_i32_0 : i32, i32
  }
  func.func @transform_10(%arg0: i32) -> (i32, i32) {
    %c0_i32 = arith.constant 0 : i32
    %c0_i32_0 = arith.constant 0 : i32
    %c0_i32_1 = arith.constant 0 : i32
    return %c0_i32, %c0_i32_0 : i32, i32
  }
  func.func @transform_11(%arg0: i32) -> (i32, i32) {
    %c0_i32 = arith.constant 0 : i32
    %c0_i32_0 = arith.constant 0 : i32
    %c0_i32_1 = arith.constant 0 : i32
    return %c0_i32, %c0_i32_0 : i32, i32
  }
  func.func @transform_12(%arg0: i32) -> (i32, i32) {
    %c0_i32 = arith.constant 0 : i32
    %c0_i32_0 = arith.constant 0 : i32
    %c0_i32_1 = arith.constant 0 : i32
    return %c0_i32, %c0_i32_0 : i32, i32
  }
}

module attributes {stable_mosaic.version = 14 : i64} {
  func.func @body(%arg0: i32, %arg1: memref<8x1024x128xf32, #tpu.memory_space<vmem>>, %arg2: memref<256x512xbf16, #tpu.memory_space<vmem>>, %arg3: memref<256x512xbf16, #tpu.memory_space<vmem>>, %arg4: memref<1x512xf32, #tpu.memory_space<vmem>>, %arg5: memref<1x512xf32, #tpu.memory_space<vmem>>, %arg6: memref<1024x128xbf16, #tpu.memory_space<vmem>>, %arg7: memref<1024x128xf32, #tpu.memory_space<vmem>>, %arg8: memref<1024x128xbf16, #tpu.memory_space<vmem>>, %arg9: memref<1024x128xf32, #tpu.memory_space<vmem>>, %arg10: memref<1024x128xbf16, #tpu.memory_space<vmem>>, %arg11: memref<1024x128xf32, #tpu.memory_space<vmem>>, %arg12: memref<1024x128xbf16, #tpu.memory_space<vmem>>, %arg13: memref<1024x128xf32, #tpu.memory_space<vmem>>, %arg14: memref<1024x128xbf16, #tpu.memory_space<vmem>>, %arg15: memref<1024x128xf32, #tpu.memory_space<vmem>>, %arg16: memref<1024x128xbf16, #tpu.memory_space<vmem>>, %arg17: memref<1024x128xf32, #tpu.memory_space<vmem>>) attributes {dimension_semantics = [#tpu.dimension_semantics<arbitrary>], iteration_bounds = array<i64: 5>, scalar_prefetch = 0 : i64, scratch_operands = 4 : i64, tpu.core_type = #tpu.core_type<tc>, window_params = [{transform_indices = @transform_0, window_bounds = array<i64: 8, 1024, 128>}, {pipeline_mode = #tpu.pipeline_mode<synchronous>, transform_indices = @transform_1, window_bounds = array<i64: 256, 512>}, {pipeline_mode = #tpu.pipeline_mode<synchronous>, transform_indices = @transform_2, window_bounds = array<i64: 256, 512>}, {pipeline_mode = #tpu.pipeline_mode<synchronous>, transform_indices = @transform_3, window_bounds = array<i64: 1, 512>}, {pipeline_mode = #tpu.pipeline_mode<synchronous>, transform_indices = @transform_4, window_bounds = array<i64: 1, 512>}, {pipeline_mode = #tpu.pipeline_mode<synchronous>, transform_indices = @transform_5, window_bounds = array<i64: 1024, 128>}, {pipeline_mode = #tpu.pipeline_mode<synchronous>, transform_indices = @transform_6, window_bounds = array<i64: 1024, 128>}, {pipeline_mode = #tpu.pipeline_mode<synchronous>, transform_indices = @transform_7, window_bounds = array<i64: 1024, 128>}, {pipeline_mode = #tpu.pipeline_mode<synchronous>, transform_indices = @transform_8, window_bounds = array<i64: 1024, 128>}, {pipeline_mode = #tpu.pipeline_mode<synchronous>, transform_indices = @transform_9, window_bounds = array<i64: 1024, 128>}, {pipeline_mode = #tpu.pipeline_mode<synchronous>, transform_indices = @transform_10, window_bounds = array<i64: 1024, 128>}, {pipeline_mode = #tpu.pipeline_mode<synchronous>, transform_indices = @transform_11, window_bounds = array<i64: 1024, 128>}, {pipeline_mode = #tpu.pipeline_mode<synchronous>, transform_indices = @transform_12, window_bounds = array<i64: 1024, 128>}]} {
    %eq3A = arith.constant 0 : i32
    %eq3A_0 = arith.cmpi eq, %arg0, %eq3A : i32
    %convert_element_type3A = arith.extui %eq3A_0 : i1 to i32
    %cond3A = arith.constant 0 : i32
    %cond3A_1 = arith.cmpi ne, %convert_element_type3A, %cond3A : i32
    scf.if %cond3A_1 {
      %get3A_663 = arith.constant 0 : index
      %get3A_664 = arith.constant 0 : index
      %get3A_665 = vector.load %arg6[%get3A_663, %get3A_664] : memref<1024x128xbf16, #tpu.memory_space<vmem>>, vector<1024x128xbf16>
      %swap3A_666 = arith.constant 0 : index
      %swap3A_667 = arith.constant 0 : index
      %swap3A_668 = vector.load %arg14[%swap3A_666, %swap3A_667] : memref<1024x128xbf16, #tpu.memory_space<vmem>>, vector<1024x128xbf16>
      tpu.vector_store %arg14[%swap3A_666, %swap3A_667], %get3A_665 {strides = array<i32>} : memref<1024x128xbf16, #tpu.memory_space<vmem>>, vector<1024x128xbf16>,
      %get3A_669 = arith.constant 0 : index
      %get3A_670 = arith.constant 0 : index
      %get3A_671 = vector.load %arg7[%get3A_669, %get3A_670] : memref<1024x128xf32, #tpu.memory_space<vmem>>, vector<1024x128xf32>
      %swap3A_672 = arith.constant 0 : index
      %swap3A_673 = arith.constant 0 : index
      %swap3A_674 = vector.load %arg15[%swap3A_672, %swap3A_673] : memref<1024x128xf32, #tpu.memory_space<vmem>>, vector<1024x128xf32>
      tpu.vector_store %arg15[%swap3A_672, %swap3A_673], %get3A_671 {strides = array<i32>} : memref<1024x128xf32, #tpu.memory_space<vmem>>, vector<1024x128xf32>,
      %get3A_675 = arith.constant 0 : index
      %get3A_676 = arith.constant 0 : index
      %get3A_677 = vector.load %arg8[%get3A_675, %get3A_676] : memref<1024x128xbf16, #tpu.memory_space<vmem>>, vector<1024x128xbf16>
      %swap3A_678 = arith.constant 0 : index
      %swap3A_679 = arith.constant 0 : index
      %swap3A_680 = vector.load %arg16[%swap3A_678, %swap3A_679] : memref<1024x128xbf16, #tpu.memory_space<vmem>>, vector<1024x128xbf16>
      tpu.vector_store %arg16[%swap3A_678, %swap3A_679], %get3A_677 {strides = array<i32>} : memref<1024x128xbf16, #tpu.memory_space<vmem>>, vector<1024x128xbf16>,
      %get3A_681 = arith.constant 0 : index
      %get3A_682 = arith.constant 0 : index
      %get3A_683 = vector.load %arg9[%get3A_681, %get3A_682] : memref<1024x128xf32, #tpu.memory_space<vmem>>, vector<1024x128xf32>
      %swap3A_684 = arith.constant 0 : index
      %swap3A_685 = arith.constant 0 : index
      %swap3A_686 = vector.load %arg17[%swap3A_684, %swap3A_685] : memref<1024x128xf32, #tpu.memory_space<vmem>>, vector<1024x128xf32>
      tpu.vector_store %arg17[%swap3A_684, %swap3A_685], %get3A_683 {strides = array<i32>} : memref<1024x128xf32, #tpu.memory_space<vmem>>, vector<1024x128xf32>,
    } else {
    }
    %get3A = arith.constant 0 : index
    %get3A_2 = arith.constant 0 : index
    %get3A_3 = vector.load %arg14[%get3A, %get3A_2] : memref<1024x128xbf16, #tpu.memory_space<vmem>>, vector<1024x128xbf16>
    %get3A_4 = arith.constant 0 : index
    %get3A_5 = arith.constant 0 : index
    %get3A_6 = vector.load %arg15[%get3A_4, %get3A_5] : memref<1024x128xf32, #tpu.memory_space<vmem>>, vector<1024x128xf32>
    %get3A_7 = arith.constant 0 : index
    %get3A_8 = arith.constant 0 : index
    %get3A_9 = vector.load %arg16[%get3A_7, %get3A_8] : memref<1024x128xbf16, #tpu.memory_space<vmem>>, vector<1024x128xbf16>
    %get3A_10 = arith.constant 0 : index
    %get3A_11 = arith.constant 0 : index
    %get3A_12 = vector.load %arg17[%get3A_10, %get3A_11] : memref<1024x128xf32, #tpu.memory_space<vmem>>, vector<1024x128xf32>
    %get3A_13 = arith.constant 0 : index
    %get3A_14 = arith.constant 0 : index
    %get3A_15 = arith.constant 0 : index
    %get3A_16 = vector.load %arg1[%get3A_13, %get3A_14, %get3A_15] : memref<8x1024x128xf32, #tpu.memory_space<vmem>>, vector<1x1024x128xf32>
    %get3A_17 = vector.shape_cast %get3A_16 : vector<1x1024x128xf32> to vector<1024x128xf32>
    %convert_element_type3A_18 = arith.truncf %get3A_17 : vector<1024x128xf32> to vector<1024x128xbf16>
    %concatenate3A = tpu.concatenate %get3A_3, %get3A_9 in 1 : vector<1024x128xbf16>, vector<1024x128xbf16> -> vector<1024x256xbf16>
    %get3A_19 = arith.constant 0 : index
    %get3A_20 = arith.constant 0 : index
    %get3A_21 = vector.load %arg3[%get3A_19, %get3A_20] : memref<256x512xbf16, #tpu.memory_space<vmem>>, vector<256x512xbf16>
    %dot_general3A = arith.constant dense<0.000000e+00> : vector<1024x512xf32>
    %dot_general3A_22 = tpu.matmul %concatenate3A, %get3A_21, %dot_general3A {dimension_numbers = #tpu.dot_dimension_numbers<[1], [0], [0], [1], [0, 0, 1, 1], [], []>, transpose_lhs_hint = false} : vector<1024x256xbf16>, vector<256x512xbf16>, vector<1024x512xf32> -> vector<1024x512xf32>
    %get3A_23 = arith.constant 0 : index
    %get3A_24 = arith.constant 0 : index
    %get3A_25 = vector.load %arg5[%get3A_23, %get3A_24] : memref<1x512xf32, #tpu.memory_space<vmem>>, vector<1x512xf32>
    %add3A = vector.broadcast %get3A_25 : vector<1x512xf32> to vector<1024x512xf32>
    %add3A_26 = arith.addf %dot_general3A_22, %add3A : vector<1024x512xf32>
    %split3A = vector.extract_strided_slice %add3A_26 {offsets = [0, 0], sizes = [1024, 128], strides = [1, 1]} : vector<1024x512xf32> to vector<1024x128xf32>
    %split3A_27 = vector.extract_strided_slice %add3A_26 {offsets = [0, 128], sizes = [1024, 128], strides = [1, 1]} : vector<1024x512xf32> to vector<1024x128xf32>
    %split3A_28 = vector.extract_strided_slice %add3A_26 {offsets = [0, 256], sizes = [1024, 128], strides = [1, 1]} : vector<1024x512xf32> to vector<1024x128xf32>
    %split3A_29 = vector.extract_strided_slice %add3A_26 {offsets = [0, 384], sizes = [1024, 128], strides = [1, 1]} : vector<1024x512xf32> to vector<1024x128xf32>
    %tanh3A = math.tanh %split3A : vector<1024x128xf32>
    %tanh3A_30 = math.tanh %split3A_27 : vector<1024x128xf32>
    %tanh3A_31 = math.tanh %split3A_28 : vector<1024x128xf32>
    %tanh3A_32 = math.tanh %split3A_29 : vector<1024x128xf32>
    %add3A_33 = arith.constant 1.000000e+00 : f32
    %add3A_34 = vector.broadcast %add3A_33 : f32 to vector<1024x128xf32>
    %add3A_35 = arith.addf %add3A_34, %tanh3A_30 : vector<1024x128xf32>
    %mul3A = arith.mulf %add3A_35, %get3A_12 : vector<1024x128xf32>
    %add3A_36 = arith.constant 1.000000e+00 : f32
    %add3A_37 = vector.broadcast %add3A_36 : f32 to vector<1024x128xf32>
    %add3A_38 = arith.addf %add3A_37, %tanh3A : vector<1024x128xf32>
    %mul3A_39 = arith.mulf %add3A_38, %tanh3A_31 : vector<1024x128xf32>
    %add3A_40 = arith.addf %mul3A, %mul3A_39 : vector<1024x128xf32>
    %mul3A_41 = arith.constant 5.000000e-01 : f32
    %mul3A_42 = vector.broadcast %mul3A_41 : f32 to vector<1024x128xf32>
    %mul3A_43 = arith.mulf %mul3A_42, %add3A_40 : vector<1024x128xf32>
    %add3A_44 = arith.constant 1.000000e+00 : f32
    %add3A_45 = vector.broadcast %add3A_44 : f32 to vector<1024x128xf32>
    %add3A_46 = arith.addf %add3A_45, %tanh3A_32 : vector<1024x128xf32>
    %tanh3A_47 = math.tanh %mul3A_43 : vector<1024x128xf32>
    %mul3A_48 = arith.mulf %add3A_46, %tanh3A_47 : vector<1024x128xf32>
    %concatenate3A_49 = tpu.concatenate %convert_element_type3A_18, %get3A_3 in 1 : vector<1024x128xbf16>, vector<1024x128xbf16> -> vector<1024x256xbf16>
    %get3A_50 = arith.constant 0 : index
    %get3A_51 = arith.constant 0 : index
    %get3A_52 = vector.load %arg2[%get3A_50, %get3A_51] : memref<256x512xbf16, #tpu.memory_space<vmem>>, vector<256x512xbf16>
    %dot_general3A_53 = arith.constant dense<0.000000e+00> : vector<1024x512xf32>
    %dot_general3A_54 = tpu.matmul %concatenate3A_49, %get3A_52, %dot_general3A_53 {dimension_numbers = #tpu.dot_dimension_numbers<[1], [0], [0], [1], [0, 0, 1, 1], [], []>, transpose_lhs_hint = false} : vector<1024x256xbf16>, vector<256x512xbf16>, vector<1024x512xf32> -> vector<1024x512xf32>
    %get3A_55 = arith.constant 0 : index
    %get3A_56 = arith.constant 0 : index
    %get3A_57 = vector.load %arg4[%get3A_55, %get3A_56] : memref<1x512xf32, #tpu.memory_space<vmem>>, vector<1x512xf32>
    %add3A_58 = vector.broadcast %get3A_57 : vector<1x512xf32> to vector<1024x512xf32>
    %add3A_59 = arith.addf %dot_general3A_54, %add3A_58 : vector<1024x512xf32>
    %split3A_60 = vector.extract_strided_slice %add3A_59 {offsets = [0, 0], sizes = [1024, 128], strides = [1, 1]} : vector<1024x512xf32> to vector<1024x128xf32>
    %split3A_61 = vector.extract_strided_slice %add3A_59 {offsets = [0, 128], sizes = [1024, 128], strides = [1, 1]} : vector<1024x512xf32> to vector<1024x128xf32>
    %split3A_62 = vector.extract_strided_slice %add3A_59 {offsets = [0, 256], sizes = [1024, 128], strides = [1, 1]} : vector<1024x512xf32> to vector<1024x128xf32>
    %split3A_63 = vector.extract_strided_slice %add3A_59 {offsets = [0, 384], sizes = [1024, 128], strides = [1, 1]} : vector<1024x512xf32> to vector<1024x128xf32>
    %tanh3A_64 = math.tanh %split3A_60 : vector<1024x128xf32>
    %tanh3A_65 = math.tanh %split3A_61 : vector<1024x128xf32>
    %tanh3A_66 = math.tanh %split3A_62 : vector<1024x128xf32>
    %tanh3A_67 = math.tanh %split3A_63 : vector<1024x128xf32>
    %add3A_68 = arith.constant 1.000000e+00 : f32
    %add3A_69 = vector.broadcast %add3A_68 : f32 to vector<1024x128xf32>
    %add3A_70 = arith.addf %add3A_69, %tanh3A_65 : vector<1024x128xf32>
    %mul3A_71 = arith.mulf %add3A_70, %get3A_6 : vector<1024x128xf32>
    %add3A_72 = arith.constant 1.000000e+00 : f32
    %add3A_73 = vector.broadcast %add3A_72 : f32 to vector<1024x128xf32>
    %add3A_74 = arith.addf %add3A_73, %tanh3A_64 : vector<1024x128xf32>
    %mul3A_75 = arith.mulf %add3A_74, %tanh3A_66 : vector<1024x128xf32>
    %add3A_76 = arith.addf %mul3A_71, %mul3A_75 : vector<1024x128xf32>
    %mul3A_77 = arith.constant 5.000000e-01 : f32
    %mul3A_78 = vector.broadcast %mul3A_77 : f32 to vector<1024x128xf32>
    %mul3A_79 = arith.mulf %mul3A_78, %add3A_76 : vector<1024x128xf32>
    %add3A_80 = arith.constant 1.000000e+00 : f32
    %add3A_81 = vector.broadcast %add3A_80 : f32 to vector<1024x128xf32>
    %add3A_82 = arith.addf %add3A_81, %tanh3A_67 : vector<1024x128xf32>
    %tanh3A_83 = math.tanh %mul3A_79 : vector<1024x128xf32>
    %mul3A_84 = arith.mulf %add3A_82, %tanh3A_83 : vector<1024x128xf32>
    %convert_element_type3A_85 = arith.truncf %mul3A_84 : vector<1024x128xf32> to vector<1024x128xbf16>
    %convert_element_type3A_86 = arith.truncf %mul3A_48 : vector<1024x128xf32> to vector<1024x128xbf16>
    %get3A_87 = arith.constant 1 : index
    %get3A_88 = arith.constant 0 : index
    %get3A_89 = arith.constant 0 : index
    %get3A_90 = vector.load %arg1[%get3A_87, %get3A_88, %get3A_89] : memref<8x1024x128xf32, #tpu.memory_space<vmem>>, vector<1x1024x128xf32>
    %get3A_91 = vector.shape_cast %get3A_90 : vector<1x1024x128xf32> to vector<1024x128xf32>
    %convert_element_type3A_92 = arith.truncf %get3A_91 : vector<1024x128xf32> to vector<1024x128xbf16>
    %concatenate3A_93 = tpu.concatenate %convert_element_type3A_85, %convert_element_type3A_86 in 1 : vector<1024x128xbf16>, vector<1024x128xbf16> -> vector<1024x256xbf16>
    %get3A_94 = arith.constant 0 : index
    %get3A_95 = arith.constant 0 : index
    %get3A_96 = vector.load %arg3[%get3A_94, %get3A_95] : memref<256x512xbf16, #tpu.memory_space<vmem>>, vector<256x512xbf16>
    %dot_general3A_97 = arith.constant dense<0.000000e+00> : vector<1024x512xf32>
    %dot_general3A_98 = tpu.matmul %concatenate3A_93, %get3A_96, %dot_general3A_97 {dimension_numbers = #tpu.dot_dimension_numbers<[1], [0], [0], [1], [0, 0, 1, 1], [], []>, transpose_lhs_hint = false} : vector<1024x256xbf16>, vector<256x512xbf16>, vector<1024x512xf32> -> vector<1024x512xf32>
    %get3A_99 = arith.constant 0 : index
    %get3A_100 = arith.constant 0 : index
    %get3A_101 = vector.load %arg5[%get3A_99, %get3A_100] : memref<1x512xf32, #tpu.memory_space<vmem>>, vector<1x512xf32>
    %add3A_102 = vector.broadcast %get3A_101 : vector<1x512xf32> to vector<1024x512xf32>
    %add3A_103 = arith.addf %dot_general3A_98, %add3A_102 : vector<1024x512xf32>
    %split3A_104 = vector.extract_strided_slice %add3A_103 {offsets = [0, 0], sizes = [1024, 128], strides = [1, 1]} : vector<1024x512xf32> to vector<1024x128xf32>
    %split3A_105 = vector.extract_strided_slice %add3A_103 {offsets = [0, 128], sizes = [1024, 128], strides = [1, 1]} : vector<1024x512xf32> to vector<1024x128xf32>
    %split3A_106 = vector.extract_strided_slice %add3A_103 {offsets = [0, 256], sizes = [1024, 128], strides = [1, 1]} : vector<1024x512xf32> to vector<1024x128xf32>
    %split3A_107 = vector.extract_strided_slice %add3A_103 {offsets = [0, 384], sizes = [1024, 128], strides = [1, 1]} : vector<1024x512xf32> to vector<1024x128xf32>
    %tanh3A_108 = math.tanh %split3A_104 : vector<1024x128xf32>
    %tanh3A_109 = math.tanh %split3A_105 : vector<1024x128xf32>
    %tanh3A_110 = math.tanh %split3A_106 : vector<1024x128xf32>
    %tanh3A_111 = math.tanh %split3A_107 : vector<1024x128xf32>
    %add3A_112 = arith.constant 1.000000e+00 : f32
    %add3A_113 = vector.broadcast %add3A_112 : f32 to vector<1024x128xf32>
    %add3A_114 = arith.addf %add3A_113, %tanh3A_109 : vector<1024x128xf32>
    %mul3A_115 = arith.mulf %add3A_114, %mul3A_43 : vector<1024x128xf32>
    %add3A_116 = arith.constant 1.000000e+00 : f32
    %add3A_117 = vector.broadcast %add3A_116 : f32 to vector<1024x128xf32>
    %add3A_118 = arith.addf %add3A_117, %tanh3A_108 : vector<1024x128xf32>
    %mul3A_119 = arith.mulf %add3A_118, %tanh3A_110 : vector<1024x128xf32>
    %add3A_120 = arith.addf %mul3A_115, %mul3A_119 : vector<1024x128xf32>
    %mul3A_121 = arith.constant 5.000000e-01 : f32
    %mul3A_122 = vector.broadcast %mul3A_121 : f32 to vector<1024x128xf32>
    %mul3A_123 = arith.mulf %mul3A_122, %add3A_120 : vector<1024x128xf32>
    %add3A_124 = arith.constant 1.000000e+00 : f32
    %add3A_125 = vector.broadcast %add3A_124 : f32 to vector<1024x128xf32>
    %add3A_126 = arith.addf %add3A_125, %tanh3A_111 : vector<1024x128xf32>
    %tanh3A_127 = math.tanh %mul3A_123 : vector<1024x128xf32>
    %mul3A_128 = arith.mulf %add3A_126, %tanh3A_127 : vector<1024x128xf32>
    %concatenate3A_129 = tpu.concatenate %convert_element_type3A_92, %convert_element_type3A_85 in 1 : vector<1024x128xbf16>, vector<1024x128xbf16> -> vector<1024x256xbf16>
    %get3A_130 = arith.constant 0 : index
    %get3A_131 = arith.constant 0 : index
    %get3A_132 = vector.load %arg2[%get3A_130, %get3A_131] : memref<256x512xbf16, #tpu.memory_space<vmem>>, vector<256x512xbf16>
    %dot_general3A_133 = arith.constant dense<0.000000e+00> : vector<1024x512xf32>
    %dot_general3A_134 = tpu.matmul %concatenate3A_129, %get3A_132, %dot_general3A_133 {dimension_numbers = #tpu.dot_dimension_numbers<[1], [0], [0], [1], [0, 0, 1, 1], [], []>, transpose_lhs_hint = false} : vector<1024x256xbf16>, vector<256x512xbf16>, vector<1024x512xf32> -> vector<1024x512xf32>
    %get3A_135 = arith.constant 0 : index
    %get3A_136 = arith.constant 0 : index
    %get3A_137 = vector.load %arg4[%get3A_135, %get3A_136] : memref<1x512xf32, #tpu.memory_space<vmem>>, vector<1x512xf32>
    %add3A_138 = vector.broadcast %get3A_137 : vector<1x512xf32> to vector<1024x512xf32>
    %add3A_139 = arith.addf %dot_general3A_134, %add3A_138 : vector<1024x512xf32>
    %split3A_140 = vector.extract_strided_slice %add3A_139 {offsets = [0, 0], sizes = [1024, 128], strides = [1, 1]} : vector<1024x512xf32> to vector<1024x128xf32>
    %split3A_141 = vector.extract_strided_slice %add3A_139 {offsets = [0, 128], sizes = [1024, 128], strides = [1, 1]} : vector<1024x512xf32> to vector<1024x128xf32>
    %split3A_142 = vector.extract_strided_slice %add3A_139 {offsets = [0, 256], sizes = [1024, 128], strides = [1, 1]} : vector<1024x512xf32> to vector<1024x128xf32>
    %split3A_143 = vector.extract_strided_slice %add3A_139 {offsets = [0, 384], sizes = [1024, 128], strides = [1, 1]} : vector<1024x512xf32> to vector<1024x128xf32>
    %tanh3A_144 = math.tanh %split3A_140 : vector<1024x128xf32>
    %tanh3A_145 = math.tanh %split3A_141 : vector<1024x128xf32>
    %tanh3A_146 = math.tanh %split3A_142 : vector<1024x128xf32>
    %tanh3A_147 = math.tanh %split3A_143 : vector<1024x128xf32>
    %add3A_148 = arith.constant 1.000000e+00 : f32
    %add3A_149 = vector.broadcast %add3A_148 : f32 to vector<1024x128xf32>
    %add3A_150 = arith.addf %add3A_149, %tanh3A_145 : vector<1024x128xf32>
    %mul3A_151 = arith.mulf %add3A_150, %mul3A_79 : vector<1024x128xf32>
    %add3A_152 = arith.constant 1.000000e+00 : f32
    %add3A_153 = vector.broadcast %add3A_152 : f32 to vector<1024x128xf32>
    %add3A_154 = arith.addf %add3A_153, %tanh3A_144 : vector<1024x128xf32>
    %mul3A_155 = arith.mulf %add3A_154, %tanh3A_146 : vector<1024x128xf32>
    %add3A_156 = arith.addf %mul3A_151, %mul3A_155 : vector<1024x128xf32>
    %mul3A_157 = arith.constant 5.000000e-01 : f32
    %mul3A_158 = vector.broadcast %mul3A_157 : f32 to vector<1024x128xf32>
    %mul3A_159 = arith.mulf %mul3A_158, %add3A_156 : vector<1024x128xf32>
    %add3A_160 = arith.constant 1.000000e+00 : f32
    %add3A_161 = vector.broadcast %add3A_160 : f32 to vector<1024x128xf32>
    %add3A_162 = arith.addf %add3A_161, %tanh3A_147 : vector<1024x128xf32>
    %tanh3A_163 = math.tanh %mul3A_159 : vector<1024x128xf32>
    %mul3A_164 = arith.mulf %add3A_162, %tanh3A_163 : vector<1024x128xf32>
    %convert_element_type3A_165 = arith.truncf %mul3A_164 : vector<1024x128xf32> to vector<1024x128xbf16>
    %convert_element_type3A_166 = arith.truncf %mul3A_128 : vector<1024x128xf32> to vector<1024x128xbf16>
    %get3A_167 = arith.constant 2 : index
    %get3A_168 = arith.constant 0 : index
    %get3A_169 = arith.constant 0 : index
    %get3A_170 = vector.load %arg1[%get3A_167, %get3A_168, %get3A_169] : memref<8x1024x128xf32, #tpu.memory_space<vmem>>, vector<1x1024x128xf32>
    %get3A_171 = vector.shape_cast %get3A_170 : vector<1x1024x128xf32> to vector<1024x128xf32>
    %convert_element_type3A_172 = arith.truncf %get3A_171 : vector<1024x128xf32> to vector<1024x128xbf16>
    %concatenate3A_173 = tpu.concatenate %convert_element_type3A_165, %convert_element_type3A_166 in 1 : vector<1024x128xbf16>, vector<1024x128xbf16> -> vector<1024x256xbf16>
    %get3A_174 = arith.constant 0 : index
    %get3A_175 = arith.constant 0 : index
    %get3A_176 = vector.load %arg3[%get3A_174, %get3A_175] : memref<256x512xbf16, #tpu.memory_space<vmem>>, vector<256x512xbf16>
    %dot_general3A_177 = arith.constant dense<0.000000e+00> : vector<1024x512xf32>
    %dot_general3A_178 = tpu.matmul %concatenate3A_173, %get3A_176, %dot_general3A_177 {dimension_numbers = #tpu.dot_dimension_numbers<[1], [0], [0], [1], [0, 0, 1, 1], [], []>, transpose_lhs_hint = false} : vector<1024x256xbf16>, vector<256x512xbf16>, vector<1024x512xf32> -> vector<1024x512xf32>
    %get3A_179 = arith.constant 0 : index
    %get3A_180 = arith.constant 0 : index
    %get3A_181 = vector.load %arg5[%get3A_179, %get3A_180] : memref<1x512xf32, #tpu.memory_space<vmem>>, vector<1x512xf32>
    %add3A_182 = vector.broadcast %get3A_181 : vector<1x512xf32> to vector<1024x512xf32>
    %add3A_183 = arith.addf %dot_general3A_178, %add3A_182 : vector<1024x512xf32>
    %split3A_184 = vector.extract_strided_slice %add3A_183 {offsets = [0, 0], sizes = [1024, 128], strides = [1, 1]} : vector<1024x512xf32> to vector<1024x128xf32>
    %split3A_185 = vector.extract_strided_slice %add3A_183 {offsets = [0, 128], sizes = [1024, 128], strides = [1, 1]} : vector<1024x512xf32> to vector<1024x128xf32>
    %split3A_186 = vector.extract_strided_slice %add3A_183 {offsets = [0, 256], sizes = [1024, 128], strides = [1, 1]} : vector<1024x512xf32> to vector<1024x128xf32>
    %split3A_187 = vector.extract_strided_slice %add3A_183 {offsets = [0, 384], sizes = [1024, 128], strides = [1, 1]} : vector<1024x512xf32> to vector<1024x128xf32>
    %tanh3A_188 = math.tanh %split3A_184 : vector<1024x128xf32>
    %tanh3A_189 = math.tanh %split3A_185 : vector<1024x128xf32>
    %tanh3A_190 = math.tanh %split3A_186 : vector<1024x128xf32>
    %tanh3A_191 = math.tanh %split3A_187 : vector<1024x128xf32>
    %add3A_192 = arith.constant 1.000000e+00 : f32
    %add3A_193 = vector.broadcast %add3A_192 : f32 to vector<1024x128xf32>
    %add3A_194 = arith.addf %add3A_193, %tanh3A_189 : vector<1024x128xf32>
    %mul3A_195 = arith.mulf %add3A_194, %mul3A_123 : vector<1024x128xf32>
    %add3A_196 = arith.constant 1.000000e+00 : f32
    %add3A_197 = vector.broadcast %add3A_196 : f32 to vector<1024x128xf32>
    %add3A_198 = arith.addf %add3A_197, %tanh3A_188 : vector<1024x128xf32>
    %mul3A_199 = arith.mulf %add3A_198, %tanh3A_190 : vector<1024x128xf32>
    %add3A_200 = arith.addf %mul3A_195, %mul3A_199 : vector<1024x128xf32>
    %mul3A_201 = arith.constant 5.000000e-01 : f32
    %mul3A_202 = vector.broadcast %mul3A_201 : f32 to vector<1024x128xf32>
    %mul3A_203 = arith.mulf %mul3A_202, %add3A_200 : vector<1024x128xf32>
    %add3A_204 = arith.constant 1.000000e+00 : f32
    %add3A_205 = vector.broadcast %add3A_204 : f32 to vector<1024x128xf32>
    %add3A_206 = arith.addf %add3A_205, %tanh3A_191 : vector<1024x128xf32>
    %tanh3A_207 = math.tanh %mul3A_203 : vector<1024x128xf32>
    %mul3A_208 = arith.mulf %add3A_206, %tanh3A_207 : vector<1024x128xf32>
    %concatenate3A_209 = tpu.concatenate %convert_element_type3A_172, %convert_element_type3A_165 in 1 : vector<1024x128xbf16>, vector<1024x128xbf16> -> vector<1024x256xbf16>
    %get3A_210 = arith.constant 0 : index
    %get3A_211 = arith.constant 0 : index
    %get3A_212 = vector.load %arg2[%get3A_210, %get3A_211] : memref<256x512xbf16, #tpu.memory_space<vmem>>, vector<256x512xbf16>
    %dot_general3A_213 = arith.constant dense<0.000000e+00> : vector<1024x512xf32>
    %dot_general3A_214 = tpu.matmul %concatenate3A_209, %get3A_212, %dot_general3A_213 {dimension_numbers = #tpu.dot_dimension_numbers<[1], [0], [0], [1], [0, 0, 1, 1], [], []>, transpose_lhs_hint = false} : vector<1024x256xbf16>, vector<256x512xbf16>, vector<1024x512xf32> -> vector<1024x512xf32>
    %get3A_215 = arith.constant 0 : index
    %get3A_216 = arith.constant 0 : index
    %get3A_217 = vector.load %arg4[%get3A_215, %get3A_216] : memref<1x512xf32, #tpu.memory_space<vmem>>, vector<1x512xf32>
    %add3A_218 = vector.broadcast %get3A_217 : vector<1x512xf32> to vector<1024x512xf32>
    %add3A_219 = arith.addf %dot_general3A_214, %add3A_218 : vector<1024x512xf32>
    %split3A_220 = vector.extract_strided_slice %add3A_219 {offsets = [0, 0], sizes = [1024, 128], strides = [1, 1]} : vector<1024x512xf32> to vector<1024x128xf32>
    %split3A_221 = vector.extract_strided_slice %add3A_219 {offsets = [0, 128], sizes = [1024, 128], strides = [1, 1]} : vector<1024x512xf32> to vector<1024x128xf32>
    %split3A_222 = vector.extract_strided_slice %add3A_219 {offsets = [0, 256], sizes = [1024, 128], strides = [1, 1]} : vector<1024x512xf32> to vector<1024x128xf32>
    %split3A_223 = vector.extract_strided_slice %add3A_219 {offsets = [0, 384], sizes = [1024, 128], strides = [1, 1]} : vector<1024x512xf32> to vector<1024x128xf32>
    %tanh3A_224 = math.tanh %split3A_220 : vector<1024x128xf32>
    %tanh3A_225 = math.tanh %split3A_221 : vector<1024x128xf32>
    %tanh3A_226 = math.tanh %split3A_222 : vector<1024x128xf32>
    %tanh3A_227 = math.tanh %split3A_223 : vector<1024x128xf32>
    %add3A_228 = arith.constant 1.000000e+00 : f32
    %add3A_229 = vector.broadcast %add3A_228 : f32 to vector<1024x128xf32>
    %add3A_230 = arith.addf %add3A_229, %tanh3A_225 : vector<1024x128xf32>
    %mul3A_231 = arith.mulf %add3A_230, %mul3A_159 : vector<1024x128xf32>
    %add3A_232 = arith.constant 1.000000e+00 : f32
    %add3A_233 = vector.broadcast %add3A_232 : f32 to vector<1024x128xf32>
    %add3A_234 = arith.addf %add3A_233, %tanh3A_224 : vector<1024x128xf32>
    %mul3A_235 = arith.mulf %add3A_234, %tanh3A_226 : vector<1024x128xf32>
    %add3A_236 = arith.addf %mul3A_231, %mul3A_235 : vector<1024x128xf32>
    %mul3A_237 = arith.constant 5.000000e-01 : f32
    %mul3A_238 = vector.broadcast %mul3A_237 : f32 to vector<1024x128xf32>
    %mul3A_239 = arith.mulf %mul3A_238, %add3A_236 : vector<1024x128xf32>
    %add3A_240 = arith.constant 1.000000e+00 : f32
    %add3A_241 = vector.broadcast %add3A_240 : f32 to vector<1024x128xf32>
    %add3A_242 = arith.addf %add3A_241, %tanh3A_227 : vector<1024x128xf32>
    %tanh3A_243 = math.tanh %mul3A_239 : vector<1024x128xf32>
    %mul3A_244 = arith.mulf %add3A_242, %tanh3A_243 : vector<1024x128xf32>
    %convert_element_type3A_245 = arith.truncf %mul3A_244 : vector<1024x128xf32> to vector<1024x128xbf16>
    %convert_element_type3A_246 = arith.truncf %mul3A_208 : vector<1024x128xf32> to vector<1024x128xbf16>
    %get3A_247 = arith.constant 3 : index
    %get3A_248 = arith.constant 0 : index
    %get3A_249 = arith.constant 0 : index
    %get3A_250 = vector.load %arg1[%get3A_247, %get3A_248, %get3A_249] : memref<8x1024x128xf32, #tpu.memory_space<vmem>>, vector<1x1024x128xf32>
    %get3A_251 = vector.shape_cast %get3A_250 : vector<1x1024x128xf32> to vector<1024x128xf32>
    %convert_element_type3A_252 = arith.truncf %get3A_251 : vector<1024x128xf32> to vector<1024x128xbf16>
    %concatenate3A_253 = tpu.concatenate %convert_element_type3A_245, %convert_element_type3A_246 in 1 : vector<1024x128xbf16>, vector<1024x128xbf16> -> vector<1024x256xbf16>
    %get3A_254 = arith.constant 0 : index
    %get3A_255 = arith.constant 0 : index
    %get3A_256 = vector.load %arg3[%get3A_254, %get3A_255] : memref<256x512xbf16, #tpu.memory_space<vmem>>, vector<256x512xbf16>
    %dot_general3A_257 = arith.constant dense<0.000000e+00> : vector<1024x512xf32>
    %dot_general3A_258 = tpu.matmul %concatenate3A_253, %get3A_256, %dot_general3A_257 {dimension_numbers = #tpu.dot_dimension_numbers<[1], [0], [0], [1], [0, 0, 1, 1], [], []>, transpose_lhs_hint = false} : vector<1024x256xbf16>, vector<256x512xbf16>, vector<1024x512xf32> -> vector<1024x512xf32>
    %get3A_259 = arith.constant 0 : index
    %get3A_260 = arith.constant 0 : index
    %get3A_261 = vector.load %arg5[%get3A_259, %get3A_260] : memref<1x512xf32, #tpu.memory_space<vmem>>, vector<1x512xf32>
    %add3A_262 = vector.broadcast %get3A_261 : vector<1x512xf32> to vector<1024x512xf32>
    %add3A_263 = arith.addf %dot_general3A_258, %add3A_262 : vector<1024x512xf32>
    %split3A_264 = vector.extract_strided_slice %add3A_263 {offsets = [0, 0], sizes = [1024, 128], strides = [1, 1]} : vector<1024x512xf32> to vector<1024x128xf32>
    %split3A_265 = vector.extract_strided_slice %add3A_263 {offsets = [0, 128], sizes = [1024, 128], strides = [1, 1]} : vector<1024x512xf32> to vector<1024x128xf32>
    %split3A_266 = vector.extract_strided_slice %add3A_263 {offsets = [0, 256], sizes = [1024, 128], strides = [1, 1]} : vector<1024x512xf32> to vector<1024x128xf32>
    %split3A_267 = vector.extract_strided_slice %add3A_263 {offsets = [0, 384], sizes = [1024, 128], strides = [1, 1]} : vector<1024x512xf32> to vector<1024x128xf32>
    %tanh3A_268 = math.tanh %split3A_264 : vector<1024x128xf32>
    %tanh3A_269 = math.tanh %split3A_265 : vector<1024x128xf32>
    %tanh3A_270 = math.tanh %split3A_266 : vector<1024x128xf32>
    %tanh3A_271 = math.tanh %split3A_267 : vector<1024x128xf32>
    %add3A_272 = arith.constant 1.000000e+00 : f32
    %add3A_273 = vector.broadcast %add3A_272 : f32 to vector<1024x128xf32>
    %add3A_274 = arith.addf %add3A_273, %tanh3A_269 : vector<1024x128xf32>
    %mul3A_275 = arith.mulf %add3A_274, %mul3A_203 : vector<1024x128xf32>
    %add3A_276 = arith.constant 1.000000e+00 : f32
    %add3A_277 = vector.broadcast %add3A_276 : f32 to vector<1024x128xf32>
    %add3A_278 = arith.addf %add3A_277, %tanh3A_268 : vector<1024x128xf32>
    %mul3A_279 = arith.mulf %add3A_278, %tanh3A_270 : vector<1024x128xf32>
    %add3A_280 = arith.addf %mul3A_275, %mul3A_279 : vector<1024x128xf32>
    %mul3A_281 = arith.constant 5.000000e-01 : f32
    %mul3A_282 = vector.broadcast %mul3A_281 : f32 to vector<1024x128xf32>
    %mul3A_283 = arith.mulf %mul3A_282, %add3A_280 : vector<1024x128xf32>
    %add3A_284 = arith.constant 1.000000e+00 : f32
    %add3A_285 = vector.broadcast %add3A_284 : f32 to vector<1024x128xf32>
    %add3A_286 = arith.addf %add3A_285, %tanh3A_271 : vector<1024x128xf32>
    %tanh3A_287 = math.tanh %mul3A_283 : vector<1024x128xf32>
    %mul3A_288 = arith.mulf %add3A_286, %tanh3A_287 : vector<1024x128xf32>
    %concatenate3A_289 = tpu.concatenate %convert_element_type3A_252, %convert_element_type3A_245 in 1 : vector<1024x128xbf16>, vector<1024x128xbf16> -> vector<1024x256xbf16>
    %get3A_290 = arith.constant 0 : index
    %get3A_291 = arith.constant 0 : index
    %get3A_292 = vector.load %arg2[%get3A_290, %get3A_291] : memref<256x512xbf16, #tpu.memory_space<vmem>>, vector<256x512xbf16>
    %dot_general3A_293 = arith.constant dense<0.000000e+00> : vector<1024x512xf32>
    %dot_general3A_294 = tpu.matmul %concatenate3A_289, %get3A_292, %dot_general3A_293 {dimension_numbers = #tpu.dot_dimension_numbers<[1], [0], [0], [1], [0, 0, 1, 1], [], []>, transpose_lhs_hint = false} : vector<1024x256xbf16>, vector<256x512xbf16>, vector<1024x512xf32> -> vector<1024x512xf32>
    %get3A_295 = arith.constant 0 : index
    %get3A_296 = arith.constant 0 : index
    %get3A_297 = vector.load %arg4[%get3A_295, %get3A_296] : memref<1x512xf32, #tpu.memory_space<vmem>>, vector<1x512xf32>
    %add3A_298 = vector.broadcast %get3A_297 : vector<1x512xf32> to vector<1024x512xf32>
    %add3A_299 = arith.addf %dot_general3A_294, %add3A_298 : vector<1024x512xf32>
    %split3A_300 = vector.extract_strided_slice %add3A_299 {offsets = [0, 0], sizes = [1024, 128], strides = [1, 1]} : vector<1024x512xf32> to vector<1024x128xf32>
    %split3A_301 = vector.extract_strided_slice %add3A_299 {offsets = [0, 128], sizes = [1024, 128], strides = [1, 1]} : vector<1024x512xf32> to vector<1024x128xf32>
    %split3A_302 = vector.extract_strided_slice %add3A_299 {offsets = [0, 256], sizes = [1024, 128], strides = [1, 1]} : vector<1024x512xf32> to vector<1024x128xf32>
    %split3A_303 = vector.extract_strided_slice %add3A_299 {offsets = [0, 384], sizes = [1024, 128], strides = [1, 1]} : vector<1024x512xf32> to vector<1024x128xf32>
    %tanh3A_304 = math.tanh %split3A_300 : vector<1024x128xf32>
    %tanh3A_305 = math.tanh %split3A_301 : vector<1024x128xf32>
    %tanh3A_306 = math.tanh %split3A_302 : vector<1024x128xf32>
    %tanh3A_307 = math.tanh %split3A_303 : vector<1024x128xf32>
    %add3A_308 = arith.constant 1.000000e+00 : f32
    %add3A_309 = vector.broadcast %add3A_308 : f32 to vector<1024x128xf32>
    %add3A_310 = arith.addf %add3A_309, %tanh3A_305 : vector<1024x128xf32>
    %mul3A_311 = arith.mulf %add3A_310, %mul3A_239 : vector<1024x128xf32>
    %add3A_312 = arith.constant 1.000000e+00 : f32
    %add3A_313 = vector.broadcast %add3A_312 : f32 to vector<1024x128xf32>
    %add3A_314 = arith.addf %add3A_313, %tanh3A_304 : vector<1024x128xf32>
    %mul3A_315 = arith.mulf %add3A_314, %tanh3A_306 : vector<1024x128xf32>
    %add3A_316 = arith.addf %mul3A_311, %mul3A_315 : vector<1024x128xf32>
    %mul3A_317 = arith.constant 5.000000e-01 : f32
    %mul3A_318 = vector.broadcast %mul3A_317 : f32 to vector<1024x128xf32>
    %mul3A_319 = arith.mulf %mul3A_318, %add3A_316 : vector<1024x128xf32>
    %add3A_320 = arith.constant 1.000000e+00 : f32
    %add3A_321 = vector.broadcast %add3A_320 : f32 to vector<1024x128xf32>
    %add3A_322 = arith.addf %add3A_321, %tanh3A_307 : vector<1024x128xf32>
    %tanh3A_323 = math.tanh %mul3A_319 : vector<1024x128xf32>
    %mul3A_324 = arith.mulf %add3A_322, %tanh3A_323 : vector<1024x128xf32>
    %convert_element_type3A_325 = arith.truncf %mul3A_324 : vector<1024x128xf32> to vector<1024x128xbf16>
    %convert_element_type3A_326 = arith.truncf %mul3A_288 : vector<1024x128xf32> to vector<1024x128xbf16>
    %get3A_327 = arith.constant 4 : index
    %get3A_328 = arith.constant 0 : index
    %get3A_329 = arith.constant 0 : index
    %get3A_330 = vector.load %arg1[%get3A_327, %get3A_328, %get3A_329] : memref<8x1024x128xf32, #tpu.memory_space<vmem>>, vector<1x1024x128xf32>
    %get3A_331 = vector.shape_cast %get3A_330 : vector<1x1024x128xf32> to vector<1024x128xf32>
    %convert_element_type3A_332 = arith.truncf %get3A_331 : vector<1024x128xf32> to vector<1024x128xbf16>
    %concatenate3A_333 = tpu.concatenate %convert_element_type3A_325, %convert_element_type3A_326 in 1 : vector<1024x128xbf16>, vector<1024x128xbf16> -> vector<1024x256xbf16>
    %get3A_334 = arith.constant 0 : index
    %get3A_335 = arith.constant 0 : index
    %get3A_336 = vector.load %arg3[%get3A_334, %get3A_335] : memref<256x512xbf16, #tpu.memory_space<vmem>>, vector<256x512xbf16>
    %dot_general3A_337 = arith.constant dense<0.000000e+00> : vector<1024x512xf32>
    %dot_general3A_338 = tpu.matmul %concatenate3A_333, %get3A_336, %dot_general3A_337 {dimension_numbers = #tpu.dot_dimension_numbers<[1], [0], [0], [1], [0, 0, 1, 1], [], []>, transpose_lhs_hint = false} : vector<1024x256xbf16>, vector<256x512xbf16>, vector<1024x512xf32> -> vector<1024x512xf32>
    %get3A_339 = arith.constant 0 : index
    %get3A_340 = arith.constant 0 : index
    %get3A_341 = vector.load %arg5[%get3A_339, %get3A_340] : memref<1x512xf32, #tpu.memory_space<vmem>>, vector<1x512xf32>
    %add3A_342 = vector.broadcast %get3A_341 : vector<1x512xf32> to vector<1024x512xf32>
    %add3A_343 = arith.addf %dot_general3A_338, %add3A_342 : vector<1024x512xf32>
    %split3A_344 = vector.extract_strided_slice %add3A_343 {offsets = [0, 0], sizes = [1024, 128], strides = [1, 1]} : vector<1024x512xf32> to vector<1024x128xf32>
    %split3A_345 = vector.extract_strided_slice %add3A_343 {offsets = [0, 128], sizes = [1024, 128], strides = [1, 1]} : vector<1024x512xf32> to vector<1024x128xf32>
    %split3A_346 = vector.extract_strided_slice %add3A_343 {offsets = [0, 256], sizes = [1024, 128], strides = [1, 1]} : vector<1024x512xf32> to vector<1024x128xf32>
    %split3A_347 = vector.extract_strided_slice %add3A_343 {offsets = [0, 384], sizes = [1024, 128], strides = [1, 1]} : vector<1024x512xf32> to vector<1024x128xf32>
    %tanh3A_348 = math.tanh %split3A_344 : vector<1024x128xf32>
    %tanh3A_349 = math.tanh %split3A_345 : vector<1024x128xf32>
    %tanh3A_350 = math.tanh %split3A_346 : vector<1024x128xf32>
    %tanh3A_351 = math.tanh %split3A_347 : vector<1024x128xf32>
    %add3A_352 = arith.constant 1.000000e+00 : f32
    %add3A_353 = vector.broadcast %add3A_352 : f32 to vector<1024x128xf32>
    %add3A_354 = arith.addf %add3A_353, %tanh3A_349 : vector<1024x128xf32>
    %mul3A_355 = arith.mulf %add3A_354, %mul3A_283 : vector<1024x128xf32>
    %add3A_356 = arith.constant 1.000000e+00 : f32
    %add3A_357 = vector.broadcast %add3A_356 : f32 to vector<1024x128xf32>
    %add3A_358 = arith.addf %add3A_357, %tanh3A_348 : vector<1024x128xf32>
    %mul3A_359 = arith.mulf %add3A_358, %tanh3A_350 : vector<1024x128xf32>
    %add3A_360 = arith.addf %mul3A_355, %mul3A_359 : vector<1024x128xf32>
    %mul3A_361 = arith.constant 5.000000e-01 : f32
    %mul3A_362 = vector.broadcast %mul3A_361 : f32 to vector<1024x128xf32>
    %mul3A_363 = arith.mulf %mul3A_362, %add3A_360 : vector<1024x128xf32>
    %add3A_364 = arith.constant 1.000000e+00 : f32
    %add3A_365 = vector.broadcast %add3A_364 : f32 to vector<1024x128xf32>
    %add3A_366 = arith.addf %add3A_365, %tanh3A_351 : vector<1024x128xf32>
    %tanh3A_367 = math.tanh %mul3A_363 : vector<1024x128xf32>
    %mul3A_368 = arith.mulf %add3A_366, %tanh3A_367 : vector<1024x128xf32>
    %concatenate3A_369 = tpu.concatenate %convert_element_type3A_332, %convert_element_type3A_325 in 1 : vector<1024x128xbf16>, vector<1024x128xbf16> -> vector<1024x256xbf16>
    %get3A_370 = arith.constant 0 : index
    %get3A_371 = arith.constant 0 : index
    %get3A_372 = vector.load %arg2[%get3A_370, %get3A_371] : memref<256x512xbf16, #tpu.memory_space<vmem>>, vector<256x512xbf16>
    %dot_general3A_373 = arith.constant dense<0.000000e+00> : vector<1024x512xf32>
    %dot_general3A_374 = tpu.matmul %concatenate3A_369, %get3A_372, %dot_general3A_373 {dimension_numbers = #tpu.dot_dimension_numbers<[1], [0], [0], [1], [0, 0, 1, 1], [], []>, transpose_lhs_hint = false} : vector<1024x256xbf16>, vector<256x512xbf16>, vector<1024x512xf32> -> vector<1024x512xf32>
    %get3A_375 = arith.constant 0 : index
    %get3A_376 = arith.constant 0 : index
    %get3A_377 = vector.load %arg4[%get3A_375, %get3A_376] : memref<1x512xf32, #tpu.memory_space<vmem>>, vector<1x512xf32>
    %add3A_378 = vector.broadcast %get3A_377 : vector<1x512xf32> to vector<1024x512xf32>
    %add3A_379 = arith.addf %dot_general3A_374, %add3A_378 : vector<1024x512xf32>
    %split3A_380 = vector.extract_strided_slice %add3A_379 {offsets = [0, 0], sizes = [1024, 128], strides = [1, 1]} : vector<1024x512xf32> to vector<1024x128xf32>
    %split3A_381 = vector.extract_strided_slice %add3A_379 {offsets = [0, 128], sizes = [1024, 128], strides = [1, 1]} : vector<1024x512xf32> to vector<1024x128xf32>
    %split3A_382 = vector.extract_strided_slice %add3A_379 {offsets = [0, 256], sizes = [1024, 128], strides = [1, 1]} : vector<1024x512xf32> to vector<1024x128xf32>
    %split3A_383 = vector.extract_strided_slice %add3A_379 {offsets = [0, 384], sizes = [1024, 128], strides = [1, 1]} : vector<1024x512xf32> to vector<1024x128xf32>
    %tanh3A_384 = math.tanh %split3A_380 : vector<1024x128xf32>
    %tanh3A_385 = math.tanh %split3A_381 : vector<1024x128xf32>
    %tanh3A_386 = math.tanh %split3A_382 : vector<1024x128xf32>
    %tanh3A_387 = math.tanh %split3A_383 : vector<1024x128xf32>
    %add3A_388 = arith.constant 1.000000e+00 : f32
    %add3A_389 = vector.broadcast %add3A_388 : f32 to vector<1024x128xf32>
    %add3A_390 = arith.addf %add3A_389, %tanh3A_385 : vector<1024x128xf32>
    %mul3A_391 = arith.mulf %add3A_390, %mul3A_319 : vector<1024x128xf32>
    %add3A_392 = arith.constant 1.000000e+00 : f32
    %add3A_393 = vector.broadcast %add3A_392 : f32 to vector<1024x128xf32>
    %add3A_394 = arith.addf %add3A_393, %tanh3A_384 : vector<1024x128xf32>
    %mul3A_395 = arith.mulf %add3A_394, %tanh3A_386 : vector<1024x128xf32>
    %add3A_396 = arith.addf %mul3A_391, %mul3A_395 : vector<1024x128xf32>
    %mul3A_397 = arith.constant 5.000000e-01 : f32
    %mul3A_398 = vector.broadcast %mul3A_397 : f32 to vector<1024x128xf32>
    %mul3A_399 = arith.mulf %mul3A_398, %add3A_396 : vector<1024x128xf32>
    %add3A_400 = arith.constant 1.000000e+00 : f32
    %add3A_401 = vector.broadcast %add3A_400 : f32 to vector<1024x128xf32>
    %add3A_402 = arith.addf %add3A_401, %tanh3A_387 : vector<1024x128xf32>
    %tanh3A_403 = math.tanh %mul3A_399 : vector<1024x128xf32>
    %mul3A_404 = arith.mulf %add3A_402, %tanh3A_403 : vector<1024x128xf32>
    %convert_element_type3A_405 = arith.truncf %mul3A_404 : vector<1024x128xf32> to vector<1024x128xbf16>
    %convert_element_type3A_406 = arith.truncf %mul3A_368 : vector<1024x128xf32> to vector<1024x128xbf16>
    %get3A_407 = arith.constant 5 : index
    %get3A_408 = arith.constant 0 : index
    %get3A_409 = arith.constant 0 : index
    %get3A_410 = vector.load %arg1[%get3A_407, %get3A_408, %get3A_409] : memref<8x1024x128xf32, #tpu.memory_space<vmem>>, vector<1x1024x128xf32>
    %get3A_411 = vector.shape_cast %get3A_410 : vector<1x1024x128xf32> to vector<1024x128xf32>
    %convert_element_type3A_412 = arith.truncf %get3A_411 : vector<1024x128xf32> to vector<1024x128xbf16>
    %concatenate3A_413 = tpu.concatenate %convert_element_type3A_405, %convert_element_type3A_406 in 1 : vector<1024x128xbf16>, vector<1024x128xbf16> -> vector<1024x256xbf16>
    %get3A_414 = arith.constant 0 : index
    %get3A_415 = arith.constant 0 : index
    %get3A_416 = vector.load %arg3[%get3A_414, %get3A_415] : memref<256x512xbf16, #tpu.memory_space<vmem>>, vector<256x512xbf16>
    %dot_general3A_417 = arith.constant dense<0.000000e+00> : vector<1024x512xf32>
    %dot_general3A_418 = tpu.matmul %concatenate3A_413, %get3A_416, %dot_general3A_417 {dimension_numbers = #tpu.dot_dimension_numbers<[1], [0], [0], [1], [0, 0, 1, 1], [], []>, transpose_lhs_hint = false} : vector<1024x256xbf16>, vector<256x512xbf16>, vector<1024x512xf32> -> vector<1024x512xf32>
    %get3A_419 = arith.constant 0 : index
    %get3A_420 = arith.constant 0 : index
    %get3A_421 = vector.load %arg5[%get3A_419, %get3A_420] : memref<1x512xf32, #tpu.memory_space<vmem>>, vector<1x512xf32>
    %add3A_422 = vector.broadcast %get3A_421 : vector<1x512xf32> to vector<1024x512xf32>
    %add3A_423 = arith.addf %dot_general3A_418, %add3A_422 : vector<1024x512xf32>
    %split3A_424 = vector.extract_strided_slice %add3A_423 {offsets = [0, 0], sizes = [1024, 128], strides = [1, 1]} : vector<1024x512xf32> to vector<1024x128xf32>
    %split3A_425 = vector.extract_strided_slice %add3A_423 {offsets = [0, 128], sizes = [1024, 128], strides = [1, 1]} : vector<1024x512xf32> to vector<1024x128xf32>
    %split3A_426 = vector.extract_strided_slice %add3A_423 {offsets = [0, 256], sizes = [1024, 128], strides = [1, 1]} : vector<1024x512xf32> to vector<1024x128xf32>
    %split3A_427 = vector.extract_strided_slice %add3A_423 {offsets = [0, 384], sizes = [1024, 128], strides = [1, 1]} : vector<1024x512xf32> to vector<1024x128xf32>
    %tanh3A_428 = math.tanh %split3A_424 : vector<1024x128xf32>
    %tanh3A_429 = math.tanh %split3A_425 : vector<1024x128xf32>
    %tanh3A_430 = math.tanh %split3A_426 : vector<1024x128xf32>
    %tanh3A_431 = math.tanh %split3A_427 : vector<1024x128xf32>
    %add3A_432 = arith.constant 1.000000e+00 : f32
    %add3A_433 = vector.broadcast %add3A_432 : f32 to vector<1024x128xf32>
    %add3A_434 = arith.addf %add3A_433, %tanh3A_429 : vector<1024x128xf32>
    %mul3A_435 = arith.mulf %add3A_434, %mul3A_363 : vector<1024x128xf32>
    %add3A_436 = arith.constant 1.000000e+00 : f32
    %add3A_437 = vector.broadcast %add3A_436 : f32 to vector<1024x128xf32>
    %add3A_438 = arith.addf %add3A_437, %tanh3A_428 : vector<1024x128xf32>
    %mul3A_439 = arith.mulf %add3A_438, %tanh3A_430 : vector<1024x128xf32>
    %add3A_440 = arith.addf %mul3A_435, %mul3A_439 : vector<1024x128xf32>
    %mul3A_441 = arith.constant 5.000000e-01 : f32
    %mul3A_442 = vector.broadcast %mul3A_441 : f32 to vector<1024x128xf32>
    %mul3A_443 = arith.mulf %mul3A_442, %add3A_440 : vector<1024x128xf32>
    %add3A_444 = arith.constant 1.000000e+00 : f32
    %add3A_445 = vector.broadcast %add3A_444 : f32 to vector<1024x128xf32>
    %add3A_446 = arith.addf %add3A_445, %tanh3A_431 : vector<1024x128xf32>
    %tanh3A_447 = math.tanh %mul3A_443 : vector<1024x128xf32>
    %mul3A_448 = arith.mulf %add3A_446, %tanh3A_447 : vector<1024x128xf32>
    %concatenate3A_449 = tpu.concatenate %convert_element_type3A_412, %convert_element_type3A_405 in 1 : vector<1024x128xbf16>, vector<1024x128xbf16> -> vector<1024x256xbf16>
    %get3A_450 = arith.constant 0 : index
    %get3A_451 = arith.constant 0 : index
    %get3A_452 = vector.load %arg2[%get3A_450, %get3A_451] : memref<256x512xbf16, #tpu.memory_space<vmem>>, vector<256x512xbf16>
    %dot_general3A_453 = arith.constant dense<0.000000e+00> : vector<1024x512xf32>
    %dot_general3A_454 = tpu.matmul %concatenate3A_449, %get3A_452, %dot_general3A_453 {dimension_numbers = #tpu.dot_dimension_numbers<[1], [0], [0], [1], [0, 0, 1, 1], [], []>, transpose_lhs_hint = false} : vector<1024x256xbf16>, vector<256x512xbf16>, vector<1024x512xf32> -> vector<1024x512xf32>
    %get3A_455 = arith.constant 0 : index
    %get3A_456 = arith.constant 0 : index
    %get3A_457 = vector.load %arg4[%get3A_455, %get3A_456] : memref<1x512xf32, #tpu.memory_space<vmem>>, vector<1x512xf32>
    %add3A_458 = vector.broadcast %get3A_457 : vector<1x512xf32> to vector<1024x512xf32>
    %add3A_459 = arith.addf %dot_general3A_454, %add3A_458 : vector<1024x512xf32>
    %split3A_460 = vector.extract_strided_slice %add3A_459 {offsets = [0, 0], sizes = [1024, 128], strides = [1, 1]} : vector<1024x512xf32> to vector<1024x128xf32>
    %split3A_461 = vector.extract_strided_slice %add3A_459 {offsets = [0, 128], sizes = [1024, 128], strides = [1, 1]} : vector<1024x512xf32> to vector<1024x128xf32>
    %split3A_462 = vector.extract_strided_slice %add3A_459 {offsets = [0, 256], sizes = [1024, 128], strides = [1, 1]} : vector<1024x512xf32> to vector<1024x128xf32>
    %split3A_463 = vector.extract_strided_slice %add3A_459 {offsets = [0, 384], sizes = [1024, 128], strides = [1, 1]} : vector<1024x512xf32> to vector<1024x128xf32>
    %tanh3A_464 = math.tanh %split3A_460 : vector<1024x128xf32>
    %tanh3A_465 = math.tanh %split3A_461 : vector<1024x128xf32>
    %tanh3A_466 = math.tanh %split3A_462 : vector<1024x128xf32>
    %tanh3A_467 = math.tanh %split3A_463 : vector<1024x128xf32>
    %add3A_468 = arith.constant 1.000000e+00 : f32
    %add3A_469 = vector.broadcast %add3A_468 : f32 to vector<1024x128xf32>
    %add3A_470 = arith.addf %add3A_469, %tanh3A_465 : vector<1024x128xf32>
    %mul3A_471 = arith.mulf %add3A_470, %mul3A_399 : vector<1024x128xf32>
    %add3A_472 = arith.constant 1.000000e+00 : f32
    %add3A_473 = vector.broadcast %add3A_472 : f32 to vector<1024x128xf32>
    %add3A_474 = arith.addf %add3A_473, %tanh3A_464 : vector<1024x128xf32>
    %mul3A_475 = arith.mulf %add3A_474, %tanh3A_466 : vector<1024x128xf32>
    %add3A_476 = arith.addf %mul3A_471, %mul3A_475 : vector<1024x128xf32>
    %mul3A_477 = arith.constant 5.000000e-01 : f32
    %mul3A_478 = vector.broadcast %mul3A_477 : f32 to vector<1024x128xf32>
    %mul3A_479 = arith.mulf %mul3A_478, %add3A_476 : vector<1024x128xf32>
    %add3A_480 = arith.constant 1.000000e+00 : f32
    %add3A_481 = vector.broadcast %add3A_480 : f32 to vector<1024x128xf32>
    %add3A_482 = arith.addf %add3A_481, %tanh3A_467 : vector<1024x128xf32>
    %tanh3A_483 = math.tanh %mul3A_479 : vector<1024x128xf32>
    %mul3A_484 = arith.mulf %add3A_482, %tanh3A_483 : vector<1024x128xf32>
    %convert_element_type3A_485 = arith.truncf %mul3A_484 : vector<1024x128xf32> to vector<1024x128xbf16>
    %convert_element_type3A_486 = arith.truncf %mul3A_448 : vector<1024x128xf32> to vector<1024x128xbf16>
    %get3A_487 = arith.constant 6 : index
    %get3A_488 = arith.constant 0 : index
    %get3A_489 = arith.constant 0 : index
    %get3A_490 = vector.load %arg1[%get3A_487, %get3A_488, %get3A_489] : memref<8x1024x128xf32, #tpu.memory_space<vmem>>, vector<1x1024x128xf32>
    %get3A_491 = vector.shape_cast %get3A_490 : vector<1x1024x128xf32> to vector<1024x128xf32>
    %convert_element_type3A_492 = arith.truncf %get3A_491 : vector<1024x128xf32> to vector<1024x128xbf16>
    %concatenate3A_493 = tpu.concatenate %convert_element_type3A_485, %convert_element_type3A_486 in 1 : vector<1024x128xbf16>, vector<1024x128xbf16> -> vector<1024x256xbf16>
    %get3A_494 = arith.constant 0 : index
    %get3A_495 = arith.constant 0 : index
    %get3A_496 = vector.load %arg3[%get3A_494, %get3A_495] : memref<256x512xbf16, #tpu.memory_space<vmem>>, vector<256x512xbf16>
    %dot_general3A_497 = arith.constant dense<0.000000e+00> : vector<1024x512xf32>
    %dot_general3A_498 = tpu.matmul %concatenate3A_493, %get3A_496, %dot_general3A_497 {dimension_numbers = #tpu.dot_dimension_numbers<[1], [0], [0], [1], [0, 0, 1, 1], [], []>, transpose_lhs_hint = false} : vector<1024x256xbf16>, vector<256x512xbf16>, vector<1024x512xf32> -> vector<1024x512xf32>
    %get3A_499 = arith.constant 0 : index
    %get3A_500 = arith.constant 0 : index
    %get3A_501 = vector.load %arg5[%get3A_499, %get3A_500] : memref<1x512xf32, #tpu.memory_space<vmem>>, vector<1x512xf32>
    %add3A_502 = vector.broadcast %get3A_501 : vector<1x512xf32> to vector<1024x512xf32>
    %add3A_503 = arith.addf %dot_general3A_498, %add3A_502 : vector<1024x512xf32>
    %split3A_504 = vector.extract_strided_slice %add3A_503 {offsets = [0, 0], sizes = [1024, 128], strides = [1, 1]} : vector<1024x512xf32> to vector<1024x128xf32>
    %split3A_505 = vector.extract_strided_slice %add3A_503 {offsets = [0, 128], sizes = [1024, 128], strides = [1, 1]} : vector<1024x512xf32> to vector<1024x128xf32>
    %split3A_506 = vector.extract_strided_slice %add3A_503 {offsets = [0, 256], sizes = [1024, 128], strides = [1, 1]} : vector<1024x512xf32> to vector<1024x128xf32>
    %split3A_507 = vector.extract_strided_slice %add3A_503 {offsets = [0, 384], sizes = [1024, 128], strides = [1, 1]} : vector<1024x512xf32> to vector<1024x128xf32>
    %tanh3A_508 = math.tanh %split3A_504 : vector<1024x128xf32>
    %tanh3A_509 = math.tanh %split3A_505 : vector<1024x128xf32>
    %tanh3A_510 = math.tanh %split3A_506 : vector<1024x128xf32>
    %tanh3A_511 = math.tanh %split3A_507 : vector<1024x128xf32>
    %add3A_512 = arith.constant 1.000000e+00 : f32
    %add3A_513 = vector.broadcast %add3A_512 : f32 to vector<1024x128xf32>
    %add3A_514 = arith.addf %add3A_513, %tanh3A_509 : vector<1024x128xf32>
    %mul3A_515 = arith.mulf %add3A_514, %mul3A_443 : vector<1024x128xf32>
    %add3A_516 = arith.constant 1.000000e+00 : f32
    %add3A_517 = vector.broadcast %add3A_516 : f32 to vector<1024x128xf32>
    %add3A_518 = arith.addf %add3A_517, %tanh3A_508 : vector<1024x128xf32>
    %mul3A_519 = arith.mulf %add3A_518, %tanh3A_510 : vector<1024x128xf32>
    %add3A_520 = arith.addf %mul3A_515, %mul3A_519 : vector<1024x128xf32>
    %mul3A_521 = arith.constant 5.000000e-01 : f32
    %mul3A_522 = vector.broadcast %mul3A_521 : f32 to vector<1024x128xf32>
    %mul3A_523 = arith.mulf %mul3A_522, %add3A_520 : vector<1024x128xf32>
    %add3A_524 = arith.constant 1.000000e+00 : f32
    %add3A_525 = vector.broadcast %add3A_524 : f32 to vector<1024x128xf32>
    %add3A_526 = arith.addf %add3A_525, %tanh3A_511 : vector<1024x128xf32>
    %tanh3A_527 = math.tanh %mul3A_523 : vector<1024x128xf32>
    %mul3A_528 = arith.mulf %add3A_526, %tanh3A_527 : vector<1024x128xf32>
    %concatenate3A_529 = tpu.concatenate %convert_element_type3A_492, %convert_element_type3A_485 in 1 : vector<1024x128xbf16>, vector<1024x128xbf16> -> vector<1024x256xbf16>
    %get3A_530 = arith.constant 0 : index
    %get3A_531 = arith.constant 0 : index
    %get3A_532 = vector.load %arg2[%get3A_530, %get3A_531] : memref<256x512xbf16, #tpu.memory_space<vmem>>, vector<256x512xbf16>
    %dot_general3A_533 = arith.constant dense<0.000000e+00> : vector<1024x512xf32>
    %dot_general3A_534 = tpu.matmul %concatenate3A_529, %get3A_532, %dot_general3A_533 {dimension_numbers = #tpu.dot_dimension_numbers<[1], [0], [0], [1], [0, 0, 1, 1], [], []>, transpose_lhs_hint = false} : vector<1024x256xbf16>, vector<256x512xbf16>, vector<1024x512xf32> -> vector<1024x512xf32>
    %get3A_535 = arith.constant 0 : index
    %get3A_536 = arith.constant 0 : index
    %get3A_537 = vector.load %arg4[%get3A_535, %get3A_536] : memref<1x512xf32, #tpu.memory_space<vmem>>, vector<1x512xf32>
    %add3A_538 = vector.broadcast %get3A_537 : vector<1x512xf32> to vector<1024x512xf32>
    %add3A_539 = arith.addf %dot_general3A_534, %add3A_538 : vector<1024x512xf32>
    %split3A_540 = vector.extract_strided_slice %add3A_539 {offsets = [0, 0], sizes = [1024, 128], strides = [1, 1]} : vector<1024x512xf32> to vector<1024x128xf32>
    %split3A_541 = vector.extract_strided_slice %add3A_539 {offsets = [0, 128], sizes = [1024, 128], strides = [1, 1]} : vector<1024x512xf32> to vector<1024x128xf32>
    %split3A_542 = vector.extract_strided_slice %add3A_539 {offsets = [0, 256], sizes = [1024, 128], strides = [1, 1]} : vector<1024x512xf32> to vector<1024x128xf32>
    %split3A_543 = vector.extract_strided_slice %add3A_539 {offsets = [0, 384], sizes = [1024, 128], strides = [1, 1]} : vector<1024x512xf32> to vector<1024x128xf32>
    %tanh3A_544 = math.tanh %split3A_540 : vector<1024x128xf32>
    %tanh3A_545 = math.tanh %split3A_541 : vector<1024x128xf32>
    %tanh3A_546 = math.tanh %split3A_542 : vector<1024x128xf32>
    %tanh3A_547 = math.tanh %split3A_543 : vector<1024x128xf32>
    %add3A_548 = arith.constant 1.000000e+00 : f32
    %add3A_549 = vector.broadcast %add3A_548 : f32 to vector<1024x128xf32>
    %add3A_550 = arith.addf %add3A_549, %tanh3A_545 : vector<1024x128xf32>
    %mul3A_551 = arith.mulf %add3A_550, %mul3A_479 : vector<1024x128xf32>
    %add3A_552 = arith.constant 1.000000e+00 : f32
    %add3A_553 = vector.broadcast %add3A_552 : f32 to vector<1024x128xf32>
    %add3A_554 = arith.addf %add3A_553, %tanh3A_544 : vector<1024x128xf32>
    %mul3A_555 = arith.mulf %add3A_554, %tanh3A_546 : vector<1024x128xf32>
    %add3A_556 = arith.addf %mul3A_551, %mul3A_555 : vector<1024x128xf32>
    %mul3A_557 = arith.constant 5.000000e-01 : f32
    %mul3A_558 = vector.broadcast %mul3A_557 : f32 to vector<1024x128xf32>
    %mul3A_559 = arith.mulf %mul3A_558, %add3A_556 : vector<1024x128xf32>
    %add3A_560 = arith.constant 1.000000e+00 : f32
    %add3A_561 = vector.broadcast %add3A_560 : f32 to vector<1024x128xf32>
    %add3A_562 = arith.addf %add3A_561, %tanh3A_547 : vector<1024x128xf32>
    %tanh3A_563 = math.tanh %mul3A_559 : vector<1024x128xf32>
    %mul3A_564 = arith.mulf %add3A_562, %tanh3A_563 : vector<1024x128xf32>
    %convert_element_type3A_565 = arith.truncf %mul3A_564 : vector<1024x128xf32> to vector<1024x128xbf16>
    %convert_element_type3A_566 = arith.truncf %mul3A_528 : vector<1024x128xf32> to vector<1024x128xbf16>
    %get3A_567 = arith.constant 7 : index
    %get3A_568 = arith.constant 0 : index
    %get3A_569 = arith.constant 0 : index
    %get3A_570 = vector.load %arg1[%get3A_567, %get3A_568, %get3A_569] : memref<8x1024x128xf32, #tpu.memory_space<vmem>>, vector<1x1024x128xf32>
    %get3A_571 = vector.shape_cast %get3A_570 : vector<1x1024x128xf32> to vector<1024x128xf32>
    %convert_element_type3A_572 = arith.truncf %get3A_571 : vector<1024x128xf32> to vector<1024x128xbf16>
    %concatenate3A_573 = tpu.concatenate %convert_element_type3A_565, %convert_element_type3A_566 in 1 : vector<1024x128xbf16>, vector<1024x128xbf16> -> vector<1024x256xbf16>
    %get3A_574 = arith.constant 0 : index
    %get3A_575 = arith.constant 0 : index
    %get3A_576 = vector.load %arg3[%get3A_574, %get3A_575] : memref<256x512xbf16, #tpu.memory_space<vmem>>, vector<256x512xbf16>
    %dot_general3A_577 = arith.constant dense<0.000000e+00> : vector<1024x512xf32>
    %dot_general3A_578 = tpu.matmul %concatenate3A_573, %get3A_576, %dot_general3A_577 {dimension_numbers = #tpu.dot_dimension_numbers<[1], [0], [0], [1], [0, 0, 1, 1], [], []>, transpose_lhs_hint = false} : vector<1024x256xbf16>, vector<256x512xbf16>, vector<1024x512xf32> -> vector<1024x512xf32>
    %get3A_579 = arith.constant 0 : index
    %get3A_580 = arith.constant 0 : index
    %get3A_581 = vector.load %arg5[%get3A_579, %get3A_580] : memref<1x512xf32, #tpu.memory_space<vmem>>, vector<1x512xf32>
    %add3A_582 = vector.broadcast %get3A_581 : vector<1x512xf32> to vector<1024x512xf32>
    %add3A_583 = arith.addf %dot_general3A_578, %add3A_582 : vector<1024x512xf32>
    %split3A_584 = vector.extract_strided_slice %add3A_583 {offsets = [0, 0], sizes = [1024, 128], strides = [1, 1]} : vector<1024x512xf32> to vector<1024x128xf32>
    %split3A_585 = vector.extract_strided_slice %add3A_583 {offsets = [0, 128], sizes = [1024, 128], strides = [1, 1]} : vector<1024x512xf32> to vector<1024x128xf32>
    %split3A_586 = vector.extract_strided_slice %add3A_583 {offsets = [0, 256], sizes = [1024, 128], strides = [1, 1]} : vector<1024x512xf32> to vector<1024x128xf32>
    %split3A_587 = vector.extract_strided_slice %add3A_583 {offsets = [0, 384], sizes = [1024, 128], strides = [1, 1]} : vector<1024x512xf32> to vector<1024x128xf32>
    %tanh3A_588 = math.tanh %split3A_584 : vector<1024x128xf32>
    %tanh3A_589 = math.tanh %split3A_585 : vector<1024x128xf32>
    %tanh3A_590 = math.tanh %split3A_586 : vector<1024x128xf32>
    %tanh3A_591 = math.tanh %split3A_587 : vector<1024x128xf32>
    %add3A_592 = arith.constant 1.000000e+00 : f32
    %add3A_593 = vector.broadcast %add3A_592 : f32 to vector<1024x128xf32>
    %add3A_594 = arith.addf %add3A_593, %tanh3A_589 : vector<1024x128xf32>
    %mul3A_595 = arith.mulf %add3A_594, %mul3A_523 : vector<1024x128xf32>
    %add3A_596 = arith.constant 1.000000e+00 : f32
    %add3A_597 = vector.broadcast %add3A_596 : f32 to vector<1024x128xf32>
    %add3A_598 = arith.addf %add3A_597, %tanh3A_588 : vector<1024x128xf32>
    %mul3A_599 = arith.mulf %add3A_598, %tanh3A_590 : vector<1024x128xf32>
    %add3A_600 = arith.addf %mul3A_595, %mul3A_599 : vector<1024x128xf32>
    %mul3A_601 = arith.constant 5.000000e-01 : f32
    %mul3A_602 = vector.broadcast %mul3A_601 : f32 to vector<1024x128xf32>
    %mul3A_603 = arith.mulf %mul3A_602, %add3A_600 : vector<1024x128xf32>
    %add3A_604 = arith.constant 1.000000e+00 : f32
    %add3A_605 = vector.broadcast %add3A_604 : f32 to vector<1024x128xf32>
    %add3A_606 = arith.addf %add3A_605, %tanh3A_591 : vector<1024x128xf32>
    %tanh3A_607 = math.tanh %mul3A_603 : vector<1024x128xf32>
    %mul3A_608 = arith.mulf %add3A_606, %tanh3A_607 : vector<1024x128xf32>
    %concatenate3A_609 = tpu.concatenate %convert_element_type3A_572, %convert_element_type3A_565 in 1 : vector<1024x128xbf16>, vector<1024x128xbf16> -> vector<1024x256xbf16>
    %get3A_610 = arith.constant 0 : index
    %get3A_611 = arith.constant 0 : index
    %get3A_612 = vector.load %arg2[%get3A_610, %get3A_611] : memref<256x512xbf16, #tpu.memory_space<vmem>>, vector<256x512xbf16>
    %dot_general3A_613 = arith.constant dense<0.000000e+00> : vector<1024x512xf32>
    %dot_general3A_614 = tpu.matmul %concatenate3A_609, %get3A_612, %dot_general3A_613 {dimension_numbers = #tpu.dot_dimension_numbers<[1], [0], [0], [1], [0, 0, 1, 1], [], []>, transpose_lhs_hint = false} : vector<1024x256xbf16>, vector<256x512xbf16>, vector<1024x512xf32> -> vector<1024x512xf32>
    %get3A_615 = arith.constant 0 : index
    %get3A_616 = arith.constant 0 : index
    %get3A_617 = vector.load %arg4[%get3A_615, %get3A_616] : memref<1x512xf32, #tpu.memory_space<vmem>>, vector<1x512xf32>
    %add3A_618 = vector.broadcast %get3A_617 : vector<1x512xf32> to vector<1024x512xf32>
    %add3A_619 = arith.addf %dot_general3A_614, %add3A_618 : vector<1024x512xf32>
    %split3A_620 = vector.extract_strided_slice %add3A_619 {offsets = [0, 0], sizes = [1024, 128], strides = [1, 1]} : vector<1024x512xf32> to vector<1024x128xf32>
    %split3A_621 = vector.extract_strided_slice %add3A_619 {offsets = [0, 128], sizes = [1024, 128], strides = [1, 1]} : vector<1024x512xf32> to vector<1024x128xf32>
    %split3A_622 = vector.extract_strided_slice %add3A_619 {offsets = [0, 256], sizes = [1024, 128], strides = [1, 1]} : vector<1024x512xf32> to vector<1024x128xf32>
    %split3A_623 = vector.extract_strided_slice %add3A_619 {offsets = [0, 384], sizes = [1024, 128], strides = [1, 1]} : vector<1024x512xf32> to vector<1024x128xf32>
    %tanh3A_624 = math.tanh %split3A_620 : vector<1024x128xf32>
    %tanh3A_625 = math.tanh %split3A_621 : vector<1024x128xf32>
    %tanh3A_626 = math.tanh %split3A_622 : vector<1024x128xf32>
    %tanh3A_627 = math.tanh %split3A_623 : vector<1024x128xf32>
    %add3A_628 = arith.constant 1.000000e+00 : f32
    %add3A_629 = vector.broadcast %add3A_628 : f32 to vector<1024x128xf32>
    %add3A_630 = arith.addf %add3A_629, %tanh3A_625 : vector<1024x128xf32>
    %mul3A_631 = arith.mulf %add3A_630, %mul3A_559 : vector<1024x128xf32>
    %add3A_632 = arith.constant 1.000000e+00 : f32
    %add3A_633 = vector.broadcast %add3A_632 : f32 to vector<1024x128xf32>
    %add3A_634 = arith.addf %add3A_633, %tanh3A_624 : vector<1024x128xf32>
    %mul3A_635 = arith.mulf %add3A_634, %tanh3A_626 : vector<1024x128xf32>
    %add3A_636 = arith.addf %mul3A_631, %mul3A_635 : vector<1024x128xf32>
    %mul3A_637 = arith.constant 5.000000e-01 : f32
    %mul3A_638 = vector.broadcast %mul3A_637 : f32 to vector<1024x128xf32>
    %mul3A_639 = arith.mulf %mul3A_638, %add3A_636 : vector<1024x128xf32>
    %add3A_640 = arith.constant 1.000000e+00 : f32
    %add3A_641 = vector.broadcast %add3A_640 : f32 to vector<1024x128xf32>
    %add3A_642 = arith.addf %add3A_641, %tanh3A_627 : vector<1024x128xf32>
    %tanh3A_643 = math.tanh %mul3A_639 : vector<1024x128xf32>
    %mul3A_644 = arith.mulf %add3A_642, %tanh3A_643 : vector<1024x128xf32>
    %convert_element_type3A_645 = arith.truncf %mul3A_644 : vector<1024x128xf32> to vector<1024x128xbf16>
    %convert_element_type3A_646 = arith.truncf %mul3A_608 : vector<1024x128xf32> to vector<1024x128xbf16>
    %swap3A = arith.constant 0 : index
    %swap3A_647 = arith.constant 0 : index
    %swap3A_648 = vector.load %arg14[%swap3A, %swap3A_647] : memref<1024x128xbf16, #tpu.memory_space<vmem>>, vector<1024x128xbf16>
    tpu.vector_store %arg14[%swap3A, %swap3A_647], %convert_element_type3A_645 {strides = array<i32>} : memref<1024x128xbf16, #tpu.memory_space<vmem>>, vector<1024x128xbf16>,
    %swap3A_649 = arith.constant 0 : index
    %swap3A_650 = arith.constant 0 : index
    %swap3A_651 = vector.load %arg15[%swap3A_649, %swap3A_650] : memref<1024x128xf32, #tpu.memory_space<vmem>>, vector<1024x128xf32>
    tpu.vector_store %arg15[%swap3A_649, %swap3A_650], %mul3A_639 {strides = array<i32>} : memref<1024x128xf32, #tpu.memory_space<vmem>>, vector<1024x128xf32>,
    %swap3A_652 = arith.constant 0 : index
    %swap3A_653 = arith.constant 0 : index
    %swap3A_654 = vector.load %arg16[%swap3A_652, %swap3A_653] : memref<1024x128xbf16, #tpu.memory_space<vmem>>, vector<1024x128xbf16>
    tpu.vector_store %arg16[%swap3A_652, %swap3A_653], %convert_element_type3A_646 {strides = array<i32>} : memref<1024x128xbf16, #tpu.memory_space<vmem>>, vector<1024x128xbf16>,
    %swap3A_655 = arith.constant 0 : index
    %swap3A_656 = arith.constant 0 : index
    %swap3A_657 = vector.load %arg17[%swap3A_655, %swap3A_656] : memref<1024x128xf32, #tpu.memory_space<vmem>>, vector<1024x128xf32>
    tpu.vector_store %arg17[%swap3A_655, %swap3A_656], %mul3A_603 {strides = array<i32>} : memref<1024x128xf32, #tpu.memory_space<vmem>>, vector<1024x128xf32>,
    %eq3A_658 = arith.constant 4 : i32
    %eq3A_659 = arith.cmpi eq, %arg0, %eq3A_658 : i32
    %convert_element_type3A_660 = arith.extui %eq3A_659 : i1 to i32
    %cond3A_661 = arith.constant 0 : i32
    %cond3A_662 = arith.cmpi ne, %convert_element_type3A_660, %cond3A_661 : i32
    scf.if %cond3A_662 {
      %swap3A_663 = arith.constant 0 : index
      %swap3A_664 = arith.constant 0 : index
      %swap3A_665 = vector.load %arg10[%swap3A_663, %swap3A_664] : memref<1024x128xbf16, #tpu.memory_space<vmem>>, vector<1024x128xbf16>
      tpu.vector_store %arg10[%swap3A_663, %swap3A_664], %convert_element_type3A_645 {strides = array<i32>} : memref<1024x128xbf16, #tpu.memory_space<vmem>>, vector<1024x128xbf16>,
      %swap3A_666 = arith.constant 0 : index
      %swap3A_667 = arith.constant 0 : index
      %swap3A_668 = vector.load %arg11[%swap3A_666, %swap3A_667] : memref<1024x128xf32, #tpu.memory_space<vmem>>, vector<1024x128xf32>
      tpu.vector_store %arg11[%swap3A_666, %swap3A_667], %mul3A_639 {strides = array<i32>} : memref<1024x128xf32, #tpu.memory_space<vmem>>, vector<1024x128xf32>,
      %swap3A_669 = arith.constant 0 : index
      %swap3A_670 = arith.constant 0 : index
      %swap3A_671 = vector.load %arg12[%swap3A_669, %swap3A_670] : memref<1024x128xbf16, #tpu.memory_space<vmem>>, vector<1024x128xbf16>
      tpu.vector_store %arg12[%swap3A_669, %swap3A_670], %convert_element_type3A_646 {strides = array<i32>} : memref<1024x128xbf16, #tpu.memory_space<vmem>>, vector<1024x128xbf16>,
      %swap3A_672 = arith.constant 0 : index
      %swap3A_673 = arith.constant 0 : index
      %swap3A_674 = vector.load %arg13[%swap3A_672, %swap3A_673] : memref<1024x128xf32, #tpu.memory_space<vmem>>, vector<1024x128xf32>
      tpu.vector_store %arg13[%swap3A_672, %swap3A_673], %mul3A_603 {strides = array<i32>} : memref<1024x128xf32, #tpu.memory_space<vmem>>, vector<1024x128xf32>,
    } else {
    }
    return
  }
  func.func @transform_0(%arg0: i32) -> (i32, i32, i32) {
    %c0_i32 = arith.constant 0 : i32
    %c0_i32_0 = arith.constant 0 : i32
    %c0_i32_1 = arith.constant 0 : i32
    return %arg0, %c0_i32, %c0_i32_0 : i32, i32, i32
  }
  func.func @transform_1(%arg0: i32) -> (i32, i32) {
    %c0_i32 = arith.constant 0 : i32
    %c0_i32_0 = arith.constant 0 : i32
    %c0_i32_1 = arith.constant 0 : i32
    return %c0_i32, %c0_i32_0 : i32, i32
  }
  func.func @transform_2(%arg0: i32) -> (i32, i32) {
    %c0_i32 = arith.constant 0 : i32
    %c0_i32_0 = arith.constant 0 : i32
    %c0_i32_1 = arith.constant 0 : i32
    return %c0_i32, %c0_i32_0 : i32, i32
  }
  func.func @transform_3(%arg0: i32) -> (i32, i32) {
    %c0_i32 = arith.constant 0 : i32
    %c0_i32_0 = arith.constant 0 : i32
    %c0_i32_1 = arith.constant 0 : i32
    return %c0_i32, %c0_i32_0 : i32, i32
  }
  func.func @transform_4(%arg0: i32) -> (i32, i32) {
    %c0_i32 = arith.constant 0 : i32
    %c0_i32_0 = arith.constant 0 : i32
    %c0_i32_1 = arith.constant 0 : i32
    return %c0_i32, %c0_i32_0 : i32, i32
  }
  func.func @transform_5(%arg0: i32) -> (i32, i32) {
    %c0_i32 = arith.constant 0 : i32
    %c0_i32_0 = arith.constant 0 : i32
    %c0_i32_1 = arith.constant 0 : i32
    return %c0_i32, %c0_i32_0 : i32, i32
  }
  func.func @transform_6(%arg0: i32) -> (i32, i32) {
    %c0_i32 = arith.constant 0 : i32
    %c0_i32_0 = arith.constant 0 : i32
    %c0_i32_1 = arith.constant 0 : i32
    return %c0_i32, %c0_i32_0 : i32, i32
  }
  func.func @transform_7(%arg0: i32) -> (i32, i32) {
    %c0_i32 = arith.constant 0 : i32
    %c0_i32_0 = arith.constant 0 : i32
    %c0_i32_1 = arith.constant 0 : i32
    return %c0_i32, %c0_i32_0 : i32, i32
  }
  func.func @transform_8(%arg0: i32) -> (i32, i32) {
    %c0_i32 = arith.constant 0 : i32
    %c0_i32_0 = arith.constant 0 : i32
    %c0_i32_1 = arith.constant 0 : i32
    return %c0_i32, %c0_i32_0 : i32, i32
  }
  func.func @transform_9(%arg0: i32) -> (i32, i32) {
    %c0_i32 = arith.constant 0 : i32
    %c0_i32_0 = arith.constant 0 : i32
    %c0_i32_1 = arith.constant 0 : i32
    return %c0_i32, %c0_i32_0 : i32, i32
  }
  func.func @transform_10(%arg0: i32) -> (i32, i32) {
    %c0_i32 = arith.constant 0 : i32
    %c0_i32_0 = arith.constant 0 : i32
    %c0_i32_1 = arith.constant 0 : i32
    return %c0_i32, %c0_i32_0 : i32, i32
  }
  func.func @transform_11(%arg0: i32) -> (i32, i32) {
    %c0_i32 = arith.constant 0 : i32
    %c0_i32_0 = arith.constant 0 : i32
    %c0_i32_1 = arith.constant 0 : i32
    return %c0_i32, %c0_i32_0 : i32, i32
  }
  func.func @transform_12(%arg0: i32) -> (i32, i32) {
    %c0_i32 = arith.constant 0 : i32
    %c0_i32_0 = arith.constant 0 : i32
    %c0_i32_1 = arith.constant 0 : i32
    return %c0_i32, %c0_i32_0 : i32, i32
  }
}

module attributes {stable_mosaic.version = 14 : i64} {
  func.func @body(%arg0: memref<1024x128xbf16, #tpu.memory_space<vmem>>, %arg1: memref<1024x128xbf16, #tpu.memory_space<vmem>>, %arg2: memref<1024x128xf32, #tpu.memory_space<vmem>>, %arg3: memref<256x512xbf16, #tpu.memory_space<vmem>>, %arg4: memref<1x512xf32, #tpu.memory_space<vmem>>, %arg5: memref<128x4xf32, #tpu.memory_space<vmem>>, %arg6: memref<1x4xf32, #tpu.memory_space<vmem>>, %arg7: memref<1024x4xf32, #tpu.memory_space<vmem>>) attributes {dimension_semantics = [], scalar_prefetch = 0 : i64, scratch_operands = 0 : i64, tpu.core_type = #tpu.core_type<tc>} {
    %get3A = arith.constant 0 : index
    %get3A_0 = arith.constant 0 : index
    %get3A_1 = vector.load %arg0[%get3A, %get3A_0] : memref<1024x128xbf16, #tpu.memory_space<vmem>>, vector<1024x128xbf16>
    %get3A_2 = arith.constant 0 : index
    %get3A_3 = arith.constant 0 : index
    %get3A_4 = vector.load %arg1[%get3A_2, %get3A_3] : memref<1024x128xbf16, #tpu.memory_space<vmem>>, vector<1024x128xbf16>
    %concatenate3A = tpu.concatenate %get3A_1, %get3A_4 in 1 : vector<1024x128xbf16>, vector<1024x128xbf16> -> vector<1024x256xbf16>
    %get3A_5 = arith.constant 0 : index
    %get3A_6 = arith.constant 0 : index
    %get3A_7 = vector.load %arg3[%get3A_5, %get3A_6] : memref<256x512xbf16, #tpu.memory_space<vmem>>, vector<256x512xbf16>
    %dot_general3A = arith.constant dense<0.000000e+00> : vector<1024x512xf32>
    %dot_general3A_8 = tpu.matmul %concatenate3A, %get3A_7, %dot_general3A {dimension_numbers = #tpu.dot_dimension_numbers<[1], [0], [0], [1], [0, 0, 1, 1], [], []>, transpose_lhs_hint = false} : vector<1024x256xbf16>, vector<256x512xbf16>, vector<1024x512xf32> -> vector<1024x512xf32>
    %get3A_9 = arith.constant 0 : index
    %get3A_10 = arith.constant 0 : index
    %get3A_11 = vector.load %arg4[%get3A_9, %get3A_10] : memref<1x512xf32, #tpu.memory_space<vmem>>, vector<1x512xf32>
    %add3A = vector.broadcast %get3A_11 : vector<1x512xf32> to vector<1024x512xf32>
    %add3A_12 = arith.addf %dot_general3A_8, %add3A : vector<1024x512xf32>
    %get3A_13 = arith.constant 0 : index
    %get3A_14 = arith.constant 0 : index
    %get3A_15 = vector.load %arg2[%get3A_13, %get3A_14] : memref<1024x128xf32, #tpu.memory_space<vmem>>, vector<1024x128xf32>
    %split3A = vector.extract_strided_slice %add3A_12 {offsets = [0, 0], sizes = [1024, 128], strides = [1, 1]} : vector<1024x512xf32> to vector<1024x128xf32>
    %split3A_16 = vector.extract_strided_slice %add3A_12 {offsets = [0, 128], sizes = [1024, 128], strides = [1, 1]} : vector<1024x512xf32> to vector<1024x128xf32>
    %split3A_17 = vector.extract_strided_slice %add3A_12 {offsets = [0, 256], sizes = [1024, 128], strides = [1, 1]} : vector<1024x512xf32> to vector<1024x128xf32>
    %split3A_18 = vector.extract_strided_slice %add3A_12 {offsets = [0, 384], sizes = [1024, 128], strides = [1, 1]} : vector<1024x512xf32> to vector<1024x128xf32>
    %tanh3A = math.tanh %split3A : vector<1024x128xf32>
    %tanh3A_19 = math.tanh %split3A_16 : vector<1024x128xf32>
    %tanh3A_20 = math.tanh %split3A_17 : vector<1024x128xf32>
    %tanh3A_21 = math.tanh %split3A_18 : vector<1024x128xf32>
    %add3A_22 = arith.constant 1.000000e+00 : f32
    %add3A_23 = vector.broadcast %add3A_22 : f32 to vector<1024x128xf32>
    %add3A_24 = arith.addf %add3A_23, %tanh3A_19 : vector<1024x128xf32>
    %mul3A = arith.mulf %add3A_24, %get3A_15 : vector<1024x128xf32>
    %add3A_25 = arith.constant 1.000000e+00 : f32
    %add3A_26 = vector.broadcast %add3A_25 : f32 to vector<1024x128xf32>
    %add3A_27 = arith.addf %add3A_26, %tanh3A : vector<1024x128xf32>
    %mul3A_28 = arith.mulf %add3A_27, %tanh3A_20 : vector<1024x128xf32>
    %add3A_29 = arith.addf %mul3A, %mul3A_28 : vector<1024x128xf32>
    %mul3A_30 = arith.constant 5.000000e-01 : f32
    %mul3A_31 = vector.broadcast %mul3A_30 : f32 to vector<1024x128xf32>
    %mul3A_32 = arith.mulf %mul3A_31, %add3A_29 : vector<1024x128xf32>
    %add3A_33 = arith.constant 1.000000e+00 : f32
    %add3A_34 = vector.broadcast %add3A_33 : f32 to vector<1024x128xf32>
    %add3A_35 = arith.addf %add3A_34, %tanh3A_21 : vector<1024x128xf32>
    %tanh3A_36 = math.tanh %mul3A_32 : vector<1024x128xf32>
    %mul3A_37 = arith.mulf %add3A_35, %tanh3A_36 : vector<1024x128xf32>
    %get3A_38 = arith.constant 0 : index
    %get3A_39 = arith.constant 0 : index
    %get3A_40 = vector.load %arg5[%get3A_38, %get3A_39] : memref<128x4xf32, #tpu.memory_space<vmem>>, vector<128x4xf32>
    %dot_general3A_41 = arith.constant dense<0.000000e+00> : vector<1024x4xf32>
    %dot_general3A_42 = tpu.matmul %mul3A_37, %get3A_40, %dot_general3A_41 {dimension_numbers = #tpu.dot_dimension_numbers<[1], [0], [0], [1], [0, 0, 1, 1], [], []>, transpose_lhs_hint = false} : vector<1024x128xf32>, vector<128x4xf32>, vector<1024x4xf32> -> vector<1024x4xf32>
    %get3A_43 = arith.constant 0 : index
    %get3A_44 = arith.constant 0 : index
    %get3A_45 = vector.load %arg6[%get3A_43, %get3A_44] : memref<1x4xf32, #tpu.memory_space<vmem>>, vector<1x4xf32>
    %add3A_46 = vector.broadcast %get3A_45 : vector<1x4xf32> to vector<1024x4xf32>
    %add3A_47 = arith.addf %dot_general3A_42, %add3A_46 : vector<1024x4xf32>
    %mul3A_48 = arith.constant 5.000000e-01 : f32
    %mul3A_49 = vector.broadcast %mul3A_48 : f32 to vector<1024x4xf32>
    %mul3A_50 = arith.mulf %mul3A_49, %add3A_47 : vector<1024x4xf32>
    %tanh3A_51 = math.tanh %mul3A_50 : vector<1024x4xf32>
    %mul3A_52 = arith.constant 5.000000e-01 : f32
    %mul3A_53 = vector.broadcast %mul3A_52 : f32 to vector<1024x4xf32>
    %mul3A_54 = arith.mulf %mul3A_53, %tanh3A_51 : vector<1024x4xf32>
    %add3A_55 = arith.constant 5.000000e-01 : f32
    %add3A_56 = vector.broadcast %add3A_55 : f32 to vector<1024x4xf32>
    %add3A_57 = arith.addf %mul3A_54, %add3A_56 : vector<1024x4xf32>
    %swap3A = arith.constant 0 : index
    %swap3A_58 = arith.constant 0 : index
    %swap3A_59 = vector.load %arg7[%swap3A, %swap3A_58] : memref<1024x4xf32, #tpu.memory_space<vmem>>, vector<1024x4xf32>
    tpu.vector_store %arg7[%swap3A, %swap3A_58], %add3A_57 {strides = array<i32>} : memref<1024x4xf32, #tpu.memory_space<vmem>>, vector<1024x4xf32>,
    return
  }
}

</mosaic_0001>

<sc_bundles>
// kernel: kernel.13.cloned.1.call-start
scs
__scs_entry_jumppad:
0x0: {  	(pc) =	sbr.rel $0x88, $3  }
0x1: {  	(tag) =	ssettag $0x0;
	lr =	simm.s32 $0x1  }
0x2: {  	[smem:$0x3F95] =	sst lr;
	_ =	strace $0xD0000000  }
0x3: {  	_ = 	snop  }
0x4: {  	_ = 	snop  }
0x5: {  	_ = 	snop  }
0x6: {  	_ = 	snop  }
0x7: {  	_ = 	snop  }
__scs_overlays_trampoline_lowered:
0x8: {  	[smem:$0x3FA4] =	sst s0  }
0x9: {  	[smem:$0x3FA5] =	sst s1  }
0xa: {  	[smem:$0x3FA6] =	sst s2  }
0xb: {  	[smem:$0x3FA7] =	sst s3  }
0xc: {  	[smem:$0x3FA8] =	sst s4  }
0xd: {  	[smem:$0x3FA9] =	sst s5  }
0xe: {  	[smem:$0x3FAA] =	sst s6  }
0xf: {  	[smem:$0x3FAB] =	sst s7  }
0x10: {  	[smem:$0x3FAC] =	sst s8  }
0x11: {  	[smem:$0x3FAD] =	sst s9;
	s0 =	simm.s32 @!p0 $0x0  }
0x12: {  	s1 =	sld [smem:$0x3F93];
	s0 =	simm.s32 @p0 $0x1  }
0x13: {  	[smem:$0x3FAE] =	sst s0;
	s0 =	simm.s32 @!p1 $0x0  }
0x14: {  	s2 =	sld [smem:$0x3F92];
	s0 =	simm.s32 @p1 $0x1  }
0x15: {  	[smem:$0x3FAF] =	sst s0;
	s0 =	simm.s32 @!p2 $0x0  }
0x16: {  	s3 =	sld [smem:$0x3FDB];
	s0 =	simm.s32 @p2 $0x1  }
0x17: {  	s4 =	simm.s32 $0x1BF5;
	[smem:$0x3FB1] =	sst s0  }
0x18: {  	s0 =	sld [smem:$0x3F94];
	_ =	swait.ge [sflag:s4], $0x0  }
0x19: {  	s7 =	sld [smem:$0x3F95]  }
0x1a: {  	s8 =	sadd.s32 $0xFFFFE003, lr  }
0x1b: {  	s9 =	sadd.s32 $0xFFFFFEF7, lr;
	s5 =	simm.s32 $0xFFFFFFFF;
	p2 =	slt.u32 s8, $0xFFFFF086  }
0x1c: {  	p1 =	slt.u32 s9, $0xF7A;
	s5 =	simm.s32 @!p2 $0x0  }
0x1d: {  	s5 =	simm.s32 @p1 $0x1;
	p0 =	seq.s32 s7, s2  }
0x1e: {  	s7 =	smul.u32 @!p0 $0xF7A, s2;
	p2 =	seq.s32 @!p0 s5, $0x0  }
0x1f: {  	s9 =	smul.u32 $0xF7A, s1;
	s8 =	simm.s32 @!p0 $0x1BF5;
	p2 =	por !p2, p0  }
0x20: {  	[sflag:s8] =	ssyncset.s32 @!p0 $0xFFFFF086;
	s6 =	sadd.s32 @!p0 s3, s7;
	s7 =	simm.s32 @!p0 $0x108  }
0x21: {  	s3 =	sadd.s32 s3, s9;
	s6 =	sadd.s32 @!p0 $0x88, s6;
	s7 =	simm.s32 @p2 $0x1082  }
0x22: {  	[simem:s7], [sflag:s8] =	dma.local @!p0 [hbm:s6], $0xF7A  }
0x23: {  	s9 =	sor.u32 $0xD0000000, s2;
	s6 =	simm.s32 $0x108;
	_ =	swait.ge @!p0 [sflag:s8], $0x0  }
0x24: {  	s3 =	sadd.s32 $0x88, s3;
	s6 =	simm.s32 @!p1 $0x1082;
	[sflag:s4] =	ssyncset.s32 $0xFFFFF086  }
0x25: {  	[simem:s6], [sflag:s4] =	dma.local [hbm:s3], $0xF7A  }
0x26: {  	[smem:$0x3F95] =	sst s1;
	(tag) =	ssettag s2;
	_ =	strace s9  }
0x27: {  	s1 =	sld [smem:$0x3FA5]  }
0x28: {  	s2 =	sld [smem:$0x3FA6]  }
0x29: {  	s4 =	sld [smem:$0x3FA8]  }
0x2a: {  	p0 =	seq.s32 s5, $0x0;
	s5 =	sld [smem:$0x3FA9]  }
0x2b: {  	s6 =	sld [smem:$0x3FAA]  }
0x2c: {  	s7 =	sld [smem:$0x3FAB]  }
0x2d: {  	s3 =	simm.s32 $0x108;
	s8 =	sld [smem:$0x3FAC]  }
0x2e: {  	s3 =	simm.s32 @!p0 $0x1082;
	s9 =	sld [smem:$0x3FAD]  }
0x2f: {  	lr =	sadd.s32 s0, s3;
	s0 =	sld [smem:$0x3FA4]  }
0x30: {  	s3 =	sld [smem:$0x3FA7]  }
0x31: {  	[smem:$0x3FB0] =	sst s10  }
0x32: {  	s10 =	sld [smem:$0x3FAE];
	_ =	sdelay $0x3  }
0x33: {  	p0 =	seq.s32 s10, $0x1;
	s10 =	sld [smem:$0x3FB0];
	_ =	sdelay $0x3  }
0x34: {  	[smem:$0x3FB0] =	sst s10  }
0x35: {  	s10 =	sld [smem:$0x3FAF];
	_ =	sdelay $0x3  }
0x36: {  	p1 =	seq.s32 s10, $0x1;
	s10 =	sld [smem:$0x3FB0];
	_ =	sdelay $0x3  }
0x37: {  	[smem:$0x3FB0] =	sst s10  }
0x38: {  	s10 =	sld [smem:$0x3FB1]  }
0x39: {  	_ = 	snop;
	(pc) =	sbr.ind lr, $3  }
0x3a: {  	_ = 	snop  }
0x3b: {  	_ = 	snop  }
0x3c: {  	p2 =	seq.s32 s10, $0x1;
	s10 =	sld [smem:$0x3FB0]  }
0x3d: {  	_ =	shalt  }
0x3e: {  	_ =	shalt  }
0x3f: {  	_ =	shalt  }
0x40: {  	_ =	shalt  }
0x41: {  	_ =	shalt  }
0x42: {  	_ =	shalt  }
0x43: {  	_ =	shalt  }
0x44: {  	_ =	shalt  }
0x45: {  	_ =	shalt  }
0x46: {  	_ =	shalt  }
0x47: {  	_ =	shalt  }
0x48: {  	_ =	shalt  }
0x49: {  	_ =	shalt  }
0x4a: {  	_ =	shalt  }
0x4b: {  	_ =	shalt  }
0x4c: {  	_ =	shalt  }
0x4d: {  	_ =	shalt  }
0x4e: {  	_ =	shalt  }
0x4f: {  	_ =	shalt  }
0x50: {  	_ =	shalt  }
0x51: {  	_ =	shalt  }
0x52: {  	_ =	shalt  }
0x53: {  	_ =	shalt  }
0x54: {  	_ =	shalt  }
0x55: {  	_ =	shalt  }
0x56: {  	_ =	shalt  }
0x57: {  	_ =	shalt  }
0x58: {  	_ =	shalt  }
0x59: {  	_ =	shalt  }
0x5a: {  	_ =	shalt  }
0x5b: {  	_ =	shalt  }
0x5c: {  	_ =	shalt  }
0x5d: {  	_ =	shalt  }
0x5e: {  	_ =	shalt  }
0x5f: {  	_ =	shalt  }
0x60: {  	_ =	shalt  }
0x61: {  	_ =	shalt  }
0x62: {  	_ =	shalt  }
0x63: {  	_ =	shalt  }
0x64: {  	_ =	shalt  }
0x65: {  	_ =	shalt  }
0x66: {  	_ =	shalt  }
0x67: {  	_ =	shalt  }
0x68: {  	_ =	shalt  }
0x69: {  	_ =	shalt  }
0x6a: {  	_ =	shalt  }
0x6b: {  	_ =	shalt  }
0x6c: {  	_ =	shalt  }
0x6d: {  	_ =	shalt  }
0x6e: {  	_ =	shalt  }
0x6f: {  	_ =	shalt  }
0x70: {  	_ =	shalt  }
0x71: {  	_ =	shalt  }
0x72: {  	_ =	shalt  }
0x73: {  	_ =	shalt  }
0x74: {  	_ =	shalt  }
0x75: {  	_ =	shalt  }
0x76: {  	_ =	shalt  }
0x77: {  	_ =	shalt  }
0x78: {  	_ =	shalt  }
0x79: {  	_ =	shalt  }
0x7a: {  	_ =	shalt  }
0x7b: {  	_ =	shalt  }
0x7c: {  	_ =	shalt  }
0x7d: {  	_ =	shalt  }
0x7e: {  	_ =	shalt  }
0x7f: {  	_ =	shalt  }
0x80: {  	_ =	shalt  }
0x81: {  	_ =	shalt  }
0x82: {  	_ =	shalt  }
0x83: {  	_ =	shalt  }
0x84: {  	_ =	shalt  }
0x85: {  	_ =	shalt  }
0x86: {  	_ =	shalt  }
0x87: {  	_ =	shalt  }
.Lfunc_end0:
.L_simem_size_0:
called_computation_lowered:
.L_overlay_start_0:
0x88: {  	s2 =	sld [smem:$0x3FD9]  }
0x89: {  	s3 =	sld [smem:$0x3FFE];
	_ =	sdelay $0x1  }
0x8a: {  	s1 =	srdreg.scid  }
0x8b: {  	s0 =	sand.u32 $0x1, s1  }
0x8c: {  	s17 =	sshll.u32 s0, $0xA;
	s2 =	sadd.s32 s3, s2  }
0x8d: {  	s2 =	sadd.s32 s2, s17  }
0x8e: {  	[smem:$0x3FBC] =	sst s2  }
0x8f: {  	_ = 	snop  }
0x90: {  	s2 =	sld [smem:$0x3FC8];
	(tm) =	ssettm $0x1  }
0x91: {  	s18 =	sld [smem:$0x3FFB];
	_ =	sdelay $0x3  }
0x92: {  	_ =	strace s18  }
0x93: {  	s3 =	sld [smem:$0x3FFC];
	_ =	sdelay $0x3  }
0x94: {  	_ =	strace s3  }
0x95: {  	s3 =	sld [smem:$0x3FFD];
	_ =	sdelay $0x3  }
0x96: {  	_ =	strace s3  }
0x97: {  	_ =	strace $0x8FFFFFFF  }
0x98: {  	s19 =	sld [smem:$0x3FDB];
	_ =	sdelay $0x1  }
0x99: {  	s4 =	simm.s32 $_scs_section_size  }
0x9a: {  	s5 =	simm.s32 $_size__tile_overlayer_lowered;
	s6 =	simm.s32 $_tile_overlayer_lowered  }
0x9b: {  	s22 =	simm.s32 $0x1BFF;
	s21 =	sshll.u32 s6, $0x1;
	s3 =	sadd.s32 s4, s19  }
0x9c: {  	s7 =	simm.s32 $0x0;
	s20 =	sshll.u32 s5, $0x1;
	s5 =	sadd.s32 s21, s3  }
0x9d: {  	[timem:s7], [sflag:s22] =	dma.local [hbm:s5], s20  }
0x9e: {  	_ =	swait.ge [sflag:s22], s20  }
0x9f: {  	s4 =	ssub.s32 $0x0, s20;
	[sflag:s22] =	ssyncset.done $0x0  }
0xa0: {  	[sflag:s22] =	ssyncadd.s32 s4;
	_ =	sdelay $0x1  }
0xa1: {  	s23 =	simm.s32 $0x1B8B  }
0xa2: {  	_ =	swait.ge [sflag:s23], $0x1  }
0xa3: {  	[sflag:s23] =	ssyncset.done $0x0  }
0xa4: {  	s25 =	simm.s32 $0x1B8E;
	s24 =	sld [smem:$0x3FFE];
	[sflag:s23] =	ssyncadd.s32 $0xFFFFFFFF  }
0xa5: {  	s26 =	simm.s32 $execute0_lowered;
	[smem:$0x3FD2] =	sst s25  }
0xa6: {  	s5 =	sshll.u32 s26, $0x1;
	_ =	strace $0x80000046;
	[dreg:$0x1] =	wrdreg $0xFFFFFFFF  }
0xa7: {  	s28 =	simm.s32 $_size_execute0_lowered;
	s3 =	sadd.s32 s3, s5;
	[dreg:$0x0] =	wrdreg $0x0  }
0xa8: {  	s5 =	sshll.u32 s28, $0x1;
	[dreg:$0x2] =	wrdreg s3  }
0xa9: {  	[dreg:$0x3] =	wrdreg s5  }
0xaa: {  	[dreg:$0x4] =	wrdreg $0xC0  }
0xab: {  	_ =	task [dreg:s7], $0x5FFFF  }
0xac: {  	[dreg:$0x1] =	wrdreg $0xFFFFFFFF  }
0xad: {  	[dreg:$0x0] =	wrdreg $0x60  }
0xae: {  	[dreg:$0x2] =	wrdreg s2  }
0xaf: {  	[dreg:$0x3] =	wrdreg s24  }
0xb0: {  	[dreg:$0x4] =	wrdreg $0x9  }
0xb1: {  	_ =	task.clear_ibuf [dreg:s7], $0x5FFFF;
	_ =	strace $0x90000046  }
0xb2: {  	s29 =	simm.s32 $0x9;
	_ =	strace $0x80000048  }
0xb3: {  	_ =	swait.ge [sflag:s29], $0x1  }
0xb4: {  	[sflag:s29] =	ssyncadd.s32 $0xFFFFFFFF  }
0xb5: {  	_ =	strace $0x90000048  }
0xb6: {  	_ =	sfence  }
0xb7: {  	s30 =	sld [smem:$0x0];
	_ =	sdelay $0x2  }
0xb8: {  	s31 =	sshll.u32 s1, $0xD;
	s1 =	sshrl.u32 s1, $0x2  }
0xb9: {  	s3 =	sand.u32 $0x4000, s31;
	s1 =	sadd.s32 s1, s30  }
0xba: {  	s0 =	sor.u32 s3, s0;
	s1 =	sshll.u32 s1, $0x11  }
0xbb: {  	s0 =	sor.u32 s1, s0  }
0xbc: {  	s0 =	sadd.s32 $0x8F2B, s0  }
0xbd: {  	[sflag:s0] =	ssyncadd.remote.s32 $0x1  }
0xbe: {  	_ =	sfence.sel $0xFFFF  }
0xbf: {  	[dreg:$0x0] =	wrdreg $0xFFFFFFFF;
	(pc) =	sbr.abs _section_cstart, $3  }
0xc0: {  	[dreg:$0x1] =	wrdreg $0xFFFFFFFF  }
0xc1: {  	_ =	task.clear_ibuf [dreg:s7], $0x2FFFF;
	_ =	strace $0x9FFFFFFF  }
0xc2: {  	(tm) =	ssettm $0x7FFFFFFF  }
0xc3: {  	_ =	shalt  }
tec
execute0_lowered:
.L_overlay_start_1:
0x0: {  	(tag) =	ssettag $0x1  }
0x1: {  	s1 =	srdreg.scid;
	s0 =	stileid.u32  }
0x2: {  	s30 =	sand.u32 $0x1, s1;
	s26 =	sshll.u32 s0, $0x1  }
0x3: {  	s7 =	sor.u32 s30, s26  }
0x4: {  	s9 =	rddreg [dreg:$0x1];
	s4 =	sshll.u32 s7, $0x8  }
0x5: {  	s2 =	rddreg [dreg:$0x0];
	s3 =	simm.s32 $0x0;
	s4 =	sadd.s32 s4, s9  }
0x6: {  	[smem:$0x7FF] =	sst s3;
	s4 =	sadd.s32 $0x6400, s4  }
0x7: {  	_ =	strace $0x80000047;
	[dreg:$0x3] =	wrdreg s4  }
0x8: {  	s4 =	simm.s32 $0x5;
	s5 =	rddreg [dreg:$0x3]  }
0x9: {  	[tilespmem:s3], [sflag:$0x5] =	stream.linear.gather [hbm4b:s5+s3], $0x500, $0x38;
	[tilespmem:$0x8800] =	vst v63  }
0xa: {  	_ =	swait.ge [sflag:s4], $0x500  }
0xb: {  	[sflag:s4] =	ssyncset.done $0x0  }
0xc: {  	s6 =	simm.s32 $0x800;
	s5 =	simm.s32 $0x80;
	[sflag:s4] =	ssyncadd.s32 $0xFFFFFB00  }
0xd: {  	[tilespmem:s6], [sflag:$0x1] =	stream.indirect.gather [hbm4b:s2+s5], $0x80, s3, s5, $0xb8;
	[tilespmem:$0x8800] =	vst v63  }
0xe: {  	s8 =	simm.s32 $0x1;
	s10 =	smul.u32 $0x5000, s7;
	s7 =	simm.s32 $0x4800  }
0xf: {  	[tilespmem:s7], [sflag:$0x2] =	stream.indirect.gather [hbm4b:s2+s5], $0x80, s5, s5, $0xb8;
	[tilespmem:$0x8800] =	vst v63  }
0x10: {  	_ =	swait.ge [sflag:s8], $0x4000  }
0x11: {  	s31 =	sadd.s32 s10, s9;
	[sflag:s8] =	ssyncset.done $0x0  }
0x12: {  	s10 =	simm.s32 $0x3;
	s9 =	sadd.s32 $0x8400, s31;
	[sflag:s8] =	ssyncadd.s32 $0xFFFFC000  }
0x13: {  	[hbm4b:s9+s3] =	stream.linear.scatter [tilespmem:s6], [sflag:$0x3], $0x4000, $0x38;
	[tilespmem:$0x8800] =	vst v63  }
0x14: {  	_ =	swait.ge [sflag:s10], $0x4000  }
0x15: {  	[sflag:s10] =	ssyncset.done $0x0  }
0x16: {  	s11 =	simm.s32 $0x100;
	s12 =	simm.s32 $0x2;
	[sflag:s10] =	ssyncadd.s32 $0xFFFFC000  }
0x17: {  	[tilespmem:s6], [sflag:$0x1] =	stream.indirect.gather [hbm4b:s2+s5], $0x80, s11, s5, $0xb8;
	[tilespmem:$0x8800] =	vst v63  }
0x18: {  	_ =	swait.ge [sflag:s12], $0x4000  }
0x19: {  	[sflag:s12] =	ssyncset.done $0x0  }
0x1a: {  	s13 =	simm.s32 $0x4;
	s14 =	sadd.s32 $0x8C00, s31;
	[sflag:s12] =	ssyncadd.s32 $0xFFFFC000  }
0x1b: {  	[hbm4b:s14+s3] =	stream.linear.scatter [tilespmem:s7], [sflag:$0x4], $0x4000, $0x38;
	[tilespmem:$0x8800] =	vst v63  }
0x1c: {  	_ =	swait.ge [sflag:s13], $0x4000  }
0x1d: {  	[sflag:s13] =	ssyncset.done $0x0  }
0x1e: {  	s15 =	simm.s32 $0x180;
	[sflag:s13] =	ssyncadd.s32 $0xFFFFC000  }
0x1f: {  	[tilespmem:s7], [sflag:$0x2] =	stream.indirect.gather [hbm4b:s2+s5], $0x80, s15, s5, $0xb8;
	[tilespmem:$0x8800] =	vst v63  }
0x20: {  	_ =	swait.ge [sflag:s8], $0x4000  }
0x21: {  	[sflag:s8] =	ssyncset.done $0x0  }
0x22: {  	s16 =	sadd.s32 $0x9400, s31;
	[sflag:s8] =	ssyncadd.s32 $0xFFFFC000  }
0x23: {  	[hbm4b:s16+s3] =	stream.linear.scatter [tilespmem:s6], [sflag:$0x3], $0x4000, $0x38;
	[tilespmem:$0x8800] =	vst v63  }
0x24: {  	_ =	swait.ge [sflag:s10], $0x4000  }
0x25: {  	[sflag:s10] =	ssyncset.done $0x0  }
0x26: {  	s17 =	simm.s32 $0x200;
	[sflag:s10] =	ssyncadd.s32 $0xFFFFC000  }
0x27: {  	[tilespmem:s6], [sflag:$0x1] =	stream.indirect.gather [hbm4b:s2+s5], $0x80, s17, s5, $0xb8;
	[tilespmem:$0x8800] =	vst v63  }
0x28: {  	_ =	swait.ge [sflag:s12], $0x4000  }
0x29: {  	[sflag:s12] =	ssyncset.done $0x0  }
0x2a: {  	s18 =	sadd.s32 $0x9C00, s31;
	[sflag:s12] =	ssyncadd.s32 $0xFFFFC000  }
0x2b: {  	[hbm4b:s18+s3] =	stream.linear.scatter [tilespmem:s7], [sflag:$0x4], $0x4000, $0x38;
	[tilespmem:$0x8800] =	vst v63  }
0x2c: {  	_ =	swait.ge [sflag:s13], $0x4000  }
0x2d: {  	[sflag:s13] =	ssyncset.done $0x0  }
0x2e: {  	s19 =	simm.s32 $0x280;
	[sflag:s13] =	ssyncadd.s32 $0xFFFFC000  }
0x2f: {  	[tilespmem:s7], [sflag:$0x2] =	stream.indirect.gather [hbm4b:s2+s5], $0x80, s19, s5, $0xb8;
	[tilespmem:$0x8800] =	vst v63  }
0x30: {  	_ =	swait.ge [sflag:s8], $0x4000  }
0x31: {  	[sflag:s8] =	ssyncset.done $0x0  }
0x32: {  	s20 =	sadd.s32 $0xA400, s31;
	[sflag:s8] =	ssyncadd.s32 $0xFFFFC000  }
0x33: {  	[hbm4b:s20+s3] =	stream.linear.scatter [tilespmem:s6], [sflag:$0x3], $0x4000, $0x38;
	[tilespmem:$0x8800] =	vst v63  }
0x34: {  	_ =	swait.ge [sflag:s10], $0x4000  }
0x35: {  	[sflag:s10] =	ssyncset.done $0x0  }
0x36: {  	s21 =	simm.s32 $0x300;
	[sflag:s10] =	ssyncadd.s32 $0xFFFFC000  }
0x37: {  	[tilespmem:s6], [sflag:$0x1] =	stream.indirect.gather [hbm4b:s2+s5], $0x80, s21, s5, $0xb8;
	[tilespmem:$0x8800] =	vst v63  }
0x38: {  	_ =	swait.ge [sflag:s12], $0x4000  }
0x39: {  	[sflag:s12] =	ssyncset.done $0x0  }
0x3a: {  	s22 =	sadd.s32 $0xAC00, s31;
	[sflag:s12] =	ssyncadd.s32 $0xFFFFC000  }
0x3b: {  	[hbm4b:s22+s3] =	stream.linear.scatter [tilespmem:s7], [sflag:$0x4], $0x4000, $0x38;
	[tilespmem:$0x8800] =	vst v63  }
0x3c: {  	_ =	swait.ge [sflag:s13], $0x4000  }
0x3d: {  	[sflag:s13] =	ssyncset.done $0x0  }
0x3e: {  	s23 =	simm.s32 $0x380;
	[sflag:s13] =	ssyncadd.s32 $0xFFFFC000  }
0x3f: {  	[tilespmem:s7], [sflag:$0x2] =	stream.indirect.gather [hbm4b:s2+s5], $0x80, s23, s5, $0xb8;
	[tilespmem:$0x8800] =	vst v63  }
0x40: {  	_ =	swait.ge [sflag:s8], $0x4000  }
0x41: {  	[sflag:s8] =	ssyncset.done $0x0  }
0x42: {  	s24 =	sadd.s32 $0xB400, s31;
	[sflag:s8] =	ssyncadd.s32 $0xFFFFC000  }
0x43: {  	[hbm4b:s24+s3] =	stream.linear.scatter [tilespmem:s6], [sflag:$0x3], $0x4000, $0x38;
	[tilespmem:$0x8800] =	vst v63  }
0x44: {  	_ =	swait.ge [sflag:s10], $0x4000  }
0x45: {  	[sflag:s10] =	ssyncset.done $0x0  }
0x46: {  	s25 =	simm.s32 $0x400;
	[sflag:s10] =	ssyncadd.s32 $0xFFFFC000  }
0x47: {  	[tilespmem:s6], [sflag:$0x1] =	stream.indirect.gather [hbm4b:s2+s5], $0x80, s25, s5, $0xb8;
	[tilespmem:$0x8800] =	vst v63  }
0x48: {  	_ =	swait.ge [sflag:s12], $0x4000  }
0x49: {  	[sflag:s12] =	ssyncset.done $0x0  }
0x4a: {  	s26 =	sadd.s32 $0xBC00, s31;
	[sflag:s12] =	ssyncadd.s32 $0xFFFFC000  }
0x4b: {  	[hbm4b:s26+s3] =	stream.linear.scatter [tilespmem:s7], [sflag:$0x4], $0x4000, $0x38;
	[tilespmem:$0x8800] =	vst v63  }
0x4c: {  	_ =	swait.ge [sflag:s13], $0x4000  }
0x4d: {  	[sflag:s13] =	ssyncset.done $0x0  }
0x4e: {  	s28 =	simm.s32 $0x480;
	[sflag:s13] =	ssyncadd.s32 $0xFFFFC000  }
0x4f: {  	[tilespmem:s7], [sflag:$0x2] =	stream.indirect.gather [hbm4b:s2+s5], $0x80, s28, s5, $0xb8;
	[tilespmem:$0x8800] =	vst v63  }
0x50: {  	_ =	swait.ge [sflag:s8], $0x4000  }
0x51: {  	s30 =	ssub.s32 $0x2, s30;
	[sflag:s8] =	ssyncset.done $0x0  }
0x52: {  	s1 =	sshrl.u32 s30, $0x1;
	s29 =	sadd.s32 $0xC400, s31;
	[sflag:s8] =	ssyncadd.s32 $0xFFFFC000  }
0x53: {  	[hbm4b:s29+s3] =	stream.linear.scatter [tilespmem:s6], [sflag:$0x3], $0x4000, $0x38;
	[tilespmem:$0x8800] =	vst v63  }
0x54: {  	s1 =	ssub.s32 s30, s1;
	_ =	swait.ge [sflag:s10], $0x4000  }
0x55: {  	s1 =	smax.u32 s1, $0x1;
	[sflag:s10] =	ssyncset.done $0x0  }
0x56: {  	p0 =	sne.s32 s1, $0x1;
	[sflag:s10] =	ssyncadd.s32 $0xFFFFC000  }
.Ltmp0:
0x57: {  	_ =	swait.ge [sflag:s12], $0x4000;
	(pc) =	sbr.rel @!p0 .LBB2_2-.Ltmp0, $4  }
0x58: {  	[sflag:s12] =	ssyncset.done $0x0  }
0x59: {  	s30 =	sadd.s32 $0xCC00, s31;
	[sflag:s12] =	ssyncadd.s32 $0xFFFFC000  }
0x5a: {  	[hbm4b:s30+s3] =	stream.linear.scatter [tilespmem:s7], [sflag:$0x4], $0x4000, $0x38;
	[tilespmem:$0x8800] =	vst v63  }
0x5b: {  	s31 =	sadd.s32 $0xFFFFFFFF, s1;
	_ =	swait.ge [sflag:s13], $0x4000  }
.LBB2_1:
0x5c: {  	[sflag:s13] =	ssyncset.done $0x0  }
0x5d: {  	s1 =	rddreg [dreg:$0x3];
	[sflag:s13] =	ssyncadd.s32 $0xFFFFC000  }
0x5e: {  	[tilespmem:s3], [sflag:$0x5] =	stream.linear.gather [hbm4b:s1+s3], $0x500, $0x38;
	[tilespmem:$0x8800] =	vst v63  }
0x5f: {  	_ =	swait.ge [sflag:s4], $0x500  }
0x60: {  	[sflag:s4] =	ssyncset.done $0x0  }
0x61: {  	[sflag:s4] =	ssyncadd.s32 $0xFFFFFB00  }
0x62: {  	[tilespmem:s6], [sflag:$0x1] =	stream.indirect.gather [hbm4b:s2+s5], $0x80, s3, s5, $0xb8;
	[tilespmem:$0x8800] =	vst v63  }
0x63: {  	_ = 	snop  }
0x64: {  	[tilespmem:s7], [sflag:$0x2] =	stream.indirect.gather [hbm4b:s2+s5], $0x80, s5, s5, $0xb8;
	[tilespmem:$0x8800] =	vst v63  }
0x65: {  	_ =	swait.ge [sflag:s8], $0x4000  }
0x66: {  	[sflag:s8] =	ssyncset.done $0x0  }
0x67: {  	[sflag:s8] =	ssyncadd.s32 $0xFFFFC000  }
0x68: {  	[hbm4b:s9+s3] =	stream.linear.scatter [tilespmem:s6], [sflag:$0x3], $0x4000, $0x38;
	[tilespmem:$0x8800] =	vst v63  }
0x69: {  	_ =	swait.ge [sflag:s10], $0x4000  }
0x6a: {  	[sflag:s10] =	ssyncset.done $0x0  }
0x6b: {  	[sflag:s10] =	ssyncadd.s32 $0xFFFFC000  }
0x6c: {  	[tilespmem:s6], [sflag:$0x1] =	stream.indirect.gather [hbm4b:s2+s5], $0x80, s11, s5, $0xb8;
	[tilespmem:$0x8800] =	vst v63  }
0x6d: {  	_ =	swait.ge [sflag:s12], $0x4000  }
0x6e: {  	[sflag:s12] =	ssyncset.done $0x0  }
0x6f: {  	[sflag:s12] =	ssyncadd.s32 $0xFFFFC000  }
0x70: {  	[hbm4b:s14+s3] =	stream.linear.scatter [tilespmem:s7], [sflag:$0x4], $0x4000, $0x38;
	[tilespmem:$0x8800] =	vst v63  }
0x71: {  	_ =	swait.ge [sflag:s13], $0x4000  }
0x72: {  	[sflag:s13] =	ssyncset.done $0x0  }
0x73: {  	[sflag:s13] =	ssyncadd.s32 $0xFFFFC000  }
0x74: {  	[tilespmem:s7], [sflag:$0x2] =	stream.indirect.gather [hbm4b:s2+s5], $0x80, s15, s5, $0xb8;
	[tilespmem:$0x8800] =	vst v63  }
0x75: {  	_ =	swait.ge [sflag:s8], $0x4000  }
0x76: {  	[sflag:s8] =	ssyncset.done $0x0  }
0x77: {  	[sflag:s8] =	ssyncadd.s32 $0xFFFFC000  }
0x78: {  	[hbm4b:s16+s3] =	stream.linear.scatter [tilespmem:s6], [sflag:$0x3], $0x4000, $0x38;
	[tilespmem:$0x8800] =	vst v63  }
0x79: {  	_ =	swait.ge [sflag:s10], $0x4000  }
0x7a: {  	[sflag:s10] =	ssyncset.done $0x0  }
0x7b: {  	[sflag:s10] =	ssyncadd.s32 $0xFFFFC000  }
0x7c: {  	[tilespmem:s6], [sflag:$0x1] =	stream.indirect.gather [hbm4b:s2+s5], $0x80, s17, s5, $0xb8;
	[tilespmem:$0x8800] =	vst v63  }
0x7d: {  	_ =	swait.ge [sflag:s12], $0x4000  }
0x7e: {  	[sflag:s12] =	ssyncset.done $0x0  }
0x7f: {  	[sflag:s12] =	ssyncadd.s32 $0xFFFFC000  }
0x80: {  	[hbm4b:s18+s3] =	stream.linear.scatter [tilespmem:s7], [sflag:$0x4], $0x4000, $0x38;
	[tilespmem:$0x8800] =	vst v63  }
0x81: {  	_ =	swait.ge [sflag:s13], $0x4000  }
0x82: {  	[sflag:s13] =	ssyncset.done $0x0  }
0x83: {  	[sflag:s13] =	ssyncadd.s32 $0xFFFFC000  }
0x84: {  	[tilespmem:s7], [sflag:$0x2] =	stream.indirect.gather [hbm4b:s2+s5], $0x80, s19, s5, $0xb8;
	[tilespmem:$0x8800] =	vst v63  }
0x85: {  	_ =	swait.ge [sflag:s8], $0x4000  }
0x86: {  	[sflag:s8] =	ssyncset.done $0x0  }
0x87: {  	[sflag:s8] =	ssyncadd.s32 $0xFFFFC000  }
0x88: {  	[hbm4b:s20+s3] =	stream.linear.scatter [tilespmem:s6], [sflag:$0x3], $0x4000, $0x38;
	[tilespmem:$0x8800] =	vst v63  }
0x89: {  	_ =	swait.ge [sflag:s10], $0x4000  }
0x8a: {  	[sflag:s10] =	ssyncset.done $0x0  }
0x8b: {  	[sflag:s10] =	ssyncadd.s32 $0xFFFFC000  }
0x8c: {  	[tilespmem:s6], [sflag:$0x1] =	stream.indirect.gather [hbm4b:s2+s5], $0x80, s21, s5, $0xb8;
	[tilespmem:$0x8800] =	vst v63  }
0x8d: {  	_ =	swait.ge [sflag:s12], $0x4000  }
0x8e: {  	[sflag:s12] =	ssyncset.done $0x0  }
0x8f: {  	[sflag:s12] =	ssyncadd.s32 $0xFFFFC000  }
0x90: {  	[hbm4b:s22+s3] =	stream.linear.scatter [tilespmem:s7], [sflag:$0x4], $0x4000, $0x38;
	[tilespmem:$0x8800] =	vst v63  }
0x91: {  	_ =	swait.ge [sflag:s13], $0x4000  }
0x92: {  	[sflag:s13] =	ssyncset.done $0x0  }
0x93: {  	[sflag:s13] =	ssyncadd.s32 $0xFFFFC000  }
0x94: {  	[tilespmem:s7], [sflag:$0x2] =	stream.indirect.gather [hbm4b:s2+s5], $0x80, s23, s5, $0xb8;
	[tilespmem:$0x8800] =	vst v63  }
0x95: {  	_ =	swait.ge [sflag:s8], $0x4000  }
0x96: {  	[sflag:s8] =	ssyncset.done $0x0  }
0x97: {  	[sflag:s8] =	ssyncadd.s32 $0xFFFFC000  }
0x98: {  	[hbm4b:s24+s3] =	stream.linear.scatter [tilespmem:s6], [sflag:$0x3], $0x4000, $0x38;
	[tilespmem:$0x8800] =	vst v63  }
0x99: {  	_ =	swait.ge [sflag:s10], $0x4000  }
0x9a: {  	[sflag:s10] =	ssyncset.done $0x0  }
0x9b: {  	[sflag:s10] =	ssyncadd.s32 $0xFFFFC000  }
0x9c: {  	[tilespmem:s6], [sflag:$0x1] =	stream.indirect.gather [hbm4b:s2+s5], $0x80, s25, s5, $0xb8;
	[tilespmem:$0x8800] =	vst v63  }
0x9d: {  	_ =	swait.ge [sflag:s12], $0x4000  }
0x9e: {  	[sflag:s12] =	ssyncset.done $0x0  }
0x9f: {  	[sflag:s12] =	ssyncadd.s32 $0xFFFFC000  }
0xa0: {  	[hbm4b:s26+s3] =	stream.linear.scatter [tilespmem:s7], [sflag:$0x4], $0x4000, $0x38;
	[tilespmem:$0x8800] =	vst v63  }
0xa1: {  	_ =	swait.ge [sflag:s13], $0x4000  }
0xa2: {  	[sflag:s13] =	ssyncset.done $0x0  }
0xa3: {  	[sflag:s13] =	ssyncadd.s32 $0xFFFFC000  }
0xa4: {  	[tilespmem:s7], [sflag:$0x2] =	stream.indirect.gather [hbm4b:s2+s5], $0x80, s28, s5, $0xb8;
	[tilespmem:$0x8800] =	vst v63  }
0xa5: {  	_ =	swait.ge [sflag:s8], $0x4000  }
0xa6: {  	[sflag:s8] =	ssyncset.done $0x0  }
0xa7: {  	[sflag:s8] =	ssyncadd.s32 $0xFFFFC000  }
0xa8: {  	[hbm4b:s29+s3] =	stream.linear.scatter [tilespmem:s6], [sflag:$0x3], $0x4000, $0x38;
	[tilespmem:$0x8800] =	vst v63  }
0xa9: {  	_ =	swait.ge [sflag:s10], $0x4000  }
0xaa: {  	[sflag:s10] =	ssyncset.done $0x0  }
0xab: {  	p0 =	sne.s32 s31, $0x1;
	[sflag:s10] =	ssyncadd.s32 $0xFFFFC000  }
.Ltmp1:
0xac: {  	_ =	swait.ge [sflag:s12], $0x4000;
	(pc) =	sbr.rel @p0 .LBB2_1-.Ltmp1, $4  }
0xad: {  	[sflag:s12] =	ssyncset.done $0x0  }
0xae: {  	[sflag:s12] =	ssyncadd.s32 $0xFFFFC000  }
0xaf: {  	[hbm4b:s30+s3] =	stream.linear.scatter [tilespmem:s7], [sflag:$0x4], $0x4000, $0x38;
	[tilespmem:$0x8800] =	vst v63  }
0xb0: {  	s31 =	sadd.s32 $0xFFFFFFFF, s31;
	_ =	swait.ge [sflag:s13], $0x4000  }
.LBB2_2:
0xb1: {  	[sflag:s13] =	ssyncset.done $0x0  }
0xb2: {  	[sflag:s13] =	ssyncadd.s32 $0xFFFFC000  }
0xb3: {  	_ =	sfence.sel $0x180000  }
0xb4: {  	[bflag:$0x0] =	sbarrier.arrive $0xFFFF  }
0xb5: {  	_ =	strace $0x90000047  }
0xb6: {  	[bflag:$0x2] =	sbarrier.arrive $0xFFFF  }
0xb7: {  	p0 =	sne.s32 s0, $0x0;
	s0 =	rddreg [dreg:$0x2]  }
0xb8: {  	s0 =	sadd.s32 @!p0 $0x100000, s0  }
0xb9: {  	[sflag:s0] =	ssyncadd.tile.s32 @!p0 $0x1;
	_ =	shalt  }
.Lfunc_end2:
_tile_overlayer_lowered:
.L_overlay_start_2:
0xba: {  	(tag) =	ssettag $0x2  }
0xbb: {  	s0 =	rddreg [dreg:$0x0];
	s2 =	stileid.u32  }
0xbc: {  	s1 =	rddreg [dreg:$0x1];
	p0 =	sne.s32 s2, $0x0  }
0xbd: {  	s3 =	rddreg [dreg:$0x2];
	[bflag:$0x3] =	sbarrier.arrive $0xFFFF;
	s2 =	simm.s32 @!p0 $0x1C05  }
0xbe: {  	[timem:s3], [sflag:s2] =	dma.local @!p0 [hbm:s0], s1  }
0xbf: {  	s0 =	simm.s32 @!p0 $0x5  }
0xc0: {  	_ =	swait.ge @!p0 [sflag:s0], s1  }
0xc1: {  	s1 =	ssub.s32 @!p0 $0x0, s1;
	[sflag:s0] =	ssyncset.done @!p0 $0x0  }
0xc2: {  	[sflag:s0] =	ssyncadd.s32 @!p0 s1  }
0xc3: {  	[bflag:$0x3] =	sbarrier.arrive $0xFFFF  }
0xc4: {  	_ =	shalt  }

// kernel: kernel.16.cloned.1.call-start
scs
__scs_entry_jumppad:
0x0: {  	(pc) =	sbr.rel $0x88, $3  }
0x1: {  	(tag) =	ssettag $0x0;
	lr =	simm.s32 $0x1  }
0x2: {  	[smem:$0x3F95] =	sst lr;
	_ =	strace $0xD0000000  }
0x3: {  	_ = 	snop  }
0x4: {  	_ = 	snop  }
0x5: {  	_ = 	snop  }
0x6: {  	_ = 	snop  }
0x7: {  	_ = 	snop  }
__scs_overlays_trampoline_lowered:
0x8: {  	[smem:$0x3FA4] =	sst s0  }
0x9: {  	[smem:$0x3FA5] =	sst s1  }
0xa: {  	[smem:$0x3FA6] =	sst s2  }
0xb: {  	[smem:$0x3FA7] =	sst s3  }
0xc: {  	[smem:$0x3FA8] =	sst s4  }
0xd: {  	[smem:$0x3FA9] =	sst s5  }
0xe: {  	[smem:$0x3FAA] =	sst s6  }
0xf: {  	[smem:$0x3FAB] =	sst s7  }
0x10: {  	[smem:$0x3FAC] =	sst s8  }
0x11: {  	[smem:$0x3FAD] =	sst s9;
	s0 =	simm.s32 @!p0 $0x0  }
0x12: {  	s1 =	sld [smem:$0x3F93];
	s0 =	simm.s32 @p0 $0x1  }
0x13: {  	[smem:$0x3FAE] =	sst s0;
	s0 =	simm.s32 @!p1 $0x0  }
0x14: {  	s2 =	sld [smem:$0x3F92];
	s0 =	simm.s32 @p1 $0x1  }
0x15: {  	[smem:$0x3FAF] =	sst s0;
	s0 =	simm.s32 @!p2 $0x0  }
0x16: {  	s3 =	sld [smem:$0x3FDB];
	s0 =	simm.s32 @p2 $0x1  }
0x17: {  	s4 =	simm.s32 $0x1BF5;
	[smem:$0x3FB1] =	sst s0  }
0x18: {  	s0 =	sld [smem:$0x3F94];
	_ =	swait.ge [sflag:s4], $0x0  }
0x19: {  	s7 =	sld [smem:$0x3F95]  }
0x1a: {  	s8 =	sadd.s32 $0xFFFFE003, lr  }
0x1b: {  	s9 =	sadd.s32 $0xFFFFFEF7, lr;
	s5 =	simm.s32 $0xFFFFFFFF;
	p2 =	slt.u32 s8, $0xFFFFF086  }
0x1c: {  	p1 =	slt.u32 s9, $0xF7A;
	s5 =	simm.s32 @!p2 $0x0  }
0x1d: {  	s5 =	simm.s32 @p1 $0x1;
	p0 =	seq.s32 s7, s2  }
0x1e: {  	s7 =	smul.u32 @!p0 $0xF7A, s2;
	p2 =	seq.s32 @!p0 s5, $0x0  }
0x1f: {  	s9 =	smul.u32 $0xF7A, s1;
	s8 =	simm.s32 @!p0 $0x1BF5;
	p2 =	por !p2, p0  }
0x20: {  	[sflag:s8] =	ssyncset.s32 @!p0 $0xFFFFF086;
	s6 =	sadd.s32 @!p0 s3, s7;
	s7 =	simm.s32 @!p0 $0x108  }
0x21: {  	s3 =	sadd.s32 s3, s9;
	s6 =	sadd.s32 @!p0 $0x88, s6;
	s7 =	simm.s32 @p2 $0x1082  }
0x22: {  	[simem:s7], [sflag:s8] =	dma.local @!p0 [hbm:s6], $0xF7A  }
0x23: {  	s9 =	sor.u32 $0xD0000000, s2;
	s6 =	simm.s32 $0x108;
	_ =	swait.ge @!p0 [sflag:s8], $0x0  }
0x24: {  	s3 =	sadd.s32 $0x88, s3;
	s6 =	simm.s32 @!p1 $0x1082;
	[sflag:s4] =	ssyncset.s32 $0xFFFFF086  }
0x25: {  	[simem:s6], [sflag:s4] =	dma.local [hbm:s3], $0xF7A  }
0x26: {  	[smem:$0x3F95] =	sst s1;
	(tag) =	ssettag s2;
	_ =	strace s9  }
0x27: {  	s1 =	sld [smem:$0x3FA5]  }
0x28: {  	s2 =	sld [smem:$0x3FA6]  }
0x29: {  	s4 =	sld [smem:$0x3FA8]  }
0x2a: {  	p0 =	seq.s32 s5, $0x0;
	s5 =	sld [smem:$0x3FA9]  }
0x2b: {  	s6 =	sld [smem:$0x3FAA]  }
0x2c: {  	s7 =	sld [smem:$0x3FAB]  }
0x2d: {  	s3 =	simm.s32 $0x108;
	s8 =	sld [smem:$0x3FAC]  }
0x2e: {  	s3 =	simm.s32 @!p0 $0x1082;
	s9 =	sld [smem:$0x3FAD]  }
0x2f: {  	lr =	sadd.s32 s0, s3;
	s0 =	sld [smem:$0x3FA4]  }
0x30: {  	s3 =	sld [smem:$0x3FA7]  }
0x31: {  	[smem:$0x3FB0] =	sst s10  }
0x32: {  	s10 =	sld [smem:$0x3FAE];
	_ =	sdelay $0x3  }
0x33: {  	p0 =	seq.s32 s10, $0x1;
	s10 =	sld [smem:$0x3FB0];
	_ =	sdelay $0x3  }
0x34: {  	[smem:$0x3FB0] =	sst s10  }
0x35: {  	s10 =	sld [smem:$0x3FAF];
	_ =	sdelay $0x3  }
0x36: {  	p1 =	seq.s32 s10, $0x1;
	s10 =	sld [smem:$0x3FB0];
	_ =	sdelay $0x3  }
0x37: {  	[smem:$0x3FB0] =	sst s10  }
0x38: {  	s10 =	sld [smem:$0x3FB1]  }
0x39: {  	_ = 	snop;
	(pc) =	sbr.ind lr, $3  }
0x3a: {  	_ = 	snop  }
0x3b: {  	_ = 	snop  }
0x3c: {  	p2 =	seq.s32 s10, $0x1;
	s10 =	sld [smem:$0x3FB0]  }
0x3d: {  	_ =	shalt  }
0x3e: {  	_ =	shalt  }
0x3f: {  	_ =	shalt  }
0x40: {  	_ =	shalt  }
0x41: {  	_ =	shalt  }
0x42: {  	_ =	shalt  }
0x43: {  	_ =	shalt  }
0x44: {  	_ =	shalt  }
0x45: {  	_ =	shalt  }
0x46: {  	_ =	shalt  }
0x47: {  	_ =	shalt  }
0x48: {  	_ =	shalt  }
0x49: {  	_ =	shalt  }
0x4a: {  	_ =	shalt  }
0x4b: {  	_ =	shalt  }
0x4c: {  	_ =	shalt  }
0x4d: {  	_ =	shalt  }
0x4e: {  	_ =	shalt  }
0x4f: {  	_ =	shalt  }
0x50: {  	_ =	shalt  }
0x51: {  	_ =	shalt  }
0x52: {  	_ =	shalt  }
0x53: {  	_ =	shalt  }
0x54: {  	_ =	shalt  }
0x55: {  	_ =	shalt  }
0x56: {  	_ =	shalt  }
0x57: {  	_ =	shalt  }
0x58: {  	_ =	shalt  }
0x59: {  	_ =	shalt  }
0x5a: {  	_ =	shalt  }
0x5b: {  	_ =	shalt  }
0x5c: {  	_ =	shalt  }
0x5d: {  	_ =	shalt  }
0x5e: {  	_ =	shalt  }
0x5f: {  	_ =	shalt  }
0x60: {  	_ =	shalt  }
0x61: {  	_ =	shalt  }
0x62: {  	_ =	shalt  }
0x63: {  	_ =	shalt  }
0x64: {  	_ =	shalt  }
0x65: {  	_ =	shalt  }
0x66: {  	_ =	shalt  }
0x67: {  	_ =	shalt  }
0x68: {  	_ =	shalt  }
0x69: {  	_ =	shalt  }
0x6a: {  	_ =	shalt  }
0x6b: {  	_ =	shalt  }
0x6c: {  	_ =	shalt  }
0x6d: {  	_ =	shalt  }
0x6e: {  	_ =	shalt  }
0x6f: {  	_ =	shalt  }
0x70: {  	_ =	shalt  }
0x71: {  	_ =	shalt  }
0x72: {  	_ =	shalt  }
0x73: {  	_ =	shalt  }
0x74: {  	_ =	shalt  }
0x75: {  	_ =	shalt  }
0x76: {  	_ =	shalt  }
0x77: {  	_ =	shalt  }
0x78: {  	_ =	shalt  }
0x79: {  	_ =	shalt  }
0x7a: {  	_ =	shalt  }
0x7b: {  	_ =	shalt  }
0x7c: {  	_ =	shalt  }
0x7d: {  	_ =	shalt  }
0x7e: {  	_ =	shalt  }
0x7f: {  	_ =	shalt  }
0x80: {  	_ =	shalt  }
0x81: {  	_ =	shalt  }
0x82: {  	_ =	shalt  }
0x83: {  	_ =	shalt  }
0x84: {  	_ =	shalt  }
0x85: {  	_ =	shalt  }
0x86: {  	_ =	shalt  }
0x87: {  	_ =	shalt  }
.Lfunc_end0:
.L_simem_size_0:
called_computation.1_lowered:
.L_overlay_start_0:
0x88: {  	s2 =	sld [smem:$0x3FD9]  }
0x89: {  	s3 =	sld [smem:$0x3FFE];
	_ =	sdelay $0x1  }
0x8a: {  	s1 =	srdreg.scid  }
0x8b: {  	s0 =	sand.u32 $0x1, s1  }
0x8c: {  	s17 =	sshll.u32 s0, $0xA;
	s2 =	sadd.s32 s3, s2  }
0x8d: {  	s2 =	sadd.s32 s2, s17  }
0x8e: {  	[smem:$0x3FBC] =	sst s2  }
0x8f: {  	_ = 	snop  }
0x90: {  	s18 =	sld [smem:$0x3FC8];
	(tm) =	ssettm $0x1  }
0x91: {  	s19 =	sld [smem:$0x3FFB];
	_ =	sdelay $0x3  }
0x92: {  	_ =	strace s19  }
0x93: {  	s2 =	sld [smem:$0x3FFC];
	_ =	sdelay $0x3  }
0x94: {  	_ =	strace s2  }
0x95: {  	s2 =	sld [smem:$0x3FFD];
	_ =	sdelay $0x3  }
0x96: {  	_ =	strace s2  }
0x97: {  	_ =	strace $0x8FFFFFFF  }
0x98: {  	s20 =	sld [smem:$0x3FDB];
	_ =	sdelay $0x1  }
0x99: {  	s4 =	simm.s32 $_scs_section_size  }
0x9a: {  	s5 =	simm.s32 $_size__tile_overlayer_lowered;
	s6 =	simm.s32 $_tile_overlayer_lowered  }
0x9b: {  	s7 =	simm.s32 $0x1BFF;
	s21 =	sshll.u32 s6, $0x1;
	s4 =	sadd.s32 s4, s20  }
0x9c: {  	s22 =	simm.s32 $0x0;
	s5 =	sshll.u32 s5, $0x1;
	s6 =	sadd.s32 s21, s4  }
0x9d: {  	[timem:s22], [sflag:s7] =	dma.local [hbm:s6], s5  }
0x9e: {  	_ =	swait.ge [sflag:s7], s5  }
0x9f: {  	s5 =	ssub.s32 $0x0, s5;
	[sflag:s7] =	ssyncset.done $0x0  }
0xa0: {  	[sflag:s7] =	ssyncadd.s32 s5;
	_ =	sdelay $0x1  }
0xa1: {  	s23 =	simm.s32 $0x1B8B  }
0xa2: {  	_ =	swait.ge [sflag:s23], $0x1  }
0xa3: {  	[sflag:s23] =	ssyncset.done $0x0  }
0xa4: {  	[sflag:s23] =	ssyncadd.s32 $0xFFFFFFFF  }
0xa5: {  	s5 =	sld [smem:$0x0]  }
0xa6: {  	s6 =	sand.u32 $0xFFFFFFFE, s1  }
0xa7: {  	p0 =	sne.s32 s1, s6  }
0xa8: {  	s6 =	sshll.u32 @p0 s6, $0xE  }
0xa9: {  	s6 =	sadd.s32 @p0 $0x11B8D, s6;
	s7 =	sshll.u32 @p0 s5, $0x11  }
0xaa: {  	s6 =	sor.u32 @p0 s7, s6  }
0xab: {  	[sflag:s6] =	ssyncadd.remote.s32 @p0 $0x1;
	_ =	sdelay $0x1  }
0xac: {  	s6 =	simm.s32 @p0 $0x1B8D  }
0xad: {  	_ =	swait.eq @p0 [sflag:s6], $0x1  }
0xae: {  	[sflag:s6] =	ssyncadd.s32 @p0 $0xFFFFFFFF  }
0xaf: {  	s7 =	sshll.u32 @!p0 s1, $0xE  }
0xb0: {  	s7 =	sor.u32 @!p0 $0x4000, s7;
	s6 =	simm.s32 @!p0 $0x1B8D  }
0xb1: {  	s5 =	sshll.u32 @!p0 s5, $0x11;
	s7 =	sadd.s32 @!p0 $0x11B8D, s7;
	_ =	swait.eq @!p0 [sflag:s6], $0x1  }
0xb2: {  	s5 =	sor.u32 @!p0 s5, s7;
	[sflag:s6] =	ssyncadd.s32 @!p0 $0xFFFFFFFF  }
0xb3: {  	s25 =	simm.s32 $0x1B8E;
	s24 =	sld [smem:$0x3FFE];
	[sflag:s5] =	ssyncadd.remote.s32 @!p0 $0x1  }
0xb4: {  	s26 =	simm.s32 $execute0_lowered;
	[smem:$0x3FD2] =	sst s25  }
0xb5: {  	s6 =	sshll.u32 s26, $0x1;
	_ =	strace $0x80000049;
	[dreg:$0x1] =	wrdreg $0xFFFFFFFF  }
0xb6: {  	s28 =	simm.s32 $_size_execute0_lowered;
	s4 =	sadd.s32 s4, s6;
	[dreg:$0x0] =	wrdreg $0x0  }
0xb7: {  	s6 =	sshll.u32 s28, $0x1;
	[dreg:$0x2] =	wrdreg s4  }
0xb8: {  	[dreg:$0x3] =	wrdreg s6  }
0xb9: {  	[dreg:$0x4] =	wrdreg $0xC0  }
0xba: {  	_ =	task [dreg:s22], $0x5FFFF  }
0xbb: {  	[dreg:$0x1] =	wrdreg $0xFFFFFFFF  }
0xbc: {  	[dreg:$0x0] =	wrdreg $0x60  }
0xbd: {  	[dreg:$0x2] =	wrdreg s18  }
0xbe: {  	[dreg:$0x3] =	wrdreg s24  }
0xbf: {  	[dreg:$0x4] =	wrdreg $0xA  }
0xc0: {  	_ =	task.clear_ibuf [dreg:s22], $0x5FFFF;
	_ =	strace $0x90000049  }
0xc1: {  	s29 =	simm.s32 $0xA;
	_ =	strace $0x8000004B  }
0xc2: {  	_ =	swait.ge [sflag:s29], $0x1  }
0xc3: {  	[sflag:s29] =	ssyncadd.s32 $0xFFFFFFFF  }
0xc4: {  	_ =	strace $0x9000004B  }
0xc5: {  	_ =	sfence  }
0xc6: {  	s30 =	sld [smem:$0x0];
	_ =	sdelay $0x2  }
0xc7: {  	s31 =	sshll.u32 s1, $0xD;
	s1 =	sshrl.u32 s1, $0x2  }
0xc8: {  	s4 =	sand.u32 $0x4000, s31;
	s1 =	sadd.s32 s1, s30  }
0xc9: {  	s0 =	sor.u32 s4, s0;
	s1 =	sshll.u32 s1, $0x11  }
0xca: {  	s0 =	sor.u32 s1, s0  }
0xcb: {  	s0 =	sadd.s32 $0x8F2B, s0  }
0xcc: {  	[sflag:s0] =	ssyncadd.remote.s32 $0x1  }
0xcd: {  	_ =	sfence.sel $0xFFFF  }
0xce: {  	[dreg:$0x0] =	wrdreg $0xFFFFFFFF;
	(pc) =	sbr.abs _section_cstart, $3  }
0xcf: {  	[dreg:$0x1] =	wrdreg $0xFFFFFFFF  }
0xd0: {  	_ =	task.clear_ibuf [dreg:s22], $0x2FFFF;
	_ =	strace $0x9FFFFFFF  }
0xd1: {  	(tm) =	ssettm $0x7FFFFFFF  }
tec
execute0_lowered:
.L_overlay_start_1:
0x0: {  	(tag) =	ssettag $0x1  }
0x1: {  	s1 =	srdreg.scid;
	s0 =	stileid.u32  }
0x2: {  	s30 =	sand.u32 $0x1, s1;
	s26 =	sshll.u32 s0, $0x1  }
0x3: {  	s7 =	sor.u32 s30, s26  }
0x4: {  	s9 =	rddreg [dreg:$0x1];
	s4 =	sshll.u32 s7, $0x8  }
0x5: {  	s2 =	rddreg [dreg:$0x0];
	s3 =	simm.s32 $0x0;
	s4 =	sadd.s32 s4, s9  }
0x6: {  	[smem:$0x7FF] =	sst s3;
	s4 =	sadd.s32 $0xA8400, s4  }
0x7: {  	_ =	strace $0x8000004A;
	[dreg:$0x3] =	wrdreg s4  }
0x8: {  	s4 =	simm.s32 $0x5;
	s5 =	rddreg [dreg:$0x3]  }
0x9: {  	[tilespmem:s3], [sflag:$0x5] =	stream.linear.gather [hbm4b:s5+s3], $0x500, $0x38;
	[tilespmem:$0x8800] =	vst v63  }
0xa: {  	_ =	swait.ge [sflag:s4], $0x500  }
0xb: {  	[sflag:s4] =	ssyncset.done $0x0  }
0xc: {  	s6 =	simm.s32 $0x800;
	s5 =	simm.s32 $0x80;
	[sflag:s4] =	ssyncadd.s32 $0xFFFFFB00  }
0xd: {  	[tilespmem:s6], [sflag:$0x1] =	stream.indirect.gather [hbm4b:s2+s5], $0x80, s3, s5, $0xb8;
	[tilespmem:$0x8800] =	vst v63  }
0xe: {  	s8 =	simm.s32 $0x1;
	s10 =	smul.u32 $0x5000, s7;
	s7 =	simm.s32 $0x4800  }
0xf: {  	[tilespmem:s7], [sflag:$0x2] =	stream.indirect.gather [hbm4b:s2+s5], $0x80, s5, s5, $0xb8;
	[tilespmem:$0x8800] =	vst v63  }
0x10: {  	_ =	swait.ge [sflag:s8], $0x4000  }
0x11: {  	s31 =	sadd.s32 s10, s9;
	[sflag:s8] =	ssyncset.done $0x0  }
0x12: {  	s10 =	simm.s32 $0x3;
	s9 =	sadd.s32 $0xAA400, s31;
	[sflag:s8] =	ssyncadd.s32 $0xFFFFC000  }
0x13: {  	[hbm4b:s9+s3] =	stream.linear.scatter [tilespmem:s6], [sflag:$0x3], $0x4000, $0x38;
	[tilespmem:$0x8800] =	vst v63  }
0x14: {  	_ =	swait.ge [sflag:s10], $0x4000  }
0x15: {  	[sflag:s10] =	ssyncset.done $0x0  }
0x16: {  	s11 =	simm.s32 $0x100;
	s12 =	simm.s32 $0x2;
	[sflag:s10] =	ssyncadd.s32 $0xFFFFC000  }
0x17: {  	[tilespmem:s6], [sflag:$0x1] =	stream.indirect.gather [hbm4b:s2+s5], $0x80, s11, s5, $0xb8;
	[tilespmem:$0x8800] =	vst v63  }
0x18: {  	_ =	swait.ge [sflag:s12], $0x4000  }
0x19: {  	[sflag:s12] =	ssyncset.done $0x0  }
0x1a: {  	s13 =	simm.s32 $0x4;
	s14 =	sadd.s32 $0xAAC00, s31;
	[sflag:s12] =	ssyncadd.s32 $0xFFFFC000  }
0x1b: {  	[hbm4b:s14+s3] =	stream.linear.scatter [tilespmem:s7], [sflag:$0x4], $0x4000, $0x38;
	[tilespmem:$0x8800] =	vst v63  }
0x1c: {  	_ =	swait.ge [sflag:s13], $0x4000  }
0x1d: {  	[sflag:s13] =	ssyncset.done $0x0  }
0x1e: {  	s15 =	simm.s32 $0x180;
	[sflag:s13] =	ssyncadd.s32 $0xFFFFC000  }
0x1f: {  	[tilespmem:s7], [sflag:$0x2] =	stream.indirect.gather [hbm4b:s2+s5], $0x80, s15, s5, $0xb8;
	[tilespmem:$0x8800] =	vst v63  }
0x20: {  	_ =	swait.ge [sflag:s8], $0x4000  }
0x21: {  	[sflag:s8] =	ssyncset.done $0x0  }
0x22: {  	s16 =	sadd.s32 $0xAB400, s31;
	[sflag:s8] =	ssyncadd.s32 $0xFFFFC000  }
0x23: {  	[hbm4b:s16+s3] =	stream.linear.scatter [tilespmem:s6], [sflag:$0x3], $0x4000, $0x38;
	[tilespmem:$0x8800] =	vst v63  }
0x24: {  	_ =	swait.ge [sflag:s10], $0x4000  }
0x25: {  	[sflag:s10] =	ssyncset.done $0x0  }
0x26: {  	s17 =	simm.s32 $0x200;
	[sflag:s10] =	ssyncadd.s32 $0xFFFFC000  }
0x27: {  	[tilespmem:s6], [sflag:$0x1] =	stream.indirect.gather [hbm4b:s2+s5], $0x80, s17, s5, $0xb8;
	[tilespmem:$0x8800] =	vst v63  }
0x28: {  	_ =	swait.ge [sflag:s12], $0x4000  }
0x29: {  	[sflag:s12] =	ssyncset.done $0x0  }
0x2a: {  	s18 =	sadd.s32 $0xABC00, s31;
	[sflag:s12] =	ssyncadd.s32 $0xFFFFC000  }
0x2b: {  	[hbm4b:s18+s3] =	stream.linear.scatter [tilespmem:s7], [sflag:$0x4], $0x4000, $0x38;
	[tilespmem:$0x8800] =	vst v63  }
0x2c: {  	_ =	swait.ge [sflag:s13], $0x4000  }
0x2d: {  	[sflag:s13] =	ssyncset.done $0x0  }
0x2e: {  	s19 =	simm.s32 $0x280;
	[sflag:s13] =	ssyncadd.s32 $0xFFFFC000  }
0x2f: {  	[tilespmem:s7], [sflag:$0x2] =	stream.indirect.gather [hbm4b:s2+s5], $0x80, s19, s5, $0xb8;
	[tilespmem:$0x8800] =	vst v63  }
0x30: {  	_ =	swait.ge [sflag:s8], $0x4000  }
0x31: {  	[sflag:s8] =	ssyncset.done $0x0  }
0x32: {  	s20 =	sadd.s32 $0xAC400, s31;
	[sflag:s8] =	ssyncadd.s32 $0xFFFFC000  }
0x33: {  	[hbm4b:s20+s3] =	stream.linear.scatter [tilespmem:s6], [sflag:$0x3], $0x4000, $0x38;
	[tilespmem:$0x8800] =	vst v63  }
0x34: {  	_ =	swait.ge [sflag:s10], $0x4000  }
0x35: {  	[sflag:s10] =	ssyncset.done $0x0  }
0x36: {  	s21 =	simm.s32 $0x300;
	[sflag:s10] =	ssyncadd.s32 $0xFFFFC000  }
0x37: {  	[tilespmem:s6], [sflag:$0x1] =	stream.indirect.gather [hbm4b:s2+s5], $0x80, s21, s5, $0xb8;
	[tilespmem:$0x8800] =	vst v63  }
0x38: {  	_ =	swait.ge [sflag:s12], $0x4000  }
0x39: {  	[sflag:s12] =	ssyncset.done $0x0  }
0x3a: {  	s22 =	sadd.s32 $0xACC00, s31;
	[sflag:s12] =	ssyncadd.s32 $0xFFFFC000  }
0x3b: {  	[hbm4b:s22+s3] =	stream.linear.scatter [tilespmem:s7], [sflag:$0x4], $0x4000, $0x38;
	[tilespmem:$0x8800] =	vst v63  }
0x3c: {  	_ =	swait.ge [sflag:s13], $0x4000  }
0x3d: {  	[sflag:s13] =	ssyncset.done $0x0  }
0x3e: {  	s23 =	simm.s32 $0x380;
	[sflag:s13] =	ssyncadd.s32 $0xFFFFC000  }
0x3f: {  	[tilespmem:s7], [sflag:$0x2] =	stream.indirect.gather [hbm4b:s2+s5], $0x80, s23, s5, $0xb8;
	[tilespmem:$0x8800] =	vst v63  }
0x40: {  	_ =	swait.ge [sflag:s8], $0x4000  }
0x41: {  	[sflag:s8] =	ssyncset.done $0x0  }
0x42: {  	s24 =	sadd.s32 $0xAD400, s31;
	[sflag:s8] =	ssyncadd.s32 $0xFFFFC000  }
0x43: {  	[hbm4b:s24+s3] =	stream.linear.scatter [tilespmem:s6], [sflag:$0x3], $0x4000, $0x38;
	[tilespmem:$0x8800] =	vst v63  }
0x44: {  	_ =	swait.ge [sflag:s10], $0x4000  }
0x45: {  	[sflag:s10] =	ssyncset.done $0x0  }
0x46: {  	s25 =	simm.s32 $0x400;
	[sflag:s10] =	ssyncadd.s32 $0xFFFFC000  }
0x47: {  	[tilespmem:s6], [sflag:$0x1] =	stream.indirect.gather [hbm4b:s2+s5], $0x80, s25, s5, $0xb8;
	[tilespmem:$0x8800] =	vst v63  }
0x48: {  	_ =	swait.ge [sflag:s12], $0x4000  }
0x49: {  	[sflag:s12] =	ssyncset.done $0x0  }
0x4a: {  	s26 =	sadd.s32 $0xADC00, s31;
	[sflag:s12] =	ssyncadd.s32 $0xFFFFC000  }
0x4b: {  	[hbm4b:s26+s3] =	stream.linear.scatter [tilespmem:s7], [sflag:$0x4], $0x4000, $0x38;
	[tilespmem:$0x8800] =	vst v63  }
0x4c: {  	_ =	swait.ge [sflag:s13], $0x4000  }
0x4d: {  	[sflag:s13] =	ssyncset.done $0x0  }
0x4e: {  	s28 =	simm.s32 $0x480;
	[sflag:s13] =	ssyncadd.s32 $0xFFFFC000  }
0x4f: {  	[tilespmem:s7], [sflag:$0x2] =	stream.indirect.gather [hbm4b:s2+s5], $0x80, s28, s5, $0xb8;
	[tilespmem:$0x8800] =	vst v63  }
0x50: {  	_ =	swait.ge [sflag:s8], $0x4000  }
0x51: {  	s30 =	ssub.s32 $0x2, s30;
	[sflag:s8] =	ssyncset.done $0x0  }
0x52: {  	s1 =	sshrl.u32 s30, $0x1;
	s29 =	sadd.s32 $0xAE400, s31;
	[sflag:s8] =	ssyncadd.s32 $0xFFFFC000  }
0x53: {  	[hbm4b:s29+s3] =	stream.linear.scatter [tilespmem:s6], [sflag:$0x3], $0x4000, $0x38;
	[tilespmem:$0x8800] =	vst v63  }
0x54: {  	s1 =	ssub.s32 s30, s1;
	_ =	swait.ge [sflag:s10], $0x4000  }
0x55: {  	s1 =	smax.u32 s1, $0x1;
	[sflag:s10] =	ssyncset.done $0x0  }
0x56: {  	p0 =	sne.s32 s1, $0x1;
	[sflag:s10] =	ssyncadd.s32 $0xFFFFC000  }
.Ltmp0:
0x57: {  	_ =	swait.ge [sflag:s12], $0x4000;
	(pc) =	sbr.rel @!p0 .LBB2_2-.Ltmp0, $4  }
0x58: {  	[sflag:s12] =	ssyncset.done $0x0  }
0x59: {  	s30 =	sadd.s32 $0xAEC00, s31;
	[sflag:s12] =	ssyncadd.s32 $0xFFFFC000  }
0x5a: {  	[hbm4b:s30+s3] =	stream.linear.scatter [tilespmem:s7], [sflag:$0x4], $0x4000, $0x38;
	[tilespmem:$0x8800] =	vst v63  }
0x5b: {  	s31 =	sadd.s32 $0xFFFFFFFF, s1;
	_ =	swait.ge [sflag:s13], $0x4000  }
.LBB2_1:
0x5c: {  	[sflag:s13] =	ssyncset.done $0x0  }
0x5d: {  	s1 =	rddreg [dreg:$0x3];
	[sflag:s13] =	ssyncadd.s32 $0xFFFFC000  }
0x5e: {  	[tilespmem:s3], [sflag:$0x5] =	stream.linear.gather [hbm4b:s1+s3], $0x500, $0x38;
	[tilespmem:$0x8800] =	vst v63  }
0x5f: {  	_ =	swait.ge [sflag:s4], $0x500  }
0x60: {  	[sflag:s4] =	ssyncset.done $0x0  }
0x61: {  	[sflag:s4] =	ssyncadd.s32 $0xFFFFFB00  }
0x62: {  	[tilespmem:s6], [sflag:$0x1] =	stream.indirect.gather [hbm4b:s2+s5], $0x80, s3, s5, $0xb8;
	[tilespmem:$0x8800] =	vst v63  }
0x63: {  	_ = 	snop  }
0x64: {  	[tilespmem:s7], [sflag:$0x2] =	stream.indirect.gather [hbm4b:s2+s5], $0x80, s5, s5, $0xb8;
	[tilespmem:$0x8800] =	vst v63  }
0x65: {  	_ =	swait.ge [sflag:s8], $0x4000  }
0x66: {  	[sflag:s8] =	ssyncset.done $0x0  }
0x67: {  	[sflag:s8] =	ssyncadd.s32 $0xFFFFC000  }
0x68: {  	[hbm4b:s9+s3] =	stream.linear.scatter [tilespmem:s6], [sflag:$0x3], $0x4000, $0x38;
	[tilespmem:$0x8800] =	vst v63  }
0x69: {  	_ =	swait.ge [sflag:s10], $0x4000  }
0x6a: {  	[sflag:s10] =	ssyncset.done $0x0  }
0x6b: {  	[sflag:s10] =	ssyncadd.s32 $0xFFFFC000  }
0x6c: {  	[tilespmem:s6], [sflag:$0x1] =	stream.indirect.gather [hbm4b:s2+s5], $0x80, s11, s5, $0xb8;
	[tilespmem:$0x8800] =	vst v63  }
0x6d: {  	_ =	swait.ge [sflag:s12], $0x4000  }
0x6e: {  	[sflag:s12] =	ssyncset.done $0x0  }
0x6f: {  	[sflag:s12] =	ssyncadd.s32 $0xFFFFC000  }
0x70: {  	[hbm4b:s14+s3] =	stream.linear.scatter [tilespmem:s7], [sflag:$0x4], $0x4000, $0x38;
	[tilespmem:$0x8800] =	vst v63  }
0x71: {  	_ =	swait.ge [sflag:s13], $0x4000  }
0x72: {  	[sflag:s13] =	ssyncset.done $0x0  }
0x73: {  	[sflag:s13] =	ssyncadd.s32 $0xFFFFC000  }
0x74: {  	[tilespmem:s7], [sflag:$0x2] =	stream.indirect.gather [hbm4b:s2+s5], $0x80, s15, s5, $0xb8;
	[tilespmem:$0x8800] =	vst v63  }
0x75: {  	_ =	swait.ge [sflag:s8], $0x4000  }
0x76: {  	[sflag:s8] =	ssyncset.done $0x0  }
0x77: {  	[sflag:s8] =	ssyncadd.s32 $0xFFFFC000  }
0x78: {  	[hbm4b:s16+s3] =	stream.linear.scatter [tilespmem:s6], [sflag:$0x3], $0x4000, $0x38;
	[tilespmem:$0x8800] =	vst v63  }
0x79: {  	_ =	swait.ge [sflag:s10], $0x4000  }
0x7a: {  	[sflag:s10] =	ssyncset.done $0x0  }
0x7b: {  	[sflag:s10] =	ssyncadd.s32 $0xFFFFC000  }
0x7c: {  	[tilespmem:s6], [sflag:$0x1] =	stream.indirect.gather [hbm4b:s2+s5], $0x80, s17, s5, $0xb8;
	[tilespmem:$0x8800] =	vst v63  }
0x7d: {  	_ =	swait.ge [sflag:s12], $0x4000  }
0x7e: {  	[sflag:s12] =	ssyncset.done $0x0  }
0x7f: {  	[sflag:s12] =	ssyncadd.s32 $0xFFFFC000  }
0x80: {  	[hbm4b:s18+s3] =	stream.linear.scatter [tilespmem:s7], [sflag:$0x4], $0x4000, $0x38;
	[tilespmem:$0x8800] =	vst v63  }
0x81: {  	_ =	swait.ge [sflag:s13], $0x4000  }
0x82: {  	[sflag:s13] =	ssyncset.done $0x0  }
0x83: {  	[sflag:s13] =	ssyncadd.s32 $0xFFFFC000  }
0x84: {  	[tilespmem:s7], [sflag:$0x2] =	stream.indirect.gather [hbm4b:s2+s5], $0x80, s19, s5, $0xb8;
	[tilespmem:$0x8800] =	vst v63  }
0x85: {  	_ =	swait.ge [sflag:s8], $0x4000  }
0x86: {  	[sflag:s8] =	ssyncset.done $0x0  }
0x87: {  	[sflag:s8] =	ssyncadd.s32 $0xFFFFC000  }
0x88: {  	[hbm4b:s20+s3] =	stream.linear.scatter [tilespmem:s6], [sflag:$0x3], $0x4000, $0x38;
	[tilespmem:$0x8800] =	vst v63  }
0x89: {  	_ =	swait.ge [sflag:s10], $0x4000  }
0x8a: {  	[sflag:s10] =	ssyncset.done $0x0  }
0x8b: {  	[sflag:s10] =	ssyncadd.s32 $0xFFFFC000  }
0x8c: {  	[tilespmem:s6], [sflag:$0x1] =	stream.indirect.gather [hbm4b:s2+s5], $0x80, s21, s5, $0xb8;
	[tilespmem:$0x8800] =	vst v63  }
0x8d: {  	_ =	swait.ge [sflag:s12], $0x4000  }
0x8e: {  	[sflag:s12] =	ssyncset.done $0x0  }
0x8f: {  	[sflag:s12] =	ssyncadd.s32 $0xFFFFC000  }
0x90: {  	[hbm4b:s22+s3] =	stream.linear.scatter [tilespmem:s7], [sflag:$0x4], $0x4000, $0x38;
	[tilespmem:$0x8800] =	vst v63  }
0x91: {  	_ =	swait.ge [sflag:s13], $0x4000  }
0x92: {  	[sflag:s13] =	ssyncset.done $0x0  }
0x93: {  	[sflag:s13] =	ssyncadd.s32 $0xFFFFC000  }
0x94: {  	[tilespmem:s7], [sflag:$0x2] =	stream.indirect.gather [hbm4b:s2+s5], $0x80, s23, s5, $0xb8;
	[tilespmem:$0x8800] =	vst v63  }
0x95: {  	_ =	swait.ge [sflag:s8], $0x4000  }
0x96: {  	[sflag:s8] =	ssyncset.done $0x0  }
0x97: {  	[sflag:s8] =	ssyncadd.s32 $0xFFFFC000  }
0x98: {  	[hbm4b:s24+s3] =	stream.linear.scatter [tilespmem:s6], [sflag:$0x3], $0x4000, $0x38;
	[tilespmem:$0x8800] =	vst v63  }
0x99: {  	_ =	swait.ge [sflag:s10], $0x4000  }
0x9a: {  	[sflag:s10] =	ssyncset.done $0x0  }
0x9b: {  	[sflag:s10] =	ssyncadd.s32 $0xFFFFC000  }
0x9c: {  	[tilespmem:s6], [sflag:$0x1] =	stream.indirect.gather [hbm4b:s2+s5], $0x80, s25, s5, $0xb8;
	[tilespmem:$0x8800] =	vst v63  }
0x9d: {  	_ =	swait.ge [sflag:s12], $0x4000  }
0x9e: {  	[sflag:s12] =	ssyncset.done $0x0  }
0x9f: {  	[sflag:s12] =	ssyncadd.s32 $0xFFFFC000  }
0xa0: {  	[hbm4b:s26+s3] =	stream.linear.scatter [tilespmem:s7], [sflag:$0x4], $0x4000, $0x38;
	[tilespmem:$0x8800] =	vst v63  }
0xa1: {  	_ =	swait.ge [sflag:s13], $0x4000  }
0xa2: {  	[sflag:s13] =	ssyncset.done $0x0  }
0xa3: {  	[sflag:s13] =	ssyncadd.s32 $0xFFFFC000  }
0xa4: {  	[tilespmem:s7], [sflag:$0x2] =	stream.indirect.gather [hbm4b:s2+s5], $0x80, s28, s5, $0xb8;
	[tilespmem:$0x8800] =	vst v63  }
0xa5: {  	_ =	swait.ge [sflag:s8], $0x4000  }
0xa6: {  	[sflag:s8] =	ssyncset.done $0x0  }
0xa7: {  	[sflag:s8] =	ssyncadd.s32 $0xFFFFC000  }
0xa8: {  	[hbm4b:s29+s3] =	stream.linear.scatter [tilespmem:s6], [sflag:$0x3], $0x4000, $0x38;
	[tilespmem:$0x8800] =	vst v63  }
0xa9: {  	_ =	swait.ge [sflag:s10], $0x4000  }
0xaa: {  	[sflag:s10] =	ssyncset.done $0x0  }
0xab: {  	p0 =	sne.s32 s31, $0x1;
	[sflag:s10] =	ssyncadd.s32 $0xFFFFC000  }
.Ltmp1:
0xac: {  	_ =	swait.ge [sflag:s12], $0x4000;
	(pc) =	sbr.rel @p0 .LBB2_1-.Ltmp1, $4  }
0xad: {  	[sflag:s12] =	ssyncset.done $0x0  }
0xae: {  	[sflag:s12] =	ssyncadd.s32 $0xFFFFC000  }
0xaf: {  	[hbm4b:s30+s3] =	stream.linear.scatter [tilespmem:s7], [sflag:$0x4], $0x4000, $0x38;
	[tilespmem:$0x8800] =	vst v63  }
0xb0: {  	s31 =	sadd.s32 $0xFFFFFFFF, s31;
	_ =	swait.ge [sflag:s13], $0x4000  }
.LBB2_2:
0xb1: {  	[sflag:s13] =	ssyncset.done $0x0  }
0xb2: {  	[sflag:s13] =	ssyncadd.s32 $0xFFFFC000  }
0xb3: {  	_ =	sfence.sel $0x180000  }
0xb4: {  	[bflag:$0x0] =	sbarrier.arrive $0xFFFF  }
0xb5: {  	_ =	strace $0x9000004A  }
0xb6: {  	[bflag:$0x2] =	sbarrier.arrive $0xFFFF  }
0xb7: {  	p0 =	sne.s32 s0, $0x0;
	s0 =	rddreg [dreg:$0x2]  }
0xb8: {  	s0 =	sadd.s32 @!p0 $0x100000, s0  }
0xb9: {  	[sflag:s0] =	ssyncadd.tile.s32 @!p0 $0x1;
	_ =	shalt  }
.Lfunc_end2:
_tile_overlayer_lowered:
.L_overlay_start_2:
0xba: {  	(tag) =	ssettag $0x2  }
0xbb: {  	s0 =	rddreg [dreg:$0x0];
	s2 =	stileid.u32  }
0xbc: {  	s1 =	rddreg [dreg:$0x1];
	p0 =	sne.s32 s2, $0x0  }
0xbd: {  	s3 =	rddreg [dreg:$0x2];
	[bflag:$0x3] =	sbarrier.arrive $0xFFFF;
	s2 =	simm.s32 @!p0 $0x1C05  }
0xbe: {  	[timem:s3], [sflag:s2] =	dma.local @!p0 [hbm:s0], s1  }
0xbf: {  	s0 =	simm.s32 @!p0 $0x5  }
0xc0: {  	_ =	swait.ge @!p0 [sflag:s0], s1  }
0xc1: {  	s1 =	ssub.s32 @!p0 $0x0, s1;
	[sflag:s0] =	ssyncset.done @!p0 $0x0  }
0xc2: {  	[sflag:s0] =	ssyncadd.s32 @!p0 s1  }
0xc3: {  	[bflag:$0x3] =	sbarrier.arrive $0xFFFF  }
0xc4: {  	_ =	shalt  }

// kernel: kernel.19.cloned.1.call-start
scs
__scs_entry_jumppad:
0x0: {  	(pc) =	sbr.rel $0x88, $3  }
0x1: {  	(tag) =	ssettag $0x0;
	lr =	simm.s32 $0x1  }
0x2: {  	[smem:$0x3F95] =	sst lr;
	_ =	strace $0xD0000000  }
0x3: {  	_ = 	snop  }
0x4: {  	_ = 	snop  }
0x5: {  	_ = 	snop  }
0x6: {  	_ = 	snop  }
0x7: {  	_ = 	snop  }
__scs_overlays_trampoline_lowered:
0x8: {  	[smem:$0x3FA4] =	sst s0  }
0x9: {  	[smem:$0x3FA5] =	sst s1  }
0xa: {  	[smem:$0x3FA6] =	sst s2  }
0xb: {  	[smem:$0x3FA7] =	sst s3  }
0xc: {  	[smem:$0x3FA8] =	sst s4  }
0xd: {  	[smem:$0x3FA9] =	sst s5  }
0xe: {  	[smem:$0x3FAA] =	sst s6  }
0xf: {  	[smem:$0x3FAB] =	sst s7  }
0x10: {  	[smem:$0x3FAC] =	sst s8  }
0x11: {  	[smem:$0x3FAD] =	sst s9;
	s0 =	simm.s32 @!p0 $0x0  }
0x12: {  	s1 =	sld [smem:$0x3F93];
	s0 =	simm.s32 @p0 $0x1  }
0x13: {  	[smem:$0x3FAE] =	sst s0;
	s0 =	simm.s32 @!p1 $0x0  }
0x14: {  	s2 =	sld [smem:$0x3F92];
	s0 =	simm.s32 @p1 $0x1  }
0x15: {  	[smem:$0x3FAF] =	sst s0;
	s0 =	simm.s32 @!p2 $0x0  }
0x16: {  	s3 =	sld [smem:$0x3FDB];
	s0 =	simm.s32 @p2 $0x1  }
0x17: {  	s4 =	simm.s32 $0x1BF5;
	[smem:$0x3FB1] =	sst s0  }
0x18: {  	s0 =	sld [smem:$0x3F94];
	_ =	swait.ge [sflag:s4], $0x0  }
0x19: {  	s7 =	sld [smem:$0x3F95]  }
0x1a: {  	s8 =	sadd.s32 $0xFFFFE003, lr  }
0x1b: {  	s9 =	sadd.s32 $0xFFFFFEF7, lr;
	s5 =	simm.s32 $0xFFFFFFFF;
	p2 =	slt.u32 s8, $0xFFFFF086  }
0x1c: {  	p1 =	slt.u32 s9, $0xF7A;
	s5 =	simm.s32 @!p2 $0x0  }
0x1d: {  	s5 =	simm.s32 @p1 $0x1;
	p0 =	seq.s32 s7, s2  }
0x1e: {  	s7 =	smul.u32 @!p0 $0xF7A, s2;
	p2 =	seq.s32 @!p0 s5, $0x0  }
0x1f: {  	s9 =	smul.u32 $0xF7A, s1;
	s8 =	simm.s32 @!p0 $0x1BF5;
	p2 =	por !p2, p0  }
0x20: {  	[sflag:s8] =	ssyncset.s32 @!p0 $0xFFFFF086;
	s6 =	sadd.s32 @!p0 s3, s7;
	s7 =	simm.s32 @!p0 $0x108  }
0x21: {  	s3 =	sadd.s32 s3, s9;
	s6 =	sadd.s32 @!p0 $0x88, s6;
	s7 =	simm.s32 @p2 $0x1082  }
0x22: {  	[simem:s7], [sflag:s8] =	dma.local @!p0 [hbm:s6], $0xF7A  }
0x23: {  	s9 =	sor.u32 $0xD0000000, s2;
	s6 =	simm.s32 $0x108;
	_ =	swait.ge @!p0 [sflag:s8], $0x0  }
0x24: {  	s3 =	sadd.s32 $0x88, s3;
	s6 =	simm.s32 @!p1 $0x1082;
	[sflag:s4] =	ssyncset.s32 $0xFFFFF086  }
0x25: {  	[simem:s6], [sflag:s4] =	dma.local [hbm:s3], $0xF7A  }
0x26: {  	[smem:$0x3F95] =	sst s1;
	(tag) =	ssettag s2;
	_ =	strace s9  }
0x27: {  	s1 =	sld [smem:$0x3FA5]  }
0x28: {  	s2 =	sld [smem:$0x3FA6]  }
0x29: {  	s4 =	sld [smem:$0x3FA8]  }
0x2a: {  	p0 =	seq.s32 s5, $0x0;
	s5 =	sld [smem:$0x3FA9]  }
0x2b: {  	s6 =	sld [smem:$0x3FAA]  }
0x2c: {  	s7 =	sld [smem:$0x3FAB]  }
0x2d: {  	s3 =	simm.s32 $0x108;
	s8 =	sld [smem:$0x3FAC]  }
0x2e: {  	s3 =	simm.s32 @!p0 $0x1082;
	s9 =	sld [smem:$0x3FAD]  }
0x2f: {  	lr =	sadd.s32 s0, s3;
	s0 =	sld [smem:$0x3FA4]  }
0x30: {  	s3 =	sld [smem:$0x3FA7]  }
0x31: {  	[smem:$0x3FB0] =	sst s10  }
0x32: {  	s10 =	sld [smem:$0x3FAE];
	_ =	sdelay $0x3  }
0x33: {  	p0 =	seq.s32 s10, $0x1;
	s10 =	sld [smem:$0x3FB0];
	_ =	sdelay $0x3  }
0x34: {  	[smem:$0x3FB0] =	sst s10  }
0x35: {  	s10 =	sld [smem:$0x3FAF];
	_ =	sdelay $0x3  }
0x36: {  	p1 =	seq.s32 s10, $0x1;
	s10 =	sld [smem:$0x3FB0];
	_ =	sdelay $0x3  }
0x37: {  	[smem:$0x3FB0] =	sst s10  }
0x38: {  	s10 =	sld [smem:$0x3FB1]  }
0x39: {  	_ = 	snop;
	(pc) =	sbr.ind lr, $3  }
0x3a: {  	_ = 	snop  }
0x3b: {  	_ = 	snop  }
0x3c: {  	p2 =	seq.s32 s10, $0x1;
	s10 =	sld [smem:$0x3FB0]  }
0x3d: {  	_ =	shalt  }
0x3e: {  	_ =	shalt  }
0x3f: {  	_ =	shalt  }
0x40: {  	_ =	shalt  }
0x41: {  	_ =	shalt  }
0x42: {  	_ =	shalt  }
0x43: {  	_ =	shalt  }
0x44: {  	_ =	shalt  }
0x45: {  	_ =	shalt  }
0x46: {  	_ =	shalt  }
0x47: {  	_ =	shalt  }
0x48: {  	_ =	shalt  }
0x49: {  	_ =	shalt  }
0x4a: {  	_ =	shalt  }
0x4b: {  	_ =	shalt  }
0x4c: {  	_ =	shalt  }
0x4d: {  	_ =	shalt  }
0x4e: {  	_ =	shalt  }
0x4f: {  	_ =	shalt  }
0x50: {  	_ =	shalt  }
0x51: {  	_ =	shalt  }
0x52: {  	_ =	shalt  }
0x53: {  	_ =	shalt  }
0x54: {  	_ =	shalt  }
0x55: {  	_ =	shalt  }
0x56: {  	_ =	shalt  }
0x57: {  	_ =	shalt  }
0x58: {  	_ =	shalt  }
0x59: {  	_ =	shalt  }
0x5a: {  	_ =	shalt  }
0x5b: {  	_ =	shalt  }
0x5c: {  	_ =	shalt  }
0x5d: {  	_ =	shalt  }
0x5e: {  	_ =	shalt  }
0x5f: {  	_ =	shalt  }
0x60: {  	_ =	shalt  }
0x61: {  	_ =	shalt  }
0x62: {  	_ =	shalt  }
0x63: {  	_ =	shalt  }
0x64: {  	_ =	shalt  }
0x65: {  	_ =	shalt  }
0x66: {  	_ =	shalt  }
0x67: {  	_ =	shalt  }
0x68: {  	_ =	shalt  }
0x69: {  	_ =	shalt  }
0x6a: {  	_ =	shalt  }
0x6b: {  	_ =	shalt  }
0x6c: {  	_ =	shalt  }
0x6d: {  	_ =	shalt  }
0x6e: {  	_ =	shalt  }
0x6f: {  	_ =	shalt  }
0x70: {  	_ =	shalt  }
0x71: {  	_ =	shalt  }
0x72: {  	_ =	shalt  }
0x73: {  	_ =	shalt  }
0x74: {  	_ =	shalt  }
0x75: {  	_ =	shalt  }
0x76: {  	_ =	shalt  }
0x77: {  	_ =	shalt  }
0x78: {  	_ =	shalt  }
0x79: {  	_ =	shalt  }
0x7a: {  	_ =	shalt  }
0x7b: {  	_ =	shalt  }
0x7c: {  	_ =	shalt  }
0x7d: {  	_ =	shalt  }
0x7e: {  	_ =	shalt  }
0x7f: {  	_ =	shalt  }
0x80: {  	_ =	shalt  }
0x81: {  	_ =	shalt  }
0x82: {  	_ =	shalt  }
0x83: {  	_ =	shalt  }
0x84: {  	_ =	shalt  }
0x85: {  	_ =	shalt  }
0x86: {  	_ =	shalt  }
0x87: {  	_ =	shalt  }
.Lfunc_end0:
.L_simem_size_0:
called_computation.2_lowered:
.L_overlay_start_0:
0x88: {  	s2 =	sld [smem:$0x3FD9]  }
0x89: {  	s3 =	sld [smem:$0x3FFE];
	_ =	sdelay $0x1  }
0x8a: {  	s1 =	srdreg.scid  }
0x8b: {  	s0 =	sand.u32 $0x1, s1  }
0x8c: {  	s17 =	sshll.u32 s0, $0xA;
	s2 =	sadd.s32 s3, s2  }
0x8d: {  	s2 =	sadd.s32 s2, s17  }
0x8e: {  	[smem:$0x3FBC] =	sst s2  }
0x8f: {  	_ = 	snop  }
0x90: {  	s18 =	sld [smem:$0x3FC8];
	(tm) =	ssettm $0x1  }
0x91: {  	s19 =	sld [smem:$0x3FFB];
	_ =	sdelay $0x3  }
0x92: {  	_ =	strace s19  }
0x93: {  	s2 =	sld [smem:$0x3FFC];
	_ =	sdelay $0x3  }
0x94: {  	_ =	strace s2  }
0x95: {  	s2 =	sld [smem:$0x3FFD];
	_ =	sdelay $0x3  }
0x96: {  	_ =	strace s2  }
0x97: {  	_ =	strace $0x8FFFFFFF  }
0x98: {  	s20 =	sld [smem:$0x3FDB];
	_ =	sdelay $0x1  }
0x99: {  	s4 =	simm.s32 $_scs_section_size  }
0x9a: {  	s5 =	simm.s32 $_size__tile_overlayer_lowered;
	s6 =	simm.s32 $_tile_overlayer_lowered  }
0x9b: {  	s7 =	simm.s32 $0x1BFF;
	s21 =	sshll.u32 s6, $0x1;
	s4 =	sadd.s32 s4, s20  }
0x9c: {  	s22 =	simm.s32 $0x0;
	s5 =	sshll.u32 s5, $0x1;
	s6 =	sadd.s32 s21, s4  }
0x9d: {  	[timem:s22], [sflag:s7] =	dma.local [hbm:s6], s5  }
0x9e: {  	_ =	swait.ge [sflag:s7], s5  }
0x9f: {  	s5 =	ssub.s32 $0x0, s5;
	[sflag:s7] =	ssyncset.done $0x0  }
0xa0: {  	[sflag:s7] =	ssyncadd.s32 s5;
	_ =	sdelay $0x1  }
0xa1: {  	s23 =	simm.s32 $0x1B8B  }
0xa2: {  	_ =	swait.ge [sflag:s23], $0x1  }
0xa3: {  	[sflag:s23] =	ssyncset.done $0x0  }
0xa4: {  	[sflag:s23] =	ssyncadd.s32 $0xFFFFFFFF  }
0xa5: {  	s5 =	sld [smem:$0x0]  }
0xa6: {  	s6 =	sand.u32 $0xFFFFFFFE, s1  }
0xa7: {  	p0 =	sne.s32 s1, s6  }
0xa8: {  	s6 =	sshll.u32 @p0 s6, $0xE  }
0xa9: {  	s6 =	sadd.s32 @p0 $0x11B8D, s6;
	s7 =	sshll.u32 @p0 s5, $0x11  }
0xaa: {  	s6 =	sor.u32 @p0 s7, s6  }
0xab: {  	[sflag:s6] =	ssyncadd.remote.s32 @p0 $0x1;
	_ =	sdelay $0x1  }
0xac: {  	s6 =	simm.s32 @p0 $0x1B8D  }
0xad: {  	_ =	swait.eq @p0 [sflag:s6], $0x1  }
0xae: {  	[sflag:s6] =	ssyncadd.s32 @p0 $0xFFFFFFFF  }
0xaf: {  	s7 =	sshll.u32 @!p0 s1, $0xE  }
0xb0: {  	s7 =	sor.u32 @!p0 $0x4000, s7;
	s6 =	simm.s32 @!p0 $0x1B8D  }
0xb1: {  	s5 =	sshll.u32 @!p0 s5, $0x11;
	s7 =	sadd.s32 @!p0 $0x11B8D, s7;
	_ =	swait.eq @!p0 [sflag:s6], $0x1  }
0xb2: {  	s5 =	sor.u32 @!p0 s5, s7;
	[sflag:s6] =	ssyncadd.s32 @!p0 $0xFFFFFFFF  }
0xb3: {  	s25 =	simm.s32 $0x1B8E;
	s24 =	sld [smem:$0x3FFE];
	[sflag:s5] =	ssyncadd.remote.s32 @!p0 $0x1  }
0xb4: {  	s26 =	simm.s32 $execute0_lowered;
	[smem:$0x3FD2] =	sst s25  }
0xb5: {  	s6 =	sshll.u32 s26, $0x1;
	_ =	strace $0x8000004C;
	[dreg:$0x1] =	wrdreg $0xFFFFFFFF  }
0xb6: {  	s28 =	simm.s32 $_size_execute0_lowered;
	s4 =	sadd.s32 s4, s6;
	[dreg:$0x0] =	wrdreg $0x0  }
0xb7: {  	s6 =	sshll.u32 s28, $0x1;
	[dreg:$0x2] =	wrdreg s4  }
0xb8: {  	[dreg:$0x3] =	wrdreg s6  }
0xb9: {  	[dreg:$0x4] =	wrdreg $0xC0  }
0xba: {  	_ =	task [dreg:s22], $0x5FFFF  }
0xbb: {  	[dreg:$0x1] =	wrdreg $0xFFFFFFFF  }
0xbc: {  	[dreg:$0x0] =	wrdreg $0x60  }
0xbd: {  	[dreg:$0x2] =	wrdreg s18  }
0xbe: {  	[dreg:$0x3] =	wrdreg s24  }
0xbf: {  	[dreg:$0x4] =	wrdreg $0xB  }
0xc0: {  	_ =	task.clear_ibuf [dreg:s22], $0x5FFFF;
	_ =	strace $0x9000004C  }
0xc1: {  	s29 =	simm.s32 $0xB;
	_ =	strace $0x8000004E  }
0xc2: {  	_ =	swait.ge [sflag:s29], $0x1  }
0xc3: {  	[sflag:s29] =	ssyncadd.s32 $0xFFFFFFFF  }
0xc4: {  	_ =	strace $0x9000004E  }
0xc5: {  	_ =	sfence  }
0xc6: {  	s30 =	sld [smem:$0x0];
	_ =	sdelay $0x2  }
0xc7: {  	s31 =	sshll.u32 s1, $0xD;
	s1 =	sshrl.u32 s1, $0x2  }
0xc8: {  	s4 =	sand.u32 $0x4000, s31;
	s1 =	sadd.s32 s1, s30  }
0xc9: {  	s0 =	sor.u32 s4, s0;
	s1 =	sshll.u32 s1, $0x11  }
0xca: {  	s0 =	sor.u32 s1, s0  }
0xcb: {  	s0 =	sadd.s32 $0x8F2B, s0  }
0xcc: {  	[sflag:s0] =	ssyncadd.remote.s32 $0x1  }
0xcd: {  	_ =	sfence.sel $0xFFFF  }
0xce: {  	[dreg:$0x0] =	wrdreg $0xFFFFFFFF;
	(pc) =	sbr.abs _section_cstart, $3  }
0xcf: {  	[dreg:$0x1] =	wrdreg $0xFFFFFFFF  }
0xd0: {  	_ =	task.clear_ibuf [dreg:s22], $0x2FFFF;
	_ =	strace $0x9FFFFFFF  }
0xd1: {  	(tm) =	ssettm $0x7FFFFFFF  }
tec
execute0_lowered:
.L_overlay_start_1:
0x0: {  	(tag) =	ssettag $0x1  }
0x1: {  	s1 =	srdreg.scid;
	s0 =	stileid.u32  }
0x2: {  	s30 =	sand.u32 $0x1, s1;
	s26 =	sshll.u32 s0, $0x1  }
0x3: {  	s7 =	sor.u32 s30, s26  }
0x4: {  	s9 =	rddreg [dreg:$0x1];
	s4 =	sshll.u32 s7, $0x8  }
0x5: {  	s2 =	rddreg [dreg:$0x0];
	s3 =	simm.s32 $0x0;
	s4 =	sadd.s32 s4, s9  }
0x6: {  	[smem:$0x7FF] =	sst s3;
	s4 =	sadd.s32 $0x14A400, s4  }
0x7: {  	_ =	strace $0x8000004D;
	[dreg:$0x3] =	wrdreg s4  }
0x8: {  	s4 =	simm.s32 $0x5;
	s5 =	rddreg [dreg:$0x3]  }
0x9: {  	[tilespmem:s3], [sflag:$0x5] =	stream.linear.gather [hbm4b:s5+s3], $0x500, $0x38;
	[tilespmem:$0x8800] =	vst v63  }
0xa: {  	_ =	swait.ge [sflag:s4], $0x500  }
0xb: {  	[sflag:s4] =	ssyncset.done $0x0  }
0xc: {  	s6 =	simm.s32 $0x800;
	s5 =	simm.s32 $0x80;
	[sflag:s4] =	ssyncadd.s32 $0xFFFFFB00  }
0xd: {  	[tilespmem:s6], [sflag:$0x1] =	stream.indirect.gather [hbm4b:s2+s5], $0x80, s3, s5, $0xb8;
	[tilespmem:$0x8800] =	vst v63  }
0xe: {  	s8 =	simm.s32 $0x1;
	s10 =	smul.u32 $0x5000, s7;
	s7 =	simm.s32 $0x4800  }
0xf: {  	[tilespmem:s7], [sflag:$0x2] =	stream.indirect.gather [hbm4b:s2+s5], $0x80, s5, s5, $0xb8;
	[tilespmem:$0x8800] =	vst v63  }
0x10: {  	_ =	swait.ge [sflag:s8], $0x4000  }
0x11: {  	s31 =	sadd.s32 s10, s9;
	[sflag:s8] =	ssyncset.done $0x0  }
0x12: {  	s10 =	simm.s32 $0x3;
	s9 =	sadd.s32 $0x14C400, s31;
	[sflag:s8] =	ssyncadd.s32 $0xFFFFC000  }
0x13: {  	[hbm4b:s9+s3] =	stream.linear.scatter [tilespmem:s6], [sflag:$0x3], $0x4000, $0x38;
	[tilespmem:$0x8800] =	vst v63  }
0x14: {  	_ =	swait.ge [sflag:s10], $0x4000  }
0x15: {  	[sflag:s10] =	ssyncset.done $0x0  }
0x16: {  	s11 =	simm.s32 $0x100;
	s12 =	simm.s32 $0x2;
	[sflag:s10] =	ssyncadd.s32 $0xFFFFC000  }
0x17: {  	[tilespmem:s6], [sflag:$0x1] =	stream.indirect.gather [hbm4b:s2+s5], $0x80, s11, s5, $0xb8;
	[tilespmem:$0x8800] =	vst v63  }
0x18: {  	_ =	swait.ge [sflag:s12], $0x4000  }
0x19: {  	[sflag:s12] =	ssyncset.done $0x0  }
0x1a: {  	s13 =	simm.s32 $0x4;
	s14 =	sadd.s32 $0x14CC00, s31;
	[sflag:s12] =	ssyncadd.s32 $0xFFFFC000  }
0x1b: {  	[hbm4b:s14+s3] =	stream.linear.scatter [tilespmem:s7], [sflag:$0x4], $0x4000, $0x38;
	[tilespmem:$0x8800] =	vst v63  }
0x1c: {  	_ =	swait.ge [sflag:s13], $0x4000  }
0x1d: {  	[sflag:s13] =	ssyncset.done $0x0  }
0x1e: {  	s15 =	simm.s32 $0x180;
	[sflag:s13] =	ssyncadd.s32 $0xFFFFC000  }
0x1f: {  	[tilespmem:s7], [sflag:$0x2] =	stream.indirect.gather [hbm4b:s2+s5], $0x80, s15, s5, $0xb8;
	[tilespmem:$0x8800] =	vst v63  }
0x20: {  	_ =	swait.ge [sflag:s8], $0x4000  }
0x21: {  	[sflag:s8] =	ssyncset.done $0x0  }
0x22: {  	s16 =	sadd.s32 $0x14D400, s31;
	[sflag:s8] =	ssyncadd.s32 $0xFFFFC000  }
0x23: {  	[hbm4b:s16+s3] =	stream.linear.scatter [tilespmem:s6], [sflag:$0x3], $0x4000, $0x38;
	[tilespmem:$0x8800] =	vst v63  }
0x24: {  	_ =	swait.ge [sflag:s10], $0x4000  }
0x25: {  	[sflag:s10] =	ssyncset.done $0x0  }
0x26: {  	s17 =	simm.s32 $0x200;
	[sflag:s10] =	ssyncadd.s32 $0xFFFFC000  }
0x27: {  	[tilespmem:s6], [sflag:$0x1] =	stream.indirect.gather [hbm4b:s2+s5], $0x80, s17, s5, $0xb8;
	[tilespmem:$0x8800] =	vst v63  }
0x28: {  	_ =	swait.ge [sflag:s12], $0x4000  }
0x29: {  	[sflag:s12] =	ssyncset.done $0x0  }
0x2a: {  	s18 =	sadd.s32 $0x14DC00, s31;
	[sflag:s12] =	ssyncadd.s32 $0xFFFFC000  }
0x2b: {  	[hbm4b:s18+s3] =	stream.linear.scatter [tilespmem:s7], [sflag:$0x4], $0x4000, $0x38;
	[tilespmem:$0x8800] =	vst v63  }
0x2c: {  	_ =	swait.ge [sflag:s13], $0x4000  }
0x2d: {  	[sflag:s13] =	ssyncset.done $0x0  }
0x2e: {  	s19 =	simm.s32 $0x280;
	[sflag:s13] =	ssyncadd.s32 $0xFFFFC000  }
0x2f: {  	[tilespmem:s7], [sflag:$0x2] =	stream.indirect.gather [hbm4b:s2+s5], $0x80, s19, s5, $0xb8;
	[tilespmem:$0x8800] =	vst v63  }
0x30: {  	_ =	swait.ge [sflag:s8], $0x4000  }
0x31: {  	[sflag:s8] =	ssyncset.done $0x0  }
0x32: {  	s20 =	sadd.s32 $0x14E400, s31;
	[sflag:s8] =	ssyncadd.s32 $0xFFFFC000  }
0x33: {  	[hbm4b:s20+s3] =	stream.linear.scatter [tilespmem:s6], [sflag:$0x3], $0x4000, $0x38;
	[tilespmem:$0x8800] =	vst v63  }
0x34: {  	_ =	swait.ge [sflag:s10], $0x4000  }
0x35: {  	[sflag:s10] =	ssyncset.done $0x0  }
0x36: {  	s21 =	simm.s32 $0x300;
	[sflag:s10] =	ssyncadd.s32 $0xFFFFC000  }
0x37: {  	[tilespmem:s6], [sflag:$0x1] =	stream.indirect.gather [hbm4b:s2+s5], $0x80, s21, s5, $0xb8;
	[tilespmem:$0x8800] =	vst v63  }
0x38: {  	_ =	swait.ge [sflag:s12], $0x4000  }
0x39: {  	[sflag:s12] =	ssyncset.done $0x0  }
0x3a: {  	s22 =	sadd.s32 $0x14EC00, s31;
	[sflag:s12] =	ssyncadd.s32 $0xFFFFC000  }
0x3b: {  	[hbm4b:s22+s3] =	stream.linear.scatter [tilespmem:s7], [sflag:$0x4], $0x4000, $0x38;
	[tilespmem:$0x8800] =	vst v63  }
0x3c: {  	_ =	swait.ge [sflag:s13], $0x4000  }
0x3d: {  	[sflag:s13] =	ssyncset.done $0x0  }
0x3e: {  	s23 =	simm.s32 $0x380;
	[sflag:s13] =	ssyncadd.s32 $0xFFFFC000  }
0x3f: {  	[tilespmem:s7], [sflag:$0x2] =	stream.indirect.gather [hbm4b:s2+s5], $0x80, s23, s5, $0xb8;
	[tilespmem:$0x8800] =	vst v63  }
0x40: {  	_ =	swait.ge [sflag:s8], $0x4000  }
0x41: {  	[sflag:s8] =	ssyncset.done $0x0  }
0x42: {  	s24 =	sadd.s32 $0x14F400, s31;
	[sflag:s8] =	ssyncadd.s32 $0xFFFFC000  }
0x43: {  	[hbm4b:s24+s3] =	stream.linear.scatter [tilespmem:s6], [sflag:$0x3], $0x4000, $0x38;
	[tilespmem:$0x8800] =	vst v63  }
0x44: {  	_ =	swait.ge [sflag:s10], $0x4000  }
0x45: {  	[sflag:s10] =	ssyncset.done $0x0  }
0x46: {  	s25 =	simm.s32 $0x400;
	[sflag:s10] =	ssyncadd.s32 $0xFFFFC000  }
0x47: {  	[tilespmem:s6], [sflag:$0x1] =	stream.indirect.gather [hbm4b:s2+s5], $0x80, s25, s5, $0xb8;
	[tilespmem:$0x8800] =	vst v63  }
0x48: {  	_ =	swait.ge [sflag:s12], $0x4000  }
0x49: {  	[sflag:s12] =	ssyncset.done $0x0  }
0x4a: {  	s26 =	sadd.s32 $0x14FC00, s31;
	[sflag:s12] =	ssyncadd.s32 $0xFFFFC000  }
0x4b: {  	[hbm4b:s26+s3] =	stream.linear.scatter [tilespmem:s7], [sflag:$0x4], $0x4000, $0x38;
	[tilespmem:$0x8800] =	vst v63  }
0x4c: {  	_ =	swait.ge [sflag:s13], $0x4000  }
0x4d: {  	[sflag:s13] =	ssyncset.done $0x0  }
0x4e: {  	s28 =	simm.s32 $0x480;
	[sflag:s13] =	ssyncadd.s32 $0xFFFFC000  }
0x4f: {  	[tilespmem:s7], [sflag:$0x2] =	stream.indirect.gather [hbm4b:s2+s5], $0x80, s28, s5, $0xb8;
	[tilespmem:$0x8800] =	vst v63  }
0x50: {  	_ =	swait.ge [sflag:s8], $0x4000  }
0x51: {  	s30 =	ssub.s32 $0x2, s30;
	[sflag:s8] =	ssyncset.done $0x0  }
0x52: {  	s1 =	sshrl.u32 s30, $0x1;
	s29 =	sadd.s32 $0x150400, s31;
	[sflag:s8] =	ssyncadd.s32 $0xFFFFC000  }
0x53: {  	[hbm4b:s29+s3] =	stream.linear.scatter [tilespmem:s6], [sflag:$0x3], $0x4000, $0x38;
	[tilespmem:$0x8800] =	vst v63  }
0x54: {  	s1 =	ssub.s32 s30, s1;
	_ =	swait.ge [sflag:s10], $0x4000  }
0x55: {  	s1 =	smax.u32 s1, $0x1;
	[sflag:s10] =	ssyncset.done $0x0  }
0x56: {  	p0 =	sne.s32 s1, $0x1;
	[sflag:s10] =	ssyncadd.s32 $0xFFFFC000  }
.Ltmp0:
0x57: {  	_ =	swait.ge [sflag:s12], $0x4000;
	(pc) =	sbr.rel @!p0 .LBB2_2-.Ltmp0, $4  }
0x58: {  	[sflag:s12] =	ssyncset.done $0x0  }
0x59: {  	s30 =	sadd.s32 $0x150C00, s31;
	[sflag:s12] =	ssyncadd.s32 $0xFFFFC000  }
0x5a: {  	[hbm4b:s30+s3] =	stream.linear.scatter [tilespmem:s7], [sflag:$0x4], $0x4000, $0x38;
	[tilespmem:$0x8800] =	vst v63  }
0x5b: {  	s31 =	sadd.s32 $0xFFFFFFFF, s1;
	_ =	swait.ge [sflag:s13], $0x4000  }
.LBB2_1:
0x5c: {  	[sflag:s13] =	ssyncset.done $0x0  }
0x5d: {  	s1 =	rddreg [dreg:$0x3];
	[sflag:s13] =	ssyncadd.s32 $0xFFFFC000  }
0x5e: {  	[tilespmem:s3], [sflag:$0x5] =	stream.linear.gather [hbm4b:s1+s3], $0x500, $0x38;
	[tilespmem:$0x8800] =	vst v63  }
0x5f: {  	_ =	swait.ge [sflag:s4], $0x500  }
0x60: {  	[sflag:s4] =	ssyncset.done $0x0  }
0x61: {  	[sflag:s4] =	ssyncadd.s32 $0xFFFFFB00  }
0x62: {  	[tilespmem:s6], [sflag:$0x1] =	stream.indirect.gather [hbm4b:s2+s5], $0x80, s3, s5, $0xb8;
	[tilespmem:$0x8800] =	vst v63  }
0x63: {  	_ = 	snop  }
0x64: {  	[tilespmem:s7], [sflag:$0x2] =	stream.indirect.gather [hbm4b:s2+s5], $0x80, s5, s5, $0xb8;
	[tilespmem:$0x8800] =	vst v63  }
0x65: {  	_ =	swait.ge [sflag:s8], $0x4000  }
0x66: {  	[sflag:s8] =	ssyncset.done $0x0  }
0x67: {  	[sflag:s8] =	ssyncadd.s32 $0xFFFFC000  }
0x68: {  	[hbm4b:s9+s3] =	stream.linear.scatter [tilespmem:s6], [sflag:$0x3], $0x4000, $0x38;
	[tilespmem:$0x8800] =	vst v63  }
0x69: {  	_ =	swait.ge [sflag:s10], $0x4000  }
0x6a: {  	[sflag:s10] =	ssyncset.done $0x0  }
0x6b: {  	[sflag:s10] =	ssyncadd.s32 $0xFFFFC000  }
0x6c: {  	[tilespmem:s6], [sflag:$0x1] =	stream.indirect.gather [hbm4b:s2+s5], $0x80, s11, s5, $0xb8;
	[tilespmem:$0x8800] =	vst v63  }
0x6d: {  	_ =	swait.ge [sflag:s12], $0x4000  }
0x6e: {  	[sflag:s12] =	ssyncset.done $0x0  }
0x6f: {  	[sflag:s12] =	ssyncadd.s32 $0xFFFFC000  }
0x70: {  	[hbm4b:s14+s3] =	stream.linear.scatter [tilespmem:s7], [sflag:$0x4], $0x4000, $0x38;
	[tilespmem:$0x8800] =	vst v63  }
0x71: {  	_ =	swait.ge [sflag:s13], $0x4000  }
0x72: {  	[sflag:s13] =	ssyncset.done $0x0  }
0x73: {  	[sflag:s13] =	ssyncadd.s32 $0xFFFFC000  }
0x74: {  	[tilespmem:s7], [sflag:$0x2] =	stream.indirect.gather [hbm4b:s2+s5], $0x80, s15, s5, $0xb8;
	[tilespmem:$0x8800] =	vst v63  }
0x75: {  	_ =	swait.ge [sflag:s8], $0x4000  }
0x76: {  	[sflag:s8] =	ssyncset.done $0x0  }
0x77: {  	[sflag:s8] =	ssyncadd.s32 $0xFFFFC000  }
0x78: {  	[hbm4b:s16+s3] =	stream.linear.scatter [tilespmem:s6], [sflag:$0x3], $0x4000, $0x38;
	[tilespmem:$0x8800] =	vst v63  }
0x79: {  	_ =	swait.ge [sflag:s10], $0x4000  }
0x7a: {  	[sflag:s10] =	ssyncset.done $0x0  }
0x7b: {  	[sflag:s10] =	ssyncadd.s32 $0xFFFFC000  }
0x7c: {  	[tilespmem:s6], [sflag:$0x1] =	stream.indirect.gather [hbm4b:s2+s5], $0x80, s17, s5, $0xb8;
	[tilespmem:$0x8800] =	vst v63  }
0x7d: {  	_ =	swait.ge [sflag:s12], $0x4000  }
0x7e: {  	[sflag:s12] =	ssyncset.done $0x0  }
0x7f: {  	[sflag:s12] =	ssyncadd.s32 $0xFFFFC000  }
0x80: {  	[hbm4b:s18+s3] =	stream.linear.scatter [tilespmem:s7], [sflag:$0x4], $0x4000, $0x38;
	[tilespmem:$0x8800] =	vst v63  }
0x81: {  	_ =	swait.ge [sflag:s13], $0x4000  }
0x82: {  	[sflag:s13] =	ssyncset.done $0x0  }
0x83: {  	[sflag:s13] =	ssyncadd.s32 $0xFFFFC000  }
0x84: {  	[tilespmem:s7], [sflag:$0x2] =	stream.indirect.gather [hbm4b:s2+s5], $0x80, s19, s5, $0xb8;
	[tilespmem:$0x8800] =	vst v63  }
0x85: {  	_ =	swait.ge [sflag:s8], $0x4000  }
0x86: {  	[sflag:s8] =	ssyncset.done $0x0  }
0x87: {  	[sflag:s8] =	ssyncadd.s32 $0xFFFFC000  }
0x88: {  	[hbm4b:s20+s3] =	stream.linear.scatter [tilespmem:s6], [sflag:$0x3], $0x4000, $0x38;
	[tilespmem:$0x8800] =	vst v63  }
0x89: {  	_ =	swait.ge [sflag:s10], $0x4000  }
0x8a: {  	[sflag:s10] =	ssyncset.done $0x0  }
0x8b: {  	[sflag:s10] =	ssyncadd.s32 $0xFFFFC000  }
0x8c: {  	[tilespmem:s6], [sflag:$0x1] =	stream.indirect.gather [hbm4b:s2+s5], $0x80, s21, s5, $0xb8;
	[tilespmem:$0x8800] =	vst v63  }
0x8d: {  	_ =	swait.ge [sflag:s12], $0x4000  }
0x8e: {  	[sflag:s12] =	ssyncset.done $0x0  }
0x8f: {  	[sflag:s12] =	ssyncadd.s32 $0xFFFFC000  }
0x90: {  	[hbm4b:s22+s3] =	stream.linear.scatter [tilespmem:s7], [sflag:$0x4], $0x4000, $0x38;
	[tilespmem:$0x8800] =	vst v63  }
0x91: {  	_ =	swait.ge [sflag:s13], $0x4000  }
0x92: {  	[sflag:s13] =	ssyncset.done $0x0  }
0x93: {  	[sflag:s13] =	ssyncadd.s32 $0xFFFFC000  }
0x94: {  	[tilespmem:s7], [sflag:$0x2] =	stream.indirect.gather [hbm4b:s2+s5], $0x80, s23, s5, $0xb8;
	[tilespmem:$0x8800] =	vst v63  }
0x95: {  	_ =	swait.ge [sflag:s8], $0x4000  }
0x96: {  	[sflag:s8] =	ssyncset.done $0x0  }
0x97: {  	[sflag:s8] =	ssyncadd.s32 $0xFFFFC000  }
0x98: {  	[hbm4b:s24+s3] =	stream.linear.scatter [tilespmem:s6], [sflag:$0x3], $0x4000, $0x38;
	[tilespmem:$0x8800] =	vst v63  }
0x99: {  	_ =	swait.ge [sflag:s10], $0x4000  }
0x9a: {  	[sflag:s10] =	ssyncset.done $0x0  }
0x9b: {  	[sflag:s10] =	ssyncadd.s32 $0xFFFFC000  }
0x9c: {  	[tilespmem:s6], [sflag:$0x1] =	stream.indirect.gather [hbm4b:s2+s5], $0x80, s25, s5, $0xb8;
	[tilespmem:$0x8800] =	vst v63  }
0x9d: {  	_ =	swait.ge [sflag:s12], $0x4000  }
0x9e: {  	[sflag:s12] =	ssyncset.done $0x0  }
0x9f: {  	[sflag:s12] =	ssyncadd.s32 $0xFFFFC000  }
0xa0: {  	[hbm4b:s26+s3] =	stream.linear.scatter [tilespmem:s7], [sflag:$0x4], $0x4000, $0x38;
	[tilespmem:$0x8800] =	vst v63  }
0xa1: {  	_ =	swait.ge [sflag:s13], $0x4000  }
0xa2: {  	[sflag:s13] =	ssyncset.done $0x0  }
0xa3: {  	[sflag:s13] =	ssyncadd.s32 $0xFFFFC000  }
0xa4: {  	[tilespmem:s7], [sflag:$0x2] =	stream.indirect.gather [hbm4b:s2+s5], $0x80, s28, s5, $0xb8;
	[tilespmem:$0x8800] =	vst v63  }
0xa5: {  	_ =	swait.ge [sflag:s8], $0x4000  }
0xa6: {  	[sflag:s8] =	ssyncset.done $0x0  }
0xa7: {  	[sflag:s8] =	ssyncadd.s32 $0xFFFFC000  }
0xa8: {  	[hbm4b:s29+s3] =	stream.linear.scatter [tilespmem:s6], [sflag:$0x3], $0x4000, $0x38;
	[tilespmem:$0x8800] =	vst v63  }
0xa9: {  	_ =	swait.ge [sflag:s10], $0x4000  }
0xaa: {  	[sflag:s10] =	ssyncset.done $0x0  }
0xab: {  	p0 =	sne.s32 s31, $0x1;
	[sflag:s10] =	ssyncadd.s32 $0xFFFFC000  }
.Ltmp1:
0xac: {  	_ =	swait.ge [sflag:s12], $0x4000;
	(pc) =	sbr.rel @p0 .LBB2_1-.Ltmp1, $4  }
0xad: {  	[sflag:s12] =	ssyncset.done $0x0  }
0xae: {  	[sflag:s12] =	ssyncadd.s32 $0xFFFFC000  }
0xaf: {  	[hbm4b:s30+s3] =	stream.linear.scatter [tilespmem:s7], [sflag:$0x4], $0x4000, $0x38;
	[tilespmem:$0x8800] =	vst v63  }
0xb0: {  	s31 =	sadd.s32 $0xFFFFFFFF, s31;
	_ =	swait.ge [sflag:s13], $0x4000  }
.LBB2_2:
0xb1: {  	[sflag:s13] =	ssyncset.done $0x0  }
0xb2: {  	[sflag:s13] =	ssyncadd.s32 $0xFFFFC000  }
0xb3: {  	_ =	sfence.sel $0x180000  }
0xb4: {  	[bflag:$0x0] =	sbarrier.arrive $0xFFFF  }
0xb5: {  	_ =	strace $0x9000004D  }
0xb6: {  	[bflag:$0x2] =	sbarrier.arrive $0xFFFF  }
0xb7: {  	p0 =	sne.s32 s0, $0x0;
	s0 =	rddreg [dreg:$0x2]  }
0xb8: {  	s0 =	sadd.s32 @!p0 $0x100000, s0  }
0xb9: {  	[sflag:s0] =	ssyncadd.tile.s32 @!p0 $0x1;
	_ =	shalt  }
.Lfunc_end2:
_tile_overlayer_lowered:
.L_overlay_start_2:
0xba: {  	(tag) =	ssettag $0x2  }
0xbb: {  	s0 =	rddreg [dreg:$0x0];
	s2 =	stileid.u32  }
0xbc: {  	s1 =	rddreg [dreg:$0x1];
	p0 =	sne.s32 s2, $0x0  }
0xbd: {  	s3 =	rddreg [dreg:$0x2];
	[bflag:$0x3] =	sbarrier.arrive $0xFFFF;
	s2 =	simm.s32 @!p0 $0x1C05  }
0xbe: {  	[timem:s3], [sflag:s2] =	dma.local @!p0 [hbm:s0], s1  }
0xbf: {  	s0 =	simm.s32 @!p0 $0x5  }
0xc0: {  	_ =	swait.ge @!p0 [sflag:s0], s1  }
0xc1: {  	s1 =	ssub.s32 @!p0 $0x0, s1;
	[sflag:s0] =	ssyncset.done @!p0 $0x0  }
0xc2: {  	[sflag:s0] =	ssyncadd.s32 @!p0 s1  }
0xc3: {  	[bflag:$0x3] =	sbarrier.arrive $0xFFFF  }
0xc4: {  	_ =	shalt  }

// kernel: kernel.22.cloned.1.call-start
scs
__scs_entry_jumppad:
0x0: {  	(pc) =	sbr.rel $0x88, $3  }
0x1: {  	(tag) =	ssettag $0x0;
	lr =	simm.s32 $0x1  }
0x2: {  	[smem:$0x3F95] =	sst lr;
	_ =	strace $0xD0000000  }
0x3: {  	_ = 	snop  }
0x4: {  	_ = 	snop  }
0x5: {  	_ = 	snop  }
0x6: {  	_ = 	snop  }
0x7: {  	_ = 	snop  }
__scs_overlays_trampoline_lowered:
0x8: {  	[smem:$0x3FA4] =	sst s0  }
0x9: {  	[smem:$0x3FA5] =	sst s1  }
0xa: {  	[smem:$0x3FA6] =	sst s2  }
0xb: {  	[smem:$0x3FA7] =	sst s3  }
0xc: {  	[smem:$0x3FA8] =	sst s4  }
0xd: {  	[smem:$0x3FA9] =	sst s5  }
0xe: {  	[smem:$0x3FAA] =	sst s6  }
0xf: {  	[smem:$0x3FAB] =	sst s7  }
0x10: {  	[smem:$0x3FAC] =	sst s8  }
0x11: {  	[smem:$0x3FAD] =	sst s9;
	s0 =	simm.s32 @!p0 $0x0  }
0x12: {  	s1 =	sld [smem:$0x3F93];
	s0 =	simm.s32 @p0 $0x1  }
0x13: {  	[smem:$0x3FAE] =	sst s0;
	s0 =	simm.s32 @!p1 $0x0  }
0x14: {  	s2 =	sld [smem:$0x3F92];
	s0 =	simm.s32 @p1 $0x1  }
0x15: {  	[smem:$0x3FAF] =	sst s0;
	s0 =	simm.s32 @!p2 $0x0  }
0x16: {  	s3 =	sld [smem:$0x3FDB];
	s0 =	simm.s32 @p2 $0x1  }
0x17: {  	s4 =	simm.s32 $0x1BF5;
	[smem:$0x3FB1] =	sst s0  }
0x18: {  	s0 =	sld [smem:$0x3F94];
	_ =	swait.ge [sflag:s4], $0x0  }
0x19: {  	s7 =	sld [smem:$0x3F95]  }
0x1a: {  	s8 =	sadd.s32 $0xFFFFE003, lr  }
0x1b: {  	s9 =	sadd.s32 $0xFFFFFEF7, lr;
	s5 =	simm.s32 $0xFFFFFFFF;
	p2 =	slt.u32 s8, $0xFFFFF086  }
0x1c: {  	p1 =	slt.u32 s9, $0xF7A;
	s5 =	simm.s32 @!p2 $0x0  }
0x1d: {  	s5 =	simm.s32 @p1 $0x1;
	p0 =	seq.s32 s7, s2  }
0x1e: {  	s7 =	smul.u32 @!p0 $0xF7A, s2;
	p2 =	seq.s32 @!p0 s5, $0x0  }
0x1f: {  	s9 =	smul.u32 $0xF7A, s1;
	s8 =	simm.s32 @!p0 $0x1BF5;
	p2 =	por !p2, p0  }
0x20: {  	[sflag:s8] =	ssyncset.s32 @!p0 $0xFFFFF086;
	s6 =	sadd.s32 @!p0 s3, s7;
	s7 =	simm.s32 @!p0 $0x108  }
0x21: {  	s3 =	sadd.s32 s3, s9;
	s6 =	sadd.s32 @!p0 $0x88, s6;
	s7 =	simm.s32 @p2 $0x1082  }
0x22: {  	[simem:s7], [sflag:s8] =	dma.local @!p0 [hbm:s6], $0xF7A  }
0x23: {  	s9 =	sor.u32 $0xD0000000, s2;
	s6 =	simm.s32 $0x108;
	_ =	swait.ge @!p0 [sflag:s8], $0x0  }
0x24: {  	s3 =	sadd.s32 $0x88, s3;
	s6 =	simm.s32 @!p1 $0x1082;
	[sflag:s4] =	ssyncset.s32 $0xFFFFF086  }
0x25: {  	[simem:s6], [sflag:s4] =	dma.local [hbm:s3], $0xF7A  }
0x26: {  	[smem:$0x3F95] =	sst s1;
	(tag) =	ssettag s2;
	_ =	strace s9  }
0x27: {  	s1 =	sld [smem:$0x3FA5]  }
0x28: {  	s2 =	sld [smem:$0x3FA6]  }
0x29: {  	s4 =	sld [smem:$0x3FA8]  }
0x2a: {  	p0 =	seq.s32 s5, $0x0;
	s5 =	sld [smem:$0x3FA9]  }
0x2b: {  	s6 =	sld [smem:$0x3FAA]  }
0x2c: {  	s7 =	sld [smem:$0x3FAB]  }
0x2d: {  	s3 =	simm.s32 $0x108;
	s8 =	sld [smem:$0x3FAC]  }
0x2e: {  	s3 =	simm.s32 @!p0 $0x1082;
	s9 =	sld [smem:$0x3FAD]  }
0x2f: {  	lr =	sadd.s32 s0, s3;
	s0 =	sld [smem:$0x3FA4]  }
0x30: {  	s3 =	sld [smem:$0x3FA7]  }
0x31: {  	[smem:$0x3FB0] =	sst s10  }
0x32: {  	s10 =	sld [smem:$0x3FAE];
	_ =	sdelay $0x3  }
0x33: {  	p0 =	seq.s32 s10, $0x1;
	s10 =	sld [smem:$0x3FB0];
	_ =	sdelay $0x3  }
0x34: {  	[smem:$0x3FB0] =	sst s10  }
0x35: {  	s10 =	sld [smem:$0x3FAF];
	_ =	sdelay $0x3  }
0x36: {  	p1 =	seq.s32 s10, $0x1;
	s10 =	sld [smem:$0x3FB0];
	_ =	sdelay $0x3  }
0x37: {  	[smem:$0x3FB0] =	sst s10  }
0x38: {  	s10 =	sld [smem:$0x3FB1]  }
0x39: {  	_ = 	snop;
	(pc) =	sbr.ind lr, $3  }
0x3a: {  	_ = 	snop  }
0x3b: {  	_ = 	snop  }
0x3c: {  	p2 =	seq.s32 s10, $0x1;
	s10 =	sld [smem:$0x3FB0]  }
0x3d: {  	_ =	shalt  }
0x3e: {  	_ =	shalt  }
0x3f: {  	_ =	shalt  }
0x40: {  	_ =	shalt  }
0x41: {  	_ =	shalt  }
0x42: {  	_ =	shalt  }
0x43: {  	_ =	shalt  }
0x44: {  	_ =	shalt  }
0x45: {  	_ =	shalt  }
0x46: {  	_ =	shalt  }
0x47: {  	_ =	shalt  }
0x48: {  	_ =	shalt  }
0x49: {  	_ =	shalt  }
0x4a: {  	_ =	shalt  }
0x4b: {  	_ =	shalt  }
0x4c: {  	_ =	shalt  }
0x4d: {  	_ =	shalt  }
0x4e: {  	_ =	shalt  }
0x4f: {  	_ =	shalt  }
0x50: {  	_ =	shalt  }
0x51: {  	_ =	shalt  }
0x52: {  	_ =	shalt  }
0x53: {  	_ =	shalt  }
0x54: {  	_ =	shalt  }
0x55: {  	_ =	shalt  }
0x56: {  	_ =	shalt  }
0x57: {  	_ =	shalt  }
0x58: {  	_ =	shalt  }
0x59: {  	_ =	shalt  }
0x5a: {  	_ =	shalt  }
0x5b: {  	_ =	shalt  }
0x5c: {  	_ =	shalt  }
0x5d: {  	_ =	shalt  }
0x5e: {  	_ =	shalt  }
0x5f: {  	_ =	shalt  }
0x60: {  	_ =	shalt  }
0x61: {  	_ =	shalt  }
0x62: {  	_ =	shalt  }
0x63: {  	_ =	shalt  }
0x64: {  	_ =	shalt  }
0x65: {  	_ =	shalt  }
0x66: {  	_ =	shalt  }
0x67: {  	_ =	shalt  }
0x68: {  	_ =	shalt  }
0x69: {  	_ =	shalt  }
0x6a: {  	_ =	shalt  }
0x6b: {  	_ =	shalt  }
0x6c: {  	_ =	shalt  }
0x6d: {  	_ =	shalt  }
0x6e: {  	_ =	shalt  }
0x6f: {  	_ =	shalt  }
0x70: {  	_ =	shalt  }
0x71: {  	_ =	shalt  }
0x72: {  	_ =	shalt  }
0x73: {  	_ =	shalt  }
0x74: {  	_ =	shalt  }
0x75: {  	_ =	shalt  }
0x76: {  	_ =	shalt  }
0x77: {  	_ =	shalt  }
0x78: {  	_ =	shalt  }
0x79: {  	_ =	shalt  }
0x7a: {  	_ =	shalt  }
0x7b: {  	_ =	shalt  }
0x7c: {  	_ =	shalt  }
0x7d: {  	_ =	shalt  }
0x7e: {  	_ =	shalt  }
0x7f: {  	_ =	shalt  }
0x80: {  	_ =	shalt  }
0x81: {  	_ =	shalt  }
0x82: {  	_ =	shalt  }
0x83: {  	_ =	shalt  }
0x84: {  	_ =	shalt  }
0x85: {  	_ =	shalt  }
0x86: {  	_ =	shalt  }
0x87: {  	_ =	shalt  }
.Lfunc_end0:
.L_simem_size_0:
called_computation.3_lowered:
.L_overlay_start_0:
0x88: {  	s2 =	sld [smem:$0x3FD9]  }
0x89: {  	s3 =	sld [smem:$0x3FFE];
	_ =	sdelay $0x1  }
0x8a: {  	s1 =	srdreg.scid  }
0x8b: {  	s0 =	sand.u32 $0x1, s1  }
0x8c: {  	s17 =	sshll.u32 s0, $0xA;
	s2 =	sadd.s32 s3, s2  }
0x8d: {  	s2 =	sadd.s32 s2, s17  }
0x8e: {  	[smem:$0x3FBC] =	sst s2  }
0x8f: {  	_ = 	snop  }
0x90: {  	s18 =	sld [smem:$0x3FC8];
	(tm) =	ssettm $0x1  }
0x91: {  	s19 =	sld [smem:$0x3FFB];
	_ =	sdelay $0x3  }
0x92: {  	_ =	strace s19  }
0x93: {  	s2 =	sld [smem:$0x3FFC];
	_ =	sdelay $0x3  }
0x94: {  	_ =	strace s2  }
0x95: {  	s2 =	sld [smem:$0x3FFD];
	_ =	sdelay $0x3  }
0x96: {  	_ =	strace s2  }
0x97: {  	_ =	strace $0x8FFFFFFF  }
0x98: {  	s20 =	sld [smem:$0x3FDB];
	_ =	sdelay $0x1  }
0x99: {  	s4 =	simm.s32 $_scs_section_size  }
0x9a: {  	s5 =	simm.s32 $_size__tile_overlayer_lowered;
	s6 =	simm.s32 $_tile_overlayer_lowered  }
0x9b: {  	s7 =	simm.s32 $0x1BFF;
	s21 =	sshll.u32 s6, $0x1;
	s4 =	sadd.s32 s4, s20  }
0x9c: {  	s22 =	simm.s32 $0x0;
	s5 =	sshll.u32 s5, $0x1;
	s6 =	sadd.s32 s21, s4  }
0x9d: {  	[timem:s22], [sflag:s7] =	dma.local [hbm:s6], s5  }
0x9e: {  	_ =	swait.ge [sflag:s7], s5  }
0x9f: {  	s5 =	ssub.s32 $0x0, s5;
	[sflag:s7] =	ssyncset.done $0x0  }
0xa0: {  	[sflag:s7] =	ssyncadd.s32 s5;
	_ =	sdelay $0x1  }
0xa1: {  	s23 =	simm.s32 $0x1B8B  }
0xa2: {  	_ =	swait.ge [sflag:s23], $0x1  }
0xa3: {  	[sflag:s23] =	ssyncset.done $0x0  }
0xa4: {  	[sflag:s23] =	ssyncadd.s32 $0xFFFFFFFF  }
0xa5: {  	s5 =	sld [smem:$0x0]  }
0xa6: {  	s6 =	sand.u32 $0xFFFFFFFE, s1  }
0xa7: {  	p0 =	sne.s32 s1, s6  }
0xa8: {  	s6 =	sshll.u32 @p0 s6, $0xE  }
0xa9: {  	s6 =	sadd.s32 @p0 $0x11B8D, s6;
	s7 =	sshll.u32 @p0 s5, $0x11  }
0xaa: {  	s6 =	sor.u32 @p0 s7, s6  }
0xab: {  	[sflag:s6] =	ssyncadd.remote.s32 @p0 $0x1;
	_ =	sdelay $0x1  }
0xac: {  	s6 =	simm.s32 @p0 $0x1B8D  }
0xad: {  	_ =	swait.eq @p0 [sflag:s6], $0x1  }
0xae: {  	[sflag:s6] =	ssyncadd.s32 @p0 $0xFFFFFFFF  }
0xaf: {  	s7 =	sshll.u32 @!p0 s1, $0xE  }
0xb0: {  	s7 =	sor.u32 @!p0 $0x4000, s7;
	s6 =	simm.s32 @!p0 $0x1B8D  }
0xb1: {  	s5 =	sshll.u32 @!p0 s5, $0x11;
	s7 =	sadd.s32 @!p0 $0x11B8D, s7;
	_ =	swait.eq @!p0 [sflag:s6], $0x1  }
0xb2: {  	s5 =	sor.u32 @!p0 s5, s7;
	[sflag:s6] =	ssyncadd.s32 @!p0 $0xFFFFFFFF  }
0xb3: {  	s25 =	simm.s32 $0x1B8E;
	s24 =	sld [smem:$0x3FFE];
	[sflag:s5] =	ssyncadd.remote.s32 @!p0 $0x1  }
0xb4: {  	s26 =	simm.s32 $execute0_lowered;
	[smem:$0x3FD2] =	sst s25  }
0xb5: {  	s6 =	sshll.u32 s26, $0x1;
	_ =	strace $0x8000004F;
	[dreg:$0x1] =	wrdreg $0xFFFFFFFF  }
0xb6: {  	s28 =	simm.s32 $_size_execute0_lowered;
	s4 =	sadd.s32 s4, s6;
	[dreg:$0x0] =	wrdreg $0x0  }
0xb7: {  	s6 =	sshll.u32 s28, $0x1;
	[dreg:$0x2] =	wrdreg s4  }
0xb8: {  	[dreg:$0x3] =	wrdreg s6  }
0xb9: {  	[dreg:$0x4] =	wrdreg $0xC0  }
0xba: {  	_ =	task [dreg:s22], $0x5FFFF  }
0xbb: {  	[dreg:$0x1] =	wrdreg $0xFFFFFFFF  }
0xbc: {  	[dreg:$0x0] =	wrdreg $0x60  }
0xbd: {  	[dreg:$0x2] =	wrdreg s18  }
0xbe: {  	[dreg:$0x3] =	wrdreg s24  }
0xbf: {  	[dreg:$0x4] =	wrdreg $0xC  }
0xc0: {  	_ =	task.clear_ibuf [dreg:s22], $0x5FFFF;
	_ =	strace $0x9000004F  }
0xc1: {  	s29 =	simm.s32 $0xC;
	_ =	strace $0x80000051  }
0xc2: {  	_ =	swait.ge [sflag:s29], $0x1  }
0xc3: {  	[sflag:s29] =	ssyncadd.s32 $0xFFFFFFFF  }
0xc4: {  	_ =	strace $0x90000051  }
0xc5: {  	_ =	sfence  }
0xc6: {  	s30 =	sld [smem:$0x0];
	_ =	sdelay $0x2  }
0xc7: {  	s31 =	sshll.u32 s1, $0xD;
	s1 =	sshrl.u32 s1, $0x2  }
0xc8: {  	s4 =	sand.u32 $0x4000, s31;
	s1 =	sadd.s32 s1, s30  }
0xc9: {  	s0 =	sor.u32 s4, s0;
	s1 =	sshll.u32 s1, $0x11  }
0xca: {  	s0 =	sor.u32 s1, s0  }
0xcb: {  	s0 =	sadd.s32 $0x8F2B, s0  }
0xcc: {  	[sflag:s0] =	ssyncadd.remote.s32 $0x1  }
0xcd: {  	_ =	sfence.sel $0xFFFF  }
0xce: {  	[dreg:$0x0] =	wrdreg $0xFFFFFFFF;
	(pc) =	sbr.abs _section_cstart, $3  }
0xcf: {  	[dreg:$0x1] =	wrdreg $0xFFFFFFFF  }
0xd0: {  	_ =	task.clear_ibuf [dreg:s22], $0x2FFFF;
	_ =	strace $0x9FFFFFFF  }
0xd1: {  	(tm) =	ssettm $0x7FFFFFFF  }
tec
execute0_lowered:
.L_overlay_start_1:
0x0: {  	(tag) =	ssettag $0x1  }
0x1: {  	s1 =	srdreg.scid;
	s0 =	stileid.u32  }
0x2: {  	s30 =	sand.u32 $0x1, s1;
	s26 =	sshll.u32 s0, $0x1  }
0x3: {  	s7 =	sor.u32 s30, s26  }
0x4: {  	s9 =	rddreg [dreg:$0x1];
	s4 =	sshll.u32 s7, $0x8  }
0x5: {  	s2 =	rddreg [dreg:$0x0];
	s3 =	simm.s32 $0x0;
	s4 =	sadd.s32 s4, s9  }
0x6: {  	[smem:$0x7FF] =	sst s3;
	s4 =	sadd.s32 $0x1EC400, s4  }
0x7: {  	_ =	strace $0x80000050;
	[dreg:$0x3] =	wrdreg s4  }
0x8: {  	s4 =	simm.s32 $0x5;
	s5 =	rddreg [dreg:$0x3]  }
0x9: {  	[tilespmem:s3], [sflag:$0x5] =	stream.linear.gather [hbm4b:s5+s3], $0x500, $0x38;
	[tilespmem:$0x8800] =	vst v63  }
0xa: {  	_ =	swait.ge [sflag:s4], $0x500  }
0xb: {  	[sflag:s4] =	ssyncset.done $0x0  }
0xc: {  	s6 =	simm.s32 $0x800;
	s5 =	simm.s32 $0x80;
	[sflag:s4] =	ssyncadd.s32 $0xFFFFFB00  }
0xd: {  	[tilespmem:s6], [sflag:$0x1] =	stream.indirect.gather [hbm4b:s2+s5], $0x80, s3, s5, $0xb8;
	[tilespmem:$0x8800] =	vst v63  }
0xe: {  	s8 =	simm.s32 $0x1;
	s10 =	smul.u32 $0x5000, s7;
	s7 =	simm.s32 $0x4800  }
0xf: {  	[tilespmem:s7], [sflag:$0x2] =	stream.indirect.gather [hbm4b:s2+s5], $0x80, s5, s5, $0xb8;
	[tilespmem:$0x8800] =	vst v63  }
0x10: {  	_ =	swait.ge [sflag:s8], $0x4000  }
0x11: {  	s31 =	sadd.s32 s10, s9;
	[sflag:s8] =	ssyncset.done $0x0  }
0x12: {  	s10 =	simm.s32 $0x3;
	s9 =	sadd.s32 $0x1EE400, s31;
	[sflag:s8] =	ssyncadd.s32 $0xFFFFC000  }
0x13: {  	[hbm4b:s9+s3] =	stream.linear.scatter [tilespmem:s6], [sflag:$0x3], $0x4000, $0x38;
	[tilespmem:$0x8800] =	vst v63  }
0x14: {  	_ =	swait.ge [sflag:s10], $0x4000  }
0x15: {  	[sflag:s10] =	ssyncset.done $0x0  }
0x16: {  	s11 =	simm.s32 $0x100;
	s12 =	simm.s32 $0x2;
	[sflag:s10] =	ssyncadd.s32 $0xFFFFC000  }
0x17: {  	[tilespmem:s6], [sflag:$0x1] =	stream.indirect.gather [hbm4b:s2+s5], $0x80, s11, s5, $0xb8;
	[tilespmem:$0x8800] =	vst v63  }
0x18: {  	_ =	swait.ge [sflag:s12], $0x4000  }
0x19: {  	[sflag:s12] =	ssyncset.done $0x0  }
0x1a: {  	s13 =	simm.s32 $0x4;
	s14 =	sadd.s32 $0x1EEC00, s31;
	[sflag:s12] =	ssyncadd.s32 $0xFFFFC000  }
0x1b: {  	[hbm4b:s14+s3] =	stream.linear.scatter [tilespmem:s7], [sflag:$0x4], $0x4000, $0x38;
	[tilespmem:$0x8800] =	vst v63  }
0x1c: {  	_ =	swait.ge [sflag:s13], $0x4000  }
0x1d: {  	[sflag:s13] =	ssyncset.done $0x0  }
0x1e: {  	s15 =	simm.s32 $0x180;
	[sflag:s13] =	ssyncadd.s32 $0xFFFFC000  }
0x1f: {  	[tilespmem:s7], [sflag:$0x2] =	stream.indirect.gather [hbm4b:s2+s5], $0x80, s15, s5, $0xb8;
	[tilespmem:$0x8800] =	vst v63  }
0x20: {  	_ =	swait.ge [sflag:s8], $0x4000  }
0x21: {  	[sflag:s8] =	ssyncset.done $0x0  }
0x22: {  	s16 =	sadd.s32 $0x1EF400, s31;
	[sflag:s8] =	ssyncadd.s32 $0xFFFFC000  }
0x23: {  	[hbm4b:s16+s3] =	stream.linear.scatter [tilespmem:s6], [sflag:$0x3], $0x4000, $0x38;
	[tilespmem:$0x8800] =	vst v63  }
0x24: {  	_ =	swait.ge [sflag:s10], $0x4000  }
0x25: {  	[sflag:s10] =	ssyncset.done $0x0  }
0x26: {  	s17 =	simm.s32 $0x200;
	[sflag:s10] =	ssyncadd.s32 $0xFFFFC000  }
0x27: {  	[tilespmem:s6], [sflag:$0x1] =	stream.indirect.gather [hbm4b:s2+s5], $0x80, s17, s5, $0xb8;
	[tilespmem:$0x8800] =	vst v63  }
0x28: {  	_ =	swait.ge [sflag:s12], $0x4000  }
0x29: {  	[sflag:s12] =	ssyncset.done $0x0  }
0x2a: {  	s18 =	sadd.s32 $0x1EFC00, s31;
	[sflag:s12] =	ssyncadd.s32 $0xFFFFC000  }
0x2b: {  	[hbm4b:s18+s3] =	stream.linear.scatter [tilespmem:s7], [sflag:$0x4], $0x4000, $0x38;
	[tilespmem:$0x8800] =	vst v63  }
0x2c: {  	_ =	swait.ge [sflag:s13], $0x4000  }
0x2d: {  	[sflag:s13] =	ssyncset.done $0x0  }
0x2e: {  	s19 =	simm.s32 $0x280;
	[sflag:s13] =	ssyncadd.s32 $0xFFFFC000  }
0x2f: {  	[tilespmem:s7], [sflag:$0x2] =	stream.indirect.gather [hbm4b:s2+s5], $0x80, s19, s5, $0xb8;
	[tilespmem:$0x8800] =	vst v63  }
0x30: {  	_ =	swait.ge [sflag:s8], $0x4000  }
0x31: {  	[sflag:s8] =	ssyncset.done $0x0  }
0x32: {  	s20 =	sadd.s32 $0x1F0400, s31;
	[sflag:s8] =	ssyncadd.s32 $0xFFFFC000  }
0x33: {  	[hbm4b:s20+s3] =	stream.linear.scatter [tilespmem:s6], [sflag:$0x3], $0x4000, $0x38;
	[tilespmem:$0x8800] =	vst v63  }
0x34: {  	_ =	swait.ge [sflag:s10], $0x4000  }
0x35: {  	[sflag:s10] =	ssyncset.done $0x0  }
0x36: {  	s21 =	simm.s32 $0x300;
	[sflag:s10] =	ssyncadd.s32 $0xFFFFC000  }
0x37: {  	[tilespmem:s6], [sflag:$0x1] =	stream.indirect.gather [hbm4b:s2+s5], $0x80, s21, s5, $0xb8;
	[tilespmem:$0x8800] =	vst v63  }
0x38: {  	_ =	swait.ge [sflag:s12], $0x4000  }
0x39: {  	[sflag:s12] =	ssyncset.done $0x0  }
0x3a: {  	s22 =	sadd.s32 $0x1F0C00, s31;
	[sflag:s12] =	ssyncadd.s32 $0xFFFFC000  }
0x3b: {  	[hbm4b:s22+s3] =	stream.linear.scatter [tilespmem:s7], [sflag:$0x4], $0x4000, $0x38;
	[tilespmem:$0x8800] =	vst v63  }
0x3c: {  	_ =	swait.ge [sflag:s13], $0x4000  }
0x3d: {  	[sflag:s13] =	ssyncset.done $0x0  }
0x3e: {  	s23 =	simm.s32 $0x380;
	[sflag:s13] =	ssyncadd.s32 $0xFFFFC000  }
0x3f: {  	[tilespmem:s7], [sflag:$0x2] =	stream.indirect.gather [hbm4b:s2+s5], $0x80, s23, s5, $0xb8;
	[tilespmem:$0x8800] =	vst v63  }
0x40: {  	_ =	swait.ge [sflag:s8], $0x4000  }
0x41: {  	[sflag:s8] =	ssyncset.done $0x0  }
0x42: {  	s24 =	sadd.s32 $0x1F1400, s31;
	[sflag:s8] =	ssyncadd.s32 $0xFFFFC000  }
0x43: {  	[hbm4b:s24+s3] =	stream.linear.scatter [tilespmem:s6], [sflag:$0x3], $0x4000, $0x38;
	[tilespmem:$0x8800] =	vst v63  }
0x44: {  	_ =	swait.ge [sflag:s10], $0x4000  }
0x45: {  	[sflag:s10] =	ssyncset.done $0x0  }
0x46: {  	s25 =	simm.s32 $0x400;
	[sflag:s10] =	ssyncadd.s32 $0xFFFFC000  }
0x47: {  	[tilespmem:s6], [sflag:$0x1] =	stream.indirect.gather [hbm4b:s2+s5], $0x80, s25, s5, $0xb8;
	[tilespmem:$0x8800] =	vst v63  }
0x48: {  	_ =	swait.ge [sflag:s12], $0x4000  }
0x49: {  	[sflag:s12] =	ssyncset.done $0x0  }
0x4a: {  	s26 =	sadd.s32 $0x1F1C00, s31;
	[sflag:s12] =	ssyncadd.s32 $0xFFFFC000  }
0x4b: {  	[hbm4b:s26+s3] =	stream.linear.scatter [tilespmem:s7], [sflag:$0x4], $0x4000, $0x38;
	[tilespmem:$0x8800] =	vst v63  }
0x4c: {  	_ =	swait.ge [sflag:s13], $0x4000  }
0x4d: {  	[sflag:s13] =	ssyncset.done $0x0  }
0x4e: {  	s28 =	simm.s32 $0x480;
	[sflag:s13] =	ssyncadd.s32 $0xFFFFC000  }
0x4f: {  	[tilespmem:s7], [sflag:$0x2] =	stream.indirect.gather [hbm4b:s2+s5], $0x80, s28, s5, $0xb8;
	[tilespmem:$0x8800] =	vst v63  }
0x50: {  	_ =	swait.ge [sflag:s8], $0x4000  }
0x51: {  	s30 =	ssub.s32 $0x2, s30;
	[sflag:s8] =	ssyncset.done $0x0  }
0x52: {  	s1 =	sshrl.u32 s30, $0x1;
	s29 =	sadd.s32 $0x1F2400, s31;
	[sflag:s8] =	ssyncadd.s32 $0xFFFFC000  }
0x53: {  	[hbm4b:s29+s3] =	stream.linear.scatter [tilespmem:s6], [sflag:$0x3], $0x4000, $0x38;
	[tilespmem:$0x8800] =	vst v63  }
0x54: {  	s1 =	ssub.s32 s30, s1;
	_ =	swait.ge [sflag:s10], $0x4000  }
0x55: {  	s1 =	smax.u32 s1, $0x1;
	[sflag:s10] =	ssyncset.done $0x0  }
0x56: {  	p0 =	sne.s32 s1, $0x1;
	[sflag:s10] =	ssyncadd.s32 $0xFFFFC000  }
.Ltmp0:
0x57: {  	_ =	swait.ge [sflag:s12], $0x4000;
	(pc) =	sbr.rel @!p0 .LBB2_2-.Ltmp0, $4  }
0x58: {  	[sflag:s12] =	ssyncset.done $0x0  }
0x59: {  	s30 =	sadd.s32 $0x1F2C00, s31;
	[sflag:s12] =	ssyncadd.s32 $0xFFFFC000  }
0x5a: {  	[hbm4b:s30+s3] =	stream.linear.scatter [tilespmem:s7], [sflag:$0x4], $0x4000, $0x38;
	[tilespmem:$0x8800] =	vst v63  }
0x5b: {  	s31 =	sadd.s32 $0xFFFFFFFF, s1;
	_ =	swait.ge [sflag:s13], $0x4000  }
.LBB2_1:
0x5c: {  	[sflag:s13] =	ssyncset.done $0x0  }
0x5d: {  	s1 =	rddreg [dreg:$0x3];
	[sflag:s13] =	ssyncadd.s32 $0xFFFFC000  }
0x5e: {  	[tilespmem:s3], [sflag:$0x5] =	stream.linear.gather [hbm4b:s1+s3], $0x500, $0x38;
	[tilespmem:$0x8800] =	vst v63  }
0x5f: {  	_ =	swait.ge [sflag:s4], $0x500  }
0x60: {  	[sflag:s4] =	ssyncset.done $0x0  }
0x61: {  	[sflag:s4] =	ssyncadd.s32 $0xFFFFFB00  }
0x62: {  	[tilespmem:s6], [sflag:$0x1] =	stream.indirect.gather [hbm4b:s2+s5], $0x80, s3, s5, $0xb8;
	[tilespmem:$0x8800] =	vst v63  }
0x63: {  	_ = 	snop  }
0x64: {  	[tilespmem:s7], [sflag:$0x2] =	stream.indirect.gather [hbm4b:s2+s5], $0x80, s5, s5, $0xb8;
	[tilespmem:$0x8800] =	vst v63  }
0x65: {  	_ =	swait.ge [sflag:s8], $0x4000  }
0x66: {  	[sflag:s8] =	ssyncset.done $0x0  }
0x67: {  	[sflag:s8] =	ssyncadd.s32 $0xFFFFC000  }
0x68: {  	[hbm4b:s9+s3] =	stream.linear.scatter [tilespmem:s6], [sflag:$0x3], $0x4000, $0x38;
	[tilespmem:$0x8800] =	vst v63  }
0x69: {  	_ =	swait.ge [sflag:s10], $0x4000  }
0x6a: {  	[sflag:s10] =	ssyncset.done $0x0  }
0x6b: {  	[sflag:s10] =	ssyncadd.s32 $0xFFFFC000  }
0x6c: {  	[tilespmem:s6], [sflag:$0x1] =	stream.indirect.gather [hbm4b:s2+s5], $0x80, s11, s5, $0xb8;
	[tilespmem:$0x8800] =	vst v63  }
0x6d: {  	_ =	swait.ge [sflag:s12], $0x4000  }
0x6e: {  	[sflag:s12] =	ssyncset.done $0x0  }
0x6f: {  	[sflag:s12] =	ssyncadd.s32 $0xFFFFC000  }
0x70: {  	[hbm4b:s14+s3] =	stream.linear.scatter [tilespmem:s7], [sflag:$0x4], $0x4000, $0x38;
	[tilespmem:$0x8800] =	vst v63  }
0x71: {  	_ =	swait.ge [sflag:s13], $0x4000  }
0x72: {  	[sflag:s13] =	ssyncset.done $0x0  }
0x73: {  	[sflag:s13] =	ssyncadd.s32 $0xFFFFC000  }
0x74: {  	[tilespmem:s7], [sflag:$0x2] =	stream.indirect.gather [hbm4b:s2+s5], $0x80, s15, s5, $0xb8;
	[tilespmem:$0x8800] =	vst v63  }
0x75: {  	_ =	swait.ge [sflag:s8], $0x4000  }
0x76: {  	[sflag:s8] =	ssyncset.done $0x0  }
0x77: {  	[sflag:s8] =	ssyncadd.s32 $0xFFFFC000  }
0x78: {  	[hbm4b:s16+s3] =	stream.linear.scatter [tilespmem:s6], [sflag:$0x3], $0x4000, $0x38;
	[tilespmem:$0x8800] =	vst v63  }
0x79: {  	_ =	swait.ge [sflag:s10], $0x4000  }
0x7a: {  	[sflag:s10] =	ssyncset.done $0x0  }
0x7b: {  	[sflag:s10] =	ssyncadd.s32 $0xFFFFC000  }
0x7c: {  	[tilespmem:s6], [sflag:$0x1] =	stream.indirect.gather [hbm4b:s2+s5], $0x80, s17, s5, $0xb8;
	[tilespmem:$0x8800] =	vst v63  }
0x7d: {  	_ =	swait.ge [sflag:s12], $0x4000  }
0x7e: {  	[sflag:s12] =	ssyncset.done $0x0  }
0x7f: {  	[sflag:s12] =	ssyncadd.s32 $0xFFFFC000  }
0x80: {  	[hbm4b:s18+s3] =	stream.linear.scatter [tilespmem:s7], [sflag:$0x4], $0x4000, $0x38;
	[tilespmem:$0x8800] =	vst v63  }
0x81: {  	_ =	swait.ge [sflag:s13], $0x4000  }
0x82: {  	[sflag:s13] =	ssyncset.done $0x0  }
0x83: {  	[sflag:s13] =	ssyncadd.s32 $0xFFFFC000  }
0x84: {  	[tilespmem:s7], [sflag:$0x2] =	stream.indirect.gather [hbm4b:s2+s5], $0x80, s19, s5, $0xb8;
	[tilespmem:$0x8800] =	vst v63  }
0x85: {  	_ =	swait.ge [sflag:s8], $0x4000  }
0x86: {  	[sflag:s8] =	ssyncset.done $0x0  }
0x87: {  	[sflag:s8] =	ssyncadd.s32 $0xFFFFC000  }
0x88: {  	[hbm4b:s20+s3] =	stream.linear.scatter [tilespmem:s6], [sflag:$0x3], $0x4000, $0x38;
	[tilespmem:$0x8800] =	vst v63  }
0x89: {  	_ =	swait.ge [sflag:s10], $0x4000  }
0x8a: {  	[sflag:s10] =	ssyncset.done $0x0  }
0x8b: {  	[sflag:s10] =	ssyncadd.s32 $0xFFFFC000  }
0x8c: {  	[tilespmem:s6], [sflag:$0x1] =	stream.indirect.gather [hbm4b:s2+s5], $0x80, s21, s5, $0xb8;
	[tilespmem:$0x8800] =	vst v63  }
0x8d: {  	_ =	swait.ge [sflag:s12], $0x4000  }
0x8e: {  	[sflag:s12] =	ssyncset.done $0x0  }
0x8f: {  	[sflag:s12] =	ssyncadd.s32 $0xFFFFC000  }
0x90: {  	[hbm4b:s22+s3] =	stream.linear.scatter [tilespmem:s7], [sflag:$0x4], $0x4000, $0x38;
	[tilespmem:$0x8800] =	vst v63  }
0x91: {  	_ =	swait.ge [sflag:s13], $0x4000  }
0x92: {  	[sflag:s13] =	ssyncset.done $0x0  }
0x93: {  	[sflag:s13] =	ssyncadd.s32 $0xFFFFC000  }
0x94: {  	[tilespmem:s7], [sflag:$0x2] =	stream.indirect.gather [hbm4b:s2+s5], $0x80, s23, s5, $0xb8;
	[tilespmem:$0x8800] =	vst v63  }
0x95: {  	_ =	swait.ge [sflag:s8], $0x4000  }
0x96: {  	[sflag:s8] =	ssyncset.done $0x0  }
0x97: {  	[sflag:s8] =	ssyncadd.s32 $0xFFFFC000  }
0x98: {  	[hbm4b:s24+s3] =	stream.linear.scatter [tilespmem:s6], [sflag:$0x3], $0x4000, $0x38;
	[tilespmem:$0x8800] =	vst v63  }
0x99: {  	_ =	swait.ge [sflag:s10], $0x4000  }
0x9a: {  	[sflag:s10] =	ssyncset.done $0x0  }
0x9b: {  	[sflag:s10] =	ssyncadd.s32 $0xFFFFC000  }
0x9c: {  	[tilespmem:s6], [sflag:$0x1] =	stream.indirect.gather [hbm4b:s2+s5], $0x80, s25, s5, $0xb8;
	[tilespmem:$0x8800] =	vst v63  }
0x9d: {  	_ =	swait.ge [sflag:s12], $0x4000  }
0x9e: {  	[sflag:s12] =	ssyncset.done $0x0  }
0x9f: {  	[sflag:s12] =	ssyncadd.s32 $0xFFFFC000  }
0xa0: {  	[hbm4b:s26+s3] =	stream.linear.scatter [tilespmem:s7], [sflag:$0x4], $0x4000, $0x38;
	[tilespmem:$0x8800] =	vst v63  }
0xa1: {  	_ =	swait.ge [sflag:s13], $0x4000  }
0xa2: {  	[sflag:s13] =	ssyncset.done $0x0  }
0xa3: {  	[sflag:s13] =	ssyncadd.s32 $0xFFFFC000  }
0xa4: {  	[tilespmem:s7], [sflag:$0x2] =	stream.indirect.gather [hbm4b:s2+s5], $0x80, s28, s5, $0xb8;
	[tilespmem:$0x8800] =	vst v63  }
0xa5: {  	_ =	swait.ge [sflag:s8], $0x4000  }
0xa6: {  	[sflag:s8] =	ssyncset.done $0x0  }
0xa7: {  	[sflag:s8] =	ssyncadd.s32 $0xFFFFC000  }
0xa8: {  	[hbm4b:s29+s3] =	stream.linear.scatter [tilespmem:s6], [sflag:$0x3], $0x4000, $0x38;
	[tilespmem:$0x8800] =	vst v63  }
0xa9: {  	_ =	swait.ge [sflag:s10], $0x4000  }
0xaa: {  	[sflag:s10] =	ssyncset.done $0x0  }
0xab: {  	p0 =	sne.s32 s31, $0x1;
	[sflag:s10] =	ssyncadd.s32 $0xFFFFC000  }
.Ltmp1:
0xac: {  	_ =	swait.ge [sflag:s12], $0x4000;
	(pc) =	sbr.rel @p0 .LBB2_1-.Ltmp1, $4  }
0xad: {  	[sflag:s12] =	ssyncset.done $0x0  }
0xae: {  	[sflag:s12] =	ssyncadd.s32 $0xFFFFC000  }
0xaf: {  	[hbm4b:s30+s3] =	stream.linear.scatter [tilespmem:s7], [sflag:$0x4], $0x4000, $0x38;
	[tilespmem:$0x8800] =	vst v63  }
0xb0: {  	s31 =	sadd.s32 $0xFFFFFFFF, s31;
	_ =	swait.ge [sflag:s13], $0x4000  }
.LBB2_2:
0xb1: {  	[sflag:s13] =	ssyncset.done $0x0  }
0xb2: {  	[sflag:s13] =	ssyncadd.s32 $0xFFFFC000  }
0xb3: {  	_ =	sfence.sel $0x180000  }
0xb4: {  	[bflag:$0x0] =	sbarrier.arrive $0xFFFF  }
0xb5: {  	_ =	strace $0x90000050  }
0xb6: {  	[bflag:$0x2] =	sbarrier.arrive $0xFFFF  }
0xb7: {  	p0 =	sne.s32 s0, $0x0;
	s0 =	rddreg [dreg:$0x2]  }
0xb8: {  	s0 =	sadd.s32 @!p0 $0x100000, s0  }
0xb9: {  	[sflag:s0] =	ssyncadd.tile.s32 @!p0 $0x1;
	_ =	shalt  }
.Lfunc_end2:
_tile_overlayer_lowered:
.L_overlay_start_2:
0xba: {  	(tag) =	ssettag $0x2  }
0xbb: {  	s0 =	rddreg [dreg:$0x0];
	s2 =	stileid.u32  }
0xbc: {  	s1 =	rddreg [dreg:$0x1];
	p0 =	sne.s32 s2, $0x0  }
0xbd: {  	s3 =	rddreg [dreg:$0x2];
	[bflag:$0x3] =	sbarrier.arrive $0xFFFF;
	s2 =	simm.s32 @!p0 $0x1C05  }
0xbe: {  	[timem:s3], [sflag:s2] =	dma.local @!p0 [hbm:s0], s1  }
0xbf: {  	s0 =	simm.s32 @!p0 $0x5  }
0xc0: {  	_ =	swait.ge @!p0 [sflag:s0], s1  }
0xc1: {  	s1 =	ssub.s32 @!p0 $0x0, s1;
	[sflag:s0] =	ssyncset.done @!p0 $0x0  }
0xc2: {  	[sflag:s0] =	ssyncadd.s32 @!p0 s1  }
0xc3: {  	[bflag:$0x3] =	sbarrier.arrive $0xFFFF  }
0xc4: {  	_ =	shalt  }

// kernel: kernel.25.cloned.1.call-start
scs
__scs_entry_jumppad:
0x0: {  	(pc) =	sbr.rel $0x88, $3  }
0x1: {  	(tag) =	ssettag $0x0;
	lr =	simm.s32 $0x1  }
0x2: {  	[smem:$0x3F95] =	sst lr;
	_ =	strace $0xD0000000  }
0x3: {  	_ = 	snop  }
0x4: {  	_ = 	snop  }
0x5: {  	_ = 	snop  }
0x6: {  	_ = 	snop  }
0x7: {  	_ = 	snop  }
__scs_overlays_trampoline_lowered:
0x8: {  	[smem:$0x3FA4] =	sst s0  }
0x9: {  	[smem:$0x3FA5] =	sst s1  }
0xa: {  	[smem:$0x3FA6] =	sst s2  }
0xb: {  	[smem:$0x3FA7] =	sst s3  }
0xc: {  	[smem:$0x3FA8] =	sst s4  }
0xd: {  	[smem:$0x3FA9] =	sst s5  }
0xe: {  	[smem:$0x3FAA] =	sst s6  }
0xf: {  	[smem:$0x3FAB] =	sst s7  }
0x10: {  	[smem:$0x3FAC] =	sst s8  }
0x11: {  	[smem:$0x3FAD] =	sst s9;
	s0 =	simm.s32 @!p0 $0x0  }
0x12: {  	s1 =	sld [smem:$0x3F93];
	s0 =	simm.s32 @p0 $0x1  }
0x13: {  	[smem:$0x3FAE] =	sst s0;
	s0 =	simm.s32 @!p1 $0x0  }
0x14: {  	s2 =	sld [smem:$0x3F92];
	s0 =	simm.s32 @p1 $0x1  }
0x15: {  	[smem:$0x3FAF] =	sst s0;
	s0 =	simm.s32 @!p2 $0x0  }
0x16: {  	s3 =	sld [smem:$0x3FDB];
	s0 =	simm.s32 @p2 $0x1  }
0x17: {  	s4 =	simm.s32 $0x1BF5;
	[smem:$0x3FB1] =	sst s0  }
0x18: {  	s0 =	sld [smem:$0x3F94];
	_ =	swait.ge [sflag:s4], $0x0  }
0x19: {  	s7 =	sld [smem:$0x3F95]  }
0x1a: {  	s8 =	sadd.s32 $0xFFFFE003, lr  }
0x1b: {  	s9 =	sadd.s32 $0xFFFFFEF7, lr;
	s5 =	simm.s32 $0xFFFFFFFF;
	p2 =	slt.u32 s8, $0xFFFFF086  }
0x1c: {  	p1 =	slt.u32 s9, $0xF7A;
	s5 =	simm.s32 @!p2 $0x0  }
0x1d: {  	s5 =	simm.s32 @p1 $0x1;
	p0 =	seq.s32 s7, s2  }
0x1e: {  	s7 =	smul.u32 @!p0 $0xF7A, s2;
	p2 =	seq.s32 @!p0 s5, $0x0  }
0x1f: {  	s9 =	smul.u32 $0xF7A, s1;
	s8 =	simm.s32 @!p0 $0x1BF5;
	p2 =	por !p2, p0  }
0x20: {  	[sflag:s8] =	ssyncset.s32 @!p0 $0xFFFFF086;
	s6 =	sadd.s32 @!p0 s3, s7;
	s7 =	simm.s32 @!p0 $0x108  }
0x21: {  	s3 =	sadd.s32 s3, s9;
	s6 =	sadd.s32 @!p0 $0x88, s6;
	s7 =	simm.s32 @p2 $0x1082  }
0x22: {  	[simem:s7], [sflag:s8] =	dma.local @!p0 [hbm:s6], $0xF7A  }
0x23: {  	s9 =	sor.u32 $0xD0000000, s2;
	s6 =	simm.s32 $0x108;
	_ =	swait.ge @!p0 [sflag:s8], $0x0  }
0x24: {  	s3 =	sadd.s32 $0x88, s3;
	s6 =	simm.s32 @!p1 $0x1082;
	[sflag:s4] =	ssyncset.s32 $0xFFFFF086  }
0x25: {  	[simem:s6], [sflag:s4] =	dma.local [hbm:s3], $0xF7A  }
0x26: {  	[smem:$0x3F95] =	sst s1;
	(tag) =	ssettag s2;
	_ =	strace s9  }
0x27: {  	s1 =	sld [smem:$0x3FA5]  }
0x28: {  	s2 =	sld [smem:$0x3FA6]  }
0x29: {  	s4 =	sld [smem:$0x3FA8]  }
0x2a: {  	p0 =	seq.s32 s5, $0x0;
	s5 =	sld [smem:$0x3FA9]  }
0x2b: {  	s6 =	sld [smem:$0x3FAA]  }
0x2c: {  	s7 =	sld [smem:$0x3FAB]  }
0x2d: {  	s3 =	simm.s32 $0x108;
	s8 =	sld [smem:$0x3FAC]  }
0x2e: {  	s3 =	simm.s32 @!p0 $0x1082;
	s9 =	sld [smem:$0x3FAD]  }
0x2f: {  	lr =	sadd.s32 s0, s3;
	s0 =	sld [smem:$0x3FA4]  }
0x30: {  	s3 =	sld [smem:$0x3FA7]  }
0x31: {  	[smem:$0x3FB0] =	sst s10  }
0x32: {  	s10 =	sld [smem:$0x3FAE];
	_ =	sdelay $0x3  }
0x33: {  	p0 =	seq.s32 s10, $0x1;
	s10 =	sld [smem:$0x3FB0];
	_ =	sdelay $0x3  }
0x34: {  	[smem:$0x3FB0] =	sst s10  }
0x35: {  	s10 =	sld [smem:$0x3FAF];
	_ =	sdelay $0x3  }
0x36: {  	p1 =	seq.s32 s10, $0x1;
	s10 =	sld [smem:$0x3FB0];
	_ =	sdelay $0x3  }
0x37: {  	[smem:$0x3FB0] =	sst s10  }
0x38: {  	s10 =	sld [smem:$0x3FB1]  }
0x39: {  	_ = 	snop;
	(pc) =	sbr.ind lr, $3  }
0x3a: {  	_ = 	snop  }
0x3b: {  	_ = 	snop  }
0x3c: {  	p2 =	seq.s32 s10, $0x1;
	s10 =	sld [smem:$0x3FB0]  }
0x3d: {  	_ =	shalt  }
0x3e: {  	_ =	shalt  }
0x3f: {  	_ =	shalt  }
0x40: {  	_ =	shalt  }
0x41: {  	_ =	shalt  }
0x42: {  	_ =	shalt  }
0x43: {  	_ =	shalt  }
0x44: {  	_ =	shalt  }
0x45: {  	_ =	shalt  }
0x46: {  	_ =	shalt  }
0x47: {  	_ =	shalt  }
0x48: {  	_ =	shalt  }
0x49: {  	_ =	shalt  }
0x4a: {  	_ =	shalt  }
0x4b: {  	_ =	shalt  }
0x4c: {  	_ =	shalt  }
0x4d: {  	_ =	shalt  }
0x4e: {  	_ =	shalt  }
0x4f: {  	_ =	shalt  }
0x50: {  	_ =	shalt  }
0x51: {  	_ =	shalt  }
0x52: {  	_ =	shalt  }
0x53: {  	_ =	shalt  }
0x54: {  	_ =	shalt  }
0x55: {  	_ =	shalt  }
0x56: {  	_ =	shalt  }
0x57: {  	_ =	shalt  }
0x58: {  	_ =	shalt  }
0x59: {  	_ =	shalt  }
0x5a: {  	_ =	shalt  }
0x5b: {  	_ =	shalt  }
0x5c: {  	_ =	shalt  }
0x5d: {  	_ =	shalt  }
0x5e: {  	_ =	shalt  }
0x5f: {  	_ =	shalt  }
0x60: {  	_ =	shalt  }
0x61: {  	_ =	shalt  }
0x62: {  	_ =	shalt  }
0x63: {  	_ =	shalt  }
0x64: {  	_ =	shalt  }
0x65: {  	_ =	shalt  }
0x66: {  	_ =	shalt  }
0x67: {  	_ =	shalt  }
0x68: {  	_ =	shalt  }
0x69: {  	_ =	shalt  }
0x6a: {  	_ =	shalt  }
0x6b: {  	_ =	shalt  }
0x6c: {  	_ =	shalt  }
0x6d: {  	_ =	shalt  }
0x6e: {  	_ =	shalt  }
0x6f: {  	_ =	shalt  }
0x70: {  	_ =	shalt  }
0x71: {  	_ =	shalt  }
0x72: {  	_ =	shalt  }
0x73: {  	_ =	shalt  }
0x74: {  	_ =	shalt  }
0x75: {  	_ =	shalt  }
0x76: {  	_ =	shalt  }
0x77: {  	_ =	shalt  }
0x78: {  	_ =	shalt  }
0x79: {  	_ =	shalt  }
0x7a: {  	_ =	shalt  }
0x7b: {  	_ =	shalt  }
0x7c: {  	_ =	shalt  }
0x7d: {  	_ =	shalt  }
0x7e: {  	_ =	shalt  }
0x7f: {  	_ =	shalt  }
0x80: {  	_ =	shalt  }
0x81: {  	_ =	shalt  }
0x82: {  	_ =	shalt  }
0x83: {  	_ =	shalt  }
0x84: {  	_ =	shalt  }
0x85: {  	_ =	shalt  }
0x86: {  	_ =	shalt  }
0x87: {  	_ =	shalt  }
.Lfunc_end0:
.L_simem_size_0:
called_computation.4_lowered:
.L_overlay_start_0:
0x88: {  	s2 =	sld [smem:$0x3FD9]  }
0x89: {  	s3 =	sld [smem:$0x3FFE];
	_ =	sdelay $0x1  }
0x8a: {  	s1 =	srdreg.scid  }
0x8b: {  	s0 =	sand.u32 $0x1, s1  }
0x8c: {  	s17 =	sshll.u32 s0, $0xA;
	s2 =	sadd.s32 s3, s2  }
0x8d: {  	s2 =	sadd.s32 s2, s17  }
0x8e: {  	[smem:$0x3FBC] =	sst s2  }
0x8f: {  	_ = 	snop  }
0x90: {  	s18 =	sld [smem:$0x3FC8];
	(tm) =	ssettm $0x1  }
0x91: {  	s19 =	sld [smem:$0x3FFB];
	_ =	sdelay $0x3  }
0x92: {  	_ =	strace s19  }
0x93: {  	s2 =	sld [smem:$0x3FFC];
	_ =	sdelay $0x3  }
0x94: {  	_ =	strace s2  }
0x95: {  	s2 =	sld [smem:$0x3FFD];
	_ =	sdelay $0x3  }
0x96: {  	_ =	strace s2  }
0x97: {  	_ =	strace $0x8FFFFFFF  }
0x98: {  	s20 =	sld [smem:$0x3FDB];
	_ =	sdelay $0x1  }
0x99: {  	s4 =	simm.s32 $_scs_section_size  }
0x9a: {  	s5 =	simm.s32 $_size__tile_overlayer_lowered;
	s6 =	simm.s32 $_tile_overlayer_lowered  }
0x9b: {  	s7 =	simm.s32 $0x1BFF;
	s21 =	sshll.u32 s6, $0x1;
	s4 =	sadd.s32 s4, s20  }
0x9c: {  	s22 =	simm.s32 $0x0;
	s5 =	sshll.u32 s5, $0x1;
	s6 =	sadd.s32 s21, s4  }
0x9d: {  	[timem:s22], [sflag:s7] =	dma.local [hbm:s6], s5  }
0x9e: {  	_ =	swait.ge [sflag:s7], s5  }
0x9f: {  	s5 =	ssub.s32 $0x0, s5;
	[sflag:s7] =	ssyncset.done $0x0  }
0xa0: {  	[sflag:s7] =	ssyncadd.s32 s5;
	_ =	sdelay $0x1  }
0xa1: {  	s23 =	simm.s32 $0x1B8B  }
0xa2: {  	_ =	swait.ge [sflag:s23], $0x1  }
0xa3: {  	[sflag:s23] =	ssyncset.done $0x0  }
0xa4: {  	[sflag:s23] =	ssyncadd.s32 $0xFFFFFFFF  }
0xa5: {  	s5 =	sld [smem:$0x0]  }
0xa6: {  	s6 =	sand.u32 $0xFFFFFFFE, s1  }
0xa7: {  	p0 =	sne.s32 s1, s6  }
0xa8: {  	s6 =	sshll.u32 @p0 s6, $0xE  }
0xa9: {  	s6 =	sadd.s32 @p0 $0x11B8D, s6;
	s7 =	sshll.u32 @p0 s5, $0x11  }
0xaa: {  	s6 =	sor.u32 @p0 s7, s6  }
0xab: {  	[sflag:s6] =	ssyncadd.remote.s32 @p0 $0x1;
	_ =	sdelay $0x1  }
0xac: {  	s6 =	simm.s32 @p0 $0x1B8D  }
0xad: {  	_ =	swait.eq @p0 [sflag:s6], $0x1  }
0xae: {  	[sflag:s6] =	ssyncadd.s32 @p0 $0xFFFFFFFF  }
0xaf: {  	s7 =	sshll.u32 @!p0 s1, $0xE  }
0xb0: {  	s7 =	sor.u32 @!p0 $0x4000, s7;
	s6 =	simm.s32 @!p0 $0x1B8D  }
0xb1: {  	s5 =	sshll.u32 @!p0 s5, $0x11;
	s7 =	sadd.s32 @!p0 $0x11B8D, s7;
	_ =	swait.eq @!p0 [sflag:s6], $0x1  }
0xb2: {  	s5 =	sor.u32 @!p0 s5, s7;
	[sflag:s6] =	ssyncadd.s32 @!p0 $0xFFFFFFFF  }
0xb3: {  	s25 =	simm.s32 $0x1B8E;
	s24 =	sld [smem:$0x3FFE];
	[sflag:s5] =	ssyncadd.remote.s32 @!p0 $0x1  }
0xb4: {  	s26 =	simm.s32 $execute0_lowered;
	[smem:$0x3FD2] =	sst s25  }
0xb5: {  	s6 =	sshll.u32 s26, $0x1;
	_ =	strace $0x80000052;
	[dreg:$0x1] =	wrdreg $0xFFFFFFFF  }
0xb6: {  	s28 =	simm.s32 $_size_execute0_lowered;
	s4 =	sadd.s32 s4, s6;
	[dreg:$0x0] =	wrdreg $0x0  }
0xb7: {  	s6 =	sshll.u32 s28, $0x1;
	[dreg:$0x2] =	wrdreg s4  }
0xb8: {  	[dreg:$0x3] =	wrdreg s6  }
0xb9: {  	[dreg:$0x4] =	wrdreg $0xC0  }
0xba: {  	_ =	task [dreg:s22], $0x5FFFF  }
0xbb: {  	[dreg:$0x1] =	wrdreg $0xFFFFFFFF  }
0xbc: {  	[dreg:$0x0] =	wrdreg $0x60  }
0xbd: {  	[dreg:$0x2] =	wrdreg s18  }
0xbe: {  	[dreg:$0x3] =	wrdreg s24  }
0xbf: {  	[dreg:$0x4] =	wrdreg $0xD  }
0xc0: {  	_ =	task.clear_ibuf [dreg:s22], $0x5FFFF;
	_ =	strace $0x90000052  }
0xc1: {  	s29 =	simm.s32 $0xD;
	_ =	strace $0x80000054  }
0xc2: {  	_ =	swait.ge [sflag:s29], $0x1  }
0xc3: {  	[sflag:s29] =	ssyncadd.s32 $0xFFFFFFFF  }
0xc4: {  	_ =	strace $0x90000054  }
0xc5: {  	_ =	sfence  }
0xc6: {  	s30 =	sld [smem:$0x0];
	_ =	sdelay $0x2  }
0xc7: {  	s31 =	sshll.u32 s1, $0xD;
	s1 =	sshrl.u32 s1, $0x2  }
0xc8: {  	s4 =	sand.u32 $0x4000, s31;
	s1 =	sadd.s32 s1, s30  }
0xc9: {  	s0 =	sor.u32 s4, s0;
	s1 =	sshll.u32 s1, $0x11  }
0xca: {  	s0 =	sor.u32 s1, s0  }
0xcb: {  	s0 =	sadd.s32 $0x8F2B, s0  }
0xcc: {  	[sflag:s0] =	ssyncadd.remote.s32 $0x1  }
0xcd: {  	_ =	sfence.sel $0xFFFF  }
0xce: {  	[dreg:$0x0] =	wrdreg $0xFFFFFFFF;
	(pc) =	sbr.abs _section_cstart, $3  }
0xcf: {  	[dreg:$0x1] =	wrdreg $0xFFFFFFFF  }
0xd0: {  	_ =	task.clear_ibuf [dreg:s22], $0x2FFFF;
	_ =	strace $0x9FFFFFFF  }
0xd1: {  	(tm) =	ssettm $0x7FFFFFFF  }
tec
execute0_lowered:
.L_overlay_start_1:
0x0: {  	(tag) =	ssettag $0x1  }
0x1: {  	s1 =	srdreg.scid;
	s0 =	stileid.u32  }
0x2: {  	s30 =	sand.u32 $0x1, s1;
	s26 =	sshll.u32 s0, $0x1  }
0x3: {  	s7 =	sor.u32 s30, s26  }
0x4: {  	s9 =	rddreg [dreg:$0x1];
	s4 =	sshll.u32 s7, $0x8  }
0x5: {  	s2 =	rddreg [dreg:$0x0];
	s3 =	simm.s32 $0x0;
	s4 =	sadd.s32 s4, s9  }
0x6: {  	[smem:$0x7FF] =	sst s3;
	s4 =	sadd.s32 $0x3C00, s4  }
0x7: {  	_ =	strace $0x80000053;
	[dreg:$0x3] =	wrdreg s4  }
0x8: {  	s4 =	simm.s32 $0x5;
	s5 =	rddreg [dreg:$0x3]  }
0x9: {  	[tilespmem:s3], [sflag:$0x5] =	stream.linear.gather [hbm4b:s5+s3], $0x500, $0x38;
	[tilespmem:$0x8800] =	vst v63  }
0xa: {  	_ =	swait.ge [sflag:s4], $0x500  }
0xb: {  	[sflag:s4] =	ssyncset.done $0x0  }
0xc: {  	s6 =	simm.s32 $0x800;
	s5 =	simm.s32 $0x80;
	[sflag:s4] =	ssyncadd.s32 $0xFFFFFB00  }
0xd: {  	[tilespmem:s6], [sflag:$0x1] =	stream.indirect.gather [hbm4b:s2+s5], $0x80, s3, s5, $0xb8;
	[tilespmem:$0x8800] =	vst v63  }
0xe: {  	s8 =	simm.s32 $0x1;
	s10 =	smul.u32 $0x5000, s7;
	s7 =	simm.s32 $0x4800  }
0xf: {  	[tilespmem:s7], [sflag:$0x2] =	stream.indirect.gather [hbm4b:s2+s5], $0x80, s5, s5, $0xb8;
	[tilespmem:$0x8800] =	vst v63  }
0x10: {  	_ =	swait.ge [sflag:s8], $0x4000  }
0x11: {  	s31 =	sadd.s32 s10, s9;
	[sflag:s8] =	ssyncset.done $0x0  }
0x12: {  	s10 =	simm.s32 $0x3;
	s9 =	sadd.s32 $0x28E400, s31;
	[sflag:s8] =	ssyncadd.s32 $0xFFFFC000  }
0x13: {  	[hbm4b:s9+s3] =	stream.linear.scatter [tilespmem:s6], [sflag:$0x3], $0x4000, $0x38;
	[tilespmem:$0x8800] =	vst v63  }
0x14: {  	_ =	swait.ge [sflag:s10], $0x4000  }
0x15: {  	[sflag:s10] =	ssyncset.done $0x0  }
0x16: {  	s11 =	simm.s32 $0x100;
	s12 =	simm.s32 $0x2;
	[sflag:s10] =	ssyncadd.s32 $0xFFFFC000  }
0x17: {  	[tilespmem:s6], [sflag:$0x1] =	stream.indirect.gather [hbm4b:s2+s5], $0x80, s11, s5, $0xb8;
	[tilespmem:$0x8800] =	vst v63  }
0x18: {  	_ =	swait.ge [sflag:s12], $0x4000  }
0x19: {  	[sflag:s12] =	ssyncset.done $0x0  }
0x1a: {  	s13 =	simm.s32 $0x4;
	s14 =	sadd.s32 $0x28EC00, s31;
	[sflag:s12] =	ssyncadd.s32 $0xFFFFC000  }
0x1b: {  	[hbm4b:s14+s3] =	stream.linear.scatter [tilespmem:s7], [sflag:$0x4], $0x4000, $0x38;
	[tilespmem:$0x8800] =	vst v63  }
0x1c: {  	_ =	swait.ge [sflag:s13], $0x4000  }
0x1d: {  	[sflag:s13] =	ssyncset.done $0x0  }
0x1e: {  	s15 =	simm.s32 $0x180;
	[sflag:s13] =	ssyncadd.s32 $0xFFFFC000  }
0x1f: {  	[tilespmem:s7], [sflag:$0x2] =	stream.indirect.gather [hbm4b:s2+s5], $0x80, s15, s5, $0xb8;
	[tilespmem:$0x8800] =	vst v63  }
0x20: {  	_ =	swait.ge [sflag:s8], $0x4000  }
0x21: {  	[sflag:s8] =	ssyncset.done $0x0  }
0x22: {  	s16 =	sadd.s32 $0x28F400, s31;
	[sflag:s8] =	ssyncadd.s32 $0xFFFFC000  }
0x23: {  	[hbm4b:s16+s3] =	stream.linear.scatter [tilespmem:s6], [sflag:$0x3], $0x4000, $0x38;
	[tilespmem:$0x8800] =	vst v63  }
0x24: {  	_ =	swait.ge [sflag:s10], $0x4000  }
0x25: {  	[sflag:s10] =	ssyncset.done $0x0  }
0x26: {  	s17 =	simm.s32 $0x200;
	[sflag:s10] =	ssyncadd.s32 $0xFFFFC000  }
0x27: {  	[tilespmem:s6], [sflag:$0x1] =	stream.indirect.gather [hbm4b:s2+s5], $0x80, s17, s5, $0xb8;
	[tilespmem:$0x8800] =	vst v63  }
0x28: {  	_ =	swait.ge [sflag:s12], $0x4000  }
0x29: {  	[sflag:s12] =	ssyncset.done $0x0  }
0x2a: {  	s18 =	sadd.s32 $0x28FC00, s31;
	[sflag:s12] =	ssyncadd.s32 $0xFFFFC000  }
0x2b: {  	[hbm4b:s18+s3] =	stream.linear.scatter [tilespmem:s7], [sflag:$0x4], $0x4000, $0x38;
	[tilespmem:$0x8800] =	vst v63  }
0x2c: {  	_ =	swait.ge [sflag:s13], $0x4000  }
0x2d: {  	[sflag:s13] =	ssyncset.done $0x0  }
0x2e: {  	s19 =	simm.s32 $0x280;
	[sflag:s13] =	ssyncadd.s32 $0xFFFFC000  }
0x2f: {  	[tilespmem:s7], [sflag:$0x2] =	stream.indirect.gather [hbm4b:s2+s5], $0x80, s19, s5, $0xb8;
	[tilespmem:$0x8800] =	vst v63  }
0x30: {  	_ =	swait.ge [sflag:s8], $0x4000  }
0x31: {  	[sflag:s8] =	ssyncset.done $0x0  }
0x32: {  	s20 =	sadd.s32 $0x290400, s31;
	[sflag:s8] =	ssyncadd.s32 $0xFFFFC000  }
0x33: {  	[hbm4b:s20+s3] =	stream.linear.scatter [tilespmem:s6], [sflag:$0x3], $0x4000, $0x38;
	[tilespmem:$0x8800] =	vst v63  }
0x34: {  	_ =	swait.ge [sflag:s10], $0x4000  }
0x35: {  	[sflag:s10] =	ssyncset.done $0x0  }
0x36: {  	s21 =	simm.s32 $0x300;
	[sflag:s10] =	ssyncadd.s32 $0xFFFFC000  }
0x37: {  	[tilespmem:s6], [sflag:$0x1] =	stream.indirect.gather [hbm4b:s2+s5], $0x80, s21, s5, $0xb8;
	[tilespmem:$0x8800] =	vst v63  }
0x38: {  	_ =	swait.ge [sflag:s12], $0x4000  }
0x39: {  	[sflag:s12] =	ssyncset.done $0x0  }
0x3a: {  	s22 =	sadd.s32 $0x290C00, s31;
	[sflag:s12] =	ssyncadd.s32 $0xFFFFC000  }
0x3b: {  	[hbm4b:s22+s3] =	stream.linear.scatter [tilespmem:s7], [sflag:$0x4], $0x4000, $0x38;
	[tilespmem:$0x8800] =	vst v63  }
0x3c: {  	_ =	swait.ge [sflag:s13], $0x4000  }
0x3d: {  	[sflag:s13] =	ssyncset.done $0x0  }
0x3e: {  	s23 =	simm.s32 $0x380;
	[sflag:s13] =	ssyncadd.s32 $0xFFFFC000  }
0x3f: {  	[tilespmem:s7], [sflag:$0x2] =	stream.indirect.gather [hbm4b:s2+s5], $0x80, s23, s5, $0xb8;
	[tilespmem:$0x8800] =	vst v63  }
0x40: {  	_ =	swait.ge [sflag:s8], $0x4000  }
0x41: {  	[sflag:s8] =	ssyncset.done $0x0  }
0x42: {  	s24 =	sadd.s32 $0x291400, s31;
	[sflag:s8] =	ssyncadd.s32 $0xFFFFC000  }
0x43: {  	[hbm4b:s24+s3] =	stream.linear.scatter [tilespmem:s6], [sflag:$0x3], $0x4000, $0x38;
	[tilespmem:$0x8800] =	vst v63  }
0x44: {  	_ =	swait.ge [sflag:s10], $0x4000  }
0x45: {  	[sflag:s10] =	ssyncset.done $0x0  }
0x46: {  	s25 =	simm.s32 $0x400;
	[sflag:s10] =	ssyncadd.s32 $0xFFFFC000  }
0x47: {  	[tilespmem:s6], [sflag:$0x1] =	stream.indirect.gather [hbm4b:s2+s5], $0x80, s25, s5, $0xb8;
	[tilespmem:$0x8800] =	vst v63  }
0x48: {  	_ =	swait.ge [sflag:s12], $0x4000  }
0x49: {  	[sflag:s12] =	ssyncset.done $0x0  }
0x4a: {  	s26 =	sadd.s32 $0x291C00, s31;
	[sflag:s12] =	ssyncadd.s32 $0xFFFFC000  }
0x4b: {  	[hbm4b:s26+s3] =	stream.linear.scatter [tilespmem:s7], [sflag:$0x4], $0x4000, $0x38;
	[tilespmem:$0x8800] =	vst v63  }
0x4c: {  	_ =	swait.ge [sflag:s13], $0x4000  }
0x4d: {  	[sflag:s13] =	ssyncset.done $0x0  }
0x4e: {  	s28 =	simm.s32 $0x480;
	[sflag:s13] =	ssyncadd.s32 $0xFFFFC000  }
0x4f: {  	[tilespmem:s7], [sflag:$0x2] =	stream.indirect.gather [hbm4b:s2+s5], $0x80, s28, s5, $0xb8;
	[tilespmem:$0x8800] =	vst v63  }
0x50: {  	_ =	swait.ge [sflag:s8], $0x4000  }
0x51: {  	s30 =	ssub.s32 $0x2, s30;
	[sflag:s8] =	ssyncset.done $0x0  }
0x52: {  	s1 =	sshrl.u32 s30, $0x1;
	s29 =	sadd.s32 $0x292400, s31;
	[sflag:s8] =	ssyncadd.s32 $0xFFFFC000  }
0x53: {  	[hbm4b:s29+s3] =	stream.linear.scatter [tilespmem:s6], [sflag:$0x3], $0x4000, $0x38;
	[tilespmem:$0x8800] =	vst v63  }
0x54: {  	s1 =	ssub.s32 s30, s1;
	_ =	swait.ge [sflag:s10], $0x4000  }
0x55: {  	s1 =	smax.u32 s1, $0x1;
	[sflag:s10] =	ssyncset.done $0x0  }
0x56: {  	p0 =	sne.s32 s1, $0x1;
	[sflag:s10] =	ssyncadd.s32 $0xFFFFC000  }
.Ltmp0:
0x57: {  	_ =	swait.ge [sflag:s12], $0x4000;
	(pc) =	sbr.rel @!p0 .LBB2_2-.Ltmp0, $4  }
0x58: {  	[sflag:s12] =	ssyncset.done $0x0  }
0x59: {  	s30 =	sadd.s32 $0x292C00, s31;
	[sflag:s12] =	ssyncadd.s32 $0xFFFFC000  }
0x5a: {  	[hbm4b:s30+s3] =	stream.linear.scatter [tilespmem:s7], [sflag:$0x4], $0x4000, $0x38;
	[tilespmem:$0x8800] =	vst v63  }
0x5b: {  	s31 =	sadd.s32 $0xFFFFFFFF, s1;
	_ =	swait.ge [sflag:s13], $0x4000  }
.LBB2_1:
0x5c: {  	[sflag:s13] =	ssyncset.done $0x0  }
0x5d: {  	s1 =	rddreg [dreg:$0x3];
	[sflag:s13] =	ssyncadd.s32 $0xFFFFC000  }
0x5e: {  	[tilespmem:s3], [sflag:$0x5] =	stream.linear.gather [hbm4b:s1+s3], $0x500, $0x38;
	[tilespmem:$0x8800] =	vst v63  }
0x5f: {  	_ =	swait.ge [sflag:s4], $0x500  }
0x60: {  	[sflag:s4] =	ssyncset.done $0x0  }
0x61: {  	[sflag:s4] =	ssyncadd.s32 $0xFFFFFB00  }
0x62: {  	[tilespmem:s6], [sflag:$0x1] =	stream.indirect.gather [hbm4b:s2+s5], $0x80, s3, s5, $0xb8;
	[tilespmem:$0x8800] =	vst v63  }
0x63: {  	_ = 	snop  }
0x64: {  	[tilespmem:s7], [sflag:$0x2] =	stream.indirect.gather [hbm4b:s2+s5], $0x80, s5, s5, $0xb8;
	[tilespmem:$0x8800] =	vst v63  }
0x65: {  	_ =	swait.ge [sflag:s8], $0x4000  }
0x66: {  	[sflag:s8] =	ssyncset.done $0x0  }
0x67: {  	[sflag:s8] =	ssyncadd.s32 $0xFFFFC000  }
0x68: {  	[hbm4b:s9+s3] =	stream.linear.scatter [tilespmem:s6], [sflag:$0x3], $0x4000, $0x38;
	[tilespmem:$0x8800] =	vst v63  }
0x69: {  	_ =	swait.ge [sflag:s10], $0x4000  }
0x6a: {  	[sflag:s10] =	ssyncset.done $0x0  }
0x6b: {  	[sflag:s10] =	ssyncadd.s32 $0xFFFFC000  }
0x6c: {  	[tilespmem:s6], [sflag:$0x1] =	stream.indirect.gather [hbm4b:s2+s5], $0x80, s11, s5, $0xb8;
	[tilespmem:$0x8800] =	vst v63  }
0x6d: {  	_ =	swait.ge [sflag:s12], $0x4000  }
0x6e: {  	[sflag:s12] =	ssyncset.done $0x0  }
0x6f: {  	[sflag:s12] =	ssyncadd.s32 $0xFFFFC000  }
0x70: {  	[hbm4b:s14+s3] =	stream.linear.scatter [tilespmem:s7], [sflag:$0x4], $0x4000, $0x38;
	[tilespmem:$0x8800] =	vst v63  }
0x71: {  	_ =	swait.ge [sflag:s13], $0x4000  }
0x72: {  	[sflag:s13] =	ssyncset.done $0x0  }
0x73: {  	[sflag:s13] =	ssyncadd.s32 $0xFFFFC000  }
0x74: {  	[tilespmem:s7], [sflag:$0x2] =	stream.indirect.gather [hbm4b:s2+s5], $0x80, s15, s5, $0xb8;
	[tilespmem:$0x8800] =	vst v63  }
0x75: {  	_ =	swait.ge [sflag:s8], $0x4000  }
0x76: {  	[sflag:s8] =	ssyncset.done $0x0  }
0x77: {  	[sflag:s8] =	ssyncadd.s32 $0xFFFFC000  }
0x78: {  	[hbm4b:s16+s3] =	stream.linear.scatter [tilespmem:s6], [sflag:$0x3], $0x4000, $0x38;
	[tilespmem:$0x8800] =	vst v63  }
0x79: {  	_ =	swait.ge [sflag:s10], $0x4000  }
0x7a: {  	[sflag:s10] =	ssyncset.done $0x0  }
0x7b: {  	[sflag:s10] =	ssyncadd.s32 $0xFFFFC000  }
0x7c: {  	[tilespmem:s6], [sflag:$0x1] =	stream.indirect.gather [hbm4b:s2+s5], $0x80, s17, s5, $0xb8;
	[tilespmem:$0x8800] =	vst v63  }
0x7d: {  	_ =	swait.ge [sflag:s12], $0x4000  }
0x7e: {  	[sflag:s12] =	ssyncset.done $0x0  }
0x7f: {  	[sflag:s12] =	ssyncadd.s32 $0xFFFFC000  }
0x80: {  	[hbm4b:s18+s3] =	stream.linear.scatter [tilespmem:s7], [sflag:$0x4], $0x4000, $0x38;
	[tilespmem:$0x8800] =	vst v63  }
0x81: {  	_ =	swait.ge [sflag:s13], $0x4000  }
0x82: {  	[sflag:s13] =	ssyncset.done $0x0  }
0x83: {  	[sflag:s13] =	ssyncadd.s32 $0xFFFFC000  }
0x84: {  	[tilespmem:s7], [sflag:$0x2] =	stream.indirect.gather [hbm4b:s2+s5], $0x80, s19, s5, $0xb8;
	[tilespmem:$0x8800] =	vst v63  }
0x85: {  	_ =	swait.ge [sflag:s8], $0x4000  }
0x86: {  	[sflag:s8] =	ssyncset.done $0x0  }
0x87: {  	[sflag:s8] =	ssyncadd.s32 $0xFFFFC000  }
0x88: {  	[hbm4b:s20+s3] =	stream.linear.scatter [tilespmem:s6], [sflag:$0x3], $0x4000, $0x38;
	[tilespmem:$0x8800] =	vst v63  }
0x89: {  	_ =	swait.ge [sflag:s10], $0x4000  }
0x8a: {  	[sflag:s10] =	ssyncset.done $0x0  }
0x8b: {  	[sflag:s10] =	ssyncadd.s32 $0xFFFFC000  }
0x8c: {  	[tilespmem:s6], [sflag:$0x1] =	stream.indirect.gather [hbm4b:s2+s5], $0x80, s21, s5, $0xb8;
	[tilespmem:$0x8800] =	vst v63  }
0x8d: {  	_ =	swait.ge [sflag:s12], $0x4000  }
0x8e: {  	[sflag:s12] =	ssyncset.done $0x0  }
0x8f: {  	[sflag:s12] =	ssyncadd.s32 $0xFFFFC000  }
0x90: {  	[hbm4b:s22+s3] =	stream.linear.scatter [tilespmem:s7], [sflag:$0x4], $0x4000, $0x38;
	[tilespmem:$0x8800] =	vst v63  }
0x91: {  	_ =	swait.ge [sflag:s13], $0x4000  }
0x92: {  	[sflag:s13] =	ssyncset.done $0x0  }
0x93: {  	[sflag:s13] =	ssyncadd.s32 $0xFFFFC000  }
0x94: {  	[tilespmem:s7], [sflag:$0x2] =	stream.indirect.gather [hbm4b:s2+s5], $0x80, s23, s5, $0xb8;
	[tilespmem:$0x8800] =	vst v63  }
0x95: {  	_ =	swait.ge [sflag:s8], $0x4000  }
0x96: {  	[sflag:s8] =	ssyncset.done $0x0  }
0x97: {  	[sflag:s8] =	ssyncadd.s32 $0xFFFFC000  }
0x98: {  	[hbm4b:s24+s3] =	stream.linear.scatter [tilespmem:s6], [sflag:$0x3], $0x4000, $0x38;
	[tilespmem:$0x8800] =	vst v63  }
0x99: {  	_ =	swait.ge [sflag:s10], $0x4000  }
0x9a: {  	[sflag:s10] =	ssyncset.done $0x0  }
0x9b: {  	[sflag:s10] =	ssyncadd.s32 $0xFFFFC000  }
0x9c: {  	[tilespmem:s6], [sflag:$0x1] =	stream.indirect.gather [hbm4b:s2+s5], $0x80, s25, s5, $0xb8;
	[tilespmem:$0x8800] =	vst v63  }
0x9d: {  	_ =	swait.ge [sflag:s12], $0x4000  }
0x9e: {  	[sflag:s12] =	ssyncset.done $0x0  }
0x9f: {  	[sflag:s12] =	ssyncadd.s32 $0xFFFFC000  }
0xa0: {  	[hbm4b:s26+s3] =	stream.linear.scatter [tilespmem:s7], [sflag:$0x4], $0x4000, $0x38;
	[tilespmem:$0x8800] =	vst v63  }
0xa1: {  	_ =	swait.ge [sflag:s13], $0x4000  }
0xa2: {  	[sflag:s13] =	ssyncset.done $0x0  }
0xa3: {  	[sflag:s13] =	ssyncadd.s32 $0xFFFFC000  }
0xa4: {  	[tilespmem:s7], [sflag:$0x2] =	stream.indirect.gather [hbm4b:s2+s5], $0x80, s28, s5, $0xb8;
	[tilespmem:$0x8800] =	vst v63  }
0xa5: {  	_ =	swait.ge [sflag:s8], $0x4000  }
0xa6: {  	[sflag:s8] =	ssyncset.done $0x0  }
0xa7: {  	[sflag:s8] =	ssyncadd.s32 $0xFFFFC000  }
0xa8: {  	[hbm4b:s29+s3] =	stream.linear.scatter [tilespmem:s6], [sflag:$0x3], $0x4000, $0x38;
	[tilespmem:$0x8800] =	vst v63  }
0xa9: {  	_ =	swait.ge [sflag:s10], $0x4000  }
0xaa: {  	[sflag:s10] =	ssyncset.done $0x0  }
0xab: {  	p0 =	sne.s32 s31, $0x1;
	[sflag:s10] =	ssyncadd.s32 $0xFFFFC000  }
.Ltmp1:
0xac: {  	_ =	swait.ge [sflag:s12], $0x4000;
	(pc) =	sbr.rel @p0 .LBB2_1-.Ltmp1, $4  }
0xad: {  	[sflag:s12] =	ssyncset.done $0x0  }
0xae: {  	[sflag:s12] =	ssyncadd.s32 $0xFFFFC000  }
0xaf: {  	[hbm4b:s30+s3] =	stream.linear.scatter [tilespmem:s7], [sflag:$0x4], $0x4000, $0x38;
	[tilespmem:$0x8800] =	vst v63  }
0xb0: {  	s31 =	sadd.s32 $0xFFFFFFFF, s31;
	_ =	swait.ge [sflag:s13], $0x4000  }
.LBB2_2:
0xb1: {  	[sflag:s13] =	ssyncset.done $0x0  }
0xb2: {  	[sflag:s13] =	ssyncadd.s32 $0xFFFFC000  }
0xb3: {  	_ =	sfence.sel $0x180000  }
0xb4: {  	[bflag:$0x0] =	sbarrier.arrive $0xFFFF  }
0xb5: {  	_ =	strace $0x90000053  }
0xb6: {  	[bflag:$0x2] =	sbarrier.arrive $0xFFFF  }
0xb7: {  	p0 =	sne.s32 s0, $0x0;
	s0 =	rddreg [dreg:$0x2]  }
0xb8: {  	s0 =	sadd.s32 @!p0 $0x100000, s0  }
0xb9: {  	[sflag:s0] =	ssyncadd.tile.s32 @!p0 $0x1;
	_ =	shalt  }
.Lfunc_end2:
_tile_overlayer_lowered:
.L_overlay_start_2:
0xba: {  	(tag) =	ssettag $0x2  }
0xbb: {  	s0 =	rddreg [dreg:$0x0];
	s2 =	stileid.u32  }
0xbc: {  	s1 =	rddreg [dreg:$0x1];
	p0 =	sne.s32 s2, $0x0  }
0xbd: {  	s3 =	rddreg [dreg:$0x2];
	[bflag:$0x3] =	sbarrier.arrive $0xFFFF;
	s2 =	simm.s32 @!p0 $0x1C05  }
0xbe: {  	[timem:s3], [sflag:s2] =	dma.local @!p0 [hbm:s0], s1  }
0xbf: {  	s0 =	simm.s32 @!p0 $0x5  }
0xc0: {  	_ =	swait.ge @!p0 [sflag:s0], s1  }
0xc1: {  	s1 =	ssub.s32 @!p0 $0x0, s1;
	[sflag:s0] =	ssyncset.done @!p0 $0x0  }
0xc2: {  	[sflag:s0] =	ssyncadd.s32 @!p0 s1  }
0xc3: {  	[bflag:$0x3] =	sbarrier.arrive $0xFFFF  }
0xc4: {  	_ =	shalt  }

</sc_bundles>
